<compile_context>
chip_gen: v7x
topology: tpu7x:2x2x1
jax: 0.10.2.dev20260603
libtpu: 0.0.44.dev20260713+nightly
codegen_flags: <defaults>
</compile_context>

<pallas_src>
import functools

import jax
import jax.numpy as jnp
from jax import lax
from jax.experimental import pallas as pl
from jax.experimental.pallas import tpu as pltpu
from jax.experimental.pallas import tpu_sc as plsc

_BATCH = 16384
_HIST = 50
_EMBED = 32

_NC = 2
_NS = 16
_NW = _NC * _NS
_ROWS_PER_W = _BATCH // _NW
_NBUF = 4


def _build_gather():
    mesh = plsc.VectorSubcoreMesh(core_axis_name="c", subcore_axis_name="s")

    @functools.partial(
        pl.kernel,
        out_type=jax.ShapeDtypeStruct((_BATCH, _HIST, _EMBED), jnp.float32),
        mesh=mesh,
        scratch_types=[
            pltpu.VMEM((_HIST, _ROWS_PER_W), jnp.int32),
            pltpu.VMEM((_NBUF, _ROWS_PER_W, _EMBED), jnp.float32),
            pltpu.SemaphoreType.DMA,
            pltpu.SemaphoreType.DMA,
        ],
        compiler_params=pltpu.CompilerParams(use_tc_tiling_on_sc=False),
    )
    def gather_kernel(xt_hbm, table_hbm, out_hbm, idx_v, rows_v, gsem, ssem):
        wid = lax.axis_index("s") * _NC + lax.axis_index("c")
        base = wid * _ROWS_PER_W

        pltpu.sync_copy(xt_hbm.at[:, pl.ds(base, _ROWS_PER_W)], idx_v)

        def start_gather(h):
            return pltpu.async_copy(
                table_hbm.at[idx_v.at[h]], rows_v.at[h % _NBUF], gsem)

        def start_store(h):
            return pltpu.async_copy(
                rows_v.at[h % _NBUF],
                out_hbm.at[pl.ds(base, _ROWS_PER_W), h], ssem)

        gathers = [start_gather(b) for b in range(_NBUF)]
        stores = []
        for h in range(_HIST):
            gathers[h].wait()
            stores.append(start_store(h))
            nxt = h + _NBUF
            if nxt < _HIST:
                stores[h].wait()
                gathers.append(start_gather(nxt))
        for h in range(_HIST - _NBUF, _HIST):
            stores[h].wait()

    return gather_kernel


_GATHER = _build_gather()


@jax.jit
def kernel(x, table):
    return _GATHER(x.T.astype(jnp.int32), table)

# --- scband reference (transcript-rebuilt; emitter-appended) ---
"""Pipeline reference for scband-word-embedding-58823872086589 (READ-ONLY COPY).

The authoritative reference and input builder live on the scoring server;
editing this copy changes nothing except your own understanding.
"""

import jax, jax.numpy as jnp
import numpy as np

VOCAB = 1000000
EMBED = 32
BATCH = 16384
HIST = 50

def setup_inputs(seed: int = 0) -> dict:
    key = jax.random.key(seed)
    k1, k2 = jax.random.split(key)
    x = jax.random.randint(k1, (BATCH, HIST), 0, VOCAB, dtype=jnp.int64 if jax.config.jax_enable_x64 else jnp.int32)
    table = jax.random.normal(k2, (VOCAB, EMBED), dtype=jnp.float32)
    # padding_idx=0: row 0 is zero, matching nn.Embedding(padding_idx=0) init
    table = table.at[0].set(0.0)
    return {"x": x, "table": table}

def reference(x, table):
    # WordEmbedding.forward: self.embedding(x) -> row gather from table
    return jnp.take(table, x, axis=0)

if __name__ == "__main__":
    import jax
    _d = setup_inputs()
    print(jax.jit(kernel)(*tuple(_d.values())))

</pallas_src>

<mosaic_0001>
#map = affine_map<(d0, d1) -> (0, 0)>
#map1 = affine_map<(d0, d1) -> (0, 0, 0)>
module attributes {stable_mosaic.version = 14 : i64} {
  func.func @gather_kernel(%arg0: i32, %arg1: i32, %arg2: memref<50x16384xi32, #tpu.memory_space<hbm>>, %arg3: memref<1000000x32xf32, #tpu.memory_space<hbm>>, %arg4: memref<16384x50x32xf32, #tpu.memory_space<hbm>>, %arg5: memref<50x512xi32, #tpu.memory_space<vmem>>, %arg6: memref<4x512x32xf32, #tpu.memory_space<vmem>>, %arg7: memref<!tpu.dma_semaphore, #tpu.memory_space<semaphore_mem>>, %arg8: memref<!tpu.dma_semaphore, #tpu.memory_space<semaphore_mem>>) attributes {dimension_semantics = [#tpu.dimension_semantics<core_parallel>, #tpu.dimension_semantics<subcore_parallel>], iteration_bounds = array<i64: 2, 16>, scalar_prefetch = 0 : i64, scratch_operands = 4 : i64, tpu.core_type = #tpu.core_type<sc_vector_subcore>, window_params = [{transform_indices = #map}, {transform_indices = #map}, {transform_indices = #map1}]} {
    %mul3A = arith.constant 2 : i32
    %mul3A_0 = arith.muli %arg1, %mul3A : i32
    %add3A = arith.addi %mul3A_0, %arg0 : i32
    %mul3A_1 = arith.constant 512 : i32
    %mul3A_2 = arith.muli %add3A, %mul3A_1 : i32
    "tpu.region"() ({
      %run_scoped3A = tpu.sem_alloc : memref<!tpu.dma_semaphore, #tpu.memory_space<semaphore_mem>>
      %dma_start3A_2801 = arith.constant 0 : i32
      %dma_start3A_2802 = tpu.memref_slice %arg2[%dma_start3A_2801, %mul3A_2] : memref<50x16384xi32, #tpu.memory_space<hbm>> -> memref<50x512xi32, #tpu.memory_space<hbm>>
      %dma_start3A_2803 = arith.constant 0 : i32
      %dma_start3A_2804 = tpu.memref_slice %arg2[%dma_start3A_2803, %mul3A_2] : memref<50x16384xi32, #tpu.memory_space<hbm>> -> memref<50x512xi32, #tpu.memory_space<hbm>>
      tpu.enqueue_dma source(%dma_start3A_2804 : memref<50x512xi32, #tpu.memory_space<hbm>>) target(%arg5 : memref<50x512xi32, #tpu.memory_space<vmem>>) target_semaphore(%run_scoped3A : memref<!tpu.dma_semaphore, #tpu.memory_space<semaphore_mem>>)
      %dma_wait3A_2805 = arith.constant 0 : i32
      %dma_wait3A_2806 = tpu.memref_slice %arg2[%dma_wait3A_2805, %mul3A_2] : memref<50x16384xi32, #tpu.memory_space<hbm>> -> memref<50x512xi32, #tpu.memory_space<hbm>>
      %dma_wait3A_2807 = arith.constant 0 : i32
      %dma_wait3A_2808 = tpu.memref_slice %arg2[%dma_wait3A_2807, %mul3A_2] : memref<50x16384xi32, #tpu.memory_space<hbm>> -> memref<50x512xi32, #tpu.memory_space<hbm>>
      tpu.wait_dma2 semaphore(%run_scoped3A : memref<!tpu.dma_semaphore, #tpu.memory_space<semaphore_mem>>) src(%dma_wait3A_2808 : memref<50x512xi32, #tpu.memory_space<hbm>>) dst(%arg5 : memref<50x512xi32, #tpu.memory_space<vmem>>)
      tpu.yield
    }) : () -> ()
    %dma_start3A = arith.constant 0 : i32
    %dma_start3A_3 = arith.constant 0 : i32
    %dma_start3A_4 = arith.constant 0 : i32
    %dma_start3A_5 = arith.constant 0 : i32
    %dma_start3A_6 = tpu.memref_slice %arg6[%dma_start3A_3, %dma_start3A_4, %dma_start3A_5] : memref<4x512x32xf32, #tpu.memory_space<vmem>> -> memref<1x512x32xf32, #tpu.memory_space<vmem>>
    %dma_start3A_7 = tpu.memref_squeeze %dma_start3A_6 : memref<1x512x32xf32, #tpu.memory_space<vmem>> -> memref<512x32xf32, #tpu.memory_space<vmem>>
    %dma_start3A_8 = arith.constant 0 : i32
    %dma_start3A_9 = tpu.memref_slice %arg5[%dma_start3A, %dma_start3A_8] : memref<50x512xi32, #tpu.memory_space<vmem>> -> memref<1x512xi32, #tpu.memory_space<vmem>>
    %dma_start3A_10 = tpu.memref_squeeze %dma_start3A_9 : memref<1x512xi32, #tpu.memory_space<vmem>> -> memref<512xi32, #tpu.memory_space<vmem>>
    %dma_start3A_11 = arith.constant 0 : i32
    %dma_start3A_12 = arith.constant 0 : i32
    %dma_start3A_13 = tpu.memref_slice %arg3[%dma_start3A_11, %dma_start3A_12] : memref<1000000x32xf32, #tpu.memory_space<hbm>> -> memref<1000000x32xf32, #tpu.memory_space<hbm>>
    tpu.enqueue_indirect_dma source(%dma_start3A_13 : memref<1000000x32xf32, #tpu.memory_space<hbm>>) target(%dma_start3A_7 : memref<512x32xf32, #tpu.memory_space<vmem>>) offsets(%dma_start3A_10 : memref<512xi32, #tpu.memory_space<vmem>>) semaphore(%arg7 : memref<!tpu.dma_semaphore, #tpu.memory_space<semaphore_mem>>)
    %dma_start3A_14 = arith.constant 1 : i32
    %dma_start3A_15 = arith.constant 1 : i32
    %dma_start3A_16 = arith.constant 0 : i32
    %dma_start3A_17 = arith.constant 0 : i32
    %dma_start3A_18 = tpu.memref_slice %arg6[%dma_start3A_15, %dma_start3A_16, %dma_start3A_17] : memref<4x512x32xf32, #tpu.memory_space<vmem>> -> memref<1x512x32xf32, #tpu.memory_space<vmem>>
    %dma_start3A_19 = tpu.memref_squeeze %dma_start3A_18 : memref<1x512x32xf32, #tpu.memory_space<vmem>> -> memref<512x32xf32, #tpu.memory_space<vmem>>
    %dma_start3A_20 = arith.constant 0 : i32
    %dma_start3A_21 = tpu.memref_slice %arg5[%dma_start3A_14, %dma_start3A_20] : memref<50x512xi32, #tpu.memory_space<vmem>> -> memref<1x512xi32, #tpu.memory_space<vmem>>
    %dma_start3A_22 = tpu.memref_squeeze %dma_start3A_21 : memref<1x512xi32, #tpu.memory_space<vmem>> -> memref<512xi32, #tpu.memory_space<vmem>>
    %dma_start3A_23 = arith.constant 0 : i32
    %dma_start3A_24 = arith.constant 0 : i32
    %dma_start3A_25 = tpu.memref_slice %arg3[%dma_start3A_23, %dma_start3A_24] : memref<1000000x32xf32, #tpu.memory_space<hbm>> -> memref<1000000x32xf32, #tpu.memory_space<hbm>>
    tpu.enqueue_indirect_dma source(%dma_start3A_25 : memref<1000000x32xf32, #tpu.memory_space<hbm>>) target(%dma_start3A_19 : memref<512x32xf32, #tpu.memory_space<vmem>>) offsets(%dma_start3A_22 : memref<512xi32, #tpu.memory_space<vmem>>) semaphore(%arg7 : memref<!tpu.dma_semaphore, #tpu.memory_space<semaphore_mem>>)
    %dma_start3A_26 = arith.constant 2 : i32
    %dma_start3A_27 = arith.constant 2 : i32
    %dma_start3A_28 = arith.constant 0 : i32
    %dma_start3A_29 = arith.constant 0 : i32
    %dma_start3A_30 = tpu.memref_slice %arg6[%dma_start3A_27, %dma_start3A_28, %dma_start3A_29] : memref<4x512x32xf32, #tpu.memory_space<vmem>> -> memref<1x512x32xf32, #tpu.memory_space<vmem>>
    %dma_start3A_31 = tpu.memref_squeeze %dma_start3A_30 : memref<1x512x32xf32, #tpu.memory_space<vmem>> -> memref<512x32xf32, #tpu.memory_space<vmem>>
    %dma_start3A_32 = arith.constant 0 : i32
    %dma_start3A_33 = tpu.memref_slice %arg5[%dma_start3A_26, %dma_start3A_32] : memref<50x512xi32, #tpu.memory_space<vmem>> -> memref<1x512xi32, #tpu.memory_space<vmem>>
    %dma_start3A_34 = tpu.memref_squeeze %dma_start3A_33 : memref<1x512xi32, #tpu.memory_space<vmem>> -> memref<512xi32, #tpu.memory_space<vmem>>
    %dma_start3A_35 = arith.constant 0 : i32
    %dma_start3A_36 = arith.constant 0 : i32
    %dma_start3A_37 = tpu.memref_slice %arg3[%dma_start3A_35, %dma_start3A_36] : memref<1000000x32xf32, #tpu.memory_space<hbm>> -> memref<1000000x32xf32, #tpu.memory_space<hbm>>
    tpu.enqueue_indirect_dma source(%dma_start3A_37 : memref<1000000x32xf32, #tpu.memory_space<hbm>>) target(%dma_start3A_31 : memref<512x32xf32, #tpu.memory_space<vmem>>) offsets(%dma_start3A_34 : memref<512xi32, #tpu.memory_space<vmem>>) semaphore(%arg7 : memref<!tpu.dma_semaphore, #tpu.memory_space<semaphore_mem>>)
    %dma_start3A_38 = arith.constant 3 : i32
    %dma_start3A_39 = arith.constant 3 : i32
    %dma_start3A_40 = arith.constant 0 : i32
    %dma_start3A_41 = arith.constant 0 : i32
    %dma_start3A_42 = tpu.memref_slice %arg6[%dma_start3A_39, %dma_start3A_40, %dma_start3A_41] : memref<4x512x32xf32, #tpu.memory_space<vmem>> -> memref<1x512x32xf32, #tpu.memory_space<vmem>>
    %dma_start3A_43 = tpu.memref_squeeze %dma_start3A_42 : memref<1x512x32xf32, #tpu.memory_space<vmem>> -> memref<512x32xf32, #tpu.memory_space<vmem>>
    %dma_start3A_44 = arith.constant 0 : i32
    %dma_start3A_45 = tpu.memref_slice %arg5[%dma_start3A_38, %dma_start3A_44] : memref<50x512xi32, #tpu.memory_space<vmem>> -> memref<1x512xi32, #tpu.memory_space<vmem>>
    %dma_start3A_46 = tpu.memref_squeeze %dma_start3A_45 : memref<1x512xi32, #tpu.memory_space<vmem>> -> memref<512xi32, #tpu.memory_space<vmem>>
    %dma_start3A_47 = arith.constant 0 : i32
    %dma_start3A_48 = arith.constant 0 : i32
    %dma_start3A_49 = tpu.memref_slice %arg3[%dma_start3A_47, %dma_start3A_48] : memref<1000000x32xf32, #tpu.memory_space<hbm>> -> memref<1000000x32xf32, #tpu.memory_space<hbm>>
    tpu.enqueue_indirect_dma source(%dma_start3A_49 : memref<1000000x32xf32, #tpu.memory_space<hbm>>) target(%dma_start3A_43 : memref<512x32xf32, #tpu.memory_space<vmem>>) offsets(%dma_start3A_46 : memref<512xi32, #tpu.memory_space<vmem>>) semaphore(%arg7 : memref<!tpu.dma_semaphore, #tpu.memory_space<semaphore_mem>>)
    %dma_wait3A = arith.constant 0 : i32
    %dma_wait3A_50 = arith.constant 0 : i32
    %dma_wait3A_51 = arith.constant 0 : i32
    %dma_wait3A_52 = arith.constant 0 : i32
    %dma_wait3A_53 = tpu.memref_slice %arg6[%dma_wait3A_50, %dma_wait3A_51, %dma_wait3A_52] : memref<4x512x32xf32, #tpu.memory_space<vmem>> -> memref<1x512x32xf32, #tpu.memory_space<vmem>>
    %dma_wait3A_54 = tpu.memref_squeeze %dma_wait3A_53 : memref<1x512x32xf32, #tpu.memory_space<vmem>> -> memref<512x32xf32, #tpu.memory_space<vmem>>
    %dma_wait3A_55 = arith.constant 0 : i32
    %dma_wait3A_56 = tpu.memref_slice %arg5[%dma_wait3A, %dma_wait3A_55] : memref<50x512xi32, #tpu.memory_space<vmem>> -> memref<1x512xi32, #tpu.memory_space<vmem>>
    %dma_wait3A_57 = tpu.memref_squeeze %dma_wait3A_56 : memref<1x512xi32, #tpu.memory_space<vmem>> -> memref<512xi32, #tpu.memory_space<vmem>>
    %dma_wait3A_58 = arith.constant 0 : i32
    %dma_wait3A_59 = arith.constant 0 : i32
    %dma_wait3A_60 = tpu.memref_slice %arg3[%dma_wait3A_58, %dma_wait3A_59] : memref<1000000x32xf32, #tpu.memory_space<hbm>> -> memref<1000000x32xf32, #tpu.memory_space<hbm>>
    tpu.wait_indirect_dma semaphore(%arg7 : memref<!tpu.dma_semaphore, #tpu.memory_space<semaphore_mem>>) src(%dma_wait3A_60 : memref<1000000x32xf32, #tpu.memory_space<hbm>>) dst(%dma_wait3A_54 : memref<512x32xf32, #tpu.memory_space<vmem>>)
    %dma_start3A_61 = arith.constant 0 : i32
    %dma_start3A_62 = arith.constant 0 : i32
    %dma_start3A_63 = arith.constant 0 : i32
    %dma_start3A_64 = arith.constant 0 : i32
    %dma_start3A_65 = tpu.memref_slice %arg6[%dma_start3A_61, %dma_start3A_63, %dma_start3A_64] : memref<4x512x32xf32, #tpu.memory_space<vmem>> -> memref<1x512x32xf32, #tpu.memory_space<vmem>>
    %dma_start3A_66 = tpu.memref_squeeze %dma_start3A_65 : memref<1x512x32xf32, #tpu.memory_space<vmem>> -> memref<512x32xf32, #tpu.memory_space<vmem>>
    %dma_start3A_67 = arith.constant 0 : i32
    %dma_start3A_68 = tpu.memref_slice %arg4[%mul3A_2, %dma_start3A_62, %dma_start3A_67] : memref<16384x50x32xf32, #tpu.memory_space<hbm>> -> memref<512x1x32xf32, #tpu.memory_space<hbm>>
    %dma_start3A_69 = tpu.memref_squeeze %dma_start3A_68 : memref<512x1x32xf32, #tpu.memory_space<hbm>> -> memref<512x32xf32, #tpu.memory_space<hbm>>
    %dma_start3A_70 = arith.constant 0 : i32
    %dma_start3A_71 = tpu.memref_slice %arg4[%mul3A_2, %dma_start3A_62, %dma_start3A_70] : memref<16384x50x32xf32, #tpu.memory_space<hbm>> -> memref<512x1x32xf32, #tpu.memory_space<hbm>>
    %dma_start3A_72 = tpu.memref_squeeze %dma_start3A_71 : memref<512x1x32xf32, #tpu.memory_space<hbm>> -> memref<512x32xf32, #tpu.memory_space<hbm>>
    %dma_start3A_73 = arith.constant 0 : i32
    %dma_start3A_74 = arith.constant 0 : i32
    %dma_start3A_75 = tpu.memref_slice %arg6[%dma_start3A_61, %dma_start3A_73, %dma_start3A_74] : memref<4x512x32xf32, #tpu.memory_space<vmem>> -> memref<1x512x32xf32, #tpu.memory_space<vmem>>
    %dma_start3A_76 = tpu.memref_squeeze %dma_start3A_75 : memref<1x512x32xf32, #tpu.memory_space<vmem>> -> memref<512x32xf32, #tpu.memory_space<vmem>>
    tpu.enqueue_dma source(%dma_start3A_76 : memref<512x32xf32, #tpu.memory_space<vmem>>) target(%dma_start3A_72 : memref<512x32xf32, #tpu.memory_space<hbm>>) target_semaphore(%arg8 : memref<!tpu.dma_semaphore, #tpu.memory_space<semaphore_mem>>)
    %dma_wait3A_77 = arith.constant 0 : i32
    %dma_wait3A_78 = arith.constant 0 : i32
    %dma_wait3A_79 = arith.constant 0 : i32
    %dma_wait3A_80 = arith.constant 0 : i32
    %dma_wait3A_81 = tpu.memref_slice %arg6[%dma_wait3A_77, %dma_wait3A_79, %dma_wait3A_80] : memref<4x512x32xf32, #tpu.memory_space<vmem>> -> memref<1x512x32xf32, #tpu.memory_space<vmem>>
    %dma_wait3A_82 = tpu.memref_squeeze %dma_wait3A_81 : memref<1x512x32xf32, #tpu.memory_space<vmem>> -> memref<512x32xf32, #tpu.memory_space<vmem>>
    %dma_wait3A_83 = arith.constant 0 : i32
    %dma_wait3A_84 = tpu.memref_slice %arg4[%mul3A_2, %dma_wait3A_78, %dma_wait3A_83] : memref<16384x50x32xf32, #tpu.memory_space<hbm>> -> memref<512x1x32xf32, #tpu.memory_space<hbm>>
    %dma_wait3A_85 = tpu.memref_squeeze %dma_wait3A_84 : memref<512x1x32xf32, #tpu.memory_space<hbm>> -> memref<512x32xf32, #tpu.memory_space<hbm>>
    %dma_wait3A_86 = arith.constant 0 : i32
    %dma_wait3A_87 = tpu.memref_slice %arg4[%mul3A_2, %dma_wait3A_78, %dma_wait3A_86] : memref<16384x50x32xf32, #tpu.memory_space<hbm>> -> memref<512x1x32xf32, #tpu.memory_space<hbm>>
    %dma_wait3A_88 = tpu.memref_squeeze %dma_wait3A_87 : memref<512x1x32xf32, #tpu.memory_space<hbm>> -> memref<512x32xf32, #tpu.memory_space<hbm>>
    %dma_wait3A_89 = arith.constant 0 : i32
    %dma_wait3A_90 = arith.constant 0 : i32
    %dma_wait3A_91 = tpu.memref_slice %arg6[%dma_wait3A_77, %dma_wait3A_89, %dma_wait3A_90] : memref<4x512x32xf32, #tpu.memory_space<vmem>> -> memref<1x512x32xf32, #tpu.memory_space<vmem>>
    %dma_wait3A_92 = tpu.memref_squeeze %dma_wait3A_91 : memref<1x512x32xf32, #tpu.memory_space<vmem>> -> memref<512x32xf32, #tpu.memory_space<vmem>>
    tpu.wait_dma2 semaphore(%arg8 : memref<!tpu.dma_semaphore, #tpu.memory_space<semaphore_mem>>) src(%dma_wait3A_92 : memref<512x32xf32, #tpu.memory_space<vmem>>) dst(%dma_wait3A_88 : memref<512x32xf32, #tpu.memory_space<hbm>>)
    %dma_start3A_93 = arith.constant 4 : i32
    %dma_start3A_94 = arith.constant 0 : i32
    %dma_start3A_95 = arith.constant 0 : i32
    %dma_start3A_96 = arith.constant 0 : i32
    %dma_start3A_97 = tpu.memref_slice %arg6[%dma_start3A_94, %dma_start3A_95, %dma_start3A_96] : memref<4x512x32xf32, #tpu.memory_space<vmem>> -> memref<1x512x32xf32, #tpu.memory_space<vmem>>
    %dma_start3A_98 = tpu.memref_squeeze %dma_start3A_97 : memref<1x512x32xf32, #tpu.memory_space<vmem>> -> memref<512x32xf32, #tpu.memory_space<vmem>>
    %dma_start3A_99 = arith.constant 0 : i32
    %dma_start3A_100 = tpu.memref_slice %arg5[%dma_start3A_93, %dma_start3A_99] : memref<50x512xi32, #tpu.memory_space<vmem>> -> memref<1x512xi32, #tpu.memory_space<vmem>>
    %dma_start3A_101 = tpu.memref_squeeze %dma_start3A_100 : memref<1x512xi32, #tpu.memory_space<vmem>> -> memref<512xi32, #tpu.memory_space<vmem>>
    %dma_start3A_102 = arith.constant 0 : i32
    %dma_start3A_103 = arith.constant 0 : i32
    %dma_start3A_104 = tpu.memref_slice %arg3[%dma_start3A_102, %dma_start3A_103] : memref<1000000x32xf32, #tpu.memory_space<hbm>> -> memref<1000000x32xf32, #tpu.memory_space<hbm>>
    tpu.enqueue_indirect_dma source(%dma_start3A_104 : memref<1000000x32xf32, #tpu.memory_space<hbm>>) target(%dma_start3A_98 : memref<512x32xf32, #tpu.memory_space<vmem>>) offsets(%dma_start3A_101 : memref<512xi32, #tpu.memory_space<vmem>>) semaphore(%arg7 : memref<!tpu.dma_semaphore, #tpu.memory_space<semaphore_mem>>)
    %dma_wait3A_105 = arith.constant 1 : i32
    %dma_wait3A_106 = arith.constant 1 : i32
    %dma_wait3A_107 = arith.constant 0 : i32
    %dma_wait3A_108 = arith.constant 0 : i32
    %dma_wait3A_109 = tpu.memref_slice %arg6[%dma_wait3A_106, %dma_wait3A_107, %dma_wait3A_108] : memref<4x512x32xf32, #tpu.memory_space<vmem>> -> memref<1x512x32xf32, #tpu.memory_space<vmem>>
    %dma_wait3A_110 = tpu.memref_squeeze %dma_wait3A_109 : memref<1x512x32xf32, #tpu.memory_space<vmem>> -> memref<512x32xf32, #tpu.memory_space<vmem>>
    %dma_wait3A_111 = arith.constant 0 : i32
    %dma_wait3A_112 = tpu.memref_slice %arg5[%dma_wait3A_105, %dma_wait3A_111] : memref<50x512xi32, #tpu.memory_space<vmem>> -> memref<1x512xi32, #tpu.memory_space<vmem>>
    %dma_wait3A_113 = tpu.memref_squeeze %dma_wait3A_112 : memref<1x512xi32, #tpu.memory_space<vmem>> -> memref<512xi32, #tpu.memory_space<vmem>>
    %dma_wait3A_114 = arith.constant 0 : i32
    %dma_wait3A_115 = arith.constant 0 : i32
    %dma_wait3A_116 = tpu.memref_slice %arg3[%dma_wait3A_114, %dma_wait3A_115] : memref<1000000x32xf32, #tpu.memory_space<hbm>> -> memref<1000000x32xf32, #tpu.memory_space<hbm>>
    tpu.wait_indirect_dma semaphore(%arg7 : memref<!tpu.dma_semaphore, #tpu.memory_space<semaphore_mem>>) src(%dma_wait3A_116 : memref<1000000x32xf32, #tpu.memory_space<hbm>>) dst(%dma_wait3A_110 : memref<512x32xf32, #tpu.memory_space<vmem>>)
    %dma_start3A_117 = arith.constant 1 : i32
    %dma_start3A_118 = arith.constant 1 : i32
    %dma_start3A_119 = arith.constant 0 : i32
    %dma_start3A_120 = arith.constant 0 : i32
    %dma_start3A_121 = tpu.memref_slice %arg6[%dma_start3A_117, %dma_start3A_119, %dma_start3A_120] : memref<4x512x32xf32, #tpu.memory_space<vmem>> -> memref<1x512x32xf32, #tpu.memory_space<vmem>>
    %dma_start3A_122 = tpu.memref_squeeze %dma_start3A_121 : memref<1x512x32xf32, #tpu.memory_space<vmem>> -> memref<512x32xf32, #tpu.memory_space<vmem>>
    %dma_start3A_123 = arith.constant 0 : i32
    %dma_start3A_124 = tpu.memref_slice %arg4[%mul3A_2, %dma_start3A_118, %dma_start3A_123] : memref<16384x50x32xf32, #tpu.memory_space<hbm>> -> memref<512x1x32xf32, #tpu.memory_space<hbm>>
    %dma_start3A_125 = tpu.memref_squeeze %dma_start3A_124 : memref<512x1x32xf32, #tpu.memory_space<hbm>> -> memref<512x32xf32, #tpu.memory_space<hbm>>
    %dma_start3A_126 = arith.constant 0 : i32
    %dma_start3A_127 = tpu.memref_slice %arg4[%mul3A_2, %dma_start3A_118, %dma_start3A_126] : memref<16384x50x32xf32, #tpu.memory_space<hbm>> -> memref<512x1x32xf32, #tpu.memory_space<hbm>>
    %dma_start3A_128 = tpu.memref_squeeze %dma_start3A_127 : memref<512x1x32xf32, #tpu.memory_space<hbm>> -> memref<512x32xf32, #tpu.memory_space<hbm>>
    %dma_start3A_129 = arith.constant 0 : i32
    %dma_start3A_130 = arith.constant 0 : i32
    %dma_start3A_131 = tpu.memref_slice %arg6[%dma_start3A_117, %dma_start3A_129, %dma_start3A_130] : memref<4x512x32xf32, #tpu.memory_space<vmem>> -> memref<1x512x32xf32, #tpu.memory_space<vmem>>
    %dma_start3A_132 = tpu.memref_squeeze %dma_start3A_131 : memref<1x512x32xf32, #tpu.memory_space<vmem>> -> memref<512x32xf32, #tpu.memory_space<vmem>>
    tpu.enqueue_dma source(%dma_start3A_132 : memref<512x32xf32, #tpu.memory_space<vmem>>) target(%dma_start3A_128 : memref<512x32xf32, #tpu.memory_space<hbm>>) target_semaphore(%arg8 : memref<!tpu.dma_semaphore, #tpu.memory_space<semaphore_mem>>)
    %dma_wait3A_133 = arith.constant 1 : i32
    %dma_wait3A_134 = arith.constant 1 : i32
    %dma_wait3A_135 = arith.constant 0 : i32
    %dma_wait3A_136 = arith.constant 0 : i32
    %dma_wait3A_137 = tpu.memref_slice %arg6[%dma_wait3A_133, %dma_wait3A_135, %dma_wait3A_136] : memref<4x512x32xf32, #tpu.memory_space<vmem>> -> memref<1x512x32xf32, #tpu.memory_space<vmem>>
    %dma_wait3A_138 = tpu.memref_squeeze %dma_wait3A_137 : memref<1x512x32xf32, #tpu.memory_space<vmem>> -> memref<512x32xf32, #tpu.memory_space<vmem>>
    %dma_wait3A_139 = arith.constant 0 : i32
    %dma_wait3A_140 = tpu.memref_slice %arg4[%mul3A_2, %dma_wait3A_134, %dma_wait3A_139] : memref<16384x50x32xf32, #tpu.memory_space<hbm>> -> memref<512x1x32xf32, #tpu.memory_space<hbm>>
    %dma_wait3A_141 = tpu.memref_squeeze %dma_wait3A_140 : memref<512x1x32xf32, #tpu.memory_space<hbm>> -> memref<512x32xf32, #tpu.memory_space<hbm>>
    %dma_wait3A_142 = arith.constant 0 : i32
    %dma_wait3A_143 = tpu.memref_slice %arg4[%mul3A_2, %dma_wait3A_134, %dma_wait3A_142] : memref<16384x50x32xf32, #tpu.memory_space<hbm>> -> memref<512x1x32xf32, #tpu.memory_space<hbm>>
    %dma_wait3A_144 = tpu.memref_squeeze %dma_wait3A_143 : memref<512x1x32xf32, #tpu.memory_space<hbm>> -> memref<512x32xf32, #tpu.memory_space<hbm>>
    %dma_wait3A_145 = arith.constant 0 : i32
    %dma_wait3A_146 = arith.constant 0 : i32
    %dma_wait3A_147 = tpu.memref_slice %arg6[%dma_wait3A_133, %dma_wait3A_145, %dma_wait3A_146] : memref<4x512x32xf32, #tpu.memory_space<vmem>> -> memref<1x512x32xf32, #tpu.memory_space<vmem>>
    %dma_wait3A_148 = tpu.memref_squeeze %dma_wait3A_147 : memref<1x512x32xf32, #tpu.memory_space<vmem>> -> memref<512x32xf32, #tpu.memory_space<vmem>>
    tpu.wait_dma2 semaphore(%arg8 : memref<!tpu.dma_semaphore, #tpu.memory_space<semaphore_mem>>) src(%dma_wait3A_148 : memref<512x32xf32, #tpu.memory_space<vmem>>) dst(%dma_wait3A_144 : memref<512x32xf32, #tpu.memory_space<hbm>>)
    %dma_start3A_149 = arith.constant 5 : i32
    %dma_start3A_150 = arith.constant 1 : i32
    %dma_start3A_151 = arith.constant 0 : i32
    %dma_start3A_152 = arith.constant 0 : i32
    %dma_start3A_153 = tpu.memref_slice %arg6[%dma_start3A_150, %dma_start3A_151, %dma_start3A_152] : memref<4x512x32xf32, #tpu.memory_space<vmem>> -> memref<1x512x32xf32, #tpu.memory_space<vmem>>
    %dma_start3A_154 = tpu.memref_squeeze %dma_start3A_153 : memref<1x512x32xf32, #tpu.memory_space<vmem>> -> memref<512x32xf32, #tpu.memory_space<vmem>>
    %dma_start3A_155 = arith.constant 0 : i32
    %dma_start3A_156 = tpu.memref_slice %arg5[%dma_start3A_149, %dma_start3A_155] : memref<50x512xi32, #tpu.memory_space<vmem>> -> memref<1x512xi32, #tpu.memory_space<vmem>>
    %dma_start3A_157 = tpu.memref_squeeze %dma_start3A_156 : memref<1x512xi32, #tpu.memory_space<vmem>> -> memref<512xi32, #tpu.memory_space<vmem>>
    %dma_start3A_158 = arith.constant 0 : i32
    %dma_start3A_159 = arith.constant 0 : i32
    %dma_start3A_160 = tpu.memref_slice %arg3[%dma_start3A_158, %dma_start3A_159] : memref<1000000x32xf32, #tpu.memory_space<hbm>> -> memref<1000000x32xf32, #tpu.memory_space<hbm>>
    tpu.enqueue_indirect_dma source(%dma_start3A_160 : memref<1000000x32xf32, #tpu.memory_space<hbm>>) target(%dma_start3A_154 : memref<512x32xf32, #tpu.memory_space<vmem>>) offsets(%dma_start3A_157 : memref<512xi32, #tpu.memory_space<vmem>>) semaphore(%arg7 : memref<!tpu.dma_semaphore, #tpu.memory_space<semaphore_mem>>)
    %dma_wait3A_161 = arith.constant 2 : i32
    %dma_wait3A_162 = arith.constant 2 : i32
    %dma_wait3A_163 = arith.constant 0 : i32
    %dma_wait3A_164 = arith.constant 0 : i32
    %dma_wait3A_165 = tpu.memref_slice %arg6[%dma_wait3A_162, %dma_wait3A_163, %dma_wait3A_164] : memref<4x512x32xf32, #tpu.memory_space<vmem>> -> memref<1x512x32xf32, #tpu.memory_space<vmem>>
    %dma_wait3A_166 = tpu.memref_squeeze %dma_wait3A_165 : memref<1x512x32xf32, #tpu.memory_space<vmem>> -> memref<512x32xf32, #tpu.memory_space<vmem>>
    %dma_wait3A_167 = arith.constant 0 : i32
    %dma_wait3A_168 = tpu.memref_slice %arg5[%dma_wait3A_161, %dma_wait3A_167] : memref<50x512xi32, #tpu.memory_space<vmem>> -> memref<1x512xi32, #tpu.memory_space<vmem>>
    %dma_wait3A_169 = tpu.memref_squeeze %dma_wait3A_168 : memref<1x512xi32, #tpu.memory_space<vmem>> -> memref<512xi32, #tpu.memory_space<vmem>>
    %dma_wait3A_170 = arith.constant 0 : i32
    %dma_wait3A_171 = arith.constant 0 : i32
    %dma_wait3A_172 = tpu.memref_slice %arg3[%dma_wait3A_170, %dma_wait3A_171] : memref<1000000x32xf32, #tpu.memory_space<hbm>> -> memref<1000000x32xf32, #tpu.memory_space<hbm>>
    tpu.wait_indirect_dma semaphore(%arg7 : memref<!tpu.dma_semaphore, #tpu.memory_space<semaphore_mem>>) src(%dma_wait3A_172 : memref<1000000x32xf32, #tpu.memory_space<hbm>>) dst(%dma_wait3A_166 : memref<512x32xf32, #tpu.memory_space<vmem>>)
    %dma_start3A_173 = arith.constant 2 : i32
    %dma_start3A_174 = arith.constant 2 : i32
    %dma_start3A_175 = arith.constant 0 : i32
    %dma_start3A_176 = arith.constant 0 : i32
    %dma_start3A_177 = tpu.memref_slice %arg6[%dma_start3A_173, %dma_start3A_175, %dma_start3A_176] : memref<4x512x32xf32, #tpu.memory_space<vmem>> -> memref<1x512x32xf32, #tpu.memory_space<vmem>>
    %dma_start3A_178 = tpu.memref_squeeze %dma_start3A_177 : memref<1x512x32xf32, #tpu.memory_space<vmem>> -> memref<512x32xf32, #tpu.memory_space<vmem>>
    %dma_start3A_179 = arith.constant 0 : i32
    %dma_start3A_180 = tpu.memref_slice %arg4[%mul3A_2, %dma_start3A_174, %dma_start3A_179] : memref<16384x50x32xf32, #tpu.memory_space<hbm>> -> memref<512x1x32xf32, #tpu.memory_space<hbm>>
    %dma_start3A_181 = tpu.memref_squeeze %dma_start3A_180 : memref<512x1x32xf32, #tpu.memory_space<hbm>> -> memref<512x32xf32, #tpu.memory_space<hbm>>
    %dma_start3A_182 = arith.constant 0 : i32
    %dma_start3A_183 = tpu.memref_slice %arg4[%mul3A_2, %dma_start3A_174, %dma_start3A_182] : memref<16384x50x32xf32, #tpu.memory_space<hbm>> -> memref<512x1x32xf32, #tpu.memory_space<hbm>>
    %dma_start3A_184 = tpu.memref_squeeze %dma_start3A_183 : memref<512x1x32xf32, #tpu.memory_space<hbm>> -> memref<512x32xf32, #tpu.memory_space<hbm>>
    %dma_start3A_185 = arith.constant 0 : i32
    %dma_start3A_186 = arith.constant 0 : i32
    %dma_start3A_187 = tpu.memref_slice %arg6[%dma_start3A_173, %dma_start3A_185, %dma_start3A_186] : memref<4x512x32xf32, #tpu.memory_space<vmem>> -> memref<1x512x32xf32, #tpu.memory_space<vmem>>
    %dma_start3A_188 = tpu.memref_squeeze %dma_start3A_187 : memref<1x512x32xf32, #tpu.memory_space<vmem>> -> memref<512x32xf32, #tpu.memory_space<vmem>>
    tpu.enqueue_dma source(%dma_start3A_188 : memref<512x32xf32, #tpu.memory_space<vmem>>) target(%dma_start3A_184 : memref<512x32xf32, #tpu.memory_space<hbm>>) target_semaphore(%arg8 : memref<!tpu.dma_semaphore, #tpu.memory_space<semaphore_mem>>)
    %dma_wait3A_189 = arith.constant 2 : i32
    %dma_wait3A_190 = arith.constant 2 : i32
    %dma_wait3A_191 = arith.constant 0 : i32
    %dma_wait3A_192 = arith.constant 0 : i32
    %dma_wait3A_193 = tpu.memref_slice %arg6[%dma_wait3A_189, %dma_wait3A_191, %dma_wait3A_192] : memref<4x512x32xf32, #tpu.memory_space<vmem>> -> memref<1x512x32xf32, #tpu.memory_space<vmem>>
    %dma_wait3A_194 = tpu.memref_squeeze %dma_wait3A_193 : memref<1x512x32xf32, #tpu.memory_space<vmem>> -> memref<512x32xf32, #tpu.memory_space<vmem>>
    %dma_wait3A_195 = arith.constant 0 : i32
    %dma_wait3A_196 = tpu.memref_slice %arg4[%mul3A_2, %dma_wait3A_190, %dma_wait3A_195] : memref<16384x50x32xf32, #tpu.memory_space<hbm>> -> memref<512x1x32xf32, #tpu.memory_space<hbm>>
    %dma_wait3A_197 = tpu.memref_squeeze %dma_wait3A_196 : memref<512x1x32xf32, #tpu.memory_space<hbm>> -> memref<512x32xf32, #tpu.memory_space<hbm>>
    %dma_wait3A_198 = arith.constant 0 : i32
    %dma_wait3A_199 = tpu.memref_slice %arg4[%mul3A_2, %dma_wait3A_190, %dma_wait3A_198] : memref<16384x50x32xf32, #tpu.memory_space<hbm>> -> memref<512x1x32xf32, #tpu.memory_space<hbm>>
    %dma_wait3A_200 = tpu.memref_squeeze %dma_wait3A_199 : memref<512x1x32xf32, #tpu.memory_space<hbm>> -> memref<512x32xf32, #tpu.memory_space<hbm>>
    %dma_wait3A_201 = arith.constant 0 : i32
    %dma_wait3A_202 = arith.constant 0 : i32
    %dma_wait3A_203 = tpu.memref_slice %arg6[%dma_wait3A_189, %dma_wait3A_201, %dma_wait3A_202] : memref<4x512x32xf32, #tpu.memory_space<vmem>> -> memref<1x512x32xf32, #tpu.memory_space<vmem>>
    %dma_wait3A_204 = tpu.memref_squeeze %dma_wait3A_203 : memref<1x512x32xf32, #tpu.memory_space<vmem>> -> memref<512x32xf32, #tpu.memory_space<vmem>>
    tpu.wait_dma2 semaphore(%arg8 : memref<!tpu.dma_semaphore, #tpu.memory_space<semaphore_mem>>) src(%dma_wait3A_204 : memref<512x32xf32, #tpu.memory_space<vmem>>) dst(%dma_wait3A_200 : memref<512x32xf32, #tpu.memory_space<hbm>>)
    %dma_start3A_205 = arith.constant 6 : i32
    %dma_start3A_206 = arith.constant 2 : i32
    %dma_start3A_207 = arith.constant 0 : i32
    %dma_start3A_208 = arith.constant 0 : i32
    %dma_start3A_209 = tpu.memref_slice %arg6[%dma_start3A_206, %dma_start3A_207, %dma_start3A_208] : memref<4x512x32xf32, #tpu.memory_space<vmem>> -> memref<1x512x32xf32, #tpu.memory_space<vmem>>
    %dma_start3A_210 = tpu.memref_squeeze %dma_start3A_209 : memref<1x512x32xf32, #tpu.memory_space<vmem>> -> memref<512x32xf32, #tpu.memory_space<vmem>>
    %dma_start3A_211 = arith.constant 0 : i32
    %dma_start3A_212 = tpu.memref_slice %arg5[%dma_start3A_205, %dma_start3A_211] : memref<50x512xi32, #tpu.memory_space<vmem>> -> memref<1x512xi32, #tpu.memory_space<vmem>>
    %dma_start3A_213 = tpu.memref_squeeze %dma_start3A_212 : memref<1x512xi32, #tpu.memory_space<vmem>> -> memref<512xi32, #tpu.memory_space<vmem>>
    %dma_start3A_214 = arith.constant 0 : i32
    %dma_start3A_215 = arith.constant 0 : i32
    %dma_start3A_216 = tpu.memref_slice %arg3[%dma_start3A_214, %dma_start3A_215] : memref<1000000x32xf32, #tpu.memory_space<hbm>> -> memref<1000000x32xf32, #tpu.memory_space<hbm>>
    tpu.enqueue_indirect_dma source(%dma_start3A_216 : memref<1000000x32xf32, #tpu.memory_space<hbm>>) target(%dma_start3A_210 : memref<512x32xf32, #tpu.memory_space<vmem>>) offsets(%dma_start3A_213 : memref<512xi32, #tpu.memory_space<vmem>>) semaphore(%arg7 : memref<!tpu.dma_semaphore, #tpu.memory_space<semaphore_mem>>)
    %dma_wait3A_217 = arith.constant 3 : i32
    %dma_wait3A_218 = arith.constant 3 : i32
    %dma_wait3A_219 = arith.constant 0 : i32
    %dma_wait3A_220 = arith.constant 0 : i32
    %dma_wait3A_221 = tpu.memref_slice %arg6[%dma_wait3A_218, %dma_wait3A_219, %dma_wait3A_220] : memref<4x512x32xf32, #tpu.memory_space<vmem>> -> memref<1x512x32xf32, #tpu.memory_space<vmem>>
    %dma_wait3A_222 = tpu.memref_squeeze %dma_wait3A_221 : memref<1x512x32xf32, #tpu.memory_space<vmem>> -> memref<512x32xf32, #tpu.memory_space<vmem>>
    %dma_wait3A_223 = arith.constant 0 : i32
    %dma_wait3A_224 = tpu.memref_slice %arg5[%dma_wait3A_217, %dma_wait3A_223] : memref<50x512xi32, #tpu.memory_space<vmem>> -> memref<1x512xi32, #tpu.memory_space<vmem>>
    %dma_wait3A_225 = tpu.memref_squeeze %dma_wait3A_224 : memref<1x512xi32, #tpu.memory_space<vmem>> -> memref<512xi32, #tpu.memory_space<vmem>>
    %dma_wait3A_226 = arith.constant 0 : i32
    %dma_wait3A_227 = arith.constant 0 : i32
    %dma_wait3A_228 = tpu.memref_slice %arg3[%dma_wait3A_226, %dma_wait3A_227] : memref<1000000x32xf32, #tpu.memory_space<hbm>> -> memref<1000000x32xf32, #tpu.memory_space<hbm>>
    tpu.wait_indirect_dma semaphore(%arg7 : memref<!tpu.dma_semaphore, #tpu.memory_space<semaphore_mem>>) src(%dma_wait3A_228 : memref<1000000x32xf32, #tpu.memory_space<hbm>>) dst(%dma_wait3A_222 : memref<512x32xf32, #tpu.memory_space<vmem>>)
    %dma_start3A_229 = arith.constant 3 : i32
    %dma_start3A_230 = arith.constant 3 : i32
    %dma_start3A_231 = arith.constant 0 : i32
    %dma_start3A_232 = arith.constant 0 : i32
    %dma_start3A_233 = tpu.memref_slice %arg6[%dma_start3A_229, %dma_start3A_231, %dma_start3A_232] : memref<4x512x32xf32, #tpu.memory_space<vmem>> -> memref<1x512x32xf32, #tpu.memory_space<vmem>>
    %dma_start3A_234 = tpu.memref_squeeze %dma_start3A_233 : memref<1x512x32xf32, #tpu.memory_space<vmem>> -> memref<512x32xf32, #tpu.memory_space<vmem>>
    %dma_start3A_235 = arith.constant 0 : i32
    %dma_start3A_236 = tpu.memref_slice %arg4[%mul3A_2, %dma_start3A_230, %dma_start3A_235] : memref<16384x50x32xf32, #tpu.memory_space<hbm>> -> memref<512x1x32xf32, #tpu.memory_space<hbm>>
    %dma_start3A_237 = tpu.memref_squeeze %dma_start3A_236 : memref<512x1x32xf32, #tpu.memory_space<hbm>> -> memref<512x32xf32, #tpu.memory_space<hbm>>
    %dma_start3A_238 = arith.constant 0 : i32
    %dma_start3A_239 = tpu.memref_slice %arg4[%mul3A_2, %dma_start3A_230, %dma_start3A_238] : memref<16384x50x32xf32, #tpu.memory_space<hbm>> -> memref<512x1x32xf32, #tpu.memory_space<hbm>>
    %dma_start3A_240 = tpu.memref_squeeze %dma_start3A_239 : memref<512x1x32xf32, #tpu.memory_space<hbm>> -> memref<512x32xf32, #tpu.memory_space<hbm>>
    %dma_start3A_241 = arith.constant 0 : i32
    %dma_start3A_242 = arith.constant 0 : i32
    %dma_start3A_243 = tpu.memref_slice %arg6[%dma_start3A_229, %dma_start3A_241, %dma_start3A_242] : memref<4x512x32xf32, #tpu.memory_space<vmem>> -> memref<1x512x32xf32, #tpu.memory_space<vmem>>
    %dma_start3A_244 = tpu.memref_squeeze %dma_start3A_243 : memref<1x512x32xf32, #tpu.memory_space<vmem>> -> memref<512x32xf32, #tpu.memory_space<vmem>>
    tpu.enqueue_dma source(%dma_start3A_244 : memref<512x32xf32, #tpu.memory_space<vmem>>) target(%dma_start3A_240 : memref<512x32xf32, #tpu.memory_space<hbm>>) target_semaphore(%arg8 : memref<!tpu.dma_semaphore, #tpu.memory_space<semaphore_mem>>)
    %dma_wait3A_245 = arith.constant 3 : i32
    %dma_wait3A_246 = arith.constant 3 : i32
    %dma_wait3A_247 = arith.constant 0 : i32
    %dma_wait3A_248 = arith.constant 0 : i32
    %dma_wait3A_249 = tpu.memref_slice %arg6[%dma_wait3A_245, %dma_wait3A_247, %dma_wait3A_248] : memref<4x512x32xf32, #tpu.memory_space<vmem>> -> memref<1x512x32xf32, #tpu.memory_space<vmem>>
    %dma_wait3A_250 = tpu.memref_squeeze %dma_wait3A_249 : memref<1x512x32xf32, #tpu.memory_space<vmem>> -> memref<512x32xf32, #tpu.memory_space<vmem>>
    %dma_wait3A_251 = arith.constant 0 : i32
    %dma_wait3A_252 = tpu.memref_slice %arg4[%mul3A_2, %dma_wait3A_246, %dma_wait3A_251] : memref<16384x50x32xf32, #tpu.memory_space<hbm>> -> memref<512x1x32xf32, #tpu.memory_space<hbm>>
    %dma_wait3A_253 = tpu.memref_squeeze %dma_wait3A_252 : memref<512x1x32xf32, #tpu.memory_space<hbm>> -> memref<512x32xf32, #tpu.memory_space<hbm>>
    %dma_wait3A_254 = arith.constant 0 : i32
    %dma_wait3A_255 = tpu.memref_slice %arg4[%mul3A_2, %dma_wait3A_246, %dma_wait3A_254] : memref<16384x50x32xf32, #tpu.memory_space<hbm>> -> memref<512x1x32xf32, #tpu.memory_space<hbm>>
    %dma_wait3A_256 = tpu.memref_squeeze %dma_wait3A_255 : memref<512x1x32xf32, #tpu.memory_space<hbm>> -> memref<512x32xf32, #tpu.memory_space<hbm>>
    %dma_wait3A_257 = arith.constant 0 : i32
    %dma_wait3A_258 = arith.constant 0 : i32
    %dma_wait3A_259 = tpu.memref_slice %arg6[%dma_wait3A_245, %dma_wait3A_257, %dma_wait3A_258] : memref<4x512x32xf32, #tpu.memory_space<vmem>> -> memref<1x512x32xf32, #tpu.memory_space<vmem>>
    %dma_wait3A_260 = tpu.memref_squeeze %dma_wait3A_259 : memref<1x512x32xf32, #tpu.memory_space<vmem>> -> memref<512x32xf32, #tpu.memory_space<vmem>>
    tpu.wait_dma2 semaphore(%arg8 : memref<!tpu.dma_semaphore, #tpu.memory_space<semaphore_mem>>) src(%dma_wait3A_260 : memref<512x32xf32, #tpu.memory_space<vmem>>) dst(%dma_wait3A_256 : memref<512x32xf32, #tpu.memory_space<hbm>>)
    %dma_start3A_261 = arith.constant 7 : i32
    %dma_start3A_262 = arith.constant 3 : i32
    %dma_start3A_263 = arith.constant 0 : i32
    %dma_start3A_264 = arith.constant 0 : i32
    %dma_start3A_265 = tpu.memref_slice %arg6[%dma_start3A_262, %dma_start3A_263, %dma_start3A_264] : memref<4x512x32xf32, #tpu.memory_space<vmem>> -> memref<1x512x32xf32, #tpu.memory_space<vmem>>
    %dma_start3A_266 = tpu.memref_squeeze %dma_start3A_265 : memref<1x512x32xf32, #tpu.memory_space<vmem>> -> memref<512x32xf32, #tpu.memory_space<vmem>>
    %dma_start3A_267 = arith.constant 0 : i32
    %dma_start3A_268 = tpu.memref_slice %arg5[%dma_start3A_261, %dma_start3A_267] : memref<50x512xi32, #tpu.memory_space<vmem>> -> memref<1x512xi32, #tpu.memory_space<vmem>>
    %dma_start3A_269 = tpu.memref_squeeze %dma_start3A_268 : memref<1x512xi32, #tpu.memory_space<vmem>> -> memref<512xi32, #tpu.memory_space<vmem>>
    %dma_start3A_270 = arith.constant 0 : i32
    %dma_start3A_271 = arith.constant 0 : i32
    %dma_start3A_272 = tpu.memref_slice %arg3[%dma_start3A_270, %dma_start3A_271] : memref<1000000x32xf32, #tpu.memory_space<hbm>> -> memref<1000000x32xf32, #tpu.memory_space<hbm>>
    tpu.enqueue_indirect_dma source(%dma_start3A_272 : memref<1000000x32xf32, #tpu.memory_space<hbm>>) target(%dma_start3A_266 : memref<512x32xf32, #tpu.memory_space<vmem>>) offsets(%dma_start3A_269 : memref<512xi32, #tpu.memory_space<vmem>>) semaphore(%arg7 : memref<!tpu.dma_semaphore, #tpu.memory_space<semaphore_mem>>)
    %dma_wait3A_273 = arith.constant 4 : i32
    %dma_wait3A_274 = arith.constant 0 : i32
    %dma_wait3A_275 = arith.constant 0 : i32
    %dma_wait3A_276 = arith.constant 0 : i32
    %dma_wait3A_277 = tpu.memref_slice %arg6[%dma_wait3A_274, %dma_wait3A_275, %dma_wait3A_276] : memref<4x512x32xf32, #tpu.memory_space<vmem>> -> memref<1x512x32xf32, #tpu.memory_space<vmem>>
    %dma_wait3A_278 = tpu.memref_squeeze %dma_wait3A_277 : memref<1x512x32xf32, #tpu.memory_space<vmem>> -> memref<512x32xf32, #tpu.memory_space<vmem>>
    %dma_wait3A_279 = arith.constant 0 : i32
    %dma_wait3A_280 = tpu.memref_slice %arg5[%dma_wait3A_273, %dma_wait3A_279] : memref<50x512xi32, #tpu.memory_space<vmem>> -> memref<1x512xi32, #tpu.memory_space<vmem>>
    %dma_wait3A_281 = tpu.memref_squeeze %dma_wait3A_280 : memref<1x512xi32, #tpu.memory_space<vmem>> -> memref<512xi32, #tpu.memory_space<vmem>>
    %dma_wait3A_282 = arith.constant 0 : i32
    %dma_wait3A_283 = arith.constant 0 : i32
    %dma_wait3A_284 = tpu.memref_slice %arg3[%dma_wait3A_282, %dma_wait3A_283] : memref<1000000x32xf32, #tpu.memory_space<hbm>> -> memref<1000000x32xf32, #tpu.memory_space<hbm>>
    tpu.wait_indirect_dma semaphore(%arg7 : memref<!tpu.dma_semaphore, #tpu.memory_space<semaphore_mem>>) src(%dma_wait3A_284 : memref<1000000x32xf32, #tpu.memory_space<hbm>>) dst(%dma_wait3A_278 : memref<512x32xf32, #tpu.memory_space<vmem>>)
    %dma_start3A_285 = arith.constant 0 : i32
    %dma_start3A_286 = arith.constant 4 : i32
    %dma_start3A_287 = arith.constant 0 : i32
    %dma_start3A_288 = arith.constant 0 : i32
    %dma_start3A_289 = tpu.memref_slice %arg6[%dma_start3A_285, %dma_start3A_287, %dma_start3A_288] : memref<4x512x32xf32, #tpu.memory_space<vmem>> -> memref<1x512x32xf32, #tpu.memory_space<vmem>>
    %dma_start3A_290 = tpu.memref_squeeze %dma_start3A_289 : memref<1x512x32xf32, #tpu.memory_space<vmem>> -> memref<512x32xf32, #tpu.memory_space<vmem>>
    %dma_start3A_291 = arith.constant 0 : i32
    %dma_start3A_292 = tpu.memref_slice %arg4[%mul3A_2, %dma_start3A_286, %dma_start3A_291] : memref<16384x50x32xf32, #tpu.memory_space<hbm>> -> memref<512x1x32xf32, #tpu.memory_space<hbm>>
    %dma_start3A_293 = tpu.memref_squeeze %dma_start3A_292 : memref<512x1x32xf32, #tpu.memory_space<hbm>> -> memref<512x32xf32, #tpu.memory_space<hbm>>
    %dma_start3A_294 = arith.constant 0 : i32
    %dma_start3A_295 = tpu.memref_slice %arg4[%mul3A_2, %dma_start3A_286, %dma_start3A_294] : memref<16384x50x32xf32, #tpu.memory_space<hbm>> -> memref<512x1x32xf32, #tpu.memory_space<hbm>>
    %dma_start3A_296 = tpu.memref_squeeze %dma_start3A_295 : memref<512x1x32xf32, #tpu.memory_space<hbm>> -> memref<512x32xf32, #tpu.memory_space<hbm>>
    %dma_start3A_297 = arith.constant 0 : i32
    %dma_start3A_298 = arith.constant 0 : i32
    %dma_start3A_299 = tpu.memref_slice %arg6[%dma_start3A_285, %dma_start3A_297, %dma_start3A_298] : memref<4x512x32xf32, #tpu.memory_space<vmem>> -> memref<1x512x32xf32, #tpu.memory_space<vmem>>
    %dma_start3A_300 = tpu.memref_squeeze %dma_start3A_299 : memref<1x512x32xf32, #tpu.memory_space<vmem>> -> memref<512x32xf32, #tpu.memory_space<vmem>>
    tpu.enqueue_dma source(%dma_start3A_300 : memref<512x32xf32, #tpu.memory_space<vmem>>) target(%dma_start3A_296 : memref<512x32xf32, #tpu.memory_space<hbm>>) target_semaphore(%arg8 : memref<!tpu.dma_semaphore, #tpu.memory_space<semaphore_mem>>)
    %dma_wait3A_301 = arith.constant 0 : i32
    %dma_wait3A_302 = arith.constant 4 : i32
    %dma_wait3A_303 = arith.constant 0 : i32
    %dma_wait3A_304 = arith.constant 0 : i32
    %dma_wait3A_305 = tpu.memref_slice %arg6[%dma_wait3A_301, %dma_wait3A_303, %dma_wait3A_304] : memref<4x512x32xf32, #tpu.memory_space<vmem>> -> memref<1x512x32xf32, #tpu.memory_space<vmem>>
    %dma_wait3A_306 = tpu.memref_squeeze %dma_wait3A_305 : memref<1x512x32xf32, #tpu.memory_space<vmem>> -> memref<512x32xf32, #tpu.memory_space<vmem>>
    %dma_wait3A_307 = arith.constant 0 : i32
    %dma_wait3A_308 = tpu.memref_slice %arg4[%mul3A_2, %dma_wait3A_302, %dma_wait3A_307] : memref<16384x50x32xf32, #tpu.memory_space<hbm>> -> memref<512x1x32xf32, #tpu.memory_space<hbm>>
    %dma_wait3A_309 = tpu.memref_squeeze %dma_wait3A_308 : memref<512x1x32xf32, #tpu.memory_space<hbm>> -> memref<512x32xf32, #tpu.memory_space<hbm>>
    %dma_wait3A_310 = arith.constant 0 : i32
    %dma_wait3A_311 = tpu.memref_slice %arg4[%mul3A_2, %dma_wait3A_302, %dma_wait3A_310] : memref<16384x50x32xf32, #tpu.memory_space<hbm>> -> memref<512x1x32xf32, #tpu.memory_space<hbm>>
    %dma_wait3A_312 = tpu.memref_squeeze %dma_wait3A_311 : memref<512x1x32xf32, #tpu.memory_space<hbm>> -> memref<512x32xf32, #tpu.memory_space<hbm>>
    %dma_wait3A_313 = arith.constant 0 : i32
    %dma_wait3A_314 = arith.constant 0 : i32
    %dma_wait3A_315 = tpu.memref_slice %arg6[%dma_wait3A_301, %dma_wait3A_313, %dma_wait3A_314] : memref<4x512x32xf32, #tpu.memory_space<vmem>> -> memref<1x512x32xf32, #tpu.memory_space<vmem>>
    %dma_wait3A_316 = tpu.memref_squeeze %dma_wait3A_315 : memref<1x512x32xf32, #tpu.memory_space<vmem>> -> memref<512x32xf32, #tpu.memory_space<vmem>>
    tpu.wait_dma2 semaphore(%arg8 : memref<!tpu.dma_semaphore, #tpu.memory_space<semaphore_mem>>) src(%dma_wait3A_316 : memref<512x32xf32, #tpu.memory_space<vmem>>) dst(%dma_wait3A_312 : memref<512x32xf32, #tpu.memory_space<hbm>>)
    %dma_start3A_317 = arith.constant 8 : i32
    %dma_start3A_318 = arith.constant 0 : i32
    %dma_start3A_319 = arith.constant 0 : i32
    %dma_start3A_320 = arith.constant 0 : i32
    %dma_start3A_321 = tpu.memref_slice %arg6[%dma_start3A_318, %dma_start3A_319, %dma_start3A_320] : memref<4x512x32xf32, #tpu.memory_space<vmem>> -> memref<1x512x32xf32, #tpu.memory_space<vmem>>
    %dma_start3A_322 = tpu.memref_squeeze %dma_start3A_321 : memref<1x512x32xf32, #tpu.memory_space<vmem>> -> memref<512x32xf32, #tpu.memory_space<vmem>>
    %dma_start3A_323 = arith.constant 0 : i32
    %dma_start3A_324 = tpu.memref_slice %arg5[%dma_start3A_317, %dma_start3A_323] : memref<50x512xi32, #tpu.memory_space<vmem>> -> memref<1x512xi32, #tpu.memory_space<vmem>>
    %dma_start3A_325 = tpu.memref_squeeze %dma_start3A_324 : memref<1x512xi32, #tpu.memory_space<vmem>> -> memref<512xi32, #tpu.memory_space<vmem>>
    %dma_start3A_326 = arith.constant 0 : i32
    %dma_start3A_327 = arith.constant 0 : i32
    %dma_start3A_328 = tpu.memref_slice %arg3[%dma_start3A_326, %dma_start3A_327] : memref<1000000x32xf32, #tpu.memory_space<hbm>> -> memref<1000000x32xf32, #tpu.memory_space<hbm>>
    tpu.enqueue_indirect_dma source(%dma_start3A_328 : memref<1000000x32xf32, #tpu.memory_space<hbm>>) target(%dma_start3A_322 : memref<512x32xf32, #tpu.memory_space<vmem>>) offsets(%dma_start3A_325 : memref<512xi32, #tpu.memory_space<vmem>>) semaphore(%arg7 : memref<!tpu.dma_semaphore, #tpu.memory_space<semaphore_mem>>)
    %dma_wait3A_329 = arith.constant 5 : i32
    %dma_wait3A_330 = arith.constant 1 : i32
    %dma_wait3A_331 = arith.constant 0 : i32
    %dma_wait3A_332 = arith.constant 0 : i32
    %dma_wait3A_333 = tpu.memref_slice %arg6[%dma_wait3A_330, %dma_wait3A_331, %dma_wait3A_332] : memref<4x512x32xf32, #tpu.memory_space<vmem>> -> memref<1x512x32xf32, #tpu.memory_space<vmem>>
    %dma_wait3A_334 = tpu.memref_squeeze %dma_wait3A_333 : memref<1x512x32xf32, #tpu.memory_space<vmem>> -> memref<512x32xf32, #tpu.memory_space<vmem>>
    %dma_wait3A_335 = arith.constant 0 : i32
    %dma_wait3A_336 = tpu.memref_slice %arg5[%dma_wait3A_329, %dma_wait3A_335] : memref<50x512xi32, #tpu.memory_space<vmem>> -> memref<1x512xi32, #tpu.memory_space<vmem>>
    %dma_wait3A_337 = tpu.memref_squeeze %dma_wait3A_336 : memref<1x512xi32, #tpu.memory_space<vmem>> -> memref<512xi32, #tpu.memory_space<vmem>>
    %dma_wait3A_338 = arith.constant 0 : i32
    %dma_wait3A_339 = arith.constant 0 : i32
    %dma_wait3A_340 = tpu.memref_slice %arg3[%dma_wait3A_338, %dma_wait3A_339] : memref<1000000x32xf32, #tpu.memory_space<hbm>> -> memref<1000000x32xf32, #tpu.memory_space<hbm>>
    tpu.wait_indirect_dma semaphore(%arg7 : memref<!tpu.dma_semaphore, #tpu.memory_space<semaphore_mem>>) src(%dma_wait3A_340 : memref<1000000x32xf32, #tpu.memory_space<hbm>>) dst(%dma_wait3A_334 : memref<512x32xf32, #tpu.memory_space<vmem>>)
    %dma_start3A_341 = arith.constant 1 : i32
    %dma_start3A_342 = arith.constant 5 : i32
    %dma_start3A_343 = arith.constant 0 : i32
    %dma_start3A_344 = arith.constant 0 : i32
    %dma_start3A_345 = tpu.memref_slice %arg6[%dma_start3A_341, %dma_start3A_343, %dma_start3A_344] : memref<4x512x32xf32, #tpu.memory_space<vmem>> -> memref<1x512x32xf32, #tpu.memory_space<vmem>>
    %dma_start3A_346 = tpu.memref_squeeze %dma_start3A_345 : memref<1x512x32xf32, #tpu.memory_space<vmem>> -> memref<512x32xf32, #tpu.memory_space<vmem>>
    %dma_start3A_347 = arith.constant 0 : i32
    %dma_start3A_348 = tpu.memref_slice %arg4[%mul3A_2, %dma_start3A_342, %dma_start3A_347] : memref<16384x50x32xf32, #tpu.memory_space<hbm>> -> memref<512x1x32xf32, #tpu.memory_space<hbm>>
    %dma_start3A_349 = tpu.memref_squeeze %dma_start3A_348 : memref<512x1x32xf32, #tpu.memory_space<hbm>> -> memref<512x32xf32, #tpu.memory_space<hbm>>
    %dma_start3A_350 = arith.constant 0 : i32
    %dma_start3A_351 = tpu.memref_slice %arg4[%mul3A_2, %dma_start3A_342, %dma_start3A_350] : memref<16384x50x32xf32, #tpu.memory_space<hbm>> -> memref<512x1x32xf32, #tpu.memory_space<hbm>>
    %dma_start3A_352 = tpu.memref_squeeze %dma_start3A_351 : memref<512x1x32xf32, #tpu.memory_space<hbm>> -> memref<512x32xf32, #tpu.memory_space<hbm>>
    %dma_start3A_353 = arith.constant 0 : i32
    %dma_start3A_354 = arith.constant 0 : i32
    %dma_start3A_355 = tpu.memref_slice %arg6[%dma_start3A_341, %dma_start3A_353, %dma_start3A_354] : memref<4x512x32xf32, #tpu.memory_space<vmem>> -> memref<1x512x32xf32, #tpu.memory_space<vmem>>
    %dma_start3A_356 = tpu.memref_squeeze %dma_start3A_355 : memref<1x512x32xf32, #tpu.memory_space<vmem>> -> memref<512x32xf32, #tpu.memory_space<vmem>>
    tpu.enqueue_dma source(%dma_start3A_356 : memref<512x32xf32, #tpu.memory_space<vmem>>) target(%dma_start3A_352 : memref<512x32xf32, #tpu.memory_space<hbm>>) target_semaphore(%arg8 : memref<!tpu.dma_semaphore, #tpu.memory_space<semaphore_mem>>)
    %dma_wait3A_357 = arith.constant 1 : i32
    %dma_wait3A_358 = arith.constant 5 : i32
    %dma_wait3A_359 = arith.constant 0 : i32
    %dma_wait3A_360 = arith.constant 0 : i32
    %dma_wait3A_361 = tpu.memref_slice %arg6[%dma_wait3A_357, %dma_wait3A_359, %dma_wait3A_360] : memref<4x512x32xf32, #tpu.memory_space<vmem>> -> memref<1x512x32xf32, #tpu.memory_space<vmem>>
    %dma_wait3A_362 = tpu.memref_squeeze %dma_wait3A_361 : memref<1x512x32xf32, #tpu.memory_space<vmem>> -> memref<512x32xf32, #tpu.memory_space<vmem>>
    %dma_wait3A_363 = arith.constant 0 : i32
    %dma_wait3A_364 = tpu.memref_slice %arg4[%mul3A_2, %dma_wait3A_358, %dma_wait3A_363] : memref<16384x50x32xf32, #tpu.memory_space<hbm>> -> memref<512x1x32xf32, #tpu.memory_space<hbm>>
    %dma_wait3A_365 = tpu.memref_squeeze %dma_wait3A_364 : memref<512x1x32xf32, #tpu.memory_space<hbm>> -> memref<512x32xf32, #tpu.memory_space<hbm>>
    %dma_wait3A_366 = arith.constant 0 : i32
    %dma_wait3A_367 = tpu.memref_slice %arg4[%mul3A_2, %dma_wait3A_358, %dma_wait3A_366] : memref<16384x50x32xf32, #tpu.memory_space<hbm>> -> memref<512x1x32xf32, #tpu.memory_space<hbm>>
    %dma_wait3A_368 = tpu.memref_squeeze %dma_wait3A_367 : memref<512x1x32xf32, #tpu.memory_space<hbm>> -> memref<512x32xf32, #tpu.memory_space<hbm>>
    %dma_wait3A_369 = arith.constant 0 : i32
    %dma_wait3A_370 = arith.constant 0 : i32
    %dma_wait3A_371 = tpu.memref_slice %arg6[%dma_wait3A_357, %dma_wait3A_369, %dma_wait3A_370] : memref<4x512x32xf32, #tpu.memory_space<vmem>> -> memref<1x512x32xf32, #tpu.memory_space<vmem>>
    %dma_wait3A_372 = tpu.memref_squeeze %dma_wait3A_371 : memref<1x512x32xf32, #tpu.memory_space<vmem>> -> memref<512x32xf32, #tpu.memory_space<vmem>>
    tpu.wait_dma2 semaphore(%arg8 : memref<!tpu.dma_semaphore, #tpu.memory_space<semaphore_mem>>) src(%dma_wait3A_372 : memref<512x32xf32, #tpu.memory_space<vmem>>) dst(%dma_wait3A_368 : memref<512x32xf32, #tpu.memory_space<hbm>>)
    %dma_start3A_373 = arith.constant 9 : i32
    %dma_start3A_374 = arith.constant 1 : i32
    %dma_start3A_375 = arith.constant 0 : i32
    %dma_start3A_376 = arith.constant 0 : i32
    %dma_start3A_377 = tpu.memref_slice %arg6[%dma_start3A_374, %dma_start3A_375, %dma_start3A_376] : memref<4x512x32xf32, #tpu.memory_space<vmem>> -> memref<1x512x32xf32, #tpu.memory_space<vmem>>
    %dma_start3A_378 = tpu.memref_squeeze %dma_start3A_377 : memref<1x512x32xf32, #tpu.memory_space<vmem>> -> memref<512x32xf32, #tpu.memory_space<vmem>>
    %dma_start3A_379 = arith.constant 0 : i32
    %dma_start3A_380 = tpu.memref_slice %arg5[%dma_start3A_373, %dma_start3A_379] : memref<50x512xi32, #tpu.memory_space<vmem>> -> memref<1x512xi32, #tpu.memory_space<vmem>>
    %dma_start3A_381 = tpu.memref_squeeze %dma_start3A_380 : memref<1x512xi32, #tpu.memory_space<vmem>> -> memref<512xi32, #tpu.memory_space<vmem>>
    %dma_start3A_382 = arith.constant 0 : i32
    %dma_start3A_383 = arith.constant 0 : i32
    %dma_start3A_384 = tpu.memref_slice %arg3[%dma_start3A_382, %dma_start3A_383] : memref<1000000x32xf32, #tpu.memory_space<hbm>> -> memref<1000000x32xf32, #tpu.memory_space<hbm>>
    tpu.enqueue_indirect_dma source(%dma_start3A_384 : memref<1000000x32xf32, #tpu.memory_space<hbm>>) target(%dma_start3A_378 : memref<512x32xf32, #tpu.memory_space<vmem>>) offsets(%dma_start3A_381 : memref<512xi32, #tpu.memory_space<vmem>>) semaphore(%arg7 : memref<!tpu.dma_semaphore, #tpu.memory_space<semaphore_mem>>)
    %dma_wait3A_385 = arith.constant 6 : i32
    %dma_wait3A_386 = arith.constant 2 : i32
    %dma_wait3A_387 = arith.constant 0 : i32
    %dma_wait3A_388 = arith.constant 0 : i32
    %dma_wait3A_389 = tpu.memref_slice %arg6[%dma_wait3A_386, %dma_wait3A_387, %dma_wait3A_388] : memref<4x512x32xf32, #tpu.memory_space<vmem>> -> memref<1x512x32xf32, #tpu.memory_space<vmem>>
    %dma_wait3A_390 = tpu.memref_squeeze %dma_wait3A_389 : memref<1x512x32xf32, #tpu.memory_space<vmem>> -> memref<512x32xf32, #tpu.memory_space<vmem>>
    %dma_wait3A_391 = arith.constant 0 : i32
    %dma_wait3A_392 = tpu.memref_slice %arg5[%dma_wait3A_385, %dma_wait3A_391] : memref<50x512xi32, #tpu.memory_space<vmem>> -> memref<1x512xi32, #tpu.memory_space<vmem>>
    %dma_wait3A_393 = tpu.memref_squeeze %dma_wait3A_392 : memref<1x512xi32, #tpu.memory_space<vmem>> -> memref<512xi32, #tpu.memory_space<vmem>>
    %dma_wait3A_394 = arith.constant 0 : i32
    %dma_wait3A_395 = arith.constant 0 : i32
    %dma_wait3A_396 = tpu.memref_slice %arg3[%dma_wait3A_394, %dma_wait3A_395] : memref<1000000x32xf32, #tpu.memory_space<hbm>> -> memref<1000000x32xf32, #tpu.memory_space<hbm>>
    tpu.wait_indirect_dma semaphore(%arg7 : memref<!tpu.dma_semaphore, #tpu.memory_space<semaphore_mem>>) src(%dma_wait3A_396 : memref<1000000x32xf32, #tpu.memory_space<hbm>>) dst(%dma_wait3A_390 : memref<512x32xf32, #tpu.memory_space<vmem>>)
    %dma_start3A_397 = arith.constant 2 : i32
    %dma_start3A_398 = arith.constant 6 : i32
    %dma_start3A_399 = arith.constant 0 : i32
    %dma_start3A_400 = arith.constant 0 : i32
    %dma_start3A_401 = tpu.memref_slice %arg6[%dma_start3A_397, %dma_start3A_399, %dma_start3A_400] : memref<4x512x32xf32, #tpu.memory_space<vmem>> -> memref<1x512x32xf32, #tpu.memory_space<vmem>>
    %dma_start3A_402 = tpu.memref_squeeze %dma_start3A_401 : memref<1x512x32xf32, #tpu.memory_space<vmem>> -> memref<512x32xf32, #tpu.memory_space<vmem>>
    %dma_start3A_403 = arith.constant 0 : i32
    %dma_start3A_404 = tpu.memref_slice %arg4[%mul3A_2, %dma_start3A_398, %dma_start3A_403] : memref<16384x50x32xf32, #tpu.memory_space<hbm>> -> memref<512x1x32xf32, #tpu.memory_space<hbm>>
    %dma_start3A_405 = tpu.memref_squeeze %dma_start3A_404 : memref<512x1x32xf32, #tpu.memory_space<hbm>> -> memref<512x32xf32, #tpu.memory_space<hbm>>
    %dma_start3A_406 = arith.constant 0 : i32
    %dma_start3A_407 = tpu.memref_slice %arg4[%mul3A_2, %dma_start3A_398, %dma_start3A_406] : memref<16384x50x32xf32, #tpu.memory_space<hbm>> -> memref<512x1x32xf32, #tpu.memory_space<hbm>>
    %dma_start3A_408 = tpu.memref_squeeze %dma_start3A_407 : memref<512x1x32xf32, #tpu.memory_space<hbm>> -> memref<512x32xf32, #tpu.memory_space<hbm>>
    %dma_start3A_409 = arith.constant 0 : i32
    %dma_start3A_410 = arith.constant 0 : i32
    %dma_start3A_411 = tpu.memref_slice %arg6[%dma_start3A_397, %dma_start3A_409, %dma_start3A_410] : memref<4x512x32xf32, #tpu.memory_space<vmem>> -> memref<1x512x32xf32, #tpu.memory_space<vmem>>
    %dma_start3A_412 = tpu.memref_squeeze %dma_start3A_411 : memref<1x512x32xf32, #tpu.memory_space<vmem>> -> memref<512x32xf32, #tpu.memory_space<vmem>>
    tpu.enqueue_dma source(%dma_start3A_412 : memref<512x32xf32, #tpu.memory_space<vmem>>) target(%dma_start3A_408 : memref<512x32xf32, #tpu.memory_space<hbm>>) target_semaphore(%arg8 : memref<!tpu.dma_semaphore, #tpu.memory_space<semaphore_mem>>)
    %dma_wait3A_413 = arith.constant 2 : i32
    %dma_wait3A_414 = arith.constant 6 : i32
    %dma_wait3A_415 = arith.constant 0 : i32
    %dma_wait3A_416 = arith.constant 0 : i32
    %dma_wait3A_417 = tpu.memref_slice %arg6[%dma_wait3A_413, %dma_wait3A_415, %dma_wait3A_416] : memref<4x512x32xf32, #tpu.memory_space<vmem>> -> memref<1x512x32xf32, #tpu.memory_space<vmem>>
    %dma_wait3A_418 = tpu.memref_squeeze %dma_wait3A_417 : memref<1x512x32xf32, #tpu.memory_space<vmem>> -> memref<512x32xf32, #tpu.memory_space<vmem>>
    %dma_wait3A_419 = arith.constant 0 : i32
    %dma_wait3A_420 = tpu.memref_slice %arg4[%mul3A_2, %dma_wait3A_414, %dma_wait3A_419] : memref<16384x50x32xf32, #tpu.memory_space<hbm>> -> memref<512x1x32xf32, #tpu.memory_space<hbm>>
    %dma_wait3A_421 = tpu.memref_squeeze %dma_wait3A_420 : memref<512x1x32xf32, #tpu.memory_space<hbm>> -> memref<512x32xf32, #tpu.memory_space<hbm>>
    %dma_wait3A_422 = arith.constant 0 : i32
    %dma_wait3A_423 = tpu.memref_slice %arg4[%mul3A_2, %dma_wait3A_414, %dma_wait3A_422] : memref<16384x50x32xf32, #tpu.memory_space<hbm>> -> memref<512x1x32xf32, #tpu.memory_space<hbm>>
    %dma_wait3A_424 = tpu.memref_squeeze %dma_wait3A_423 : memref<512x1x32xf32, #tpu.memory_space<hbm>> -> memref<512x32xf32, #tpu.memory_space<hbm>>
    %dma_wait3A_425 = arith.constant 0 : i32
    %dma_wait3A_426 = arith.constant 0 : i32
    %dma_wait3A_427 = tpu.memref_slice %arg6[%dma_wait3A_413, %dma_wait3A_425, %dma_wait3A_426] : memref<4x512x32xf32, #tpu.memory_space<vmem>> -> memref<1x512x32xf32, #tpu.memory_space<vmem>>
    %dma_wait3A_428 = tpu.memref_squeeze %dma_wait3A_427 : memref<1x512x32xf32, #tpu.memory_space<vmem>> -> memref<512x32xf32, #tpu.memory_space<vmem>>
    tpu.wait_dma2 semaphore(%arg8 : memref<!tpu.dma_semaphore, #tpu.memory_space<semaphore_mem>>) src(%dma_wait3A_428 : memref<512x32xf32, #tpu.memory_space<vmem>>) dst(%dma_wait3A_424 : memref<512x32xf32, #tpu.memory_space<hbm>>)
    %dma_start3A_429 = arith.constant 10 : i32
    %dma_start3A_430 = arith.constant 2 : i32
    %dma_start3A_431 = arith.constant 0 : i32
    %dma_start3A_432 = arith.constant 0 : i32
    %dma_start3A_433 = tpu.memref_slice %arg6[%dma_start3A_430, %dma_start3A_431, %dma_start3A_432] : memref<4x512x32xf32, #tpu.memory_space<vmem>> -> memref<1x512x32xf32, #tpu.memory_space<vmem>>
    %dma_start3A_434 = tpu.memref_squeeze %dma_start3A_433 : memref<1x512x32xf32, #tpu.memory_space<vmem>> -> memref<512x32xf32, #tpu.memory_space<vmem>>
    %dma_start3A_435 = arith.constant 0 : i32
    %dma_start3A_436 = tpu.memref_slice %arg5[%dma_start3A_429, %dma_start3A_435] : memref<50x512xi32, #tpu.memory_space<vmem>> -> memref<1x512xi32, #tpu.memory_space<vmem>>
    %dma_start3A_437 = tpu.memref_squeeze %dma_start3A_436 : memref<1x512xi32, #tpu.memory_space<vmem>> -> memref<512xi32, #tpu.memory_space<vmem>>
    %dma_start3A_438 = arith.constant 0 : i32
    %dma_start3A_439 = arith.constant 0 : i32
    %dma_start3A_440 = tpu.memref_slice %arg3[%dma_start3A_438, %dma_start3A_439] : memref<1000000x32xf32, #tpu.memory_space<hbm>> -> memref<1000000x32xf32, #tpu.memory_space<hbm>>
    tpu.enqueue_indirect_dma source(%dma_start3A_440 : memref<1000000x32xf32, #tpu.memory_space<hbm>>) target(%dma_start3A_434 : memref<512x32xf32, #tpu.memory_space<vmem>>) offsets(%dma_start3A_437 : memref<512xi32, #tpu.memory_space<vmem>>) semaphore(%arg7 : memref<!tpu.dma_semaphore, #tpu.memory_space<semaphore_mem>>)
    %dma_wait3A_441 = arith.constant 7 : i32
    %dma_wait3A_442 = arith.constant 3 : i32
    %dma_wait3A_443 = arith.constant 0 : i32
    %dma_wait3A_444 = arith.constant 0 : i32
    %dma_wait3A_445 = tpu.memref_slice %arg6[%dma_wait3A_442, %dma_wait3A_443, %dma_wait3A_444] : memref<4x512x32xf32, #tpu.memory_space<vmem>> -> memref<1x512x32xf32, #tpu.memory_space<vmem>>
    %dma_wait3A_446 = tpu.memref_squeeze %dma_wait3A_445 : memref<1x512x32xf32, #tpu.memory_space<vmem>> -> memref<512x32xf32, #tpu.memory_space<vmem>>
    %dma_wait3A_447 = arith.constant 0 : i32
    %dma_wait3A_448 = tpu.memref_slice %arg5[%dma_wait3A_441, %dma_wait3A_447] : memref<50x512xi32, #tpu.memory_space<vmem>> -> memref<1x512xi32, #tpu.memory_space<vmem>>
    %dma_wait3A_449 = tpu.memref_squeeze %dma_wait3A_448 : memref<1x512xi32, #tpu.memory_space<vmem>> -> memref<512xi32, #tpu.memory_space<vmem>>
    %dma_wait3A_450 = arith.constant 0 : i32
    %dma_wait3A_451 = arith.constant 0 : i32
    %dma_wait3A_452 = tpu.memref_slice %arg3[%dma_wait3A_450, %dma_wait3A_451] : memref<1000000x32xf32, #tpu.memory_space<hbm>> -> memref<1000000x32xf32, #tpu.memory_space<hbm>>
    tpu.wait_indirect_dma semaphore(%arg7 : memref<!tpu.dma_semaphore, #tpu.memory_space<semaphore_mem>>) src(%dma_wait3A_452 : memref<1000000x32xf32, #tpu.memory_space<hbm>>) dst(%dma_wait3A_446 : memref<512x32xf32, #tpu.memory_space<vmem>>)
    %dma_start3A_453 = arith.constant 3 : i32
    %dma_start3A_454 = arith.constant 7 : i32
    %dma_start3A_455 = arith.constant 0 : i32
    %dma_start3A_456 = arith.constant 0 : i32
    %dma_start3A_457 = tpu.memref_slice %arg6[%dma_start3A_453, %dma_start3A_455, %dma_start3A_456] : memref<4x512x32xf32, #tpu.memory_space<vmem>> -> memref<1x512x32xf32, #tpu.memory_space<vmem>>
    %dma_start3A_458 = tpu.memref_squeeze %dma_start3A_457 : memref<1x512x32xf32, #tpu.memory_space<vmem>> -> memref<512x32xf32, #tpu.memory_space<vmem>>
    %dma_start3A_459 = arith.constant 0 : i32
    %dma_start3A_460 = tpu.memref_slice %arg4[%mul3A_2, %dma_start3A_454, %dma_start3A_459] : memref<16384x50x32xf32, #tpu.memory_space<hbm>> -> memref<512x1x32xf32, #tpu.memory_space<hbm>>
    %dma_start3A_461 = tpu.memref_squeeze %dma_start3A_460 : memref<512x1x32xf32, #tpu.memory_space<hbm>> -> memref<512x32xf32, #tpu.memory_space<hbm>>
    %dma_start3A_462 = arith.constant 0 : i32
    %dma_start3A_463 = tpu.memref_slice %arg4[%mul3A_2, %dma_start3A_454, %dma_start3A_462] : memref<16384x50x32xf32, #tpu.memory_space<hbm>> -> memref<512x1x32xf32, #tpu.memory_space<hbm>>
    %dma_start3A_464 = tpu.memref_squeeze %dma_start3A_463 : memref<512x1x32xf32, #tpu.memory_space<hbm>> -> memref<512x32xf32, #tpu.memory_space<hbm>>
    %dma_start3A_465 = arith.constant 0 : i32
    %dma_start3A_466 = arith.constant 0 : i32
    %dma_start3A_467 = tpu.memref_slice %arg6[%dma_start3A_453, %dma_start3A_465, %dma_start3A_466] : memref<4x512x32xf32, #tpu.memory_space<vmem>> -> memref<1x512x32xf32, #tpu.memory_space<vmem>>
    %dma_start3A_468 = tpu.memref_squeeze %dma_start3A_467 : memref<1x512x32xf32, #tpu.memory_space<vmem>> -> memref<512x32xf32, #tpu.memory_space<vmem>>
    tpu.enqueue_dma source(%dma_start3A_468 : memref<512x32xf32, #tpu.memory_space<vmem>>) target(%dma_start3A_464 : memref<512x32xf32, #tpu.memory_space<hbm>>) target_semaphore(%arg8 : memref<!tpu.dma_semaphore, #tpu.memory_space<semaphore_mem>>)
    %dma_wait3A_469 = arith.constant 3 : i32
    %dma_wait3A_470 = arith.constant 7 : i32
    %dma_wait3A_471 = arith.constant 0 : i32
    %dma_wait3A_472 = arith.constant 0 : i32
    %dma_wait3A_473 = tpu.memref_slice %arg6[%dma_wait3A_469, %dma_wait3A_471, %dma_wait3A_472] : memref<4x512x32xf32, #tpu.memory_space<vmem>> -> memref<1x512x32xf32, #tpu.memory_space<vmem>>
    %dma_wait3A_474 = tpu.memref_squeeze %dma_wait3A_473 : memref<1x512x32xf32, #tpu.memory_space<vmem>> -> memref<512x32xf32, #tpu.memory_space<vmem>>
    %dma_wait3A_475 = arith.constant 0 : i32
    %dma_wait3A_476 = tpu.memref_slice %arg4[%mul3A_2, %dma_wait3A_470, %dma_wait3A_475] : memref<16384x50x32xf32, #tpu.memory_space<hbm>> -> memref<512x1x32xf32, #tpu.memory_space<hbm>>
    %dma_wait3A_477 = tpu.memref_squeeze %dma_wait3A_476 : memref<512x1x32xf32, #tpu.memory_space<hbm>> -> memref<512x32xf32, #tpu.memory_space<hbm>>
    %dma_wait3A_478 = arith.constant 0 : i32
    %dma_wait3A_479 = tpu.memref_slice %arg4[%mul3A_2, %dma_wait3A_470, %dma_wait3A_478] : memref<16384x50x32xf32, #tpu.memory_space<hbm>> -> memref<512x1x32xf32, #tpu.memory_space<hbm>>
    %dma_wait3A_480 = tpu.memref_squeeze %dma_wait3A_479 : memref<512x1x32xf32, #tpu.memory_space<hbm>> -> memref<512x32xf32, #tpu.memory_space<hbm>>
    %dma_wait3A_481 = arith.constant 0 : i32
    %dma_wait3A_482 = arith.constant 0 : i32
    %dma_wait3A_483 = tpu.memref_slice %arg6[%dma_wait3A_469, %dma_wait3A_481, %dma_wait3A_482] : memref<4x512x32xf32, #tpu.memory_space<vmem>> -> memref<1x512x32xf32, #tpu.memory_space<vmem>>
    %dma_wait3A_484 = tpu.memref_squeeze %dma_wait3A_483 : memref<1x512x32xf32, #tpu.memory_space<vmem>> -> memref<512x32xf32, #tpu.memory_space<vmem>>
    tpu.wait_dma2 semaphore(%arg8 : memref<!tpu.dma_semaphore, #tpu.memory_space<semaphore_mem>>) src(%dma_wait3A_484 : memref<512x32xf32, #tpu.memory_space<vmem>>) dst(%dma_wait3A_480 : memref<512x32xf32, #tpu.memory_space<hbm>>)
    %dma_start3A_485 = arith.constant 11 : i32
    %dma_start3A_486 = arith.constant 3 : i32
    %dma_start3A_487 = arith.constant 0 : i32
    %dma_start3A_488 = arith.constant 0 : i32
    %dma_start3A_489 = tpu.memref_slice %arg6[%dma_start3A_486, %dma_start3A_487, %dma_start3A_488] : memref<4x512x32xf32, #tpu.memory_space<vmem>> -> memref<1x512x32xf32, #tpu.memory_space<vmem>>
    %dma_start3A_490 = tpu.memref_squeeze %dma_start3A_489 : memref<1x512x32xf32, #tpu.memory_space<vmem>> -> memref<512x32xf32, #tpu.memory_space<vmem>>
    %dma_start3A_491 = arith.constant 0 : i32
    %dma_start3A_492 = tpu.memref_slice %arg5[%dma_start3A_485, %dma_start3A_491] : memref<50x512xi32, #tpu.memory_space<vmem>> -> memref<1x512xi32, #tpu.memory_space<vmem>>
    %dma_start3A_493 = tpu.memref_squeeze %dma_start3A_492 : memref<1x512xi32, #tpu.memory_space<vmem>> -> memref<512xi32, #tpu.memory_space<vmem>>
    %dma_start3A_494 = arith.constant 0 : i32
    %dma_start3A_495 = arith.constant 0 : i32
    %dma_start3A_496 = tpu.memref_slice %arg3[%dma_start3A_494, %dma_start3A_495] : memref<1000000x32xf32, #tpu.memory_space<hbm>> -> memref<1000000x32xf32, #tpu.memory_space<hbm>>
    tpu.enqueue_indirect_dma source(%dma_start3A_496 : memref<1000000x32xf32, #tpu.memory_space<hbm>>) target(%dma_start3A_490 : memref<512x32xf32, #tpu.memory_space<vmem>>) offsets(%dma_start3A_493 : memref<512xi32, #tpu.memory_space<vmem>>) semaphore(%arg7 : memref<!tpu.dma_semaphore, #tpu.memory_space<semaphore_mem>>)
    %dma_wait3A_497 = arith.constant 8 : i32
    %dma_wait3A_498 = arith.constant 0 : i32
    %dma_wait3A_499 = arith.constant 0 : i32
    %dma_wait3A_500 = arith.constant 0 : i32
    %dma_wait3A_501 = tpu.memref_slice %arg6[%dma_wait3A_498, %dma_wait3A_499, %dma_wait3A_500] : memref<4x512x32xf32, #tpu.memory_space<vmem>> -> memref<1x512x32xf32, #tpu.memory_space<vmem>>
    %dma_wait3A_502 = tpu.memref_squeeze %dma_wait3A_501 : memref<1x512x32xf32, #tpu.memory_space<vmem>> -> memref<512x32xf32, #tpu.memory_space<vmem>>
    %dma_wait3A_503 = arith.constant 0 : i32
    %dma_wait3A_504 = tpu.memref_slice %arg5[%dma_wait3A_497, %dma_wait3A_503] : memref<50x512xi32, #tpu.memory_space<vmem>> -> memref<1x512xi32, #tpu.memory_space<vmem>>
    %dma_wait3A_505 = tpu.memref_squeeze %dma_wait3A_504 : memref<1x512xi32, #tpu.memory_space<vmem>> -> memref<512xi32, #tpu.memory_space<vmem>>
    %dma_wait3A_506 = arith.constant 0 : i32
    %dma_wait3A_507 = arith.constant 0 : i32
    %dma_wait3A_508 = tpu.memref_slice %arg3[%dma_wait3A_506, %dma_wait3A_507] : memref<1000000x32xf32, #tpu.memory_space<hbm>> -> memref<1000000x32xf32, #tpu.memory_space<hbm>>
    tpu.wait_indirect_dma semaphore(%arg7 : memref<!tpu.dma_semaphore, #tpu.memory_space<semaphore_mem>>) src(%dma_wait3A_508 : memref<1000000x32xf32, #tpu.memory_space<hbm>>) dst(%dma_wait3A_502 : memref<512x32xf32, #tpu.memory_space<vmem>>)
    %dma_start3A_509 = arith.constant 0 : i32
    %dma_start3A_510 = arith.constant 8 : i32
    %dma_start3A_511 = arith.constant 0 : i32
    %dma_start3A_512 = arith.constant 0 : i32
    %dma_start3A_513 = tpu.memref_slice %arg6[%dma_start3A_509, %dma_start3A_511, %dma_start3A_512] : memref<4x512x32xf32, #tpu.memory_space<vmem>> -> memref<1x512x32xf32, #tpu.memory_space<vmem>>
    %dma_start3A_514 = tpu.memref_squeeze %dma_start3A_513 : memref<1x512x32xf32, #tpu.memory_space<vmem>> -> memref<512x32xf32, #tpu.memory_space<vmem>>
    %dma_start3A_515 = arith.constant 0 : i32
    %dma_start3A_516 = tpu.memref_slice %arg4[%mul3A_2, %dma_start3A_510, %dma_start3A_515] : memref<16384x50x32xf32, #tpu.memory_space<hbm>> -> memref<512x1x32xf32, #tpu.memory_space<hbm>>
    %dma_start3A_517 = tpu.memref_squeeze %dma_start3A_516 : memref<512x1x32xf32, #tpu.memory_space<hbm>> -> memref<512x32xf32, #tpu.memory_space<hbm>>
    %dma_start3A_518 = arith.constant 0 : i32
    %dma_start3A_519 = tpu.memref_slice %arg4[%mul3A_2, %dma_start3A_510, %dma_start3A_518] : memref<16384x50x32xf32, #tpu.memory_space<hbm>> -> memref<512x1x32xf32, #tpu.memory_space<hbm>>
    %dma_start3A_520 = tpu.memref_squeeze %dma_start3A_519 : memref<512x1x32xf32, #tpu.memory_space<hbm>> -> memref<512x32xf32, #tpu.memory_space<hbm>>
    %dma_start3A_521 = arith.constant 0 : i32
    %dma_start3A_522 = arith.constant 0 : i32
    %dma_start3A_523 = tpu.memref_slice %arg6[%dma_start3A_509, %dma_start3A_521, %dma_start3A_522] : memref<4x512x32xf32, #tpu.memory_space<vmem>> -> memref<1x512x32xf32, #tpu.memory_space<vmem>>
    %dma_start3A_524 = tpu.memref_squeeze %dma_start3A_523 : memref<1x512x32xf32, #tpu.memory_space<vmem>> -> memref<512x32xf32, #tpu.memory_space<vmem>>
    tpu.enqueue_dma source(%dma_start3A_524 : memref<512x32xf32, #tpu.memory_space<vmem>>) target(%dma_start3A_520 : memref<512x32xf32, #tpu.memory_space<hbm>>) target_semaphore(%arg8 : memref<!tpu.dma_semaphore, #tpu.memory_space<semaphore_mem>>)
    %dma_wait3A_525 = arith.constant 0 : i32
    %dma_wait3A_526 = arith.constant 8 : i32
    %dma_wait3A_527 = arith.constant 0 : i32
    %dma_wait3A_528 = arith.constant 0 : i32
    %dma_wait3A_529 = tpu.memref_slice %arg6[%dma_wait3A_525, %dma_wait3A_527, %dma_wait3A_528] : memref<4x512x32xf32, #tpu.memory_space<vmem>> -> memref<1x512x32xf32, #tpu.memory_space<vmem>>
    %dma_wait3A_530 = tpu.memref_squeeze %dma_wait3A_529 : memref<1x512x32xf32, #tpu.memory_space<vmem>> -> memref<512x32xf32, #tpu.memory_space<vmem>>
    %dma_wait3A_531 = arith.constant 0 : i32
    %dma_wait3A_532 = tpu.memref_slice %arg4[%mul3A_2, %dma_wait3A_526, %dma_wait3A_531] : memref<16384x50x32xf32, #tpu.memory_space<hbm>> -> memref<512x1x32xf32, #tpu.memory_space<hbm>>
    %dma_wait3A_533 = tpu.memref_squeeze %dma_wait3A_532 : memref<512x1x32xf32, #tpu.memory_space<hbm>> -> memref<512x32xf32, #tpu.memory_space<hbm>>
    %dma_wait3A_534 = arith.constant 0 : i32
    %dma_wait3A_535 = tpu.memref_slice %arg4[%mul3A_2, %dma_wait3A_526, %dma_wait3A_534] : memref<16384x50x32xf32, #tpu.memory_space<hbm>> -> memref<512x1x32xf32, #tpu.memory_space<hbm>>
    %dma_wait3A_536 = tpu.memref_squeeze %dma_wait3A_535 : memref<512x1x32xf32, #tpu.memory_space<hbm>> -> memref<512x32xf32, #tpu.memory_space<hbm>>
    %dma_wait3A_537 = arith.constant 0 : i32
    %dma_wait3A_538 = arith.constant 0 : i32
    %dma_wait3A_539 = tpu.memref_slice %arg6[%dma_wait3A_525, %dma_wait3A_537, %dma_wait3A_538] : memref<4x512x32xf32, #tpu.memory_space<vmem>> -> memref<1x512x32xf32, #tpu.memory_space<vmem>>
    %dma_wait3A_540 = tpu.memref_squeeze %dma_wait3A_539 : memref<1x512x32xf32, #tpu.memory_space<vmem>> -> memref<512x32xf32, #tpu.memory_space<vmem>>
    tpu.wait_dma2 semaphore(%arg8 : memref<!tpu.dma_semaphore, #tpu.memory_space<semaphore_mem>>) src(%dma_wait3A_540 : memref<512x32xf32, #tpu.memory_space<vmem>>) dst(%dma_wait3A_536 : memref<512x32xf32, #tpu.memory_space<hbm>>)
    %dma_start3A_541 = arith.constant 12 : i32
    %dma_start3A_542 = arith.constant 0 : i32
    %dma_start3A_543 = arith.constant 0 : i32
    %dma_start3A_544 = arith.constant 0 : i32
    %dma_start3A_545 = tpu.memref_slice %arg6[%dma_start3A_542, %dma_start3A_543, %dma_start3A_544] : memref<4x512x32xf32, #tpu.memory_space<vmem>> -> memref<1x512x32xf32, #tpu.memory_space<vmem>>
    %dma_start3A_546 = tpu.memref_squeeze %dma_start3A_545 : memref<1x512x32xf32, #tpu.memory_space<vmem>> -> memref<512x32xf32, #tpu.memory_space<vmem>>
    %dma_start3A_547 = arith.constant 0 : i32
    %dma_start3A_548 = tpu.memref_slice %arg5[%dma_start3A_541, %dma_start3A_547] : memref<50x512xi32, #tpu.memory_space<vmem>> -> memref<1x512xi32, #tpu.memory_space<vmem>>
    %dma_start3A_549 = tpu.memref_squeeze %dma_start3A_548 : memref<1x512xi32, #tpu.memory_space<vmem>> -> memref<512xi32, #tpu.memory_space<vmem>>
    %dma_start3A_550 = arith.constant 0 : i32
    %dma_start3A_551 = arith.constant 0 : i32
    %dma_start3A_552 = tpu.memref_slice %arg3[%dma_start3A_550, %dma_start3A_551] : memref<1000000x32xf32, #tpu.memory_space<hbm>> -> memref<1000000x32xf32, #tpu.memory_space<hbm>>
    tpu.enqueue_indirect_dma source(%dma_start3A_552 : memref<1000000x32xf32, #tpu.memory_space<hbm>>) target(%dma_start3A_546 : memref<512x32xf32, #tpu.memory_space<vmem>>) offsets(%dma_start3A_549 : memref<512xi32, #tpu.memory_space<vmem>>) semaphore(%arg7 : memref<!tpu.dma_semaphore, #tpu.memory_space<semaphore_mem>>)
    %dma_wait3A_553 = arith.constant 9 : i32
    %dma_wait3A_554 = arith.constant 1 : i32
    %dma_wait3A_555 = arith.constant 0 : i32
    %dma_wait3A_556 = arith.constant 0 : i32
    %dma_wait3A_557 = tpu.memref_slice %arg6[%dma_wait3A_554, %dma_wait3A_555, %dma_wait3A_556] : memref<4x512x32xf32, #tpu.memory_space<vmem>> -> memref<1x512x32xf32, #tpu.memory_space<vmem>>
    %dma_wait3A_558 = tpu.memref_squeeze %dma_wait3A_557 : memref<1x512x32xf32, #tpu.memory_space<vmem>> -> memref<512x32xf32, #tpu.memory_space<vmem>>
    %dma_wait3A_559 = arith.constant 0 : i32
    %dma_wait3A_560 = tpu.memref_slice %arg5[%dma_wait3A_553, %dma_wait3A_559] : memref<50x512xi32, #tpu.memory_space<vmem>> -> memref<1x512xi32, #tpu.memory_space<vmem>>
    %dma_wait3A_561 = tpu.memref_squeeze %dma_wait3A_560 : memref<1x512xi32, #tpu.memory_space<vmem>> -> memref<512xi32, #tpu.memory_space<vmem>>
    %dma_wait3A_562 = arith.constant 0 : i32
    %dma_wait3A_563 = arith.constant 0 : i32
    %dma_wait3A_564 = tpu.memref_slice %arg3[%dma_wait3A_562, %dma_wait3A_563] : memref<1000000x32xf32, #tpu.memory_space<hbm>> -> memref<1000000x32xf32, #tpu.memory_space<hbm>>
    tpu.wait_indirect_dma semaphore(%arg7 : memref<!tpu.dma_semaphore, #tpu.memory_space<semaphore_mem>>) src(%dma_wait3A_564 : memref<1000000x32xf32, #tpu.memory_space<hbm>>) dst(%dma_wait3A_558 : memref<512x32xf32, #tpu.memory_space<vmem>>)
    %dma_start3A_565 = arith.constant 1 : i32
    %dma_start3A_566 = arith.constant 9 : i32
    %dma_start3A_567 = arith.constant 0 : i32
    %dma_start3A_568 = arith.constant 0 : i32
    %dma_start3A_569 = tpu.memref_slice %arg6[%dma_start3A_565, %dma_start3A_567, %dma_start3A_568] : memref<4x512x32xf32, #tpu.memory_space<vmem>> -> memref<1x512x32xf32, #tpu.memory_space<vmem>>
    %dma_start3A_570 = tpu.memref_squeeze %dma_start3A_569 : memref<1x512x32xf32, #tpu.memory_space<vmem>> -> memref<512x32xf32, #tpu.memory_space<vmem>>
    %dma_start3A_571 = arith.constant 0 : i32
    %dma_start3A_572 = tpu.memref_slice %arg4[%mul3A_2, %dma_start3A_566, %dma_start3A_571] : memref<16384x50x32xf32, #tpu.memory_space<hbm>> -> memref<512x1x32xf32, #tpu.memory_space<hbm>>
    %dma_start3A_573 = tpu.memref_squeeze %dma_start3A_572 : memref<512x1x32xf32, #tpu.memory_space<hbm>> -> memref<512x32xf32, #tpu.memory_space<hbm>>
    %dma_start3A_574 = arith.constant 0 : i32
    %dma_start3A_575 = tpu.memref_slice %arg4[%mul3A_2, %dma_start3A_566, %dma_start3A_574] : memref<16384x50x32xf32, #tpu.memory_space<hbm>> -> memref<512x1x32xf32, #tpu.memory_space<hbm>>
    %dma_start3A_576 = tpu.memref_squeeze %dma_start3A_575 : memref<512x1x32xf32, #tpu.memory_space<hbm>> -> memref<512x32xf32, #tpu.memory_space<hbm>>
    %dma_start3A_577 = arith.constant 0 : i32
    %dma_start3A_578 = arith.constant 0 : i32
    %dma_start3A_579 = tpu.memref_slice %arg6[%dma_start3A_565, %dma_start3A_577, %dma_start3A_578] : memref<4x512x32xf32, #tpu.memory_space<vmem>> -> memref<1x512x32xf32, #tpu.memory_space<vmem>>
    %dma_start3A_580 = tpu.memref_squeeze %dma_start3A_579 : memref<1x512x32xf32, #tpu.memory_space<vmem>> -> memref<512x32xf32, #tpu.memory_space<vmem>>
    tpu.enqueue_dma source(%dma_start3A_580 : memref<512x32xf32, #tpu.memory_space<vmem>>) target(%dma_start3A_576 : memref<512x32xf32, #tpu.memory_space<hbm>>) target_semaphore(%arg8 : memref<!tpu.dma_semaphore, #tpu.memory_space<semaphore_mem>>)
    %dma_wait3A_581 = arith.constant 1 : i32
    %dma_wait3A_582 = arith.constant 9 : i32
    %dma_wait3A_583 = arith.constant 0 : i32
    %dma_wait3A_584 = arith.constant 0 : i32
    %dma_wait3A_585 = tpu.memref_slice %arg6[%dma_wait3A_581, %dma_wait3A_583, %dma_wait3A_584] : memref<4x512x32xf32, #tpu.memory_space<vmem>> -> memref<1x512x32xf32, #tpu.memory_space<vmem>>
    %dma_wait3A_586 = tpu.memref_squeeze %dma_wait3A_585 : memref<1x512x32xf32, #tpu.memory_space<vmem>> -> memref<512x32xf32, #tpu.memory_space<vmem>>
    %dma_wait3A_587 = arith.constant 0 : i32
    %dma_wait3A_588 = tpu.memref_slice %arg4[%mul3A_2, %dma_wait3A_582, %dma_wait3A_587] : memref<16384x50x32xf32, #tpu.memory_space<hbm>> -> memref<512x1x32xf32, #tpu.memory_space<hbm>>
    %dma_wait3A_589 = tpu.memref_squeeze %dma_wait3A_588 : memref<512x1x32xf32, #tpu.memory_space<hbm>> -> memref<512x32xf32, #tpu.memory_space<hbm>>
    %dma_wait3A_590 = arith.constant 0 : i32
    %dma_wait3A_591 = tpu.memref_slice %arg4[%mul3A_2, %dma_wait3A_582, %dma_wait3A_590] : memref<16384x50x32xf32, #tpu.memory_space<hbm>> -> memref<512x1x32xf32, #tpu.memory_space<hbm>>
    %dma_wait3A_592 = tpu.memref_squeeze %dma_wait3A_591 : memref<512x1x32xf32, #tpu.memory_space<hbm>> -> memref<512x32xf32, #tpu.memory_space<hbm>>
    %dma_wait3A_593 = arith.constant 0 : i32
    %dma_wait3A_594 = arith.constant 0 : i32
    %dma_wait3A_595 = tpu.memref_slice %arg6[%dma_wait3A_581, %dma_wait3A_593, %dma_wait3A_594] : memref<4x512x32xf32, #tpu.memory_space<vmem>> -> memref<1x512x32xf32, #tpu.memory_space<vmem>>
    %dma_wait3A_596 = tpu.memref_squeeze %dma_wait3A_595 : memref<1x512x32xf32, #tpu.memory_space<vmem>> -> memref<512x32xf32, #tpu.memory_space<vmem>>
    tpu.wait_dma2 semaphore(%arg8 : memref<!tpu.dma_semaphore, #tpu.memory_space<semaphore_mem>>) src(%dma_wait3A_596 : memref<512x32xf32, #tpu.memory_space<vmem>>) dst(%dma_wait3A_592 : memref<512x32xf32, #tpu.memory_space<hbm>>)
    %dma_start3A_597 = arith.constant 13 : i32
    %dma_start3A_598 = arith.constant 1 : i32
    %dma_start3A_599 = arith.constant 0 : i32
    %dma_start3A_600 = arith.constant 0 : i32
    %dma_start3A_601 = tpu.memref_slice %arg6[%dma_start3A_598, %dma_start3A_599, %dma_start3A_600] : memref<4x512x32xf32, #tpu.memory_space<vmem>> -> memref<1x512x32xf32, #tpu.memory_space<vmem>>
    %dma_start3A_602 = tpu.memref_squeeze %dma_start3A_601 : memref<1x512x32xf32, #tpu.memory_space<vmem>> -> memref<512x32xf32, #tpu.memory_space<vmem>>
    %dma_start3A_603 = arith.constant 0 : i32
    %dma_start3A_604 = tpu.memref_slice %arg5[%dma_start3A_597, %dma_start3A_603] : memref<50x512xi32, #tpu.memory_space<vmem>> -> memref<1x512xi32, #tpu.memory_space<vmem>>
    %dma_start3A_605 = tpu.memref_squeeze %dma_start3A_604 : memref<1x512xi32, #tpu.memory_space<vmem>> -> memref<512xi32, #tpu.memory_space<vmem>>
    %dma_start3A_606 = arith.constant 0 : i32
    %dma_start3A_607 = arith.constant 0 : i32
    %dma_start3A_608 = tpu.memref_slice %arg3[%dma_start3A_606, %dma_start3A_607] : memref<1000000x32xf32, #tpu.memory_space<hbm>> -> memref<1000000x32xf32, #tpu.memory_space<hbm>>
    tpu.enqueue_indirect_dma source(%dma_start3A_608 : memref<1000000x32xf32, #tpu.memory_space<hbm>>) target(%dma_start3A_602 : memref<512x32xf32, #tpu.memory_space<vmem>>) offsets(%dma_start3A_605 : memref<512xi32, #tpu.memory_space<vmem>>) semaphore(%arg7 : memref<!tpu.dma_semaphore, #tpu.memory_space<semaphore_mem>>)
    %dma_wait3A_609 = arith.constant 10 : i32
    %dma_wait3A_610 = arith.constant 2 : i32
    %dma_wait3A_611 = arith.constant 0 : i32
    %dma_wait3A_612 = arith.constant 0 : i32
    %dma_wait3A_613 = tpu.memref_slice %arg6[%dma_wait3A_610, %dma_wait3A_611, %dma_wait3A_612] : memref<4x512x32xf32, #tpu.memory_space<vmem>> -> memref<1x512x32xf32, #tpu.memory_space<vmem>>
    %dma_wait3A_614 = tpu.memref_squeeze %dma_wait3A_613 : memref<1x512x32xf32, #tpu.memory_space<vmem>> -> memref<512x32xf32, #tpu.memory_space<vmem>>
    %dma_wait3A_615 = arith.constant 0 : i32
    %dma_wait3A_616 = tpu.memref_slice %arg5[%dma_wait3A_609, %dma_wait3A_615] : memref<50x512xi32, #tpu.memory_space<vmem>> -> memref<1x512xi32, #tpu.memory_space<vmem>>
    %dma_wait3A_617 = tpu.memref_squeeze %dma_wait3A_616 : memref<1x512xi32, #tpu.memory_space<vmem>> -> memref<512xi32, #tpu.memory_space<vmem>>
    %dma_wait3A_618 = arith.constant 0 : i32
    %dma_wait3A_619 = arith.constant 0 : i32
    %dma_wait3A_620 = tpu.memref_slice %arg3[%dma_wait3A_618, %dma_wait3A_619] : memref<1000000x32xf32, #tpu.memory_space<hbm>> -> memref<1000000x32xf32, #tpu.memory_space<hbm>>
    tpu.wait_indirect_dma semaphore(%arg7 : memref<!tpu.dma_semaphore, #tpu.memory_space<semaphore_mem>>) src(%dma_wait3A_620 : memref<1000000x32xf32, #tpu.memory_space<hbm>>) dst(%dma_wait3A_614 : memref<512x32xf32, #tpu.memory_space<vmem>>)
    %dma_start3A_621 = arith.constant 2 : i32
    %dma_start3A_622 = arith.constant 10 : i32
    %dma_start3A_623 = arith.constant 0 : i32
    %dma_start3A_624 = arith.constant 0 : i32
    %dma_start3A_625 = tpu.memref_slice %arg6[%dma_start3A_621, %dma_start3A_623, %dma_start3A_624] : memref<4x512x32xf32, #tpu.memory_space<vmem>> -> memref<1x512x32xf32, #tpu.memory_space<vmem>>
    %dma_start3A_626 = tpu.memref_squeeze %dma_start3A_625 : memref<1x512x32xf32, #tpu.memory_space<vmem>> -> memref<512x32xf32, #tpu.memory_space<vmem>>
    %dma_start3A_627 = arith.constant 0 : i32
    %dma_start3A_628 = tpu.memref_slice %arg4[%mul3A_2, %dma_start3A_622, %dma_start3A_627] : memref<16384x50x32xf32, #tpu.memory_space<hbm>> -> memref<512x1x32xf32, #tpu.memory_space<hbm>>
    %dma_start3A_629 = tpu.memref_squeeze %dma_start3A_628 : memref<512x1x32xf32, #tpu.memory_space<hbm>> -> memref<512x32xf32, #tpu.memory_space<hbm>>
    %dma_start3A_630 = arith.constant 0 : i32
    %dma_start3A_631 = tpu.memref_slice %arg4[%mul3A_2, %dma_start3A_622, %dma_start3A_630] : memref<16384x50x32xf32, #tpu.memory_space<hbm>> -> memref<512x1x32xf32, #tpu.memory_space<hbm>>
    %dma_start3A_632 = tpu.memref_squeeze %dma_start3A_631 : memref<512x1x32xf32, #tpu.memory_space<hbm>> -> memref<512x32xf32, #tpu.memory_space<hbm>>
    %dma_start3A_633 = arith.constant 0 : i32
    %dma_start3A_634 = arith.constant 0 : i32
    %dma_start3A_635 = tpu.memref_slice %arg6[%dma_start3A_621, %dma_start3A_633, %dma_start3A_634] : memref<4x512x32xf32, #tpu.memory_space<vmem>> -> memref<1x512x32xf32, #tpu.memory_space<vmem>>
    %dma_start3A_636 = tpu.memref_squeeze %dma_start3A_635 : memref<1x512x32xf32, #tpu.memory_space<vmem>> -> memref<512x32xf32, #tpu.memory_space<vmem>>
    tpu.enqueue_dma source(%dma_start3A_636 : memref<512x32xf32, #tpu.memory_space<vmem>>) target(%dma_start3A_632 : memref<512x32xf32, #tpu.memory_space<hbm>>) target_semaphore(%arg8 : memref<!tpu.dma_semaphore, #tpu.memory_space<semaphore_mem>>)
    %dma_wait3A_637 = arith.constant 2 : i32
    %dma_wait3A_638 = arith.constant 10 : i32
    %dma_wait3A_639 = arith.constant 0 : i32
    %dma_wait3A_640 = arith.constant 0 : i32
    %dma_wait3A_641 = tpu.memref_slice %arg6[%dma_wait3A_637, %dma_wait3A_639, %dma_wait3A_640] : memref<4x512x32xf32, #tpu.memory_space<vmem>> -> memref<1x512x32xf32, #tpu.memory_space<vmem>>
    %dma_wait3A_642 = tpu.memref_squeeze %dma_wait3A_641 : memref<1x512x32xf32, #tpu.memory_space<vmem>> -> memref<512x32xf32, #tpu.memory_space<vmem>>
    %dma_wait3A_643 = arith.constant 0 : i32
    %dma_wait3A_644 = tpu.memref_slice %arg4[%mul3A_2, %dma_wait3A_638, %dma_wait3A_643] : memref<16384x50x32xf32, #tpu.memory_space<hbm>> -> memref<512x1x32xf32, #tpu.memory_space<hbm>>
    %dma_wait3A_645 = tpu.memref_squeeze %dma_wait3A_644 : memref<512x1x32xf32, #tpu.memory_space<hbm>> -> memref<512x32xf32, #tpu.memory_space<hbm>>
    %dma_wait3A_646 = arith.constant 0 : i32
    %dma_wait3A_647 = tpu.memref_slice %arg4[%mul3A_2, %dma_wait3A_638, %dma_wait3A_646] : memref<16384x50x32xf32, #tpu.memory_space<hbm>> -> memref<512x1x32xf32, #tpu.memory_space<hbm>>
    %dma_wait3A_648 = tpu.memref_squeeze %dma_wait3A_647 : memref<512x1x32xf32, #tpu.memory_space<hbm>> -> memref<512x32xf32, #tpu.memory_space<hbm>>
    %dma_wait3A_649 = arith.constant 0 : i32
    %dma_wait3A_650 = arith.constant 0 : i32
    %dma_wait3A_651 = tpu.memref_slice %arg6[%dma_wait3A_637, %dma_wait3A_649, %dma_wait3A_650] : memref<4x512x32xf32, #tpu.memory_space<vmem>> -> memref<1x512x32xf32, #tpu.memory_space<vmem>>
    %dma_wait3A_652 = tpu.memref_squeeze %dma_wait3A_651 : memref<1x512x32xf32, #tpu.memory_space<vmem>> -> memref<512x32xf32, #tpu.memory_space<vmem>>
    tpu.wait_dma2 semaphore(%arg8 : memref<!tpu.dma_semaphore, #tpu.memory_space<semaphore_mem>>) src(%dma_wait3A_652 : memref<512x32xf32, #tpu.memory_space<vmem>>) dst(%dma_wait3A_648 : memref<512x32xf32, #tpu.memory_space<hbm>>)
    %dma_start3A_653 = arith.constant 14 : i32
    %dma_start3A_654 = arith.constant 2 : i32
    %dma_start3A_655 = arith.constant 0 : i32
    %dma_start3A_656 = arith.constant 0 : i32
    %dma_start3A_657 = tpu.memref_slice %arg6[%dma_start3A_654, %dma_start3A_655, %dma_start3A_656] : memref<4x512x32xf32, #tpu.memory_space<vmem>> -> memref<1x512x32xf32, #tpu.memory_space<vmem>>
    %dma_start3A_658 = tpu.memref_squeeze %dma_start3A_657 : memref<1x512x32xf32, #tpu.memory_space<vmem>> -> memref<512x32xf32, #tpu.memory_space<vmem>>
    %dma_start3A_659 = arith.constant 0 : i32
    %dma_start3A_660 = tpu.memref_slice %arg5[%dma_start3A_653, %dma_start3A_659] : memref<50x512xi32, #tpu.memory_space<vmem>> -> memref<1x512xi32, #tpu.memory_space<vmem>>
    %dma_start3A_661 = tpu.memref_squeeze %dma_start3A_660 : memref<1x512xi32, #tpu.memory_space<vmem>> -> memref<512xi32, #tpu.memory_space<vmem>>
    %dma_start3A_662 = arith.constant 0 : i32
    %dma_start3A_663 = arith.constant 0 : i32
    %dma_start3A_664 = tpu.memref_slice %arg3[%dma_start3A_662, %dma_start3A_663] : memref<1000000x32xf32, #tpu.memory_space<hbm>> -> memref<1000000x32xf32, #tpu.memory_space<hbm>>
    tpu.enqueue_indirect_dma source(%dma_start3A_664 : memref<1000000x32xf32, #tpu.memory_space<hbm>>) target(%dma_start3A_658 : memref<512x32xf32, #tpu.memory_space<vmem>>) offsets(%dma_start3A_661 : memref<512xi32, #tpu.memory_space<vmem>>) semaphore(%arg7 : memref<!tpu.dma_semaphore, #tpu.memory_space<semaphore_mem>>)
    %dma_wait3A_665 = arith.constant 11 : i32
    %dma_wait3A_666 = arith.constant 3 : i32
    %dma_wait3A_667 = arith.constant 0 : i32
    %dma_wait3A_668 = arith.constant 0 : i32
    %dma_wait3A_669 = tpu.memref_slice %arg6[%dma_wait3A_666, %dma_wait3A_667, %dma_wait3A_668] : memref<4x512x32xf32, #tpu.memory_space<vmem>> -> memref<1x512x32xf32, #tpu.memory_space<vmem>>
    %dma_wait3A_670 = tpu.memref_squeeze %dma_wait3A_669 : memref<1x512x32xf32, #tpu.memory_space<vmem>> -> memref<512x32xf32, #tpu.memory_space<vmem>>
    %dma_wait3A_671 = arith.constant 0 : i32
    %dma_wait3A_672 = tpu.memref_slice %arg5[%dma_wait3A_665, %dma_wait3A_671] : memref<50x512xi32, #tpu.memory_space<vmem>> -> memref<1x512xi32, #tpu.memory_space<vmem>>
    %dma_wait3A_673 = tpu.memref_squeeze %dma_wait3A_672 : memref<1x512xi32, #tpu.memory_space<vmem>> -> memref<512xi32, #tpu.memory_space<vmem>>
    %dma_wait3A_674 = arith.constant 0 : i32
    %dma_wait3A_675 = arith.constant 0 : i32
    %dma_wait3A_676 = tpu.memref_slice %arg3[%dma_wait3A_674, %dma_wait3A_675] : memref<1000000x32xf32, #tpu.memory_space<hbm>> -> memref<1000000x32xf32, #tpu.memory_space<hbm>>
    tpu.wait_indirect_dma semaphore(%arg7 : memref<!tpu.dma_semaphore, #tpu.memory_space<semaphore_mem>>) src(%dma_wait3A_676 : memref<1000000x32xf32, #tpu.memory_space<hbm>>) dst(%dma_wait3A_670 : memref<512x32xf32, #tpu.memory_space<vmem>>)
    %dma_start3A_677 = arith.constant 3 : i32
    %dma_start3A_678 = arith.constant 11 : i32
    %dma_start3A_679 = arith.constant 0 : i32
    %dma_start3A_680 = arith.constant 0 : i32
    %dma_start3A_681 = tpu.memref_slice %arg6[%dma_start3A_677, %dma_start3A_679, %dma_start3A_680] : memref<4x512x32xf32, #tpu.memory_space<vmem>> -> memref<1x512x32xf32, #tpu.memory_space<vmem>>
    %dma_start3A_682 = tpu.memref_squeeze %dma_start3A_681 : memref<1x512x32xf32, #tpu.memory_space<vmem>> -> memref<512x32xf32, #tpu.memory_space<vmem>>
    %dma_start3A_683 = arith.constant 0 : i32
    %dma_start3A_684 = tpu.memref_slice %arg4[%mul3A_2, %dma_start3A_678, %dma_start3A_683] : memref<16384x50x32xf32, #tpu.memory_space<hbm>> -> memref<512x1x32xf32, #tpu.memory_space<hbm>>
    %dma_start3A_685 = tpu.memref_squeeze %dma_start3A_684 : memref<512x1x32xf32, #tpu.memory_space<hbm>> -> memref<512x32xf32, #tpu.memory_space<hbm>>
    %dma_start3A_686 = arith.constant 0 : i32
    %dma_start3A_687 = tpu.memref_slice %arg4[%mul3A_2, %dma_start3A_678, %dma_start3A_686] : memref<16384x50x32xf32, #tpu.memory_space<hbm>> -> memref<512x1x32xf32, #tpu.memory_space<hbm>>
    %dma_start3A_688 = tpu.memref_squeeze %dma_start3A_687 : memref<512x1x32xf32, #tpu.memory_space<hbm>> -> memref<512x32xf32, #tpu.memory_space<hbm>>
    %dma_start3A_689 = arith.constant 0 : i32
    %dma_start3A_690 = arith.constant 0 : i32
    %dma_start3A_691 = tpu.memref_slice %arg6[%dma_start3A_677, %dma_start3A_689, %dma_start3A_690] : memref<4x512x32xf32, #tpu.memory_space<vmem>> -> memref<1x512x32xf32, #tpu.memory_space<vmem>>
    %dma_start3A_692 = tpu.memref_squeeze %dma_start3A_691 : memref<1x512x32xf32, #tpu.memory_space<vmem>> -> memref<512x32xf32, #tpu.memory_space<vmem>>
    tpu.enqueue_dma source(%dma_start3A_692 : memref<512x32xf32, #tpu.memory_space<vmem>>) target(%dma_start3A_688 : memref<512x32xf32, #tpu.memory_space<hbm>>) target_semaphore(%arg8 : memref<!tpu.dma_semaphore, #tpu.memory_space<semaphore_mem>>)
    %dma_wait3A_693 = arith.constant 3 : i32
    %dma_wait3A_694 = arith.constant 11 : i32
    %dma_wait3A_695 = arith.constant 0 : i32
    %dma_wait3A_696 = arith.constant 0 : i32
    %dma_wait3A_697 = tpu.memref_slice %arg6[%dma_wait3A_693, %dma_wait3A_695, %dma_wait3A_696] : memref<4x512x32xf32, #tpu.memory_space<vmem>> -> memref<1x512x32xf32, #tpu.memory_space<vmem>>
    %dma_wait3A_698 = tpu.memref_squeeze %dma_wait3A_697 : memref<1x512x32xf32, #tpu.memory_space<vmem>> -> memref<512x32xf32, #tpu.memory_space<vmem>>
    %dma_wait3A_699 = arith.constant 0 : i32
    %dma_wait3A_700 = tpu.memref_slice %arg4[%mul3A_2, %dma_wait3A_694, %dma_wait3A_699] : memref<16384x50x32xf32, #tpu.memory_space<hbm>> -> memref<512x1x32xf32, #tpu.memory_space<hbm>>
    %dma_wait3A_701 = tpu.memref_squeeze %dma_wait3A_700 : memref<512x1x32xf32, #tpu.memory_space<hbm>> -> memref<512x32xf32, #tpu.memory_space<hbm>>
    %dma_wait3A_702 = arith.constant 0 : i32
    %dma_wait3A_703 = tpu.memref_slice %arg4[%mul3A_2, %dma_wait3A_694, %dma_wait3A_702] : memref<16384x50x32xf32, #tpu.memory_space<hbm>> -> memref<512x1x32xf32, #tpu.memory_space<hbm>>
    %dma_wait3A_704 = tpu.memref_squeeze %dma_wait3A_703 : memref<512x1x32xf32, #tpu.memory_space<hbm>> -> memref<512x32xf32, #tpu.memory_space<hbm>>
    %dma_wait3A_705 = arith.constant 0 : i32
    %dma_wait3A_706 = arith.constant 0 : i32
    %dma_wait3A_707 = tpu.memref_slice %arg6[%dma_wait3A_693, %dma_wait3A_705, %dma_wait3A_706] : memref<4x512x32xf32, #tpu.memory_space<vmem>> -> memref<1x512x32xf32, #tpu.memory_space<vmem>>
    %dma_wait3A_708 = tpu.memref_squeeze %dma_wait3A_707 : memref<1x512x32xf32, #tpu.memory_space<vmem>> -> memref<512x32xf32, #tpu.memory_space<vmem>>
    tpu.wait_dma2 semaphore(%arg8 : memref<!tpu.dma_semaphore, #tpu.memory_space<semaphore_mem>>) src(%dma_wait3A_708 : memref<512x32xf32, #tpu.memory_space<vmem>>) dst(%dma_wait3A_704 : memref<512x32xf32, #tpu.memory_space<hbm>>)
    %dma_start3A_709 = arith.constant 15 : i32
    %dma_start3A_710 = arith.constant 3 : i32
    %dma_start3A_711 = arith.constant 0 : i32
    %dma_start3A_712 = arith.constant 0 : i32
    %dma_start3A_713 = tpu.memref_slice %arg6[%dma_start3A_710, %dma_start3A_711, %dma_start3A_712] : memref<4x512x32xf32, #tpu.memory_space<vmem>> -> memref<1x512x32xf32, #tpu.memory_space<vmem>>
    %dma_start3A_714 = tpu.memref_squeeze %dma_start3A_713 : memref<1x512x32xf32, #tpu.memory_space<vmem>> -> memref<512x32xf32, #tpu.memory_space<vmem>>
    %dma_start3A_715 = arith.constant 0 : i32
    %dma_start3A_716 = tpu.memref_slice %arg5[%dma_start3A_709, %dma_start3A_715] : memref<50x512xi32, #tpu.memory_space<vmem>> -> memref<1x512xi32, #tpu.memory_space<vmem>>
    %dma_start3A_717 = tpu.memref_squeeze %dma_start3A_716 : memref<1x512xi32, #tpu.memory_space<vmem>> -> memref<512xi32, #tpu.memory_space<vmem>>
    %dma_start3A_718 = arith.constant 0 : i32
    %dma_start3A_719 = arith.constant 0 : i32
    %dma_start3A_720 = tpu.memref_slice %arg3[%dma_start3A_718, %dma_start3A_719] : memref<1000000x32xf32, #tpu.memory_space<hbm>> -> memref<1000000x32xf32, #tpu.memory_space<hbm>>
    tpu.enqueue_indirect_dma source(%dma_start3A_720 : memref<1000000x32xf32, #tpu.memory_space<hbm>>) target(%dma_start3A_714 : memref<512x32xf32, #tpu.memory_space<vmem>>) offsets(%dma_start3A_717 : memref<512xi32, #tpu.memory_space<vmem>>) semaphore(%arg7 : memref<!tpu.dma_semaphore, #tpu.memory_space<semaphore_mem>>)
    %dma_wait3A_721 = arith.constant 12 : i32
    %dma_wait3A_722 = arith.constant 0 : i32
    %dma_wait3A_723 = arith.constant 0 : i32
    %dma_wait3A_724 = arith.constant 0 : i32
    %dma_wait3A_725 = tpu.memref_slice %arg6[%dma_wait3A_722, %dma_wait3A_723, %dma_wait3A_724] : memref<4x512x32xf32, #tpu.memory_space<vmem>> -> memref<1x512x32xf32, #tpu.memory_space<vmem>>
    %dma_wait3A_726 = tpu.memref_squeeze %dma_wait3A_725 : memref<1x512x32xf32, #tpu.memory_space<vmem>> -> memref<512x32xf32, #tpu.memory_space<vmem>>
    %dma_wait3A_727 = arith.constant 0 : i32
    %dma_wait3A_728 = tpu.memref_slice %arg5[%dma_wait3A_721, %dma_wait3A_727] : memref<50x512xi32, #tpu.memory_space<vmem>> -> memref<1x512xi32, #tpu.memory_space<vmem>>
    %dma_wait3A_729 = tpu.memref_squeeze %dma_wait3A_728 : memref<1x512xi32, #tpu.memory_space<vmem>> -> memref<512xi32, #tpu.memory_space<vmem>>
    %dma_wait3A_730 = arith.constant 0 : i32
    %dma_wait3A_731 = arith.constant 0 : i32
    %dma_wait3A_732 = tpu.memref_slice %arg3[%dma_wait3A_730, %dma_wait3A_731] : memref<1000000x32xf32, #tpu.memory_space<hbm>> -> memref<1000000x32xf32, #tpu.memory_space<hbm>>
    tpu.wait_indirect_dma semaphore(%arg7 : memref<!tpu.dma_semaphore, #tpu.memory_space<semaphore_mem>>) src(%dma_wait3A_732 : memref<1000000x32xf32, #tpu.memory_space<hbm>>) dst(%dma_wait3A_726 : memref<512x32xf32, #tpu.memory_space<vmem>>)
    %dma_start3A_733 = arith.constant 0 : i32
    %dma_start3A_734 = arith.constant 12 : i32
    %dma_start3A_735 = arith.constant 0 : i32
    %dma_start3A_736 = arith.constant 0 : i32
    %dma_start3A_737 = tpu.memref_slice %arg6[%dma_start3A_733, %dma_start3A_735, %dma_start3A_736] : memref<4x512x32xf32, #tpu.memory_space<vmem>> -> memref<1x512x32xf32, #tpu.memory_space<vmem>>
    %dma_start3A_738 = tpu.memref_squeeze %dma_start3A_737 : memref<1x512x32xf32, #tpu.memory_space<vmem>> -> memref<512x32xf32, #tpu.memory_space<vmem>>
    %dma_start3A_739 = arith.constant 0 : i32
    %dma_start3A_740 = tpu.memref_slice %arg4[%mul3A_2, %dma_start3A_734, %dma_start3A_739] : memref<16384x50x32xf32, #tpu.memory_space<hbm>> -> memref<512x1x32xf32, #tpu.memory_space<hbm>>
    %dma_start3A_741 = tpu.memref_squeeze %dma_start3A_740 : memref<512x1x32xf32, #tpu.memory_space<hbm>> -> memref<512x32xf32, #tpu.memory_space<hbm>>
    %dma_start3A_742 = arith.constant 0 : i32
    %dma_start3A_743 = tpu.memref_slice %arg4[%mul3A_2, %dma_start3A_734, %dma_start3A_742] : memref<16384x50x32xf32, #tpu.memory_space<hbm>> -> memref<512x1x32xf32, #tpu.memory_space<hbm>>
    %dma_start3A_744 = tpu.memref_squeeze %dma_start3A_743 : memref<512x1x32xf32, #tpu.memory_space<hbm>> -> memref<512x32xf32, #tpu.memory_space<hbm>>
    %dma_start3A_745 = arith.constant 0 : i32
    %dma_start3A_746 = arith.constant 0 : i32
    %dma_start3A_747 = tpu.memref_slice %arg6[%dma_start3A_733, %dma_start3A_745, %dma_start3A_746] : memref<4x512x32xf32, #tpu.memory_space<vmem>> -> memref<1x512x32xf32, #tpu.memory_space<vmem>>
    %dma_start3A_748 = tpu.memref_squeeze %dma_start3A_747 : memref<1x512x32xf32, #tpu.memory_space<vmem>> -> memref<512x32xf32, #tpu.memory_space<vmem>>
    tpu.enqueue_dma source(%dma_start3A_748 : memref<512x32xf32, #tpu.memory_space<vmem>>) target(%dma_start3A_744 : memref<512x32xf32, #tpu.memory_space<hbm>>) target_semaphore(%arg8 : memref<!tpu.dma_semaphore, #tpu.memory_space<semaphore_mem>>)
    %dma_wait3A_749 = arith.constant 0 : i32
    %dma_wait3A_750 = arith.constant 12 : i32
    %dma_wait3A_751 = arith.constant 0 : i32
    %dma_wait3A_752 = arith.constant 0 : i32
    %dma_wait3A_753 = tpu.memref_slice %arg6[%dma_wait3A_749, %dma_wait3A_751, %dma_wait3A_752] : memref<4x512x32xf32, #tpu.memory_space<vmem>> -> memref<1x512x32xf32, #tpu.memory_space<vmem>>
    %dma_wait3A_754 = tpu.memref_squeeze %dma_wait3A_753 : memref<1x512x32xf32, #tpu.memory_space<vmem>> -> memref<512x32xf32, #tpu.memory_space<vmem>>
    %dma_wait3A_755 = arith.constant 0 : i32
    %dma_wait3A_756 = tpu.memref_slice %arg4[%mul3A_2, %dma_wait3A_750, %dma_wait3A_755] : memref<16384x50x32xf32, #tpu.memory_space<hbm>> -> memref<512x1x32xf32, #tpu.memory_space<hbm>>
    %dma_wait3A_757 = tpu.memref_squeeze %dma_wait3A_756 : memref<512x1x32xf32, #tpu.memory_space<hbm>> -> memref<512x32xf32, #tpu.memory_space<hbm>>
    %dma_wait3A_758 = arith.constant 0 : i32
    %dma_wait3A_759 = tpu.memref_slice %arg4[%mul3A_2, %dma_wait3A_750, %dma_wait3A_758] : memref<16384x50x32xf32, #tpu.memory_space<hbm>> -> memref<512x1x32xf32, #tpu.memory_space<hbm>>
    %dma_wait3A_760 = tpu.memref_squeeze %dma_wait3A_759 : memref<512x1x32xf32, #tpu.memory_space<hbm>> -> memref<512x32xf32, #tpu.memory_space<hbm>>
    %dma_wait3A_761 = arith.constant 0 : i32
    %dma_wait3A_762 = arith.constant 0 : i32
    %dma_wait3A_763 = tpu.memref_slice %arg6[%dma_wait3A_749, %dma_wait3A_761, %dma_wait3A_762] : memref<4x512x32xf32, #tpu.memory_space<vmem>> -> memref<1x512x32xf32, #tpu.memory_space<vmem>>
    %dma_wait3A_764 = tpu.memref_squeeze %dma_wait3A_763 : memref<1x512x32xf32, #tpu.memory_space<vmem>> -> memref<512x32xf32, #tpu.memory_space<vmem>>
    tpu.wait_dma2 semaphore(%arg8 : memref<!tpu.dma_semaphore, #tpu.memory_space<semaphore_mem>>) src(%dma_wait3A_764 : memref<512x32xf32, #tpu.memory_space<vmem>>) dst(%dma_wait3A_760 : memref<512x32xf32, #tpu.memory_space<hbm>>)
    %dma_start3A_765 = arith.constant 16 : i32
    %dma_start3A_766 = arith.constant 0 : i32
    %dma_start3A_767 = arith.constant 0 : i32
    %dma_start3A_768 = arith.constant 0 : i32
    %dma_start3A_769 = tpu.memref_slice %arg6[%dma_start3A_766, %dma_start3A_767, %dma_start3A_768] : memref<4x512x32xf32, #tpu.memory_space<vmem>> -> memref<1x512x32xf32, #tpu.memory_space<vmem>>
    %dma_start3A_770 = tpu.memref_squeeze %dma_start3A_769 : memref<1x512x32xf32, #tpu.memory_space<vmem>> -> memref<512x32xf32, #tpu.memory_space<vmem>>
    %dma_start3A_771 = arith.constant 0 : i32
    %dma_start3A_772 = tpu.memref_slice %arg5[%dma_start3A_765, %dma_start3A_771] : memref<50x512xi32, #tpu.memory_space<vmem>> -> memref<1x512xi32, #tpu.memory_space<vmem>>
    %dma_start3A_773 = tpu.memref_squeeze %dma_start3A_772 : memref<1x512xi32, #tpu.memory_space<vmem>> -> memref<512xi32, #tpu.memory_space<vmem>>
    %dma_start3A_774 = arith.constant 0 : i32
    %dma_start3A_775 = arith.constant 0 : i32
    %dma_start3A_776 = tpu.memref_slice %arg3[%dma_start3A_774, %dma_start3A_775] : memref<1000000x32xf32, #tpu.memory_space<hbm>> -> memref<1000000x32xf32, #tpu.memory_space<hbm>>
    tpu.enqueue_indirect_dma source(%dma_start3A_776 : memref<1000000x32xf32, #tpu.memory_space<hbm>>) target(%dma_start3A_770 : memref<512x32xf32, #tpu.memory_space<vmem>>) offsets(%dma_start3A_773 : memref<512xi32, #tpu.memory_space<vmem>>) semaphore(%arg7 : memref<!tpu.dma_semaphore, #tpu.memory_space<semaphore_mem>>)
    %dma_wait3A_777 = arith.constant 13 : i32
    %dma_wait3A_778 = arith.constant 1 : i32
    %dma_wait3A_779 = arith.constant 0 : i32
    %dma_wait3A_780 = arith.constant 0 : i32
    %dma_wait3A_781 = tpu.memref_slice %arg6[%dma_wait3A_778, %dma_wait3A_779, %dma_wait3A_780] : memref<4x512x32xf32, #tpu.memory_space<vmem>> -> memref<1x512x32xf32, #tpu.memory_space<vmem>>
    %dma_wait3A_782 = tpu.memref_squeeze %dma_wait3A_781 : memref<1x512x32xf32, #tpu.memory_space<vmem>> -> memref<512x32xf32, #tpu.memory_space<vmem>>
    %dma_wait3A_783 = arith.constant 0 : i32
    %dma_wait3A_784 = tpu.memref_slice %arg5[%dma_wait3A_777, %dma_wait3A_783] : memref<50x512xi32, #tpu.memory_space<vmem>> -> memref<1x512xi32, #tpu.memory_space<vmem>>
    %dma_wait3A_785 = tpu.memref_squeeze %dma_wait3A_784 : memref<1x512xi32, #tpu.memory_space<vmem>> -> memref<512xi32, #tpu.memory_space<vmem>>
    %dma_wait3A_786 = arith.constant 0 : i32
    %dma_wait3A_787 = arith.constant 0 : i32
    %dma_wait3A_788 = tpu.memref_slice %arg3[%dma_wait3A_786, %dma_wait3A_787] : memref<1000000x32xf32, #tpu.memory_space<hbm>> -> memref<1000000x32xf32, #tpu.memory_space<hbm>>
    tpu.wait_indirect_dma semaphore(%arg7 : memref<!tpu.dma_semaphore, #tpu.memory_space<semaphore_mem>>) src(%dma_wait3A_788 : memref<1000000x32xf32, #tpu.memory_space<hbm>>) dst(%dma_wait3A_782 : memref<512x32xf32, #tpu.memory_space<vmem>>)
    %dma_start3A_789 = arith.constant 1 : i32
    %dma_start3A_790 = arith.constant 13 : i32
    %dma_start3A_791 = arith.constant 0 : i32
    %dma_start3A_792 = arith.constant 0 : i32
    %dma_start3A_793 = tpu.memref_slice %arg6[%dma_start3A_789, %dma_start3A_791, %dma_start3A_792] : memref<4x512x32xf32, #tpu.memory_space<vmem>> -> memref<1x512x32xf32, #tpu.memory_space<vmem>>
    %dma_start3A_794 = tpu.memref_squeeze %dma_start3A_793 : memref<1x512x32xf32, #tpu.memory_space<vmem>> -> memref<512x32xf32, #tpu.memory_space<vmem>>
    %dma_start3A_795 = arith.constant 0 : i32
    %dma_start3A_796 = tpu.memref_slice %arg4[%mul3A_2, %dma_start3A_790, %dma_start3A_795] : memref<16384x50x32xf32, #tpu.memory_space<hbm>> -> memref<512x1x32xf32, #tpu.memory_space<hbm>>
    %dma_start3A_797 = tpu.memref_squeeze %dma_start3A_796 : memref<512x1x32xf32, #tpu.memory_space<hbm>> -> memref<512x32xf32, #tpu.memory_space<hbm>>
    %dma_start3A_798 = arith.constant 0 : i32
    %dma_start3A_799 = tpu.memref_slice %arg4[%mul3A_2, %dma_start3A_790, %dma_start3A_798] : memref<16384x50x32xf32, #tpu.memory_space<hbm>> -> memref<512x1x32xf32, #tpu.memory_space<hbm>>
    %dma_start3A_800 = tpu.memref_squeeze %dma_start3A_799 : memref<512x1x32xf32, #tpu.memory_space<hbm>> -> memref<512x32xf32, #tpu.memory_space<hbm>>
    %dma_start3A_801 = arith.constant 0 : i32
    %dma_start3A_802 = arith.constant 0 : i32
    %dma_start3A_803 = tpu.memref_slice %arg6[%dma_start3A_789, %dma_start3A_801, %dma_start3A_802] : memref<4x512x32xf32, #tpu.memory_space<vmem>> -> memref<1x512x32xf32, #tpu.memory_space<vmem>>
    %dma_start3A_804 = tpu.memref_squeeze %dma_start3A_803 : memref<1x512x32xf32, #tpu.memory_space<vmem>> -> memref<512x32xf32, #tpu.memory_space<vmem>>
    tpu.enqueue_dma source(%dma_start3A_804 : memref<512x32xf32, #tpu.memory_space<vmem>>) target(%dma_start3A_800 : memref<512x32xf32, #tpu.memory_space<hbm>>) target_semaphore(%arg8 : memref<!tpu.dma_semaphore, #tpu.memory_space<semaphore_mem>>)
    %dma_wait3A_805 = arith.constant 1 : i32
    %dma_wait3A_806 = arith.constant 13 : i32
    %dma_wait3A_807 = arith.constant 0 : i32
    %dma_wait3A_808 = arith.constant 0 : i32
    %dma_wait3A_809 = tpu.memref_slice %arg6[%dma_wait3A_805, %dma_wait3A_807, %dma_wait3A_808] : memref<4x512x32xf32, #tpu.memory_space<vmem>> -> memref<1x512x32xf32, #tpu.memory_space<vmem>>
    %dma_wait3A_810 = tpu.memref_squeeze %dma_wait3A_809 : memref<1x512x32xf32, #tpu.memory_space<vmem>> -> memref<512x32xf32, #tpu.memory_space<vmem>>
    %dma_wait3A_811 = arith.constant 0 : i32
    %dma_wait3A_812 = tpu.memref_slice %arg4[%mul3A_2, %dma_wait3A_806, %dma_wait3A_811] : memref<16384x50x32xf32, #tpu.memory_space<hbm>> -> memref<512x1x32xf32, #tpu.memory_space<hbm>>
    %dma_wait3A_813 = tpu.memref_squeeze %dma_wait3A_812 : memref<512x1x32xf32, #tpu.memory_space<hbm>> -> memref<512x32xf32, #tpu.memory_space<hbm>>
    %dma_wait3A_814 = arith.constant 0 : i32
    %dma_wait3A_815 = tpu.memref_slice %arg4[%mul3A_2, %dma_wait3A_806, %dma_wait3A_814] : memref<16384x50x32xf32, #tpu.memory_space<hbm>> -> memref<512x1x32xf32, #tpu.memory_space<hbm>>
    %dma_wait3A_816 = tpu.memref_squeeze %dma_wait3A_815 : memref<512x1x32xf32, #tpu.memory_space<hbm>> -> memref<512x32xf32, #tpu.memory_space<hbm>>
    %dma_wait3A_817 = arith.constant 0 : i32
    %dma_wait3A_818 = arith.constant 0 : i32
    %dma_wait3A_819 = tpu.memref_slice %arg6[%dma_wait3A_805, %dma_wait3A_817, %dma_wait3A_818] : memref<4x512x32xf32, #tpu.memory_space<vmem>> -> memref<1x512x32xf32, #tpu.memory_space<vmem>>
    %dma_wait3A_820 = tpu.memref_squeeze %dma_wait3A_819 : memref<1x512x32xf32, #tpu.memory_space<vmem>> -> memref<512x32xf32, #tpu.memory_space<vmem>>
    tpu.wait_dma2 semaphore(%arg8 : memref<!tpu.dma_semaphore, #tpu.memory_space<semaphore_mem>>) src(%dma_wait3A_820 : memref<512x32xf32, #tpu.memory_space<vmem>>) dst(%dma_wait3A_816 : memref<512x32xf32, #tpu.memory_space<hbm>>)
    %dma_start3A_821 = arith.constant 17 : i32
    %dma_start3A_822 = arith.constant 1 : i32
    %dma_start3A_823 = arith.constant 0 : i32
    %dma_start3A_824 = arith.constant 0 : i32
    %dma_start3A_825 = tpu.memref_slice %arg6[%dma_start3A_822, %dma_start3A_823, %dma_start3A_824] : memref<4x512x32xf32, #tpu.memory_space<vmem>> -> memref<1x512x32xf32, #tpu.memory_space<vmem>>
    %dma_start3A_826 = tpu.memref_squeeze %dma_start3A_825 : memref<1x512x32xf32, #tpu.memory_space<vmem>> -> memref<512x32xf32, #tpu.memory_space<vmem>>
    %dma_start3A_827 = arith.constant 0 : i32
    %dma_start3A_828 = tpu.memref_slice %arg5[%dma_start3A_821, %dma_start3A_827] : memref<50x512xi32, #tpu.memory_space<vmem>> -> memref<1x512xi32, #tpu.memory_space<vmem>>
    %dma_start3A_829 = tpu.memref_squeeze %dma_start3A_828 : memref<1x512xi32, #tpu.memory_space<vmem>> -> memref<512xi32, #tpu.memory_space<vmem>>
    %dma_start3A_830 = arith.constant 0 : i32
    %dma_start3A_831 = arith.constant 0 : i32
    %dma_start3A_832 = tpu.memref_slice %arg3[%dma_start3A_830, %dma_start3A_831] : memref<1000000x32xf32, #tpu.memory_space<hbm>> -> memref<1000000x32xf32, #tpu.memory_space<hbm>>
    tpu.enqueue_indirect_dma source(%dma_start3A_832 : memref<1000000x32xf32, #tpu.memory_space<hbm>>) target(%dma_start3A_826 : memref<512x32xf32, #tpu.memory_space<vmem>>) offsets(%dma_start3A_829 : memref<512xi32, #tpu.memory_space<vmem>>) semaphore(%arg7 : memref<!tpu.dma_semaphore, #tpu.memory_space<semaphore_mem>>)
    %dma_wait3A_833 = arith.constant 14 : i32
    %dma_wait3A_834 = arith.constant 2 : i32
    %dma_wait3A_835 = arith.constant 0 : i32
    %dma_wait3A_836 = arith.constant 0 : i32
    %dma_wait3A_837 = tpu.memref_slice %arg6[%dma_wait3A_834, %dma_wait3A_835, %dma_wait3A_836] : memref<4x512x32xf32, #tpu.memory_space<vmem>> -> memref<1x512x32xf32, #tpu.memory_space<vmem>>
    %dma_wait3A_838 = tpu.memref_squeeze %dma_wait3A_837 : memref<1x512x32xf32, #tpu.memory_space<vmem>> -> memref<512x32xf32, #tpu.memory_space<vmem>>
    %dma_wait3A_839 = arith.constant 0 : i32
    %dma_wait3A_840 = tpu.memref_slice %arg5[%dma_wait3A_833, %dma_wait3A_839] : memref<50x512xi32, #tpu.memory_space<vmem>> -> memref<1x512xi32, #tpu.memory_space<vmem>>
    %dma_wait3A_841 = tpu.memref_squeeze %dma_wait3A_840 : memref<1x512xi32, #tpu.memory_space<vmem>> -> memref<512xi32, #tpu.memory_space<vmem>>
    %dma_wait3A_842 = arith.constant 0 : i32
    %dma_wait3A_843 = arith.constant 0 : i32
    %dma_wait3A_844 = tpu.memref_slice %arg3[%dma_wait3A_842, %dma_wait3A_843] : memref<1000000x32xf32, #tpu.memory_space<hbm>> -> memref<1000000x32xf32, #tpu.memory_space<hbm>>
    tpu.wait_indirect_dma semaphore(%arg7 : memref<!tpu.dma_semaphore, #tpu.memory_space<semaphore_mem>>) src(%dma_wait3A_844 : memref<1000000x32xf32, #tpu.memory_space<hbm>>) dst(%dma_wait3A_838 : memref<512x32xf32, #tpu.memory_space<vmem>>)
    %dma_start3A_845 = arith.constant 2 : i32
    %dma_start3A_846 = arith.constant 14 : i32
    %dma_start3A_847 = arith.constant 0 : i32
    %dma_start3A_848 = arith.constant 0 : i32
    %dma_start3A_849 = tpu.memref_slice %arg6[%dma_start3A_845, %dma_start3A_847, %dma_start3A_848] : memref<4x512x32xf32, #tpu.memory_space<vmem>> -> memref<1x512x32xf32, #tpu.memory_space<vmem>>
    %dma_start3A_850 = tpu.memref_squeeze %dma_start3A_849 : memref<1x512x32xf32, #tpu.memory_space<vmem>> -> memref<512x32xf32, #tpu.memory_space<vmem>>
    %dma_start3A_851 = arith.constant 0 : i32
    %dma_start3A_852 = tpu.memref_slice %arg4[%mul3A_2, %dma_start3A_846, %dma_start3A_851] : memref<16384x50x32xf32, #tpu.memory_space<hbm>> -> memref<512x1x32xf32, #tpu.memory_space<hbm>>
    %dma_start3A_853 = tpu.memref_squeeze %dma_start3A_852 : memref<512x1x32xf32, #tpu.memory_space<hbm>> -> memref<512x32xf32, #tpu.memory_space<hbm>>
    %dma_start3A_854 = arith.constant 0 : i32
    %dma_start3A_855 = tpu.memref_slice %arg4[%mul3A_2, %dma_start3A_846, %dma_start3A_854] : memref<16384x50x32xf32, #tpu.memory_space<hbm>> -> memref<512x1x32xf32, #tpu.memory_space<hbm>>
    %dma_start3A_856 = tpu.memref_squeeze %dma_start3A_855 : memref<512x1x32xf32, #tpu.memory_space<hbm>> -> memref<512x32xf32, #tpu.memory_space<hbm>>
    %dma_start3A_857 = arith.constant 0 : i32
    %dma_start3A_858 = arith.constant 0 : i32
    %dma_start3A_859 = tpu.memref_slice %arg6[%dma_start3A_845, %dma_start3A_857, %dma_start3A_858] : memref<4x512x32xf32, #tpu.memory_space<vmem>> -> memref<1x512x32xf32, #tpu.memory_space<vmem>>
    %dma_start3A_860 = tpu.memref_squeeze %dma_start3A_859 : memref<1x512x32xf32, #tpu.memory_space<vmem>> -> memref<512x32xf32, #tpu.memory_space<vmem>>
    tpu.enqueue_dma source(%dma_start3A_860 : memref<512x32xf32, #tpu.memory_space<vmem>>) target(%dma_start3A_856 : memref<512x32xf32, #tpu.memory_space<hbm>>) target_semaphore(%arg8 : memref<!tpu.dma_semaphore, #tpu.memory_space<semaphore_mem>>)
    %dma_wait3A_861 = arith.constant 2 : i32
    %dma_wait3A_862 = arith.constant 14 : i32
    %dma_wait3A_863 = arith.constant 0 : i32
    %dma_wait3A_864 = arith.constant 0 : i32
    %dma_wait3A_865 = tpu.memref_slice %arg6[%dma_wait3A_861, %dma_wait3A_863, %dma_wait3A_864] : memref<4x512x32xf32, #tpu.memory_space<vmem>> -> memref<1x512x32xf32, #tpu.memory_space<vmem>>
    %dma_wait3A_866 = tpu.memref_squeeze %dma_wait3A_865 : memref<1x512x32xf32, #tpu.memory_space<vmem>> -> memref<512x32xf32, #tpu.memory_space<vmem>>
    %dma_wait3A_867 = arith.constant 0 : i32
    %dma_wait3A_868 = tpu.memref_slice %arg4[%mul3A_2, %dma_wait3A_862, %dma_wait3A_867] : memref<16384x50x32xf32, #tpu.memory_space<hbm>> -> memref<512x1x32xf32, #tpu.memory_space<hbm>>
    %dma_wait3A_869 = tpu.memref_squeeze %dma_wait3A_868 : memref<512x1x32xf32, #tpu.memory_space<hbm>> -> memref<512x32xf32, #tpu.memory_space<hbm>>
    %dma_wait3A_870 = arith.constant 0 : i32
    %dma_wait3A_871 = tpu.memref_slice %arg4[%mul3A_2, %dma_wait3A_862, %dma_wait3A_870] : memref<16384x50x32xf32, #tpu.memory_space<hbm>> -> memref<512x1x32xf32, #tpu.memory_space<hbm>>
    %dma_wait3A_872 = tpu.memref_squeeze %dma_wait3A_871 : memref<512x1x32xf32, #tpu.memory_space<hbm>> -> memref<512x32xf32, #tpu.memory_space<hbm>>
    %dma_wait3A_873 = arith.constant 0 : i32
    %dma_wait3A_874 = arith.constant 0 : i32
    %dma_wait3A_875 = tpu.memref_slice %arg6[%dma_wait3A_861, %dma_wait3A_873, %dma_wait3A_874] : memref<4x512x32xf32, #tpu.memory_space<vmem>> -> memref<1x512x32xf32, #tpu.memory_space<vmem>>
    %dma_wait3A_876 = tpu.memref_squeeze %dma_wait3A_875 : memref<1x512x32xf32, #tpu.memory_space<vmem>> -> memref<512x32xf32, #tpu.memory_space<vmem>>
    tpu.wait_dma2 semaphore(%arg8 : memref<!tpu.dma_semaphore, #tpu.memory_space<semaphore_mem>>) src(%dma_wait3A_876 : memref<512x32xf32, #tpu.memory_space<vmem>>) dst(%dma_wait3A_872 : memref<512x32xf32, #tpu.memory_space<hbm>>)
    %dma_start3A_877 = arith.constant 18 : i32
    %dma_start3A_878 = arith.constant 2 : i32
    %dma_start3A_879 = arith.constant 0 : i32
    %dma_start3A_880 = arith.constant 0 : i32
    %dma_start3A_881 = tpu.memref_slice %arg6[%dma_start3A_878, %dma_start3A_879, %dma_start3A_880] : memref<4x512x32xf32, #tpu.memory_space<vmem>> -> memref<1x512x32xf32, #tpu.memory_space<vmem>>
    %dma_start3A_882 = tpu.memref_squeeze %dma_start3A_881 : memref<1x512x32xf32, #tpu.memory_space<vmem>> -> memref<512x32xf32, #tpu.memory_space<vmem>>
    %dma_start3A_883 = arith.constant 0 : i32
    %dma_start3A_884 = tpu.memref_slice %arg5[%dma_start3A_877, %dma_start3A_883] : memref<50x512xi32, #tpu.memory_space<vmem>> -> memref<1x512xi32, #tpu.memory_space<vmem>>
    %dma_start3A_885 = tpu.memref_squeeze %dma_start3A_884 : memref<1x512xi32, #tpu.memory_space<vmem>> -> memref<512xi32, #tpu.memory_space<vmem>>
    %dma_start3A_886 = arith.constant 0 : i32
    %dma_start3A_887 = arith.constant 0 : i32
    %dma_start3A_888 = tpu.memref_slice %arg3[%dma_start3A_886, %dma_start3A_887] : memref<1000000x32xf32, #tpu.memory_space<hbm>> -> memref<1000000x32xf32, #tpu.memory_space<hbm>>
    tpu.enqueue_indirect_dma source(%dma_start3A_888 : memref<1000000x32xf32, #tpu.memory_space<hbm>>) target(%dma_start3A_882 : memref<512x32xf32, #tpu.memory_space<vmem>>) offsets(%dma_start3A_885 : memref<512xi32, #tpu.memory_space<vmem>>) semaphore(%arg7 : memref<!tpu.dma_semaphore, #tpu.memory_space<semaphore_mem>>)
    %dma_wait3A_889 = arith.constant 15 : i32
    %dma_wait3A_890 = arith.constant 3 : i32
    %dma_wait3A_891 = arith.constant 0 : i32
    %dma_wait3A_892 = arith.constant 0 : i32
    %dma_wait3A_893 = tpu.memref_slice %arg6[%dma_wait3A_890, %dma_wait3A_891, %dma_wait3A_892] : memref<4x512x32xf32, #tpu.memory_space<vmem>> -> memref<1x512x32xf32, #tpu.memory_space<vmem>>
    %dma_wait3A_894 = tpu.memref_squeeze %dma_wait3A_893 : memref<1x512x32xf32, #tpu.memory_space<vmem>> -> memref<512x32xf32, #tpu.memory_space<vmem>>
    %dma_wait3A_895 = arith.constant 0 : i32
    %dma_wait3A_896 = tpu.memref_slice %arg5[%dma_wait3A_889, %dma_wait3A_895] : memref<50x512xi32, #tpu.memory_space<vmem>> -> memref<1x512xi32, #tpu.memory_space<vmem>>
    %dma_wait3A_897 = tpu.memref_squeeze %dma_wait3A_896 : memref<1x512xi32, #tpu.memory_space<vmem>> -> memref<512xi32, #tpu.memory_space<vmem>>
    %dma_wait3A_898 = arith.constant 0 : i32
    %dma_wait3A_899 = arith.constant 0 : i32
    %dma_wait3A_900 = tpu.memref_slice %arg3[%dma_wait3A_898, %dma_wait3A_899] : memref<1000000x32xf32, #tpu.memory_space<hbm>> -> memref<1000000x32xf32, #tpu.memory_space<hbm>>
    tpu.wait_indirect_dma semaphore(%arg7 : memref<!tpu.dma_semaphore, #tpu.memory_space<semaphore_mem>>) src(%dma_wait3A_900 : memref<1000000x32xf32, #tpu.memory_space<hbm>>) dst(%dma_wait3A_894 : memref<512x32xf32, #tpu.memory_space<vmem>>)
    %dma_start3A_901 = arith.constant 3 : i32
    %dma_start3A_902 = arith.constant 15 : i32
    %dma_start3A_903 = arith.constant 0 : i32
    %dma_start3A_904 = arith.constant 0 : i32
    %dma_start3A_905 = tpu.memref_slice %arg6[%dma_start3A_901, %dma_start3A_903, %dma_start3A_904] : memref<4x512x32xf32, #tpu.memory_space<vmem>> -> memref<1x512x32xf32, #tpu.memory_space<vmem>>
    %dma_start3A_906 = tpu.memref_squeeze %dma_start3A_905 : memref<1x512x32xf32, #tpu.memory_space<vmem>> -> memref<512x32xf32, #tpu.memory_space<vmem>>
    %dma_start3A_907 = arith.constant 0 : i32
    %dma_start3A_908 = tpu.memref_slice %arg4[%mul3A_2, %dma_start3A_902, %dma_start3A_907] : memref<16384x50x32xf32, #tpu.memory_space<hbm>> -> memref<512x1x32xf32, #tpu.memory_space<hbm>>
    %dma_start3A_909 = tpu.memref_squeeze %dma_start3A_908 : memref<512x1x32xf32, #tpu.memory_space<hbm>> -> memref<512x32xf32, #tpu.memory_space<hbm>>
    %dma_start3A_910 = arith.constant 0 : i32
    %dma_start3A_911 = tpu.memref_slice %arg4[%mul3A_2, %dma_start3A_902, %dma_start3A_910] : memref<16384x50x32xf32, #tpu.memory_space<hbm>> -> memref<512x1x32xf32, #tpu.memory_space<hbm>>
    %dma_start3A_912 = tpu.memref_squeeze %dma_start3A_911 : memref<512x1x32xf32, #tpu.memory_space<hbm>> -> memref<512x32xf32, #tpu.memory_space<hbm>>
    %dma_start3A_913 = arith.constant 0 : i32
    %dma_start3A_914 = arith.constant 0 : i32
    %dma_start3A_915 = tpu.memref_slice %arg6[%dma_start3A_901, %dma_start3A_913, %dma_start3A_914] : memref<4x512x32xf32, #tpu.memory_space<vmem>> -> memref<1x512x32xf32, #tpu.memory_space<vmem>>
    %dma_start3A_916 = tpu.memref_squeeze %dma_start3A_915 : memref<1x512x32xf32, #tpu.memory_space<vmem>> -> memref<512x32xf32, #tpu.memory_space<vmem>>
    tpu.enqueue_dma source(%dma_start3A_916 : memref<512x32xf32, #tpu.memory_space<vmem>>) target(%dma_start3A_912 : memref<512x32xf32, #tpu.memory_space<hbm>>) target_semaphore(%arg8 : memref<!tpu.dma_semaphore, #tpu.memory_space<semaphore_mem>>)
    %dma_wait3A_917 = arith.constant 3 : i32
    %dma_wait3A_918 = arith.constant 15 : i32
    %dma_wait3A_919 = arith.constant 0 : i32
    %dma_wait3A_920 = arith.constant 0 : i32
    %dma_wait3A_921 = tpu.memref_slice %arg6[%dma_wait3A_917, %dma_wait3A_919, %dma_wait3A_920] : memref<4x512x32xf32, #tpu.memory_space<vmem>> -> memref<1x512x32xf32, #tpu.memory_space<vmem>>
    %dma_wait3A_922 = tpu.memref_squeeze %dma_wait3A_921 : memref<1x512x32xf32, #tpu.memory_space<vmem>> -> memref<512x32xf32, #tpu.memory_space<vmem>>
    %dma_wait3A_923 = arith.constant 0 : i32
    %dma_wait3A_924 = tpu.memref_slice %arg4[%mul3A_2, %dma_wait3A_918, %dma_wait3A_923] : memref<16384x50x32xf32, #tpu.memory_space<hbm>> -> memref<512x1x32xf32, #tpu.memory_space<hbm>>
    %dma_wait3A_925 = tpu.memref_squeeze %dma_wait3A_924 : memref<512x1x32xf32, #tpu.memory_space<hbm>> -> memref<512x32xf32, #tpu.memory_space<hbm>>
    %dma_wait3A_926 = arith.constant 0 : i32
    %dma_wait3A_927 = tpu.memref_slice %arg4[%mul3A_2, %dma_wait3A_918, %dma_wait3A_926] : memref<16384x50x32xf32, #tpu.memory_space<hbm>> -> memref<512x1x32xf32, #tpu.memory_space<hbm>>
    %dma_wait3A_928 = tpu.memref_squeeze %dma_wait3A_927 : memref<512x1x32xf32, #tpu.memory_space<hbm>> -> memref<512x32xf32, #tpu.memory_space<hbm>>
    %dma_wait3A_929 = arith.constant 0 : i32
    %dma_wait3A_930 = arith.constant 0 : i32
    %dma_wait3A_931 = tpu.memref_slice %arg6[%dma_wait3A_917, %dma_wait3A_929, %dma_wait3A_930] : memref<4x512x32xf32, #tpu.memory_space<vmem>> -> memref<1x512x32xf32, #tpu.memory_space<vmem>>
    %dma_wait3A_932 = tpu.memref_squeeze %dma_wait3A_931 : memref<1x512x32xf32, #tpu.memory_space<vmem>> -> memref<512x32xf32, #tpu.memory_space<vmem>>
    tpu.wait_dma2 semaphore(%arg8 : memref<!tpu.dma_semaphore, #tpu.memory_space<semaphore_mem>>) src(%dma_wait3A_932 : memref<512x32xf32, #tpu.memory_space<vmem>>) dst(%dma_wait3A_928 : memref<512x32xf32, #tpu.memory_space<hbm>>)
    %dma_start3A_933 = arith.constant 19 : i32
    %dma_start3A_934 = arith.constant 3 : i32
    %dma_start3A_935 = arith.constant 0 : i32
    %dma_start3A_936 = arith.constant 0 : i32
    %dma_start3A_937 = tpu.memref_slice %arg6[%dma_start3A_934, %dma_start3A_935, %dma_start3A_936] : memref<4x512x32xf32, #tpu.memory_space<vmem>> -> memref<1x512x32xf32, #tpu.memory_space<vmem>>
    %dma_start3A_938 = tpu.memref_squeeze %dma_start3A_937 : memref<1x512x32xf32, #tpu.memory_space<vmem>> -> memref<512x32xf32, #tpu.memory_space<vmem>>
    %dma_start3A_939 = arith.constant 0 : i32
    %dma_start3A_940 = tpu.memref_slice %arg5[%dma_start3A_933, %dma_start3A_939] : memref<50x512xi32, #tpu.memory_space<vmem>> -> memref<1x512xi32, #tpu.memory_space<vmem>>
    %dma_start3A_941 = tpu.memref_squeeze %dma_start3A_940 : memref<1x512xi32, #tpu.memory_space<vmem>> -> memref<512xi32, #tpu.memory_space<vmem>>
    %dma_start3A_942 = arith.constant 0 : i32
    %dma_start3A_943 = arith.constant 0 : i32
    %dma_start3A_944 = tpu.memref_slice %arg3[%dma_start3A_942, %dma_start3A_943] : memref<1000000x32xf32, #tpu.memory_space<hbm>> -> memref<1000000x32xf32, #tpu.memory_space<hbm>>
    tpu.enqueue_indirect_dma source(%dma_start3A_944 : memref<1000000x32xf32, #tpu.memory_space<hbm>>) target(%dma_start3A_938 : memref<512x32xf32, #tpu.memory_space<vmem>>) offsets(%dma_start3A_941 : memref<512xi32, #tpu.memory_space<vmem>>) semaphore(%arg7 : memref<!tpu.dma_semaphore, #tpu.memory_space<semaphore_mem>>)
    %dma_wait3A_945 = arith.constant 16 : i32
    %dma_wait3A_946 = arith.constant 0 : i32
    %dma_wait3A_947 = arith.constant 0 : i32
    %dma_wait3A_948 = arith.constant 0 : i32
    %dma_wait3A_949 = tpu.memref_slice %arg6[%dma_wait3A_946, %dma_wait3A_947, %dma_wait3A_948] : memref<4x512x32xf32, #tpu.memory_space<vmem>> -> memref<1x512x32xf32, #tpu.memory_space<vmem>>
    %dma_wait3A_950 = tpu.memref_squeeze %dma_wait3A_949 : memref<1x512x32xf32, #tpu.memory_space<vmem>> -> memref<512x32xf32, #tpu.memory_space<vmem>>
    %dma_wait3A_951 = arith.constant 0 : i32
    %dma_wait3A_952 = tpu.memref_slice %arg5[%dma_wait3A_945, %dma_wait3A_951] : memref<50x512xi32, #tpu.memory_space<vmem>> -> memref<1x512xi32, #tpu.memory_space<vmem>>
    %dma_wait3A_953 = tpu.memref_squeeze %dma_wait3A_952 : memref<1x512xi32, #tpu.memory_space<vmem>> -> memref<512xi32, #tpu.memory_space<vmem>>
    %dma_wait3A_954 = arith.constant 0 : i32
    %dma_wait3A_955 = arith.constant 0 : i32
    %dma_wait3A_956 = tpu.memref_slice %arg3[%dma_wait3A_954, %dma_wait3A_955] : memref<1000000x32xf32, #tpu.memory_space<hbm>> -> memref<1000000x32xf32, #tpu.memory_space<hbm>>
    tpu.wait_indirect_dma semaphore(%arg7 : memref<!tpu.dma_semaphore, #tpu.memory_space<semaphore_mem>>) src(%dma_wait3A_956 : memref<1000000x32xf32, #tpu.memory_space<hbm>>) dst(%dma_wait3A_950 : memref<512x32xf32, #tpu.memory_space<vmem>>)
    %dma_start3A_957 = arith.constant 0 : i32
    %dma_start3A_958 = arith.constant 16 : i32
    %dma_start3A_959 = arith.constant 0 : i32
    %dma_start3A_960 = arith.constant 0 : i32
    %dma_start3A_961 = tpu.memref_slice %arg6[%dma_start3A_957, %dma_start3A_959, %dma_start3A_960] : memref<4x512x32xf32, #tpu.memory_space<vmem>> -> memref<1x512x32xf32, #tpu.memory_space<vmem>>
    %dma_start3A_962 = tpu.memref_squeeze %dma_start3A_961 : memref<1x512x32xf32, #tpu.memory_space<vmem>> -> memref<512x32xf32, #tpu.memory_space<vmem>>
    %dma_start3A_963 = arith.constant 0 : i32
    %dma_start3A_964 = tpu.memref_slice %arg4[%mul3A_2, %dma_start3A_958, %dma_start3A_963] : memref<16384x50x32xf32, #tpu.memory_space<hbm>> -> memref<512x1x32xf32, #tpu.memory_space<hbm>>
    %dma_start3A_965 = tpu.memref_squeeze %dma_start3A_964 : memref<512x1x32xf32, #tpu.memory_space<hbm>> -> memref<512x32xf32, #tpu.memory_space<hbm>>
    %dma_start3A_966 = arith.constant 0 : i32
    %dma_start3A_967 = tpu.memref_slice %arg4[%mul3A_2, %dma_start3A_958, %dma_start3A_966] : memref<16384x50x32xf32, #tpu.memory_space<hbm>> -> memref<512x1x32xf32, #tpu.memory_space<hbm>>
    %dma_start3A_968 = tpu.memref_squeeze %dma_start3A_967 : memref<512x1x32xf32, #tpu.memory_space<hbm>> -> memref<512x32xf32, #tpu.memory_space<hbm>>
    %dma_start3A_969 = arith.constant 0 : i32
    %dma_start3A_970 = arith.constant 0 : i32
    %dma_start3A_971 = tpu.memref_slice %arg6[%dma_start3A_957, %dma_start3A_969, %dma_start3A_970] : memref<4x512x32xf32, #tpu.memory_space<vmem>> -> memref<1x512x32xf32, #tpu.memory_space<vmem>>
    %dma_start3A_972 = tpu.memref_squeeze %dma_start3A_971 : memref<1x512x32xf32, #tpu.memory_space<vmem>> -> memref<512x32xf32, #tpu.memory_space<vmem>>
    tpu.enqueue_dma source(%dma_start3A_972 : memref<512x32xf32, #tpu.memory_space<vmem>>) target(%dma_start3A_968 : memref<512x32xf32, #tpu.memory_space<hbm>>) target_semaphore(%arg8 : memref<!tpu.dma_semaphore, #tpu.memory_space<semaphore_mem>>)
    %dma_wait3A_973 = arith.constant 0 : i32
    %dma_wait3A_974 = arith.constant 16 : i32
    %dma_wait3A_975 = arith.constant 0 : i32
    %dma_wait3A_976 = arith.constant 0 : i32
    %dma_wait3A_977 = tpu.memref_slice %arg6[%dma_wait3A_973, %dma_wait3A_975, %dma_wait3A_976] : memref<4x512x32xf32, #tpu.memory_space<vmem>> -> memref<1x512x32xf32, #tpu.memory_space<vmem>>
    %dma_wait3A_978 = tpu.memref_squeeze %dma_wait3A_977 : memref<1x512x32xf32, #tpu.memory_space<vmem>> -> memref<512x32xf32, #tpu.memory_space<vmem>>
    %dma_wait3A_979 = arith.constant 0 : i32
    %dma_wait3A_980 = tpu.memref_slice %arg4[%mul3A_2, %dma_wait3A_974, %dma_wait3A_979] : memref<16384x50x32xf32, #tpu.memory_space<hbm>> -> memref<512x1x32xf32, #tpu.memory_space<hbm>>
    %dma_wait3A_981 = tpu.memref_squeeze %dma_wait3A_980 : memref<512x1x32xf32, #tpu.memory_space<hbm>> -> memref<512x32xf32, #tpu.memory_space<hbm>>
    %dma_wait3A_982 = arith.constant 0 : i32
    %dma_wait3A_983 = tpu.memref_slice %arg4[%mul3A_2, %dma_wait3A_974, %dma_wait3A_982] : memref<16384x50x32xf32, #tpu.memory_space<hbm>> -> memref<512x1x32xf32, #tpu.memory_space<hbm>>
    %dma_wait3A_984 = tpu.memref_squeeze %dma_wait3A_983 : memref<512x1x32xf32, #tpu.memory_space<hbm>> -> memref<512x32xf32, #tpu.memory_space<hbm>>
    %dma_wait3A_985 = arith.constant 0 : i32
    %dma_wait3A_986 = arith.constant 0 : i32
    %dma_wait3A_987 = tpu.memref_slice %arg6[%dma_wait3A_973, %dma_wait3A_985, %dma_wait3A_986] : memref<4x512x32xf32, #tpu.memory_space<vmem>> -> memref<1x512x32xf32, #tpu.memory_space<vmem>>
    %dma_wait3A_988 = tpu.memref_squeeze %dma_wait3A_987 : memref<1x512x32xf32, #tpu.memory_space<vmem>> -> memref<512x32xf32, #tpu.memory_space<vmem>>
    tpu.wait_dma2 semaphore(%arg8 : memref<!tpu.dma_semaphore, #tpu.memory_space<semaphore_mem>>) src(%dma_wait3A_988 : memref<512x32xf32, #tpu.memory_space<vmem>>) dst(%dma_wait3A_984 : memref<512x32xf32, #tpu.memory_space<hbm>>)
    %dma_start3A_989 = arith.constant 20 : i32
    %dma_start3A_990 = arith.constant 0 : i32
    %dma_start3A_991 = arith.constant 0 : i32
    %dma_start3A_992 = arith.constant 0 : i32
    %dma_start3A_993 = tpu.memref_slice %arg6[%dma_start3A_990, %dma_start3A_991, %dma_start3A_992] : memref<4x512x32xf32, #tpu.memory_space<vmem>> -> memref<1x512x32xf32, #tpu.memory_space<vmem>>
    %dma_start3A_994 = tpu.memref_squeeze %dma_start3A_993 : memref<1x512x32xf32, #tpu.memory_space<vmem>> -> memref<512x32xf32, #tpu.memory_space<vmem>>
    %dma_start3A_995 = arith.constant 0 : i32
    %dma_start3A_996 = tpu.memref_slice %arg5[%dma_start3A_989, %dma_start3A_995] : memref<50x512xi32, #tpu.memory_space<vmem>> -> memref<1x512xi32, #tpu.memory_space<vmem>>
    %dma_start3A_997 = tpu.memref_squeeze %dma_start3A_996 : memref<1x512xi32, #tpu.memory_space<vmem>> -> memref<512xi32, #tpu.memory_space<vmem>>
    %dma_start3A_998 = arith.constant 0 : i32
    %dma_start3A_999 = arith.constant 0 : i32
    %dma_start3A_1000 = tpu.memref_slice %arg3[%dma_start3A_998, %dma_start3A_999] : memref<1000000x32xf32, #tpu.memory_space<hbm>> -> memref<1000000x32xf32, #tpu.memory_space<hbm>>
    tpu.enqueue_indirect_dma source(%dma_start3A_1000 : memref<1000000x32xf32, #tpu.memory_space<hbm>>) target(%dma_start3A_994 : memref<512x32xf32, #tpu.memory_space<vmem>>) offsets(%dma_start3A_997 : memref<512xi32, #tpu.memory_space<vmem>>) semaphore(%arg7 : memref<!tpu.dma_semaphore, #tpu.memory_space<semaphore_mem>>)
    %dma_wait3A_1001 = arith.constant 17 : i32
    %dma_wait3A_1002 = arith.constant 1 : i32
    %dma_wait3A_1003 = arith.constant 0 : i32
    %dma_wait3A_1004 = arith.constant 0 : i32
    %dma_wait3A_1005 = tpu.memref_slice %arg6[%dma_wait3A_1002, %dma_wait3A_1003, %dma_wait3A_1004] : memref<4x512x32xf32, #tpu.memory_space<vmem>> -> memref<1x512x32xf32, #tpu.memory_space<vmem>>
    %dma_wait3A_1006 = tpu.memref_squeeze %dma_wait3A_1005 : memref<1x512x32xf32, #tpu.memory_space<vmem>> -> memref<512x32xf32, #tpu.memory_space<vmem>>
    %dma_wait3A_1007 = arith.constant 0 : i32
    %dma_wait3A_1008 = tpu.memref_slice %arg5[%dma_wait3A_1001, %dma_wait3A_1007] : memref<50x512xi32, #tpu.memory_space<vmem>> -> memref<1x512xi32, #tpu.memory_space<vmem>>
    %dma_wait3A_1009 = tpu.memref_squeeze %dma_wait3A_1008 : memref<1x512xi32, #tpu.memory_space<vmem>> -> memref<512xi32, #tpu.memory_space<vmem>>
    %dma_wait3A_1010 = arith.constant 0 : i32
    %dma_wait3A_1011 = arith.constant 0 : i32
    %dma_wait3A_1012 = tpu.memref_slice %arg3[%dma_wait3A_1010, %dma_wait3A_1011] : memref<1000000x32xf32, #tpu.memory_space<hbm>> -> memref<1000000x32xf32, #tpu.memory_space<hbm>>
    tpu.wait_indirect_dma semaphore(%arg7 : memref<!tpu.dma_semaphore, #tpu.memory_space<semaphore_mem>>) src(%dma_wait3A_1012 : memref<1000000x32xf32, #tpu.memory_space<hbm>>) dst(%dma_wait3A_1006 : memref<512x32xf32, #tpu.memory_space<vmem>>)
    %dma_start3A_1013 = arith.constant 1 : i32
    %dma_start3A_1014 = arith.constant 17 : i32
    %dma_start3A_1015 = arith.constant 0 : i32
    %dma_start3A_1016 = arith.constant 0 : i32
    %dma_start3A_1017 = tpu.memref_slice %arg6[%dma_start3A_1013, %dma_start3A_1015, %dma_start3A_1016] : memref<4x512x32xf32, #tpu.memory_space<vmem>> -> memref<1x512x32xf32, #tpu.memory_space<vmem>>
    %dma_start3A_1018 = tpu.memref_squeeze %dma_start3A_1017 : memref<1x512x32xf32, #tpu.memory_space<vmem>> -> memref<512x32xf32, #tpu.memory_space<vmem>>
    %dma_start3A_1019 = arith.constant 0 : i32
    %dma_start3A_1020 = tpu.memref_slice %arg4[%mul3A_2, %dma_start3A_1014, %dma_start3A_1019] : memref<16384x50x32xf32, #tpu.memory_space<hbm>> -> memref<512x1x32xf32, #tpu.memory_space<hbm>>
    %dma_start3A_1021 = tpu.memref_squeeze %dma_start3A_1020 : memref<512x1x32xf32, #tpu.memory_space<hbm>> -> memref<512x32xf32, #tpu.memory_space<hbm>>
    %dma_start3A_1022 = arith.constant 0 : i32
    %dma_start3A_1023 = tpu.memref_slice %arg4[%mul3A_2, %dma_start3A_1014, %dma_start3A_1022] : memref<16384x50x32xf32, #tpu.memory_space<hbm>> -> memref<512x1x32xf32, #tpu.memory_space<hbm>>
    %dma_start3A_1024 = tpu.memref_squeeze %dma_start3A_1023 : memref<512x1x32xf32, #tpu.memory_space<hbm>> -> memref<512x32xf32, #tpu.memory_space<hbm>>
    %dma_start3A_1025 = arith.constant 0 : i32
    %dma_start3A_1026 = arith.constant 0 : i32
    %dma_start3A_1027 = tpu.memref_slice %arg6[%dma_start3A_1013, %dma_start3A_1025, %dma_start3A_1026] : memref<4x512x32xf32, #tpu.memory_space<vmem>> -> memref<1x512x32xf32, #tpu.memory_space<vmem>>
    %dma_start3A_1028 = tpu.memref_squeeze %dma_start3A_1027 : memref<1x512x32xf32, #tpu.memory_space<vmem>> -> memref<512x32xf32, #tpu.memory_space<vmem>>
    tpu.enqueue_dma source(%dma_start3A_1028 : memref<512x32xf32, #tpu.memory_space<vmem>>) target(%dma_start3A_1024 : memref<512x32xf32, #tpu.memory_space<hbm>>) target_semaphore(%arg8 : memref<!tpu.dma_semaphore, #tpu.memory_space<semaphore_mem>>)
    %dma_wait3A_1029 = arith.constant 1 : i32
    %dma_wait3A_1030 = arith.constant 17 : i32
    %dma_wait3A_1031 = arith.constant 0 : i32
    %dma_wait3A_1032 = arith.constant 0 : i32
    %dma_wait3A_1033 = tpu.memref_slice %arg6[%dma_wait3A_1029, %dma_wait3A_1031, %dma_wait3A_1032] : memref<4x512x32xf32, #tpu.memory_space<vmem>> -> memref<1x512x32xf32, #tpu.memory_space<vmem>>
    %dma_wait3A_1034 = tpu.memref_squeeze %dma_wait3A_1033 : memref<1x512x32xf32, #tpu.memory_space<vmem>> -> memref<512x32xf32, #tpu.memory_space<vmem>>
    %dma_wait3A_1035 = arith.constant 0 : i32
    %dma_wait3A_1036 = tpu.memref_slice %arg4[%mul3A_2, %dma_wait3A_1030, %dma_wait3A_1035] : memref<16384x50x32xf32, #tpu.memory_space<hbm>> -> memref<512x1x32xf32, #tpu.memory_space<hbm>>
    %dma_wait3A_1037 = tpu.memref_squeeze %dma_wait3A_1036 : memref<512x1x32xf32, #tpu.memory_space<hbm>> -> memref<512x32xf32, #tpu.memory_space<hbm>>
    %dma_wait3A_1038 = arith.constant 0 : i32
    %dma_wait3A_1039 = tpu.memref_slice %arg4[%mul3A_2, %dma_wait3A_1030, %dma_wait3A_1038] : memref<16384x50x32xf32, #tpu.memory_space<hbm>> -> memref<512x1x32xf32, #tpu.memory_space<hbm>>
    %dma_wait3A_1040 = tpu.memref_squeeze %dma_wait3A_1039 : memref<512x1x32xf32, #tpu.memory_space<hbm>> -> memref<512x32xf32, #tpu.memory_space<hbm>>
    %dma_wait3A_1041 = arith.constant 0 : i32
    %dma_wait3A_1042 = arith.constant 0 : i32
    %dma_wait3A_1043 = tpu.memref_slice %arg6[%dma_wait3A_1029, %dma_wait3A_1041, %dma_wait3A_1042] : memref<4x512x32xf32, #tpu.memory_space<vmem>> -> memref<1x512x32xf32, #tpu.memory_space<vmem>>
    %dma_wait3A_1044 = tpu.memref_squeeze %dma_wait3A_1043 : memref<1x512x32xf32, #tpu.memory_space<vmem>> -> memref<512x32xf32, #tpu.memory_space<vmem>>
    tpu.wait_dma2 semaphore(%arg8 : memref<!tpu.dma_semaphore, #tpu.memory_space<semaphore_mem>>) src(%dma_wait3A_1044 : memref<512x32xf32, #tpu.memory_space<vmem>>) dst(%dma_wait3A_1040 : memref<512x32xf32, #tpu.memory_space<hbm>>)
    %dma_start3A_1045 = arith.constant 21 : i32
    %dma_start3A_1046 = arith.constant 1 : i32
    %dma_start3A_1047 = arith.constant 0 : i32
    %dma_start3A_1048 = arith.constant 0 : i32
    %dma_start3A_1049 = tpu.memref_slice %arg6[%dma_start3A_1046, %dma_start3A_1047, %dma_start3A_1048] : memref<4x512x32xf32, #tpu.memory_space<vmem>> -> memref<1x512x32xf32, #tpu.memory_space<vmem>>
    %dma_start3A_1050 = tpu.memref_squeeze %dma_start3A_1049 : memref<1x512x32xf32, #tpu.memory_space<vmem>> -> memref<512x32xf32, #tpu.memory_space<vmem>>
    %dma_start3A_1051 = arith.constant 0 : i32
    %dma_start3A_1052 = tpu.memref_slice %arg5[%dma_start3A_1045, %dma_start3A_1051] : memref<50x512xi32, #tpu.memory_space<vmem>> -> memref<1x512xi32, #tpu.memory_space<vmem>>
    %dma_start3A_1053 = tpu.memref_squeeze %dma_start3A_1052 : memref<1x512xi32, #tpu.memory_space<vmem>> -> memref<512xi32, #tpu.memory_space<vmem>>
    %dma_start3A_1054 = arith.constant 0 : i32
    %dma_start3A_1055 = arith.constant 0 : i32
    %dma_start3A_1056 = tpu.memref_slice %arg3[%dma_start3A_1054, %dma_start3A_1055] : memref<1000000x32xf32, #tpu.memory_space<hbm>> -> memref<1000000x32xf32, #tpu.memory_space<hbm>>
    tpu.enqueue_indirect_dma source(%dma_start3A_1056 : memref<1000000x32xf32, #tpu.memory_space<hbm>>) target(%dma_start3A_1050 : memref<512x32xf32, #tpu.memory_space<vmem>>) offsets(%dma_start3A_1053 : memref<512xi32, #tpu.memory_space<vmem>>) semaphore(%arg7 : memref<!tpu.dma_semaphore, #tpu.memory_space<semaphore_mem>>)
    %dma_wait3A_1057 = arith.constant 18 : i32
    %dma_wait3A_1058 = arith.constant 2 : i32
    %dma_wait3A_1059 = arith.constant 0 : i32
    %dma_wait3A_1060 = arith.constant 0 : i32
    %dma_wait3A_1061 = tpu.memref_slice %arg6[%dma_wait3A_1058, %dma_wait3A_1059, %dma_wait3A_1060] : memref<4x512x32xf32, #tpu.memory_space<vmem>> -> memref<1x512x32xf32, #tpu.memory_space<vmem>>
    %dma_wait3A_1062 = tpu.memref_squeeze %dma_wait3A_1061 : memref<1x512x32xf32, #tpu.memory_space<vmem>> -> memref<512x32xf32, #tpu.memory_space<vmem>>
    %dma_wait3A_1063 = arith.constant 0 : i32
    %dma_wait3A_1064 = tpu.memref_slice %arg5[%dma_wait3A_1057, %dma_wait3A_1063] : memref<50x512xi32, #tpu.memory_space<vmem>> -> memref<1x512xi32, #tpu.memory_space<vmem>>
    %dma_wait3A_1065 = tpu.memref_squeeze %dma_wait3A_1064 : memref<1x512xi32, #tpu.memory_space<vmem>> -> memref<512xi32, #tpu.memory_space<vmem>>
    %dma_wait3A_1066 = arith.constant 0 : i32
    %dma_wait3A_1067 = arith.constant 0 : i32
    %dma_wait3A_1068 = tpu.memref_slice %arg3[%dma_wait3A_1066, %dma_wait3A_1067] : memref<1000000x32xf32, #tpu.memory_space<hbm>> -> memref<1000000x32xf32, #tpu.memory_space<hbm>>
    tpu.wait_indirect_dma semaphore(%arg7 : memref<!tpu.dma_semaphore, #tpu.memory_space<semaphore_mem>>) src(%dma_wait3A_1068 : memref<1000000x32xf32, #tpu.memory_space<hbm>>) dst(%dma_wait3A_1062 : memref<512x32xf32, #tpu.memory_space<vmem>>)
    %dma_start3A_1069 = arith.constant 2 : i32
    %dma_start3A_1070 = arith.constant 18 : i32
    %dma_start3A_1071 = arith.constant 0 : i32
    %dma_start3A_1072 = arith.constant 0 : i32
    %dma_start3A_1073 = tpu.memref_slice %arg6[%dma_start3A_1069, %dma_start3A_1071, %dma_start3A_1072] : memref<4x512x32xf32, #tpu.memory_space<vmem>> -> memref<1x512x32xf32, #tpu.memory_space<vmem>>
    %dma_start3A_1074 = tpu.memref_squeeze %dma_start3A_1073 : memref<1x512x32xf32, #tpu.memory_space<vmem>> -> memref<512x32xf32, #tpu.memory_space<vmem>>
    %dma_start3A_1075 = arith.constant 0 : i32
    %dma_start3A_1076 = tpu.memref_slice %arg4[%mul3A_2, %dma_start3A_1070, %dma_start3A_1075] : memref<16384x50x32xf32, #tpu.memory_space<hbm>> -> memref<512x1x32xf32, #tpu.memory_space<hbm>>
    %dma_start3A_1077 = tpu.memref_squeeze %dma_start3A_1076 : memref<512x1x32xf32, #tpu.memory_space<hbm>> -> memref<512x32xf32, #tpu.memory_space<hbm>>
    %dma_start3A_1078 = arith.constant 0 : i32
    %dma_start3A_1079 = tpu.memref_slice %arg4[%mul3A_2, %dma_start3A_1070, %dma_start3A_1078] : memref<16384x50x32xf32, #tpu.memory_space<hbm>> -> memref<512x1x32xf32, #tpu.memory_space<hbm>>
    %dma_start3A_1080 = tpu.memref_squeeze %dma_start3A_1079 : memref<512x1x32xf32, #tpu.memory_space<hbm>> -> memref<512x32xf32, #tpu.memory_space<hbm>>
    %dma_start3A_1081 = arith.constant 0 : i32
    %dma_start3A_1082 = arith.constant 0 : i32
    %dma_start3A_1083 = tpu.memref_slice %arg6[%dma_start3A_1069, %dma_start3A_1081, %dma_start3A_1082] : memref<4x512x32xf32, #tpu.memory_space<vmem>> -> memref<1x512x32xf32, #tpu.memory_space<vmem>>
    %dma_start3A_1084 = tpu.memref_squeeze %dma_start3A_1083 : memref<1x512x32xf32, #tpu.memory_space<vmem>> -> memref<512x32xf32, #tpu.memory_space<vmem>>
    tpu.enqueue_dma source(%dma_start3A_1084 : memref<512x32xf32, #tpu.memory_space<vmem>>) target(%dma_start3A_1080 : memref<512x32xf32, #tpu.memory_space<hbm>>) target_semaphore(%arg8 : memref<!tpu.dma_semaphore, #tpu.memory_space<semaphore_mem>>)
    %dma_wait3A_1085 = arith.constant 2 : i32
    %dma_wait3A_1086 = arith.constant 18 : i32
    %dma_wait3A_1087 = arith.constant 0 : i32
    %dma_wait3A_1088 = arith.constant 0 : i32
    %dma_wait3A_1089 = tpu.memref_slice %arg6[%dma_wait3A_1085, %dma_wait3A_1087, %dma_wait3A_1088] : memref<4x512x32xf32, #tpu.memory_space<vmem>> -> memref<1x512x32xf32, #tpu.memory_space<vmem>>
    %dma_wait3A_1090 = tpu.memref_squeeze %dma_wait3A_1089 : memref<1x512x32xf32, #tpu.memory_space<vmem>> -> memref<512x32xf32, #tpu.memory_space<vmem>>
    %dma_wait3A_1091 = arith.constant 0 : i32
    %dma_wait3A_1092 = tpu.memref_slice %arg4[%mul3A_2, %dma_wait3A_1086, %dma_wait3A_1091] : memref<16384x50x32xf32, #tpu.memory_space<hbm>> -> memref<512x1x32xf32, #tpu.memory_space<hbm>>
    %dma_wait3A_1093 = tpu.memref_squeeze %dma_wait3A_1092 : memref<512x1x32xf32, #tpu.memory_space<hbm>> -> memref<512x32xf32, #tpu.memory_space<hbm>>
    %dma_wait3A_1094 = arith.constant 0 : i32
    %dma_wait3A_1095 = tpu.memref_slice %arg4[%mul3A_2, %dma_wait3A_1086, %dma_wait3A_1094] : memref<16384x50x32xf32, #tpu.memory_space<hbm>> -> memref<512x1x32xf32, #tpu.memory_space<hbm>>
    %dma_wait3A_1096 = tpu.memref_squeeze %dma_wait3A_1095 : memref<512x1x32xf32, #tpu.memory_space<hbm>> -> memref<512x32xf32, #tpu.memory_space<hbm>>
    %dma_wait3A_1097 = arith.constant 0 : i32
    %dma_wait3A_1098 = arith.constant 0 : i32
    %dma_wait3A_1099 = tpu.memref_slice %arg6[%dma_wait3A_1085, %dma_wait3A_1097, %dma_wait3A_1098] : memref<4x512x32xf32, #tpu.memory_space<vmem>> -> memref<1x512x32xf32, #tpu.memory_space<vmem>>
    %dma_wait3A_1100 = tpu.memref_squeeze %dma_wait3A_1099 : memref<1x512x32xf32, #tpu.memory_space<vmem>> -> memref<512x32xf32, #tpu.memory_space<vmem>>
    tpu.wait_dma2 semaphore(%arg8 : memref<!tpu.dma_semaphore, #tpu.memory_space<semaphore_mem>>) src(%dma_wait3A_1100 : memref<512x32xf32, #tpu.memory_space<vmem>>) dst(%dma_wait3A_1096 : memref<512x32xf32, #tpu.memory_space<hbm>>)
    %dma_start3A_1101 = arith.constant 22 : i32
    %dma_start3A_1102 = arith.constant 2 : i32
    %dma_start3A_1103 = arith.constant 0 : i32
    %dma_start3A_1104 = arith.constant 0 : i32
    %dma_start3A_1105 = tpu.memref_slice %arg6[%dma_start3A_1102, %dma_start3A_1103, %dma_start3A_1104] : memref<4x512x32xf32, #tpu.memory_space<vmem>> -> memref<1x512x32xf32, #tpu.memory_space<vmem>>
    %dma_start3A_1106 = tpu.memref_squeeze %dma_start3A_1105 : memref<1x512x32xf32, #tpu.memory_space<vmem>> -> memref<512x32xf32, #tpu.memory_space<vmem>>
    %dma_start3A_1107 = arith.constant 0 : i32
    %dma_start3A_1108 = tpu.memref_slice %arg5[%dma_start3A_1101, %dma_start3A_1107] : memref<50x512xi32, #tpu.memory_space<vmem>> -> memref<1x512xi32, #tpu.memory_space<vmem>>
    %dma_start3A_1109 = tpu.memref_squeeze %dma_start3A_1108 : memref<1x512xi32, #tpu.memory_space<vmem>> -> memref<512xi32, #tpu.memory_space<vmem>>
    %dma_start3A_1110 = arith.constant 0 : i32
    %dma_start3A_1111 = arith.constant 0 : i32
    %dma_start3A_1112 = tpu.memref_slice %arg3[%dma_start3A_1110, %dma_start3A_1111] : memref<1000000x32xf32, #tpu.memory_space<hbm>> -> memref<1000000x32xf32, #tpu.memory_space<hbm>>
    tpu.enqueue_indirect_dma source(%dma_start3A_1112 : memref<1000000x32xf32, #tpu.memory_space<hbm>>) target(%dma_start3A_1106 : memref<512x32xf32, #tpu.memory_space<vmem>>) offsets(%dma_start3A_1109 : memref<512xi32, #tpu.memory_space<vmem>>) semaphore(%arg7 : memref<!tpu.dma_semaphore, #tpu.memory_space<semaphore_mem>>)
    %dma_wait3A_1113 = arith.constant 19 : i32
    %dma_wait3A_1114 = arith.constant 3 : i32
    %dma_wait3A_1115 = arith.constant 0 : i32
    %dma_wait3A_1116 = arith.constant 0 : i32
    %dma_wait3A_1117 = tpu.memref_slice %arg6[%dma_wait3A_1114, %dma_wait3A_1115, %dma_wait3A_1116] : memref<4x512x32xf32, #tpu.memory_space<vmem>> -> memref<1x512x32xf32, #tpu.memory_space<vmem>>
    %dma_wait3A_1118 = tpu.memref_squeeze %dma_wait3A_1117 : memref<1x512x32xf32, #tpu.memory_space<vmem>> -> memref<512x32xf32, #tpu.memory_space<vmem>>
    %dma_wait3A_1119 = arith.constant 0 : i32
    %dma_wait3A_1120 = tpu.memref_slice %arg5[%dma_wait3A_1113, %dma_wait3A_1119] : memref<50x512xi32, #tpu.memory_space<vmem>> -> memref<1x512xi32, #tpu.memory_space<vmem>>
    %dma_wait3A_1121 = tpu.memref_squeeze %dma_wait3A_1120 : memref<1x512xi32, #tpu.memory_space<vmem>> -> memref<512xi32, #tpu.memory_space<vmem>>
    %dma_wait3A_1122 = arith.constant 0 : i32
    %dma_wait3A_1123 = arith.constant 0 : i32
    %dma_wait3A_1124 = tpu.memref_slice %arg3[%dma_wait3A_1122, %dma_wait3A_1123] : memref<1000000x32xf32, #tpu.memory_space<hbm>> -> memref<1000000x32xf32, #tpu.memory_space<hbm>>
    tpu.wait_indirect_dma semaphore(%arg7 : memref<!tpu.dma_semaphore, #tpu.memory_space<semaphore_mem>>) src(%dma_wait3A_1124 : memref<1000000x32xf32, #tpu.memory_space<hbm>>) dst(%dma_wait3A_1118 : memref<512x32xf32, #tpu.memory_space<vmem>>)
    %dma_start3A_1125 = arith.constant 3 : i32
    %dma_start3A_1126 = arith.constant 19 : i32
    %dma_start3A_1127 = arith.constant 0 : i32
    %dma_start3A_1128 = arith.constant 0 : i32
    %dma_start3A_1129 = tpu.memref_slice %arg6[%dma_start3A_1125, %dma_start3A_1127, %dma_start3A_1128] : memref<4x512x32xf32, #tpu.memory_space<vmem>> -> memref<1x512x32xf32, #tpu.memory_space<vmem>>
    %dma_start3A_1130 = tpu.memref_squeeze %dma_start3A_1129 : memref<1x512x32xf32, #tpu.memory_space<vmem>> -> memref<512x32xf32, #tpu.memory_space<vmem>>
    %dma_start3A_1131 = arith.constant 0 : i32
    %dma_start3A_1132 = tpu.memref_slice %arg4[%mul3A_2, %dma_start3A_1126, %dma_start3A_1131] : memref<16384x50x32xf32, #tpu.memory_space<hbm>> -> memref<512x1x32xf32, #tpu.memory_space<hbm>>
    %dma_start3A_1133 = tpu.memref_squeeze %dma_start3A_1132 : memref<512x1x32xf32, #tpu.memory_space<hbm>> -> memref<512x32xf32, #tpu.memory_space<hbm>>
    %dma_start3A_1134 = arith.constant 0 : i32
    %dma_start3A_1135 = tpu.memref_slice %arg4[%mul3A_2, %dma_start3A_1126, %dma_start3A_1134] : memref<16384x50x32xf32, #tpu.memory_space<hbm>> -> memref<512x1x32xf32, #tpu.memory_space<hbm>>
    %dma_start3A_1136 = tpu.memref_squeeze %dma_start3A_1135 : memref<512x1x32xf32, #tpu.memory_space<hbm>> -> memref<512x32xf32, #tpu.memory_space<hbm>>
    %dma_start3A_1137 = arith.constant 0 : i32
    %dma_start3A_1138 = arith.constant 0 : i32
    %dma_start3A_1139 = tpu.memref_slice %arg6[%dma_start3A_1125, %dma_start3A_1137, %dma_start3A_1138] : memref<4x512x32xf32, #tpu.memory_space<vmem>> -> memref<1x512x32xf32, #tpu.memory_space<vmem>>
    %dma_start3A_1140 = tpu.memref_squeeze %dma_start3A_1139 : memref<1x512x32xf32, #tpu.memory_space<vmem>> -> memref<512x32xf32, #tpu.memory_space<vmem>>
    tpu.enqueue_dma source(%dma_start3A_1140 : memref<512x32xf32, #tpu.memory_space<vmem>>) target(%dma_start3A_1136 : memref<512x32xf32, #tpu.memory_space<hbm>>) target_semaphore(%arg8 : memref<!tpu.dma_semaphore, #tpu.memory_space<semaphore_mem>>)
    %dma_wait3A_1141 = arith.constant 3 : i32
    %dma_wait3A_1142 = arith.constant 19 : i32
    %dma_wait3A_1143 = arith.constant 0 : i32
    %dma_wait3A_1144 = arith.constant 0 : i32
    %dma_wait3A_1145 = tpu.memref_slice %arg6[%dma_wait3A_1141, %dma_wait3A_1143, %dma_wait3A_1144] : memref<4x512x32xf32, #tpu.memory_space<vmem>> -> memref<1x512x32xf32, #tpu.memory_space<vmem>>
    %dma_wait3A_1146 = tpu.memref_squeeze %dma_wait3A_1145 : memref<1x512x32xf32, #tpu.memory_space<vmem>> -> memref<512x32xf32, #tpu.memory_space<vmem>>
    %dma_wait3A_1147 = arith.constant 0 : i32
    %dma_wait3A_1148 = tpu.memref_slice %arg4[%mul3A_2, %dma_wait3A_1142, %dma_wait3A_1147] : memref<16384x50x32xf32, #tpu.memory_space<hbm>> -> memref<512x1x32xf32, #tpu.memory_space<hbm>>
    %dma_wait3A_1149 = tpu.memref_squeeze %dma_wait3A_1148 : memref<512x1x32xf32, #tpu.memory_space<hbm>> -> memref<512x32xf32, #tpu.memory_space<hbm>>
    %dma_wait3A_1150 = arith.constant 0 : i32
    %dma_wait3A_1151 = tpu.memref_slice %arg4[%mul3A_2, %dma_wait3A_1142, %dma_wait3A_1150] : memref<16384x50x32xf32, #tpu.memory_space<hbm>> -> memref<512x1x32xf32, #tpu.memory_space<hbm>>
    %dma_wait3A_1152 = tpu.memref_squeeze %dma_wait3A_1151 : memref<512x1x32xf32, #tpu.memory_space<hbm>> -> memref<512x32xf32, #tpu.memory_space<hbm>>
    %dma_wait3A_1153 = arith.constant 0 : i32
    %dma_wait3A_1154 = arith.constant 0 : i32
    %dma_wait3A_1155 = tpu.memref_slice %arg6[%dma_wait3A_1141, %dma_wait3A_1153, %dma_wait3A_1154] : memref<4x512x32xf32, #tpu.memory_space<vmem>> -> memref<1x512x32xf32, #tpu.memory_space<vmem>>
    %dma_wait3A_1156 = tpu.memref_squeeze %dma_wait3A_1155 : memref<1x512x32xf32, #tpu.memory_space<vmem>> -> memref<512x32xf32, #tpu.memory_space<vmem>>
    tpu.wait_dma2 semaphore(%arg8 : memref<!tpu.dma_semaphore, #tpu.memory_space<semaphore_mem>>) src(%dma_wait3A_1156 : memref<512x32xf32, #tpu.memory_space<vmem>>) dst(%dma_wait3A_1152 : memref<512x32xf32, #tpu.memory_space<hbm>>)
    %dma_start3A_1157 = arith.constant 23 : i32
    %dma_start3A_1158 = arith.constant 3 : i32
    %dma_start3A_1159 = arith.constant 0 : i32
    %dma_start3A_1160 = arith.constant 0 : i32
    %dma_start3A_1161 = tpu.memref_slice %arg6[%dma_start3A_1158, %dma_start3A_1159, %dma_start3A_1160] : memref<4x512x32xf32, #tpu.memory_space<vmem>> -> memref<1x512x32xf32, #tpu.memory_space<vmem>>
    %dma_start3A_1162 = tpu.memref_squeeze %dma_start3A_1161 : memref<1x512x32xf32, #tpu.memory_space<vmem>> -> memref<512x32xf32, #tpu.memory_space<vmem>>
    %dma_start3A_1163 = arith.constant 0 : i32
    %dma_start3A_1164 = tpu.memref_slice %arg5[%dma_start3A_1157, %dma_start3A_1163] : memref<50x512xi32, #tpu.memory_space<vmem>> -> memref<1x512xi32, #tpu.memory_space<vmem>>
    %dma_start3A_1165 = tpu.memref_squeeze %dma_start3A_1164 : memref<1x512xi32, #tpu.memory_space<vmem>> -> memref<512xi32, #tpu.memory_space<vmem>>
    %dma_start3A_1166 = arith.constant 0 : i32
    %dma_start3A_1167 = arith.constant 0 : i32
    %dma_start3A_1168 = tpu.memref_slice %arg3[%dma_start3A_1166, %dma_start3A_1167] : memref<1000000x32xf32, #tpu.memory_space<hbm>> -> memref<1000000x32xf32, #tpu.memory_space<hbm>>
    tpu.enqueue_indirect_dma source(%dma_start3A_1168 : memref<1000000x32xf32, #tpu.memory_space<hbm>>) target(%dma_start3A_1162 : memref<512x32xf32, #tpu.memory_space<vmem>>) offsets(%dma_start3A_1165 : memref<512xi32, #tpu.memory_space<vmem>>) semaphore(%arg7 : memref<!tpu.dma_semaphore, #tpu.memory_space<semaphore_mem>>)
    %dma_wait3A_1169 = arith.constant 20 : i32
    %dma_wait3A_1170 = arith.constant 0 : i32
    %dma_wait3A_1171 = arith.constant 0 : i32
    %dma_wait3A_1172 = arith.constant 0 : i32
    %dma_wait3A_1173 = tpu.memref_slice %arg6[%dma_wait3A_1170, %dma_wait3A_1171, %dma_wait3A_1172] : memref<4x512x32xf32, #tpu.memory_space<vmem>> -> memref<1x512x32xf32, #tpu.memory_space<vmem>>
    %dma_wait3A_1174 = tpu.memref_squeeze %dma_wait3A_1173 : memref<1x512x32xf32, #tpu.memory_space<vmem>> -> memref<512x32xf32, #tpu.memory_space<vmem>>
    %dma_wait3A_1175 = arith.constant 0 : i32
    %dma_wait3A_1176 = tpu.memref_slice %arg5[%dma_wait3A_1169, %dma_wait3A_1175] : memref<50x512xi32, #tpu.memory_space<vmem>> -> memref<1x512xi32, #tpu.memory_space<vmem>>
    %dma_wait3A_1177 = tpu.memref_squeeze %dma_wait3A_1176 : memref<1x512xi32, #tpu.memory_space<vmem>> -> memref<512xi32, #tpu.memory_space<vmem>>
    %dma_wait3A_1178 = arith.constant 0 : i32
    %dma_wait3A_1179 = arith.constant 0 : i32
    %dma_wait3A_1180 = tpu.memref_slice %arg3[%dma_wait3A_1178, %dma_wait3A_1179] : memref<1000000x32xf32, #tpu.memory_space<hbm>> -> memref<1000000x32xf32, #tpu.memory_space<hbm>>
    tpu.wait_indirect_dma semaphore(%arg7 : memref<!tpu.dma_semaphore, #tpu.memory_space<semaphore_mem>>) src(%dma_wait3A_1180 : memref<1000000x32xf32, #tpu.memory_space<hbm>>) dst(%dma_wait3A_1174 : memref<512x32xf32, #tpu.memory_space<vmem>>)
    %dma_start3A_1181 = arith.constant 0 : i32
    %dma_start3A_1182 = arith.constant 20 : i32
    %dma_start3A_1183 = arith.constant 0 : i32
    %dma_start3A_1184 = arith.constant 0 : i32
    %dma_start3A_1185 = tpu.memref_slice %arg6[%dma_start3A_1181, %dma_start3A_1183, %dma_start3A_1184] : memref<4x512x32xf32, #tpu.memory_space<vmem>> -> memref<1x512x32xf32, #tpu.memory_space<vmem>>
    %dma_start3A_1186 = tpu.memref_squeeze %dma_start3A_1185 : memref<1x512x32xf32, #tpu.memory_space<vmem>> -> memref<512x32xf32, #tpu.memory_space<vmem>>
    %dma_start3A_1187 = arith.constant 0 : i32
    %dma_start3A_1188 = tpu.memref_slice %arg4[%mul3A_2, %dma_start3A_1182, %dma_start3A_1187] : memref<16384x50x32xf32, #tpu.memory_space<hbm>> -> memref<512x1x32xf32, #tpu.memory_space<hbm>>
    %dma_start3A_1189 = tpu.memref_squeeze %dma_start3A_1188 : memref<512x1x32xf32, #tpu.memory_space<hbm>> -> memref<512x32xf32, #tpu.memory_space<hbm>>
    %dma_start3A_1190 = arith.constant 0 : i32
    %dma_start3A_1191 = tpu.memref_slice %arg4[%mul3A_2, %dma_start3A_1182, %dma_start3A_1190] : memref<16384x50x32xf32, #tpu.memory_space<hbm>> -> memref<512x1x32xf32, #tpu.memory_space<hbm>>
    %dma_start3A_1192 = tpu.memref_squeeze %dma_start3A_1191 : memref<512x1x32xf32, #tpu.memory_space<hbm>> -> memref<512x32xf32, #tpu.memory_space<hbm>>
    %dma_start3A_1193 = arith.constant 0 : i32
    %dma_start3A_1194 = arith.constant 0 : i32
    %dma_start3A_1195 = tpu.memref_slice %arg6[%dma_start3A_1181, %dma_start3A_1193, %dma_start3A_1194] : memref<4x512x32xf32, #tpu.memory_space<vmem>> -> memref<1x512x32xf32, #tpu.memory_space<vmem>>
    %dma_start3A_1196 = tpu.memref_squeeze %dma_start3A_1195 : memref<1x512x32xf32, #tpu.memory_space<vmem>> -> memref<512x32xf32, #tpu.memory_space<vmem>>
    tpu.enqueue_dma source(%dma_start3A_1196 : memref<512x32xf32, #tpu.memory_space<vmem>>) target(%dma_start3A_1192 : memref<512x32xf32, #tpu.memory_space<hbm>>) target_semaphore(%arg8 : memref<!tpu.dma_semaphore, #tpu.memory_space<semaphore_mem>>)
    %dma_wait3A_1197 = arith.constant 0 : i32
    %dma_wait3A_1198 = arith.constant 20 : i32
    %dma_wait3A_1199 = arith.constant 0 : i32
    %dma_wait3A_1200 = arith.constant 0 : i32
    %dma_wait3A_1201 = tpu.memref_slice %arg6[%dma_wait3A_1197, %dma_wait3A_1199, %dma_wait3A_1200] : memref<4x512x32xf32, #tpu.memory_space<vmem>> -> memref<1x512x32xf32, #tpu.memory_space<vmem>>
    %dma_wait3A_1202 = tpu.memref_squeeze %dma_wait3A_1201 : memref<1x512x32xf32, #tpu.memory_space<vmem>> -> memref<512x32xf32, #tpu.memory_space<vmem>>
    %dma_wait3A_1203 = arith.constant 0 : i32
    %dma_wait3A_1204 = tpu.memref_slice %arg4[%mul3A_2, %dma_wait3A_1198, %dma_wait3A_1203] : memref<16384x50x32xf32, #tpu.memory_space<hbm>> -> memref<512x1x32xf32, #tpu.memory_space<hbm>>
    %dma_wait3A_1205 = tpu.memref_squeeze %dma_wait3A_1204 : memref<512x1x32xf32, #tpu.memory_space<hbm>> -> memref<512x32xf32, #tpu.memory_space<hbm>>
    %dma_wait3A_1206 = arith.constant 0 : i32
    %dma_wait3A_1207 = tpu.memref_slice %arg4[%mul3A_2, %dma_wait3A_1198, %dma_wait3A_1206] : memref<16384x50x32xf32, #tpu.memory_space<hbm>> -> memref<512x1x32xf32, #tpu.memory_space<hbm>>
    %dma_wait3A_1208 = tpu.memref_squeeze %dma_wait3A_1207 : memref<512x1x32xf32, #tpu.memory_space<hbm>> -> memref<512x32xf32, #tpu.memory_space<hbm>>
    %dma_wait3A_1209 = arith.constant 0 : i32
    %dma_wait3A_1210 = arith.constant 0 : i32
    %dma_wait3A_1211 = tpu.memref_slice %arg6[%dma_wait3A_1197, %dma_wait3A_1209, %dma_wait3A_1210] : memref<4x512x32xf32, #tpu.memory_space<vmem>> -> memref<1x512x32xf32, #tpu.memory_space<vmem>>
    %dma_wait3A_1212 = tpu.memref_squeeze %dma_wait3A_1211 : memref<1x512x32xf32, #tpu.memory_space<vmem>> -> memref<512x32xf32, #tpu.memory_space<vmem>>
    tpu.wait_dma2 semaphore(%arg8 : memref<!tpu.dma_semaphore, #tpu.memory_space<semaphore_mem>>) src(%dma_wait3A_1212 : memref<512x32xf32, #tpu.memory_space<vmem>>) dst(%dma_wait3A_1208 : memref<512x32xf32, #tpu.memory_space<hbm>>)
    %dma_start3A_1213 = arith.constant 24 : i32
    %dma_start3A_1214 = arith.constant 0 : i32
    %dma_start3A_1215 = arith.constant 0 : i32
    %dma_start3A_1216 = arith.constant 0 : i32
    %dma_start3A_1217 = tpu.memref_slice %arg6[%dma_start3A_1214, %dma_start3A_1215, %dma_start3A_1216] : memref<4x512x32xf32, #tpu.memory_space<vmem>> -> memref<1x512x32xf32, #tpu.memory_space<vmem>>
    %dma_start3A_1218 = tpu.memref_squeeze %dma_start3A_1217 : memref<1x512x32xf32, #tpu.memory_space<vmem>> -> memref<512x32xf32, #tpu.memory_space<vmem>>
    %dma_start3A_1219 = arith.constant 0 : i32
    %dma_start3A_1220 = tpu.memref_slice %arg5[%dma_start3A_1213, %dma_start3A_1219] : memref<50x512xi32, #tpu.memory_space<vmem>> -> memref<1x512xi32, #tpu.memory_space<vmem>>
    %dma_start3A_1221 = tpu.memref_squeeze %dma_start3A_1220 : memref<1x512xi32, #tpu.memory_space<vmem>> -> memref<512xi32, #tpu.memory_space<vmem>>
    %dma_start3A_1222 = arith.constant 0 : i32
    %dma_start3A_1223 = arith.constant 0 : i32
    %dma_start3A_1224 = tpu.memref_slice %arg3[%dma_start3A_1222, %dma_start3A_1223] : memref<1000000x32xf32, #tpu.memory_space<hbm>> -> memref<1000000x32xf32, #tpu.memory_space<hbm>>
    tpu.enqueue_indirect_dma source(%dma_start3A_1224 : memref<1000000x32xf32, #tpu.memory_space<hbm>>) target(%dma_start3A_1218 : memref<512x32xf32, #tpu.memory_space<vmem>>) offsets(%dma_start3A_1221 : memref<512xi32, #tpu.memory_space<vmem>>) semaphore(%arg7 : memref<!tpu.dma_semaphore, #tpu.memory_space<semaphore_mem>>)
    %dma_wait3A_1225 = arith.constant 21 : i32
    %dma_wait3A_1226 = arith.constant 1 : i32
    %dma_wait3A_1227 = arith.constant 0 : i32
    %dma_wait3A_1228 = arith.constant 0 : i32
    %dma_wait3A_1229 = tpu.memref_slice %arg6[%dma_wait3A_1226, %dma_wait3A_1227, %dma_wait3A_1228] : memref<4x512x32xf32, #tpu.memory_space<vmem>> -> memref<1x512x32xf32, #tpu.memory_space<vmem>>
    %dma_wait3A_1230 = tpu.memref_squeeze %dma_wait3A_1229 : memref<1x512x32xf32, #tpu.memory_space<vmem>> -> memref<512x32xf32, #tpu.memory_space<vmem>>
    %dma_wait3A_1231 = arith.constant 0 : i32
    %dma_wait3A_1232 = tpu.memref_slice %arg5[%dma_wait3A_1225, %dma_wait3A_1231] : memref<50x512xi32, #tpu.memory_space<vmem>> -> memref<1x512xi32, #tpu.memory_space<vmem>>
    %dma_wait3A_1233 = tpu.memref_squeeze %dma_wait3A_1232 : memref<1x512xi32, #tpu.memory_space<vmem>> -> memref<512xi32, #tpu.memory_space<vmem>>
    %dma_wait3A_1234 = arith.constant 0 : i32
    %dma_wait3A_1235 = arith.constant 0 : i32
    %dma_wait3A_1236 = tpu.memref_slice %arg3[%dma_wait3A_1234, %dma_wait3A_1235] : memref<1000000x32xf32, #tpu.memory_space<hbm>> -> memref<1000000x32xf32, #tpu.memory_space<hbm>>
    tpu.wait_indirect_dma semaphore(%arg7 : memref<!tpu.dma_semaphore, #tpu.memory_space<semaphore_mem>>) src(%dma_wait3A_1236 : memref<1000000x32xf32, #tpu.memory_space<hbm>>) dst(%dma_wait3A_1230 : memref<512x32xf32, #tpu.memory_space<vmem>>)
    %dma_start3A_1237 = arith.constant 1 : i32
    %dma_start3A_1238 = arith.constant 21 : i32
    %dma_start3A_1239 = arith.constant 0 : i32
    %dma_start3A_1240 = arith.constant 0 : i32
    %dma_start3A_1241 = tpu.memref_slice %arg6[%dma_start3A_1237, %dma_start3A_1239, %dma_start3A_1240] : memref<4x512x32xf32, #tpu.memory_space<vmem>> -> memref<1x512x32xf32, #tpu.memory_space<vmem>>
    %dma_start3A_1242 = tpu.memref_squeeze %dma_start3A_1241 : memref<1x512x32xf32, #tpu.memory_space<vmem>> -> memref<512x32xf32, #tpu.memory_space<vmem>>
    %dma_start3A_1243 = arith.constant 0 : i32
    %dma_start3A_1244 = tpu.memref_slice %arg4[%mul3A_2, %dma_start3A_1238, %dma_start3A_1243] : memref<16384x50x32xf32, #tpu.memory_space<hbm>> -> memref<512x1x32xf32, #tpu.memory_space<hbm>>
    %dma_start3A_1245 = tpu.memref_squeeze %dma_start3A_1244 : memref<512x1x32xf32, #tpu.memory_space<hbm>> -> memref<512x32xf32, #tpu.memory_space<hbm>>
    %dma_start3A_1246 = arith.constant 0 : i32
    %dma_start3A_1247 = tpu.memref_slice %arg4[%mul3A_2, %dma_start3A_1238, %dma_start3A_1246] : memref<16384x50x32xf32, #tpu.memory_space<hbm>> -> memref<512x1x32xf32, #tpu.memory_space<hbm>>
    %dma_start3A_1248 = tpu.memref_squeeze %dma_start3A_1247 : memref<512x1x32xf32, #tpu.memory_space<hbm>> -> memref<512x32xf32, #tpu.memory_space<hbm>>
    %dma_start3A_1249 = arith.constant 0 : i32
    %dma_start3A_1250 = arith.constant 0 : i32
    %dma_start3A_1251 = tpu.memref_slice %arg6[%dma_start3A_1237, %dma_start3A_1249, %dma_start3A_1250] : memref<4x512x32xf32, #tpu.memory_space<vmem>> -> memref<1x512x32xf32, #tpu.memory_space<vmem>>
    %dma_start3A_1252 = tpu.memref_squeeze %dma_start3A_1251 : memref<1x512x32xf32, #tpu.memory_space<vmem>> -> memref<512x32xf32, #tpu.memory_space<vmem>>
    tpu.enqueue_dma source(%dma_start3A_1252 : memref<512x32xf32, #tpu.memory_space<vmem>>) target(%dma_start3A_1248 : memref<512x32xf32, #tpu.memory_space<hbm>>) target_semaphore(%arg8 : memref<!tpu.dma_semaphore, #tpu.memory_space<semaphore_mem>>)
    %dma_wait3A_1253 = arith.constant 1 : i32
    %dma_wait3A_1254 = arith.constant 21 : i32
    %dma_wait3A_1255 = arith.constant 0 : i32
    %dma_wait3A_1256 = arith.constant 0 : i32
    %dma_wait3A_1257 = tpu.memref_slice %arg6[%dma_wait3A_1253, %dma_wait3A_1255, %dma_wait3A_1256] : memref<4x512x32xf32, #tpu.memory_space<vmem>> -> memref<1x512x32xf32, #tpu.memory_space<vmem>>
    %dma_wait3A_1258 = tpu.memref_squeeze %dma_wait3A_1257 : memref<1x512x32xf32, #tpu.memory_space<vmem>> -> memref<512x32xf32, #tpu.memory_space<vmem>>
    %dma_wait3A_1259 = arith.constant 0 : i32
    %dma_wait3A_1260 = tpu.memref_slice %arg4[%mul3A_2, %dma_wait3A_1254, %dma_wait3A_1259] : memref<16384x50x32xf32, #tpu.memory_space<hbm>> -> memref<512x1x32xf32, #tpu.memory_space<hbm>>
    %dma_wait3A_1261 = tpu.memref_squeeze %dma_wait3A_1260 : memref<512x1x32xf32, #tpu.memory_space<hbm>> -> memref<512x32xf32, #tpu.memory_space<hbm>>
    %dma_wait3A_1262 = arith.constant 0 : i32
    %dma_wait3A_1263 = tpu.memref_slice %arg4[%mul3A_2, %dma_wait3A_1254, %dma_wait3A_1262] : memref<16384x50x32xf32, #tpu.memory_space<hbm>> -> memref<512x1x32xf32, #tpu.memory_space<hbm>>
    %dma_wait3A_1264 = tpu.memref_squeeze %dma_wait3A_1263 : memref<512x1x32xf32, #tpu.memory_space<hbm>> -> memref<512x32xf32, #tpu.memory_space<hbm>>
    %dma_wait3A_1265 = arith.constant 0 : i32
    %dma_wait3A_1266 = arith.constant 0 : i32
    %dma_wait3A_1267 = tpu.memref_slice %arg6[%dma_wait3A_1253, %dma_wait3A_1265, %dma_wait3A_1266] : memref<4x512x32xf32, #tpu.memory_space<vmem>> -> memref<1x512x32xf32, #tpu.memory_space<vmem>>
    %dma_wait3A_1268 = tpu.memref_squeeze %dma_wait3A_1267 : memref<1x512x32xf32, #tpu.memory_space<vmem>> -> memref<512x32xf32, #tpu.memory_space<vmem>>
    tpu.wait_dma2 semaphore(%arg8 : memref<!tpu.dma_semaphore, #tpu.memory_space<semaphore_mem>>) src(%dma_wait3A_1268 : memref<512x32xf32, #tpu.memory_space<vmem>>) dst(%dma_wait3A_1264 : memref<512x32xf32, #tpu.memory_space<hbm>>)
    %dma_start3A_1269 = arith.constant 25 : i32
    %dma_start3A_1270 = arith.constant 1 : i32
    %dma_start3A_1271 = arith.constant 0 : i32
    %dma_start3A_1272 = arith.constant 0 : i32
    %dma_start3A_1273 = tpu.memref_slice %arg6[%dma_start3A_1270, %dma_start3A_1271, %dma_start3A_1272] : memref<4x512x32xf32, #tpu.memory_space<vmem>> -> memref<1x512x32xf32, #tpu.memory_space<vmem>>
    %dma_start3A_1274 = tpu.memref_squeeze %dma_start3A_1273 : memref<1x512x32xf32, #tpu.memory_space<vmem>> -> memref<512x32xf32, #tpu.memory_space<vmem>>
    %dma_start3A_1275 = arith.constant 0 : i32
    %dma_start3A_1276 = tpu.memref_slice %arg5[%dma_start3A_1269, %dma_start3A_1275] : memref<50x512xi32, #tpu.memory_space<vmem>> -> memref<1x512xi32, #tpu.memory_space<vmem>>
    %dma_start3A_1277 = tpu.memref_squeeze %dma_start3A_1276 : memref<1x512xi32, #tpu.memory_space<vmem>> -> memref<512xi32, #tpu.memory_space<vmem>>
    %dma_start3A_1278 = arith.constant 0 : i32
    %dma_start3A_1279 = arith.constant 0 : i32
    %dma_start3A_1280 = tpu.memref_slice %arg3[%dma_start3A_1278, %dma_start3A_1279] : memref<1000000x32xf32, #tpu.memory_space<hbm>> -> memref<1000000x32xf32, #tpu.memory_space<hbm>>
    tpu.enqueue_indirect_dma source(%dma_start3A_1280 : memref<1000000x32xf32, #tpu.memory_space<hbm>>) target(%dma_start3A_1274 : memref<512x32xf32, #tpu.memory_space<vmem>>) offsets(%dma_start3A_1277 : memref<512xi32, #tpu.memory_space<vmem>>) semaphore(%arg7 : memref<!tpu.dma_semaphore, #tpu.memory_space<semaphore_mem>>)
    %dma_wait3A_1281 = arith.constant 22 : i32
    %dma_wait3A_1282 = arith.constant 2 : i32
    %dma_wait3A_1283 = arith.constant 0 : i32
    %dma_wait3A_1284 = arith.constant 0 : i32
    %dma_wait3A_1285 = tpu.memref_slice %arg6[%dma_wait3A_1282, %dma_wait3A_1283, %dma_wait3A_1284] : memref<4x512x32xf32, #tpu.memory_space<vmem>> -> memref<1x512x32xf32, #tpu.memory_space<vmem>>
    %dma_wait3A_1286 = tpu.memref_squeeze %dma_wait3A_1285 : memref<1x512x32xf32, #tpu.memory_space<vmem>> -> memref<512x32xf32, #tpu.memory_space<vmem>>
    %dma_wait3A_1287 = arith.constant 0 : i32
    %dma_wait3A_1288 = tpu.memref_slice %arg5[%dma_wait3A_1281, %dma_wait3A_1287] : memref<50x512xi32, #tpu.memory_space<vmem>> -> memref<1x512xi32, #tpu.memory_space<vmem>>
    %dma_wait3A_1289 = tpu.memref_squeeze %dma_wait3A_1288 : memref<1x512xi32, #tpu.memory_space<vmem>> -> memref<512xi32, #tpu.memory_space<vmem>>
    %dma_wait3A_1290 = arith.constant 0 : i32
    %dma_wait3A_1291 = arith.constant 0 : i32
    %dma_wait3A_1292 = tpu.memref_slice %arg3[%dma_wait3A_1290, %dma_wait3A_1291] : memref<1000000x32xf32, #tpu.memory_space<hbm>> -> memref<1000000x32xf32, #tpu.memory_space<hbm>>
    tpu.wait_indirect_dma semaphore(%arg7 : memref<!tpu.dma_semaphore, #tpu.memory_space<semaphore_mem>>) src(%dma_wait3A_1292 : memref<1000000x32xf32, #tpu.memory_space<hbm>>) dst(%dma_wait3A_1286 : memref<512x32xf32, #tpu.memory_space<vmem>>)
    %dma_start3A_1293 = arith.constant 2 : i32
    %dma_start3A_1294 = arith.constant 22 : i32
    %dma_start3A_1295 = arith.constant 0 : i32
    %dma_start3A_1296 = arith.constant 0 : i32
    %dma_start3A_1297 = tpu.memref_slice %arg6[%dma_start3A_1293, %dma_start3A_1295, %dma_start3A_1296] : memref<4x512x32xf32, #tpu.memory_space<vmem>> -> memref<1x512x32xf32, #tpu.memory_space<vmem>>
    %dma_start3A_1298 = tpu.memref_squeeze %dma_start3A_1297 : memref<1x512x32xf32, #tpu.memory_space<vmem>> -> memref<512x32xf32, #tpu.memory_space<vmem>>
    %dma_start3A_1299 = arith.constant 0 : i32
    %dma_start3A_1300 = tpu.memref_slice %arg4[%mul3A_2, %dma_start3A_1294, %dma_start3A_1299] : memref<16384x50x32xf32, #tpu.memory_space<hbm>> -> memref<512x1x32xf32, #tpu.memory_space<hbm>>
    %dma_start3A_1301 = tpu.memref_squeeze %dma_start3A_1300 : memref<512x1x32xf32, #tpu.memory_space<hbm>> -> memref<512x32xf32, #tpu.memory_space<hbm>>
    %dma_start3A_1302 = arith.constant 0 : i32
    %dma_start3A_1303 = tpu.memref_slice %arg4[%mul3A_2, %dma_start3A_1294, %dma_start3A_1302] : memref<16384x50x32xf32, #tpu.memory_space<hbm>> -> memref<512x1x32xf32, #tpu.memory_space<hbm>>
    %dma_start3A_1304 = tpu.memref_squeeze %dma_start3A_1303 : memref<512x1x32xf32, #tpu.memory_space<hbm>> -> memref<512x32xf32, #tpu.memory_space<hbm>>
    %dma_start3A_1305 = arith.constant 0 : i32
    %dma_start3A_1306 = arith.constant 0 : i32
    %dma_start3A_1307 = tpu.memref_slice %arg6[%dma_start3A_1293, %dma_start3A_1305, %dma_start3A_1306] : memref<4x512x32xf32, #tpu.memory_space<vmem>> -> memref<1x512x32xf32, #tpu.memory_space<vmem>>
    %dma_start3A_1308 = tpu.memref_squeeze %dma_start3A_1307 : memref<1x512x32xf32, #tpu.memory_space<vmem>> -> memref<512x32xf32, #tpu.memory_space<vmem>>
    tpu.enqueue_dma source(%dma_start3A_1308 : memref<512x32xf32, #tpu.memory_space<vmem>>) target(%dma_start3A_1304 : memref<512x32xf32, #tpu.memory_space<hbm>>) target_semaphore(%arg8 : memref<!tpu.dma_semaphore, #tpu.memory_space<semaphore_mem>>)
    %dma_wait3A_1309 = arith.constant 2 : i32
    %dma_wait3A_1310 = arith.constant 22 : i32
    %dma_wait3A_1311 = arith.constant 0 : i32
    %dma_wait3A_1312 = arith.constant 0 : i32
    %dma_wait3A_1313 = tpu.memref_slice %arg6[%dma_wait3A_1309, %dma_wait3A_1311, %dma_wait3A_1312] : memref<4x512x32xf32, #tpu.memory_space<vmem>> -> memref<1x512x32xf32, #tpu.memory_space<vmem>>
    %dma_wait3A_1314 = tpu.memref_squeeze %dma_wait3A_1313 : memref<1x512x32xf32, #tpu.memory_space<vmem>> -> memref<512x32xf32, #tpu.memory_space<vmem>>
    %dma_wait3A_1315 = arith.constant 0 : i32
    %dma_wait3A_1316 = tpu.memref_slice %arg4[%mul3A_2, %dma_wait3A_1310, %dma_wait3A_1315] : memref<16384x50x32xf32, #tpu.memory_space<hbm>> -> memref<512x1x32xf32, #tpu.memory_space<hbm>>
    %dma_wait3A_1317 = tpu.memref_squeeze %dma_wait3A_1316 : memref<512x1x32xf32, #tpu.memory_space<hbm>> -> memref<512x32xf32, #tpu.memory_space<hbm>>
    %dma_wait3A_1318 = arith.constant 0 : i32
    %dma_wait3A_1319 = tpu.memref_slice %arg4[%mul3A_2, %dma_wait3A_1310, %dma_wait3A_1318] : memref<16384x50x32xf32, #tpu.memory_space<hbm>> -> memref<512x1x32xf32, #tpu.memory_space<hbm>>
    %dma_wait3A_1320 = tpu.memref_squeeze %dma_wait3A_1319 : memref<512x1x32xf32, #tpu.memory_space<hbm>> -> memref<512x32xf32, #tpu.memory_space<hbm>>
    %dma_wait3A_1321 = arith.constant 0 : i32
    %dma_wait3A_1322 = arith.constant 0 : i32
    %dma_wait3A_1323 = tpu.memref_slice %arg6[%dma_wait3A_1309, %dma_wait3A_1321, %dma_wait3A_1322] : memref<4x512x32xf32, #tpu.memory_space<vmem>> -> memref<1x512x32xf32, #tpu.memory_space<vmem>>
    %dma_wait3A_1324 = tpu.memref_squeeze %dma_wait3A_1323 : memref<1x512x32xf32, #tpu.memory_space<vmem>> -> memref<512x32xf32, #tpu.memory_space<vmem>>
    tpu.wait_dma2 semaphore(%arg8 : memref<!tpu.dma_semaphore, #tpu.memory_space<semaphore_mem>>) src(%dma_wait3A_1324 : memref<512x32xf32, #tpu.memory_space<vmem>>) dst(%dma_wait3A_1320 : memref<512x32xf32, #tpu.memory_space<hbm>>)
    %dma_start3A_1325 = arith.constant 26 : i32
    %dma_start3A_1326 = arith.constant 2 : i32
    %dma_start3A_1327 = arith.constant 0 : i32
    %dma_start3A_1328 = arith.constant 0 : i32
    %dma_start3A_1329 = tpu.memref_slice %arg6[%dma_start3A_1326, %dma_start3A_1327, %dma_start3A_1328] : memref<4x512x32xf32, #tpu.memory_space<vmem>> -> memref<1x512x32xf32, #tpu.memory_space<vmem>>
    %dma_start3A_1330 = tpu.memref_squeeze %dma_start3A_1329 : memref<1x512x32xf32, #tpu.memory_space<vmem>> -> memref<512x32xf32, #tpu.memory_space<vmem>>
    %dma_start3A_1331 = arith.constant 0 : i32
    %dma_start3A_1332 = tpu.memref_slice %arg5[%dma_start3A_1325, %dma_start3A_1331] : memref<50x512xi32, #tpu.memory_space<vmem>> -> memref<1x512xi32, #tpu.memory_space<vmem>>
    %dma_start3A_1333 = tpu.memref_squeeze %dma_start3A_1332 : memref<1x512xi32, #tpu.memory_space<vmem>> -> memref<512xi32, #tpu.memory_space<vmem>>
    %dma_start3A_1334 = arith.constant 0 : i32
    %dma_start3A_1335 = arith.constant 0 : i32
    %dma_start3A_1336 = tpu.memref_slice %arg3[%dma_start3A_1334, %dma_start3A_1335] : memref<1000000x32xf32, #tpu.memory_space<hbm>> -> memref<1000000x32xf32, #tpu.memory_space<hbm>>
    tpu.enqueue_indirect_dma source(%dma_start3A_1336 : memref<1000000x32xf32, #tpu.memory_space<hbm>>) target(%dma_start3A_1330 : memref<512x32xf32, #tpu.memory_space<vmem>>) offsets(%dma_start3A_1333 : memref<512xi32, #tpu.memory_space<vmem>>) semaphore(%arg7 : memref<!tpu.dma_semaphore, #tpu.memory_space<semaphore_mem>>)
    %dma_wait3A_1337 = arith.constant 23 : i32
    %dma_wait3A_1338 = arith.constant 3 : i32
    %dma_wait3A_1339 = arith.constant 0 : i32
    %dma_wait3A_1340 = arith.constant 0 : i32
    %dma_wait3A_1341 = tpu.memref_slice %arg6[%dma_wait3A_1338, %dma_wait3A_1339, %dma_wait3A_1340] : memref<4x512x32xf32, #tpu.memory_space<vmem>> -> memref<1x512x32xf32, #tpu.memory_space<vmem>>
    %dma_wait3A_1342 = tpu.memref_squeeze %dma_wait3A_1341 : memref<1x512x32xf32, #tpu.memory_space<vmem>> -> memref<512x32xf32, #tpu.memory_space<vmem>>
    %dma_wait3A_1343 = arith.constant 0 : i32
    %dma_wait3A_1344 = tpu.memref_slice %arg5[%dma_wait3A_1337, %dma_wait3A_1343] : memref<50x512xi32, #tpu.memory_space<vmem>> -> memref<1x512xi32, #tpu.memory_space<vmem>>
    %dma_wait3A_1345 = tpu.memref_squeeze %dma_wait3A_1344 : memref<1x512xi32, #tpu.memory_space<vmem>> -> memref<512xi32, #tpu.memory_space<vmem>>
    %dma_wait3A_1346 = arith.constant 0 : i32
    %dma_wait3A_1347 = arith.constant 0 : i32
    %dma_wait3A_1348 = tpu.memref_slice %arg3[%dma_wait3A_1346, %dma_wait3A_1347] : memref<1000000x32xf32, #tpu.memory_space<hbm>> -> memref<1000000x32xf32, #tpu.memory_space<hbm>>
    tpu.wait_indirect_dma semaphore(%arg7 : memref<!tpu.dma_semaphore, #tpu.memory_space<semaphore_mem>>) src(%dma_wait3A_1348 : memref<1000000x32xf32, #tpu.memory_space<hbm>>) dst(%dma_wait3A_1342 : memref<512x32xf32, #tpu.memory_space<vmem>>)
    %dma_start3A_1349 = arith.constant 3 : i32
    %dma_start3A_1350 = arith.constant 23 : i32
    %dma_start3A_1351 = arith.constant 0 : i32
    %dma_start3A_1352 = arith.constant 0 : i32
    %dma_start3A_1353 = tpu.memref_slice %arg6[%dma_start3A_1349, %dma_start3A_1351, %dma_start3A_1352] : memref<4x512x32xf32, #tpu.memory_space<vmem>> -> memref<1x512x32xf32, #tpu.memory_space<vmem>>
    %dma_start3A_1354 = tpu.memref_squeeze %dma_start3A_1353 : memref<1x512x32xf32, #tpu.memory_space<vmem>> -> memref<512x32xf32, #tpu.memory_space<vmem>>
    %dma_start3A_1355 = arith.constant 0 : i32
    %dma_start3A_1356 = tpu.memref_slice %arg4[%mul3A_2, %dma_start3A_1350, %dma_start3A_1355] : memref<16384x50x32xf32, #tpu.memory_space<hbm>> -> memref<512x1x32xf32, #tpu.memory_space<hbm>>
    %dma_start3A_1357 = tpu.memref_squeeze %dma_start3A_1356 : memref<512x1x32xf32, #tpu.memory_space<hbm>> -> memref<512x32xf32, #tpu.memory_space<hbm>>
    %dma_start3A_1358 = arith.constant 0 : i32
    %dma_start3A_1359 = tpu.memref_slice %arg4[%mul3A_2, %dma_start3A_1350, %dma_start3A_1358] : memref<16384x50x32xf32, #tpu.memory_space<hbm>> -> memref<512x1x32xf32, #tpu.memory_space<hbm>>
    %dma_start3A_1360 = tpu.memref_squeeze %dma_start3A_1359 : memref<512x1x32xf32, #tpu.memory_space<hbm>> -> memref<512x32xf32, #tpu.memory_space<hbm>>
    %dma_start3A_1361 = arith.constant 0 : i32
    %dma_start3A_1362 = arith.constant 0 : i32
    %dma_start3A_1363 = tpu.memref_slice %arg6[%dma_start3A_1349, %dma_start3A_1361, %dma_start3A_1362] : memref<4x512x32xf32, #tpu.memory_space<vmem>> -> memref<1x512x32xf32, #tpu.memory_space<vmem>>
    %dma_start3A_1364 = tpu.memref_squeeze %dma_start3A_1363 : memref<1x512x32xf32, #tpu.memory_space<vmem>> -> memref<512x32xf32, #tpu.memory_space<vmem>>
    tpu.enqueue_dma source(%dma_start3A_1364 : memref<512x32xf32, #tpu.memory_space<vmem>>) target(%dma_start3A_1360 : memref<512x32xf32, #tpu.memory_space<hbm>>) target_semaphore(%arg8 : memref<!tpu.dma_semaphore, #tpu.memory_space<semaphore_mem>>)
    %dma_wait3A_1365 = arith.constant 3 : i32
    %dma_wait3A_1366 = arith.constant 23 : i32
    %dma_wait3A_1367 = arith.constant 0 : i32
    %dma_wait3A_1368 = arith.constant 0 : i32
    %dma_wait3A_1369 = tpu.memref_slice %arg6[%dma_wait3A_1365, %dma_wait3A_1367, %dma_wait3A_1368] : memref<4x512x32xf32, #tpu.memory_space<vmem>> -> memref<1x512x32xf32, #tpu.memory_space<vmem>>
    %dma_wait3A_1370 = tpu.memref_squeeze %dma_wait3A_1369 : memref<1x512x32xf32, #tpu.memory_space<vmem>> -> memref<512x32xf32, #tpu.memory_space<vmem>>
    %dma_wait3A_1371 = arith.constant 0 : i32
    %dma_wait3A_1372 = tpu.memref_slice %arg4[%mul3A_2, %dma_wait3A_1366, %dma_wait3A_1371] : memref<16384x50x32xf32, #tpu.memory_space<hbm>> -> memref<512x1x32xf32, #tpu.memory_space<hbm>>
    %dma_wait3A_1373 = tpu.memref_squeeze %dma_wait3A_1372 : memref<512x1x32xf32, #tpu.memory_space<hbm>> -> memref<512x32xf32, #tpu.memory_space<hbm>>
    %dma_wait3A_1374 = arith.constant 0 : i32
    %dma_wait3A_1375 = tpu.memref_slice %arg4[%mul3A_2, %dma_wait3A_1366, %dma_wait3A_1374] : memref<16384x50x32xf32, #tpu.memory_space<hbm>> -> memref<512x1x32xf32, #tpu.memory_space<hbm>>
    %dma_wait3A_1376 = tpu.memref_squeeze %dma_wait3A_1375 : memref<512x1x32xf32, #tpu.memory_space<hbm>> -> memref<512x32xf32, #tpu.memory_space<hbm>>
    %dma_wait3A_1377 = arith.constant 0 : i32
    %dma_wait3A_1378 = arith.constant 0 : i32
    %dma_wait3A_1379 = tpu.memref_slice %arg6[%dma_wait3A_1365, %dma_wait3A_1377, %dma_wait3A_1378] : memref<4x512x32xf32, #tpu.memory_space<vmem>> -> memref<1x512x32xf32, #tpu.memory_space<vmem>>
    %dma_wait3A_1380 = tpu.memref_squeeze %dma_wait3A_1379 : memref<1x512x32xf32, #tpu.memory_space<vmem>> -> memref<512x32xf32, #tpu.memory_space<vmem>>
    tpu.wait_dma2 semaphore(%arg8 : memref<!tpu.dma_semaphore, #tpu.memory_space<semaphore_mem>>) src(%dma_wait3A_1380 : memref<512x32xf32, #tpu.memory_space<vmem>>) dst(%dma_wait3A_1376 : memref<512x32xf32, #tpu.memory_space<hbm>>)
    %dma_start3A_1381 = arith.constant 27 : i32
    %dma_start3A_1382 = arith.constant 3 : i32
    %dma_start3A_1383 = arith.constant 0 : i32
    %dma_start3A_1384 = arith.constant 0 : i32
    %dma_start3A_1385 = tpu.memref_slice %arg6[%dma_start3A_1382, %dma_start3A_1383, %dma_start3A_1384] : memref<4x512x32xf32, #tpu.memory_space<vmem>> -> memref<1x512x32xf32, #tpu.memory_space<vmem>>
    %dma_start3A_1386 = tpu.memref_squeeze %dma_start3A_1385 : memref<1x512x32xf32, #tpu.memory_space<vmem>> -> memref<512x32xf32, #tpu.memory_space<vmem>>
    %dma_start3A_1387 = arith.constant 0 : i32
    %dma_start3A_1388 = tpu.memref_slice %arg5[%dma_start3A_1381, %dma_start3A_1387] : memref<50x512xi32, #tpu.memory_space<vmem>> -> memref<1x512xi32, #tpu.memory_space<vmem>>
    %dma_start3A_1389 = tpu.memref_squeeze %dma_start3A_1388 : memref<1x512xi32, #tpu.memory_space<vmem>> -> memref<512xi32, #tpu.memory_space<vmem>>
    %dma_start3A_1390 = arith.constant 0 : i32
    %dma_start3A_1391 = arith.constant 0 : i32
    %dma_start3A_1392 = tpu.memref_slice %arg3[%dma_start3A_1390, %dma_start3A_1391] : memref<1000000x32xf32, #tpu.memory_space<hbm>> -> memref<1000000x32xf32, #tpu.memory_space<hbm>>
    tpu.enqueue_indirect_dma source(%dma_start3A_1392 : memref<1000000x32xf32, #tpu.memory_space<hbm>>) target(%dma_start3A_1386 : memref<512x32xf32, #tpu.memory_space<vmem>>) offsets(%dma_start3A_1389 : memref<512xi32, #tpu.memory_space<vmem>>) semaphore(%arg7 : memref<!tpu.dma_semaphore, #tpu.memory_space<semaphore_mem>>)
    %dma_wait3A_1393 = arith.constant 24 : i32
    %dma_wait3A_1394 = arith.constant 0 : i32
    %dma_wait3A_1395 = arith.constant 0 : i32
    %dma_wait3A_1396 = arith.constant 0 : i32
    %dma_wait3A_1397 = tpu.memref_slice %arg6[%dma_wait3A_1394, %dma_wait3A_1395, %dma_wait3A_1396] : memref<4x512x32xf32, #tpu.memory_space<vmem>> -> memref<1x512x32xf32, #tpu.memory_space<vmem>>
    %dma_wait3A_1398 = tpu.memref_squeeze %dma_wait3A_1397 : memref<1x512x32xf32, #tpu.memory_space<vmem>> -> memref<512x32xf32, #tpu.memory_space<vmem>>
    %dma_wait3A_1399 = arith.constant 0 : i32
    %dma_wait3A_1400 = tpu.memref_slice %arg5[%dma_wait3A_1393, %dma_wait3A_1399] : memref<50x512xi32, #tpu.memory_space<vmem>> -> memref<1x512xi32, #tpu.memory_space<vmem>>
    %dma_wait3A_1401 = tpu.memref_squeeze %dma_wait3A_1400 : memref<1x512xi32, #tpu.memory_space<vmem>> -> memref<512xi32, #tpu.memory_space<vmem>>
    %dma_wait3A_1402 = arith.constant 0 : i32
    %dma_wait3A_1403 = arith.constant 0 : i32
    %dma_wait3A_1404 = tpu.memref_slice %arg3[%dma_wait3A_1402, %dma_wait3A_1403] : memref<1000000x32xf32, #tpu.memory_space<hbm>> -> memref<1000000x32xf32, #tpu.memory_space<hbm>>
    tpu.wait_indirect_dma semaphore(%arg7 : memref<!tpu.dma_semaphore, #tpu.memory_space<semaphore_mem>>) src(%dma_wait3A_1404 : memref<1000000x32xf32, #tpu.memory_space<hbm>>) dst(%dma_wait3A_1398 : memref<512x32xf32, #tpu.memory_space<vmem>>)
    %dma_start3A_1405 = arith.constant 0 : i32
    %dma_start3A_1406 = arith.constant 24 : i32
    %dma_start3A_1407 = arith.constant 0 : i32
    %dma_start3A_1408 = arith.constant 0 : i32
    %dma_start3A_1409 = tpu.memref_slice %arg6[%dma_start3A_1405, %dma_start3A_1407, %dma_start3A_1408] : memref<4x512x32xf32, #tpu.memory_space<vmem>> -> memref<1x512x32xf32, #tpu.memory_space<vmem>>
    %dma_start3A_1410 = tpu.memref_squeeze %dma_start3A_1409 : memref<1x512x32xf32, #tpu.memory_space<vmem>> -> memref<512x32xf32, #tpu.memory_space<vmem>>
    %dma_start3A_1411 = arith.constant 0 : i32
    %dma_start3A_1412 = tpu.memref_slice %arg4[%mul3A_2, %dma_start3A_1406, %dma_start3A_1411] : memref<16384x50x32xf32, #tpu.memory_space<hbm>> -> memref<512x1x32xf32, #tpu.memory_space<hbm>>
    %dma_start3A_1413 = tpu.memref_squeeze %dma_start3A_1412 : memref<512x1x32xf32, #tpu.memory_space<hbm>> -> memref<512x32xf32, #tpu.memory_space<hbm>>
    %dma_start3A_1414 = arith.constant 0 : i32
    %dma_start3A_1415 = tpu.memref_slice %arg4[%mul3A_2, %dma_start3A_1406, %dma_start3A_1414] : memref<16384x50x32xf32, #tpu.memory_space<hbm>> -> memref<512x1x32xf32, #tpu.memory_space<hbm>>
    %dma_start3A_1416 = tpu.memref_squeeze %dma_start3A_1415 : memref<512x1x32xf32, #tpu.memory_space<hbm>> -> memref<512x32xf32, #tpu.memory_space<hbm>>
    %dma_start3A_1417 = arith.constant 0 : i32
    %dma_start3A_1418 = arith.constant 0 : i32
    %dma_start3A_1419 = tpu.memref_slice %arg6[%dma_start3A_1405, %dma_start3A_1417, %dma_start3A_1418] : memref<4x512x32xf32, #tpu.memory_space<vmem>> -> memref<1x512x32xf32, #tpu.memory_space<vmem>>
    %dma_start3A_1420 = tpu.memref_squeeze %dma_start3A_1419 : memref<1x512x32xf32, #tpu.memory_space<vmem>> -> memref<512x32xf32, #tpu.memory_space<vmem>>
    tpu.enqueue_dma source(%dma_start3A_1420 : memref<512x32xf32, #tpu.memory_space<vmem>>) target(%dma_start3A_1416 : memref<512x32xf32, #tpu.memory_space<hbm>>) target_semaphore(%arg8 : memref<!tpu.dma_semaphore, #tpu.memory_space<semaphore_mem>>)
    %dma_wait3A_1421 = arith.constant 0 : i32
    %dma_wait3A_1422 = arith.constant 24 : i32
    %dma_wait3A_1423 = arith.constant 0 : i32
    %dma_wait3A_1424 = arith.constant 0 : i32
    %dma_wait3A_1425 = tpu.memref_slice %arg6[%dma_wait3A_1421, %dma_wait3A_1423, %dma_wait3A_1424] : memref<4x512x32xf32, #tpu.memory_space<vmem>> -> memref<1x512x32xf32, #tpu.memory_space<vmem>>
    %dma_wait3A_1426 = tpu.memref_squeeze %dma_wait3A_1425 : memref<1x512x32xf32, #tpu.memory_space<vmem>> -> memref<512x32xf32, #tpu.memory_space<vmem>>
    %dma_wait3A_1427 = arith.constant 0 : i32
    %dma_wait3A_1428 = tpu.memref_slice %arg4[%mul3A_2, %dma_wait3A_1422, %dma_wait3A_1427] : memref<16384x50x32xf32, #tpu.memory_space<hbm>> -> memref<512x1x32xf32, #tpu.memory_space<hbm>>
    %dma_wait3A_1429 = tpu.memref_squeeze %dma_wait3A_1428 : memref<512x1x32xf32, #tpu.memory_space<hbm>> -> memref<512x32xf32, #tpu.memory_space<hbm>>
    %dma_wait3A_1430 = arith.constant 0 : i32
    %dma_wait3A_1431 = tpu.memref_slice %arg4[%mul3A_2, %dma_wait3A_1422, %dma_wait3A_1430] : memref<16384x50x32xf32, #tpu.memory_space<hbm>> -> memref<512x1x32xf32, #tpu.memory_space<hbm>>
    %dma_wait3A_1432 = tpu.memref_squeeze %dma_wait3A_1431 : memref<512x1x32xf32, #tpu.memory_space<hbm>> -> memref<512x32xf32, #tpu.memory_space<hbm>>
    %dma_wait3A_1433 = arith.constant 0 : i32
    %dma_wait3A_1434 = arith.constant 0 : i32
    %dma_wait3A_1435 = tpu.memref_slice %arg6[%dma_wait3A_1421, %dma_wait3A_1433, %dma_wait3A_1434] : memref<4x512x32xf32, #tpu.memory_space<vmem>> -> memref<1x512x32xf32, #tpu.memory_space<vmem>>
    %dma_wait3A_1436 = tpu.memref_squeeze %dma_wait3A_1435 : memref<1x512x32xf32, #tpu.memory_space<vmem>> -> memref<512x32xf32, #tpu.memory_space<vmem>>
    tpu.wait_dma2 semaphore(%arg8 : memref<!tpu.dma_semaphore, #tpu.memory_space<semaphore_mem>>) src(%dma_wait3A_1436 : memref<512x32xf32, #tpu.memory_space<vmem>>) dst(%dma_wait3A_1432 : memref<512x32xf32, #tpu.memory_space<hbm>>)
    %dma_start3A_1437 = arith.constant 28 : i32
    %dma_start3A_1438 = arith.constant 0 : i32
    %dma_start3A_1439 = arith.constant 0 : i32
    %dma_start3A_1440 = arith.constant 0 : i32
    %dma_start3A_1441 = tpu.memref_slice %arg6[%dma_start3A_1438, %dma_start3A_1439, %dma_start3A_1440] : memref<4x512x32xf32, #tpu.memory_space<vmem>> -> memref<1x512x32xf32, #tpu.memory_space<vmem>>
    %dma_start3A_1442 = tpu.memref_squeeze %dma_start3A_1441 : memref<1x512x32xf32, #tpu.memory_space<vmem>> -> memref<512x32xf32, #tpu.memory_space<vmem>>
    %dma_start3A_1443 = arith.constant 0 : i32
    %dma_start3A_1444 = tpu.memref_slice %arg5[%dma_start3A_1437, %dma_start3A_1443] : memref<50x512xi32, #tpu.memory_space<vmem>> -> memref<1x512xi32, #tpu.memory_space<vmem>>
    %dma_start3A_1445 = tpu.memref_squeeze %dma_start3A_1444 : memref<1x512xi32, #tpu.memory_space<vmem>> -> memref<512xi32, #tpu.memory_space<vmem>>
    %dma_start3A_1446 = arith.constant 0 : i32
    %dma_start3A_1447 = arith.constant 0 : i32
    %dma_start3A_1448 = tpu.memref_slice %arg3[%dma_start3A_1446, %dma_start3A_1447] : memref<1000000x32xf32, #tpu.memory_space<hbm>> -> memref<1000000x32xf32, #tpu.memory_space<hbm>>
    tpu.enqueue_indirect_dma source(%dma_start3A_1448 : memref<1000000x32xf32, #tpu.memory_space<hbm>>) target(%dma_start3A_1442 : memref<512x32xf32, #tpu.memory_space<vmem>>) offsets(%dma_start3A_1445 : memref<512xi32, #tpu.memory_space<vmem>>) semaphore(%arg7 : memref<!tpu.dma_semaphore, #tpu.memory_space<semaphore_mem>>)
    %dma_wait3A_1449 = arith.constant 25 : i32
    %dma_wait3A_1450 = arith.constant 1 : i32
    %dma_wait3A_1451 = arith.constant 0 : i32
    %dma_wait3A_1452 = arith.constant 0 : i32
    %dma_wait3A_1453 = tpu.memref_slice %arg6[%dma_wait3A_1450, %dma_wait3A_1451, %dma_wait3A_1452] : memref<4x512x32xf32, #tpu.memory_space<vmem>> -> memref<1x512x32xf32, #tpu.memory_space<vmem>>
    %dma_wait3A_1454 = tpu.memref_squeeze %dma_wait3A_1453 : memref<1x512x32xf32, #tpu.memory_space<vmem>> -> memref<512x32xf32, #tpu.memory_space<vmem>>
    %dma_wait3A_1455 = arith.constant 0 : i32
    %dma_wait3A_1456 = tpu.memref_slice %arg5[%dma_wait3A_1449, %dma_wait3A_1455] : memref<50x512xi32, #tpu.memory_space<vmem>> -> memref<1x512xi32, #tpu.memory_space<vmem>>
    %dma_wait3A_1457 = tpu.memref_squeeze %dma_wait3A_1456 : memref<1x512xi32, #tpu.memory_space<vmem>> -> memref<512xi32, #tpu.memory_space<vmem>>
    %dma_wait3A_1458 = arith.constant 0 : i32
    %dma_wait3A_1459 = arith.constant 0 : i32
    %dma_wait3A_1460 = tpu.memref_slice %arg3[%dma_wait3A_1458, %dma_wait3A_1459] : memref<1000000x32xf32, #tpu.memory_space<hbm>> -> memref<1000000x32xf32, #tpu.memory_space<hbm>>
    tpu.wait_indirect_dma semaphore(%arg7 : memref<!tpu.dma_semaphore, #tpu.memory_space<semaphore_mem>>) src(%dma_wait3A_1460 : memref<1000000x32xf32, #tpu.memory_space<hbm>>) dst(%dma_wait3A_1454 : memref<512x32xf32, #tpu.memory_space<vmem>>)
    %dma_start3A_1461 = arith.constant 1 : i32
    %dma_start3A_1462 = arith.constant 25 : i32
    %dma_start3A_1463 = arith.constant 0 : i32
    %dma_start3A_1464 = arith.constant 0 : i32
    %dma_start3A_1465 = tpu.memref_slice %arg6[%dma_start3A_1461, %dma_start3A_1463, %dma_start3A_1464] : memref<4x512x32xf32, #tpu.memory_space<vmem>> -> memref<1x512x32xf32, #tpu.memory_space<vmem>>
    %dma_start3A_1466 = tpu.memref_squeeze %dma_start3A_1465 : memref<1x512x32xf32, #tpu.memory_space<vmem>> -> memref<512x32xf32, #tpu.memory_space<vmem>>
    %dma_start3A_1467 = arith.constant 0 : i32
    %dma_start3A_1468 = tpu.memref_slice %arg4[%mul3A_2, %dma_start3A_1462, %dma_start3A_1467] : memref<16384x50x32xf32, #tpu.memory_space<hbm>> -> memref<512x1x32xf32, #tpu.memory_space<hbm>>
    %dma_start3A_1469 = tpu.memref_squeeze %dma_start3A_1468 : memref<512x1x32xf32, #tpu.memory_space<hbm>> -> memref<512x32xf32, #tpu.memory_space<hbm>>
    %dma_start3A_1470 = arith.constant 0 : i32
    %dma_start3A_1471 = tpu.memref_slice %arg4[%mul3A_2, %dma_start3A_1462, %dma_start3A_1470] : memref<16384x50x32xf32, #tpu.memory_space<hbm>> -> memref<512x1x32xf32, #tpu.memory_space<hbm>>
    %dma_start3A_1472 = tpu.memref_squeeze %dma_start3A_1471 : memref<512x1x32xf32, #tpu.memory_space<hbm>> -> memref<512x32xf32, #tpu.memory_space<hbm>>
    %dma_start3A_1473 = arith.constant 0 : i32
    %dma_start3A_1474 = arith.constant 0 : i32
    %dma_start3A_1475 = tpu.memref_slice %arg6[%dma_start3A_1461, %dma_start3A_1473, %dma_start3A_1474] : memref<4x512x32xf32, #tpu.memory_space<vmem>> -> memref<1x512x32xf32, #tpu.memory_space<vmem>>
    %dma_start3A_1476 = tpu.memref_squeeze %dma_start3A_1475 : memref<1x512x32xf32, #tpu.memory_space<vmem>> -> memref<512x32xf32, #tpu.memory_space<vmem>>
    tpu.enqueue_dma source(%dma_start3A_1476 : memref<512x32xf32, #tpu.memory_space<vmem>>) target(%dma_start3A_1472 : memref<512x32xf32, #tpu.memory_space<hbm>>) target_semaphore(%arg8 : memref<!tpu.dma_semaphore, #tpu.memory_space<semaphore_mem>>)
    %dma_wait3A_1477 = arith.constant 1 : i32
    %dma_wait3A_1478 = arith.constant 25 : i32
    %dma_wait3A_1479 = arith.constant 0 : i32
    %dma_wait3A_1480 = arith.constant 0 : i32
    %dma_wait3A_1481 = tpu.memref_slice %arg6[%dma_wait3A_1477, %dma_wait3A_1479, %dma_wait3A_1480] : memref<4x512x32xf32, #tpu.memory_space<vmem>> -> memref<1x512x32xf32, #tpu.memory_space<vmem>>
    %dma_wait3A_1482 = tpu.memref_squeeze %dma_wait3A_1481 : memref<1x512x32xf32, #tpu.memory_space<vmem>> -> memref<512x32xf32, #tpu.memory_space<vmem>>
    %dma_wait3A_1483 = arith.constant 0 : i32
    %dma_wait3A_1484 = tpu.memref_slice %arg4[%mul3A_2, %dma_wait3A_1478, %dma_wait3A_1483] : memref<16384x50x32xf32, #tpu.memory_space<hbm>> -> memref<512x1x32xf32, #tpu.memory_space<hbm>>
    %dma_wait3A_1485 = tpu.memref_squeeze %dma_wait3A_1484 : memref<512x1x32xf32, #tpu.memory_space<hbm>> -> memref<512x32xf32, #tpu.memory_space<hbm>>
    %dma_wait3A_1486 = arith.constant 0 : i32
    %dma_wait3A_1487 = tpu.memref_slice %arg4[%mul3A_2, %dma_wait3A_1478, %dma_wait3A_1486] : memref<16384x50x32xf32, #tpu.memory_space<hbm>> -> memref<512x1x32xf32, #tpu.memory_space<hbm>>
    %dma_wait3A_1488 = tpu.memref_squeeze %dma_wait3A_1487 : memref<512x1x32xf32, #tpu.memory_space<hbm>> -> memref<512x32xf32, #tpu.memory_space<hbm>>
    %dma_wait3A_1489 = arith.constant 0 : i32
    %dma_wait3A_1490 = arith.constant 0 : i32
    %dma_wait3A_1491 = tpu.memref_slice %arg6[%dma_wait3A_1477, %dma_wait3A_1489, %dma_wait3A_1490] : memref<4x512x32xf32, #tpu.memory_space<vmem>> -> memref<1x512x32xf32, #tpu.memory_space<vmem>>
    %dma_wait3A_1492 = tpu.memref_squeeze %dma_wait3A_1491 : memref<1x512x32xf32, #tpu.memory_space<vmem>> -> memref<512x32xf32, #tpu.memory_space<vmem>>
    tpu.wait_dma2 semaphore(%arg8 : memref<!tpu.dma_semaphore, #tpu.memory_space<semaphore_mem>>) src(%dma_wait3A_1492 : memref<512x32xf32, #tpu.memory_space<vmem>>) dst(%dma_wait3A_1488 : memref<512x32xf32, #tpu.memory_space<hbm>>)
    %dma_start3A_1493 = arith.constant 29 : i32
    %dma_start3A_1494 = arith.constant 1 : i32
    %dma_start3A_1495 = arith.constant 0 : i32
    %dma_start3A_1496 = arith.constant 0 : i32
    %dma_start3A_1497 = tpu.memref_slice %arg6[%dma_start3A_1494, %dma_start3A_1495, %dma_start3A_1496] : memref<4x512x32xf32, #tpu.memory_space<vmem>> -> memref<1x512x32xf32, #tpu.memory_space<vmem>>
    %dma_start3A_1498 = tpu.memref_squeeze %dma_start3A_1497 : memref<1x512x32xf32, #tpu.memory_space<vmem>> -> memref<512x32xf32, #tpu.memory_space<vmem>>
    %dma_start3A_1499 = arith.constant 0 : i32
    %dma_start3A_1500 = tpu.memref_slice %arg5[%dma_start3A_1493, %dma_start3A_1499] : memref<50x512xi32, #tpu.memory_space<vmem>> -> memref<1x512xi32, #tpu.memory_space<vmem>>
    %dma_start3A_1501 = tpu.memref_squeeze %dma_start3A_1500 : memref<1x512xi32, #tpu.memory_space<vmem>> -> memref<512xi32, #tpu.memory_space<vmem>>
    %dma_start3A_1502 = arith.constant 0 : i32
    %dma_start3A_1503 = arith.constant 0 : i32
    %dma_start3A_1504 = tpu.memref_slice %arg3[%dma_start3A_1502, %dma_start3A_1503] : memref<1000000x32xf32, #tpu.memory_space<hbm>> -> memref<1000000x32xf32, #tpu.memory_space<hbm>>
    tpu.enqueue_indirect_dma source(%dma_start3A_1504 : memref<1000000x32xf32, #tpu.memory_space<hbm>>) target(%dma_start3A_1498 : memref<512x32xf32, #tpu.memory_space<vmem>>) offsets(%dma_start3A_1501 : memref<512xi32, #tpu.memory_space<vmem>>) semaphore(%arg7 : memref<!tpu.dma_semaphore, #tpu.memory_space<semaphore_mem>>)
    %dma_wait3A_1505 = arith.constant 26 : i32
    %dma_wait3A_1506 = arith.constant 2 : i32
    %dma_wait3A_1507 = arith.constant 0 : i32
    %dma_wait3A_1508 = arith.constant 0 : i32
    %dma_wait3A_1509 = tpu.memref_slice %arg6[%dma_wait3A_1506, %dma_wait3A_1507, %dma_wait3A_1508] : memref<4x512x32xf32, #tpu.memory_space<vmem>> -> memref<1x512x32xf32, #tpu.memory_space<vmem>>
    %dma_wait3A_1510 = tpu.memref_squeeze %dma_wait3A_1509 : memref<1x512x32xf32, #tpu.memory_space<vmem>> -> memref<512x32xf32, #tpu.memory_space<vmem>>
    %dma_wait3A_1511 = arith.constant 0 : i32
    %dma_wait3A_1512 = tpu.memref_slice %arg5[%dma_wait3A_1505, %dma_wait3A_1511] : memref<50x512xi32, #tpu.memory_space<vmem>> -> memref<1x512xi32, #tpu.memory_space<vmem>>
    %dma_wait3A_1513 = tpu.memref_squeeze %dma_wait3A_1512 : memref<1x512xi32, #tpu.memory_space<vmem>> -> memref<512xi32, #tpu.memory_space<vmem>>
    %dma_wait3A_1514 = arith.constant 0 : i32
    %dma_wait3A_1515 = arith.constant 0 : i32
    %dma_wait3A_1516 = tpu.memref_slice %arg3[%dma_wait3A_1514, %dma_wait3A_1515] : memref<1000000x32xf32, #tpu.memory_space<hbm>> -> memref<1000000x32xf32, #tpu.memory_space<hbm>>
    tpu.wait_indirect_dma semaphore(%arg7 : memref<!tpu.dma_semaphore, #tpu.memory_space<semaphore_mem>>) src(%dma_wait3A_1516 : memref<1000000x32xf32, #tpu.memory_space<hbm>>) dst(%dma_wait3A_1510 : memref<512x32xf32, #tpu.memory_space<vmem>>)
    %dma_start3A_1517 = arith.constant 2 : i32
    %dma_start3A_1518 = arith.constant 26 : i32
    %dma_start3A_1519 = arith.constant 0 : i32
    %dma_start3A_1520 = arith.constant 0 : i32
    %dma_start3A_1521 = tpu.memref_slice %arg6[%dma_start3A_1517, %dma_start3A_1519, %dma_start3A_1520] : memref<4x512x32xf32, #tpu.memory_space<vmem>> -> memref<1x512x32xf32, #tpu.memory_space<vmem>>
    %dma_start3A_1522 = tpu.memref_squeeze %dma_start3A_1521 : memref<1x512x32xf32, #tpu.memory_space<vmem>> -> memref<512x32xf32, #tpu.memory_space<vmem>>
    %dma_start3A_1523 = arith.constant 0 : i32
    %dma_start3A_1524 = tpu.memref_slice %arg4[%mul3A_2, %dma_start3A_1518, %dma_start3A_1523] : memref<16384x50x32xf32, #tpu.memory_space<hbm>> -> memref<512x1x32xf32, #tpu.memory_space<hbm>>
    %dma_start3A_1525 = tpu.memref_squeeze %dma_start3A_1524 : memref<512x1x32xf32, #tpu.memory_space<hbm>> -> memref<512x32xf32, #tpu.memory_space<hbm>>
    %dma_start3A_1526 = arith.constant 0 : i32
    %dma_start3A_1527 = tpu.memref_slice %arg4[%mul3A_2, %dma_start3A_1518, %dma_start3A_1526] : memref<16384x50x32xf32, #tpu.memory_space<hbm>> -> memref<512x1x32xf32, #tpu.memory_space<hbm>>
    %dma_start3A_1528 = tpu.memref_squeeze %dma_start3A_1527 : memref<512x1x32xf32, #tpu.memory_space<hbm>> -> memref<512x32xf32, #tpu.memory_space<hbm>>
    %dma_start3A_1529 = arith.constant 0 : i32
    %dma_start3A_1530 = arith.constant 0 : i32
    %dma_start3A_1531 = tpu.memref_slice %arg6[%dma_start3A_1517, %dma_start3A_1529, %dma_start3A_1530] : memref<4x512x32xf32, #tpu.memory_space<vmem>> -> memref<1x512x32xf32, #tpu.memory_space<vmem>>
    %dma_start3A_1532 = tpu.memref_squeeze %dma_start3A_1531 : memref<1x512x32xf32, #tpu.memory_space<vmem>> -> memref<512x32xf32, #tpu.memory_space<vmem>>
    tpu.enqueue_dma source(%dma_start3A_1532 : memref<512x32xf32, #tpu.memory_space<vmem>>) target(%dma_start3A_1528 : memref<512x32xf32, #tpu.memory_space<hbm>>) target_semaphore(%arg8 : memref<!tpu.dma_semaphore, #tpu.memory_space<semaphore_mem>>)
    %dma_wait3A_1533 = arith.constant 2 : i32
    %dma_wait3A_1534 = arith.constant 26 : i32
    %dma_wait3A_1535 = arith.constant 0 : i32
    %dma_wait3A_1536 = arith.constant 0 : i32
    %dma_wait3A_1537 = tpu.memref_slice %arg6[%dma_wait3A_1533, %dma_wait3A_1535, %dma_wait3A_1536] : memref<4x512x32xf32, #tpu.memory_space<vmem>> -> memref<1x512x32xf32, #tpu.memory_space<vmem>>
    %dma_wait3A_1538 = tpu.memref_squeeze %dma_wait3A_1537 : memref<1x512x32xf32, #tpu.memory_space<vmem>> -> memref<512x32xf32, #tpu.memory_space<vmem>>
    %dma_wait3A_1539 = arith.constant 0 : i32
    %dma_wait3A_1540 = tpu.memref_slice %arg4[%mul3A_2, %dma_wait3A_1534, %dma_wait3A_1539] : memref<16384x50x32xf32, #tpu.memory_space<hbm>> -> memref<512x1x32xf32, #tpu.memory_space<hbm>>
    %dma_wait3A_1541 = tpu.memref_squeeze %dma_wait3A_1540 : memref<512x1x32xf32, #tpu.memory_space<hbm>> -> memref<512x32xf32, #tpu.memory_space<hbm>>
    %dma_wait3A_1542 = arith.constant 0 : i32
    %dma_wait3A_1543 = tpu.memref_slice %arg4[%mul3A_2, %dma_wait3A_1534, %dma_wait3A_1542] : memref<16384x50x32xf32, #tpu.memory_space<hbm>> -> memref<512x1x32xf32, #tpu.memory_space<hbm>>
    %dma_wait3A_1544 = tpu.memref_squeeze %dma_wait3A_1543 : memref<512x1x32xf32, #tpu.memory_space<hbm>> -> memref<512x32xf32, #tpu.memory_space<hbm>>
    %dma_wait3A_1545 = arith.constant 0 : i32
    %dma_wait3A_1546 = arith.constant 0 : i32
    %dma_wait3A_1547 = tpu.memref_slice %arg6[%dma_wait3A_1533, %dma_wait3A_1545, %dma_wait3A_1546] : memref<4x512x32xf32, #tpu.memory_space<vmem>> -> memref<1x512x32xf32, #tpu.memory_space<vmem>>
    %dma_wait3A_1548 = tpu.memref_squeeze %dma_wait3A_1547 : memref<1x512x32xf32, #tpu.memory_space<vmem>> -> memref<512x32xf32, #tpu.memory_space<vmem>>
    tpu.wait_dma2 semaphore(%arg8 : memref<!tpu.dma_semaphore, #tpu.memory_space<semaphore_mem>>) src(%dma_wait3A_1548 : memref<512x32xf32, #tpu.memory_space<vmem>>) dst(%dma_wait3A_1544 : memref<512x32xf32, #tpu.memory_space<hbm>>)
    %dma_start3A_1549 = arith.constant 30 : i32
    %dma_start3A_1550 = arith.constant 2 : i32
    %dma_start3A_1551 = arith.constant 0 : i32
    %dma_start3A_1552 = arith.constant 0 : i32
    %dma_start3A_1553 = tpu.memref_slice %arg6[%dma_start3A_1550, %dma_start3A_1551, %dma_start3A_1552] : memref<4x512x32xf32, #tpu.memory_space<vmem>> -> memref<1x512x32xf32, #tpu.memory_space<vmem>>
    %dma_start3A_1554 = tpu.memref_squeeze %dma_start3A_1553 : memref<1x512x32xf32, #tpu.memory_space<vmem>> -> memref<512x32xf32, #tpu.memory_space<vmem>>
    %dma_start3A_1555 = arith.constant 0 : i32
    %dma_start3A_1556 = tpu.memref_slice %arg5[%dma_start3A_1549, %dma_start3A_1555] : memref<50x512xi32, #tpu.memory_space<vmem>> -> memref<1x512xi32, #tpu.memory_space<vmem>>
    %dma_start3A_1557 = tpu.memref_squeeze %dma_start3A_1556 : memref<1x512xi32, #tpu.memory_space<vmem>> -> memref<512xi32, #tpu.memory_space<vmem>>
    %dma_start3A_1558 = arith.constant 0 : i32
    %dma_start3A_1559 = arith.constant 0 : i32
    %dma_start3A_1560 = tpu.memref_slice %arg3[%dma_start3A_1558, %dma_start3A_1559] : memref<1000000x32xf32, #tpu.memory_space<hbm>> -> memref<1000000x32xf32, #tpu.memory_space<hbm>>
    tpu.enqueue_indirect_dma source(%dma_start3A_1560 : memref<1000000x32xf32, #tpu.memory_space<hbm>>) target(%dma_start3A_1554 : memref<512x32xf32, #tpu.memory_space<vmem>>) offsets(%dma_start3A_1557 : memref<512xi32, #tpu.memory_space<vmem>>) semaphore(%arg7 : memref<!tpu.dma_semaphore, #tpu.memory_space<semaphore_mem>>)
    %dma_wait3A_1561 = arith.constant 27 : i32
    %dma_wait3A_1562 = arith.constant 3 : i32
    %dma_wait3A_1563 = arith.constant 0 : i32
    %dma_wait3A_1564 = arith.constant 0 : i32
    %dma_wait3A_1565 = tpu.memref_slice %arg6[%dma_wait3A_1562, %dma_wait3A_1563, %dma_wait3A_1564] : memref<4x512x32xf32, #tpu.memory_space<vmem>> -> memref<1x512x32xf32, #tpu.memory_space<vmem>>
    %dma_wait3A_1566 = tpu.memref_squeeze %dma_wait3A_1565 : memref<1x512x32xf32, #tpu.memory_space<vmem>> -> memref<512x32xf32, #tpu.memory_space<vmem>>
    %dma_wait3A_1567 = arith.constant 0 : i32
    %dma_wait3A_1568 = tpu.memref_slice %arg5[%dma_wait3A_1561, %dma_wait3A_1567] : memref<50x512xi32, #tpu.memory_space<vmem>> -> memref<1x512xi32, #tpu.memory_space<vmem>>
    %dma_wait3A_1569 = tpu.memref_squeeze %dma_wait3A_1568 : memref<1x512xi32, #tpu.memory_space<vmem>> -> memref<512xi32, #tpu.memory_space<vmem>>
    %dma_wait3A_1570 = arith.constant 0 : i32
    %dma_wait3A_1571 = arith.constant 0 : i32
    %dma_wait3A_1572 = tpu.memref_slice %arg3[%dma_wait3A_1570, %dma_wait3A_1571] : memref<1000000x32xf32, #tpu.memory_space<hbm>> -> memref<1000000x32xf32, #tpu.memory_space<hbm>>
    tpu.wait_indirect_dma semaphore(%arg7 : memref<!tpu.dma_semaphore, #tpu.memory_space<semaphore_mem>>) src(%dma_wait3A_1572 : memref<1000000x32xf32, #tpu.memory_space<hbm>>) dst(%dma_wait3A_1566 : memref<512x32xf32, #tpu.memory_space<vmem>>)
    %dma_start3A_1573 = arith.constant 3 : i32
    %dma_start3A_1574 = arith.constant 27 : i32
    %dma_start3A_1575 = arith.constant 0 : i32
    %dma_start3A_1576 = arith.constant 0 : i32
    %dma_start3A_1577 = tpu.memref_slice %arg6[%dma_start3A_1573, %dma_start3A_1575, %dma_start3A_1576] : memref<4x512x32xf32, #tpu.memory_space<vmem>> -> memref<1x512x32xf32, #tpu.memory_space<vmem>>
    %dma_start3A_1578 = tpu.memref_squeeze %dma_start3A_1577 : memref<1x512x32xf32, #tpu.memory_space<vmem>> -> memref<512x32xf32, #tpu.memory_space<vmem>>
    %dma_start3A_1579 = arith.constant 0 : i32
    %dma_start3A_1580 = tpu.memref_slice %arg4[%mul3A_2, %dma_start3A_1574, %dma_start3A_1579] : memref<16384x50x32xf32, #tpu.memory_space<hbm>> -> memref<512x1x32xf32, #tpu.memory_space<hbm>>
    %dma_start3A_1581 = tpu.memref_squeeze %dma_start3A_1580 : memref<512x1x32xf32, #tpu.memory_space<hbm>> -> memref<512x32xf32, #tpu.memory_space<hbm>>
    %dma_start3A_1582 = arith.constant 0 : i32
    %dma_start3A_1583 = tpu.memref_slice %arg4[%mul3A_2, %dma_start3A_1574, %dma_start3A_1582] : memref<16384x50x32xf32, #tpu.memory_space<hbm>> -> memref<512x1x32xf32, #tpu.memory_space<hbm>>
    %dma_start3A_1584 = tpu.memref_squeeze %dma_start3A_1583 : memref<512x1x32xf32, #tpu.memory_space<hbm>> -> memref<512x32xf32, #tpu.memory_space<hbm>>
    %dma_start3A_1585 = arith.constant 0 : i32
    %dma_start3A_1586 = arith.constant 0 : i32
    %dma_start3A_1587 = tpu.memref_slice %arg6[%dma_start3A_1573, %dma_start3A_1585, %dma_start3A_1586] : memref<4x512x32xf32, #tpu.memory_space<vmem>> -> memref<1x512x32xf32, #tpu.memory_space<vmem>>
    %dma_start3A_1588 = tpu.memref_squeeze %dma_start3A_1587 : memref<1x512x32xf32, #tpu.memory_space<vmem>> -> memref<512x32xf32, #tpu.memory_space<vmem>>
    tpu.enqueue_dma source(%dma_start3A_1588 : memref<512x32xf32, #tpu.memory_space<vmem>>) target(%dma_start3A_1584 : memref<512x32xf32, #tpu.memory_space<hbm>>) target_semaphore(%arg8 : memref<!tpu.dma_semaphore, #tpu.memory_space<semaphore_mem>>)
    %dma_wait3A_1589 = arith.constant 3 : i32
    %dma_wait3A_1590 = arith.constant 27 : i32
    %dma_wait3A_1591 = arith.constant 0 : i32
    %dma_wait3A_1592 = arith.constant 0 : i32
    %dma_wait3A_1593 = tpu.memref_slice %arg6[%dma_wait3A_1589, %dma_wait3A_1591, %dma_wait3A_1592] : memref<4x512x32xf32, #tpu.memory_space<vmem>> -> memref<1x512x32xf32, #tpu.memory_space<vmem>>
    %dma_wait3A_1594 = tpu.memref_squeeze %dma_wait3A_1593 : memref<1x512x32xf32, #tpu.memory_space<vmem>> -> memref<512x32xf32, #tpu.memory_space<vmem>>
    %dma_wait3A_1595 = arith.constant 0 : i32
    %dma_wait3A_1596 = tpu.memref_slice %arg4[%mul3A_2, %dma_wait3A_1590, %dma_wait3A_1595] : memref<16384x50x32xf32, #tpu.memory_space<hbm>> -> memref<512x1x32xf32, #tpu.memory_space<hbm>>
    %dma_wait3A_1597 = tpu.memref_squeeze %dma_wait3A_1596 : memref<512x1x32xf32, #tpu.memory_space<hbm>> -> memref<512x32xf32, #tpu.memory_space<hbm>>
    %dma_wait3A_1598 = arith.constant 0 : i32
    %dma_wait3A_1599 = tpu.memref_slice %arg4[%mul3A_2, %dma_wait3A_1590, %dma_wait3A_1598] : memref<16384x50x32xf32, #tpu.memory_space<hbm>> -> memref<512x1x32xf32, #tpu.memory_space<hbm>>
    %dma_wait3A_1600 = tpu.memref_squeeze %dma_wait3A_1599 : memref<512x1x32xf32, #tpu.memory_space<hbm>> -> memref<512x32xf32, #tpu.memory_space<hbm>>
    %dma_wait3A_1601 = arith.constant 0 : i32
    %dma_wait3A_1602 = arith.constant 0 : i32
    %dma_wait3A_1603 = tpu.memref_slice %arg6[%dma_wait3A_1589, %dma_wait3A_1601, %dma_wait3A_1602] : memref<4x512x32xf32, #tpu.memory_space<vmem>> -> memref<1x512x32xf32, #tpu.memory_space<vmem>>
    %dma_wait3A_1604 = tpu.memref_squeeze %dma_wait3A_1603 : memref<1x512x32xf32, #tpu.memory_space<vmem>> -> memref<512x32xf32, #tpu.memory_space<vmem>>
    tpu.wait_dma2 semaphore(%arg8 : memref<!tpu.dma_semaphore, #tpu.memory_space<semaphore_mem>>) src(%dma_wait3A_1604 : memref<512x32xf32, #tpu.memory_space<vmem>>) dst(%dma_wait3A_1600 : memref<512x32xf32, #tpu.memory_space<hbm>>)
    %dma_start3A_1605 = arith.constant 31 : i32
    %dma_start3A_1606 = arith.constant 3 : i32
    %dma_start3A_1607 = arith.constant 0 : i32
    %dma_start3A_1608 = arith.constant 0 : i32
    %dma_start3A_1609 = tpu.memref_slice %arg6[%dma_start3A_1606, %dma_start3A_1607, %dma_start3A_1608] : memref<4x512x32xf32, #tpu.memory_space<vmem>> -> memref<1x512x32xf32, #tpu.memory_space<vmem>>
    %dma_start3A_1610 = tpu.memref_squeeze %dma_start3A_1609 : memref<1x512x32xf32, #tpu.memory_space<vmem>> -> memref<512x32xf32, #tpu.memory_space<vmem>>
    %dma_start3A_1611 = arith.constant 0 : i32
    %dma_start3A_1612 = tpu.memref_slice %arg5[%dma_start3A_1605, %dma_start3A_1611] : memref<50x512xi32, #tpu.memory_space<vmem>> -> memref<1x512xi32, #tpu.memory_space<vmem>>
    %dma_start3A_1613 = tpu.memref_squeeze %dma_start3A_1612 : memref<1x512xi32, #tpu.memory_space<vmem>> -> memref<512xi32, #tpu.memory_space<vmem>>
    %dma_start3A_1614 = arith.constant 0 : i32
    %dma_start3A_1615 = arith.constant 0 : i32
    %dma_start3A_1616 = tpu.memref_slice %arg3[%dma_start3A_1614, %dma_start3A_1615] : memref<1000000x32xf32, #tpu.memory_space<hbm>> -> memref<1000000x32xf32, #tpu.memory_space<hbm>>
    tpu.enqueue_indirect_dma source(%dma_start3A_1616 : memref<1000000x32xf32, #tpu.memory_space<hbm>>) target(%dma_start3A_1610 : memref<512x32xf32, #tpu.memory_space<vmem>>) offsets(%dma_start3A_1613 : memref<512xi32, #tpu.memory_space<vmem>>) semaphore(%arg7 : memref<!tpu.dma_semaphore, #tpu.memory_space<semaphore_mem>>)
    %dma_wait3A_1617 = arith.constant 28 : i32
    %dma_wait3A_1618 = arith.constant 0 : i32
    %dma_wait3A_1619 = arith.constant 0 : i32
    %dma_wait3A_1620 = arith.constant 0 : i32
    %dma_wait3A_1621 = tpu.memref_slice %arg6[%dma_wait3A_1618, %dma_wait3A_1619, %dma_wait3A_1620] : memref<4x512x32xf32, #tpu.memory_space<vmem>> -> memref<1x512x32xf32, #tpu.memory_space<vmem>>
    %dma_wait3A_1622 = tpu.memref_squeeze %dma_wait3A_1621 : memref<1x512x32xf32, #tpu.memory_space<vmem>> -> memref<512x32xf32, #tpu.memory_space<vmem>>
    %dma_wait3A_1623 = arith.constant 0 : i32
    %dma_wait3A_1624 = tpu.memref_slice %arg5[%dma_wait3A_1617, %dma_wait3A_1623] : memref<50x512xi32, #tpu.memory_space<vmem>> -> memref<1x512xi32, #tpu.memory_space<vmem>>
    %dma_wait3A_1625 = tpu.memref_squeeze %dma_wait3A_1624 : memref<1x512xi32, #tpu.memory_space<vmem>> -> memref<512xi32, #tpu.memory_space<vmem>>
    %dma_wait3A_1626 = arith.constant 0 : i32
    %dma_wait3A_1627 = arith.constant 0 : i32
    %dma_wait3A_1628 = tpu.memref_slice %arg3[%dma_wait3A_1626, %dma_wait3A_1627] : memref<1000000x32xf32, #tpu.memory_space<hbm>> -> memref<1000000x32xf32, #tpu.memory_space<hbm>>
    tpu.wait_indirect_dma semaphore(%arg7 : memref<!tpu.dma_semaphore, #tpu.memory_space<semaphore_mem>>) src(%dma_wait3A_1628 : memref<1000000x32xf32, #tpu.memory_space<hbm>>) dst(%dma_wait3A_1622 : memref<512x32xf32, #tpu.memory_space<vmem>>)
    %dma_start3A_1629 = arith.constant 0 : i32
    %dma_start3A_1630 = arith.constant 28 : i32
    %dma_start3A_1631 = arith.constant 0 : i32
    %dma_start3A_1632 = arith.constant 0 : i32
    %dma_start3A_1633 = tpu.memref_slice %arg6[%dma_start3A_1629, %dma_start3A_1631, %dma_start3A_1632] : memref<4x512x32xf32, #tpu.memory_space<vmem>> -> memref<1x512x32xf32, #tpu.memory_space<vmem>>
    %dma_start3A_1634 = tpu.memref_squeeze %dma_start3A_1633 : memref<1x512x32xf32, #tpu.memory_space<vmem>> -> memref<512x32xf32, #tpu.memory_space<vmem>>
    %dma_start3A_1635 = arith.constant 0 : i32
    %dma_start3A_1636 = tpu.memref_slice %arg4[%mul3A_2, %dma_start3A_1630, %dma_start3A_1635] : memref<16384x50x32xf32, #tpu.memory_space<hbm>> -> memref<512x1x32xf32, #tpu.memory_space<hbm>>
    %dma_start3A_1637 = tpu.memref_squeeze %dma_start3A_1636 : memref<512x1x32xf32, #tpu.memory_space<hbm>> -> memref<512x32xf32, #tpu.memory_space<hbm>>
    %dma_start3A_1638 = arith.constant 0 : i32
    %dma_start3A_1639 = tpu.memref_slice %arg4[%mul3A_2, %dma_start3A_1630, %dma_start3A_1638] : memref<16384x50x32xf32, #tpu.memory_space<hbm>> -> memref<512x1x32xf32, #tpu.memory_space<hbm>>
    %dma_start3A_1640 = tpu.memref_squeeze %dma_start3A_1639 : memref<512x1x32xf32, #tpu.memory_space<hbm>> -> memref<512x32xf32, #tpu.memory_space<hbm>>
    %dma_start3A_1641 = arith.constant 0 : i32
    %dma_start3A_1642 = arith.constant 0 : i32
    %dma_start3A_1643 = tpu.memref_slice %arg6[%dma_start3A_1629, %dma_start3A_1641, %dma_start3A_1642] : memref<4x512x32xf32, #tpu.memory_space<vmem>> -> memref<1x512x32xf32, #tpu.memory_space<vmem>>
    %dma_start3A_1644 = tpu.memref_squeeze %dma_start3A_1643 : memref<1x512x32xf32, #tpu.memory_space<vmem>> -> memref<512x32xf32, #tpu.memory_space<vmem>>
    tpu.enqueue_dma source(%dma_start3A_1644 : memref<512x32xf32, #tpu.memory_space<vmem>>) target(%dma_start3A_1640 : memref<512x32xf32, #tpu.memory_space<hbm>>) target_semaphore(%arg8 : memref<!tpu.dma_semaphore, #tpu.memory_space<semaphore_mem>>)
    %dma_wait3A_1645 = arith.constant 0 : i32
    %dma_wait3A_1646 = arith.constant 28 : i32
    %dma_wait3A_1647 = arith.constant 0 : i32
    %dma_wait3A_1648 = arith.constant 0 : i32
    %dma_wait3A_1649 = tpu.memref_slice %arg6[%dma_wait3A_1645, %dma_wait3A_1647, %dma_wait3A_1648] : memref<4x512x32xf32, #tpu.memory_space<vmem>> -> memref<1x512x32xf32, #tpu.memory_space<vmem>>
    %dma_wait3A_1650 = tpu.memref_squeeze %dma_wait3A_1649 : memref<1x512x32xf32, #tpu.memory_space<vmem>> -> memref<512x32xf32, #tpu.memory_space<vmem>>
    %dma_wait3A_1651 = arith.constant 0 : i32
    %dma_wait3A_1652 = tpu.memref_slice %arg4[%mul3A_2, %dma_wait3A_1646, %dma_wait3A_1651] : memref<16384x50x32xf32, #tpu.memory_space<hbm>> -> memref<512x1x32xf32, #tpu.memory_space<hbm>>
    %dma_wait3A_1653 = tpu.memref_squeeze %dma_wait3A_1652 : memref<512x1x32xf32, #tpu.memory_space<hbm>> -> memref<512x32xf32, #tpu.memory_space<hbm>>
    %dma_wait3A_1654 = arith.constant 0 : i32
    %dma_wait3A_1655 = tpu.memref_slice %arg4[%mul3A_2, %dma_wait3A_1646, %dma_wait3A_1654] : memref<16384x50x32xf32, #tpu.memory_space<hbm>> -> memref<512x1x32xf32, #tpu.memory_space<hbm>>
    %dma_wait3A_1656 = tpu.memref_squeeze %dma_wait3A_1655 : memref<512x1x32xf32, #tpu.memory_space<hbm>> -> memref<512x32xf32, #tpu.memory_space<hbm>>
    %dma_wait3A_1657 = arith.constant 0 : i32
    %dma_wait3A_1658 = arith.constant 0 : i32
    %dma_wait3A_1659 = tpu.memref_slice %arg6[%dma_wait3A_1645, %dma_wait3A_1657, %dma_wait3A_1658] : memref<4x512x32xf32, #tpu.memory_space<vmem>> -> memref<1x512x32xf32, #tpu.memory_space<vmem>>
    %dma_wait3A_1660 = tpu.memref_squeeze %dma_wait3A_1659 : memref<1x512x32xf32, #tpu.memory_space<vmem>> -> memref<512x32xf32, #tpu.memory_space<vmem>>
    tpu.wait_dma2 semaphore(%arg8 : memref<!tpu.dma_semaphore, #tpu.memory_space<semaphore_mem>>) src(%dma_wait3A_1660 : memref<512x32xf32, #tpu.memory_space<vmem>>) dst(%dma_wait3A_1656 : memref<512x32xf32, #tpu.memory_space<hbm>>)
    %dma_start3A_1661 = arith.constant 32 : i32
    %dma_start3A_1662 = arith.constant 0 : i32
    %dma_start3A_1663 = arith.constant 0 : i32
    %dma_start3A_1664 = arith.constant 0 : i32
    %dma_start3A_1665 = tpu.memref_slice %arg6[%dma_start3A_1662, %dma_start3A_1663, %dma_start3A_1664] : memref<4x512x32xf32, #tpu.memory_space<vmem>> -> memref<1x512x32xf32, #tpu.memory_space<vmem>>
    %dma_start3A_1666 = tpu.memref_squeeze %dma_start3A_1665 : memref<1x512x32xf32, #tpu.memory_space<vmem>> -> memref<512x32xf32, #tpu.memory_space<vmem>>
    %dma_start3A_1667 = arith.constant 0 : i32
    %dma_start3A_1668 = tpu.memref_slice %arg5[%dma_start3A_1661, %dma_start3A_1667] : memref<50x512xi32, #tpu.memory_space<vmem>> -> memref<1x512xi32, #tpu.memory_space<vmem>>
    %dma_start3A_1669 = tpu.memref_squeeze %dma_start3A_1668 : memref<1x512xi32, #tpu.memory_space<vmem>> -> memref<512xi32, #tpu.memory_space<vmem>>
    %dma_start3A_1670 = arith.constant 0 : i32
    %dma_start3A_1671 = arith.constant 0 : i32
    %dma_start3A_1672 = tpu.memref_slice %arg3[%dma_start3A_1670, %dma_start3A_1671] : memref<1000000x32xf32, #tpu.memory_space<hbm>> -> memref<1000000x32xf32, #tpu.memory_space<hbm>>
    tpu.enqueue_indirect_dma source(%dma_start3A_1672 : memref<1000000x32xf32, #tpu.memory_space<hbm>>) target(%dma_start3A_1666 : memref<512x32xf32, #tpu.memory_space<vmem>>) offsets(%dma_start3A_1669 : memref<512xi32, #tpu.memory_space<vmem>>) semaphore(%arg7 : memref<!tpu.dma_semaphore, #tpu.memory_space<semaphore_mem>>)
    %dma_wait3A_1673 = arith.constant 29 : i32
    %dma_wait3A_1674 = arith.constant 1 : i32
    %dma_wait3A_1675 = arith.constant 0 : i32
    %dma_wait3A_1676 = arith.constant 0 : i32
    %dma_wait3A_1677 = tpu.memref_slice %arg6[%dma_wait3A_1674, %dma_wait3A_1675, %dma_wait3A_1676] : memref<4x512x32xf32, #tpu.memory_space<vmem>> -> memref<1x512x32xf32, #tpu.memory_space<vmem>>
    %dma_wait3A_1678 = tpu.memref_squeeze %dma_wait3A_1677 : memref<1x512x32xf32, #tpu.memory_space<vmem>> -> memref<512x32xf32, #tpu.memory_space<vmem>>
    %dma_wait3A_1679 = arith.constant 0 : i32
    %dma_wait3A_1680 = tpu.memref_slice %arg5[%dma_wait3A_1673, %dma_wait3A_1679] : memref<50x512xi32, #tpu.memory_space<vmem>> -> memref<1x512xi32, #tpu.memory_space<vmem>>
    %dma_wait3A_1681 = tpu.memref_squeeze %dma_wait3A_1680 : memref<1x512xi32, #tpu.memory_space<vmem>> -> memref<512xi32, #tpu.memory_space<vmem>>
    %dma_wait3A_1682 = arith.constant 0 : i32
    %dma_wait3A_1683 = arith.constant 0 : i32
    %dma_wait3A_1684 = tpu.memref_slice %arg3[%dma_wait3A_1682, %dma_wait3A_1683] : memref<1000000x32xf32, #tpu.memory_space<hbm>> -> memref<1000000x32xf32, #tpu.memory_space<hbm>>
    tpu.wait_indirect_dma semaphore(%arg7 : memref<!tpu.dma_semaphore, #tpu.memory_space<semaphore_mem>>) src(%dma_wait3A_1684 : memref<1000000x32xf32, #tpu.memory_space<hbm>>) dst(%dma_wait3A_1678 : memref<512x32xf32, #tpu.memory_space<vmem>>)
    %dma_start3A_1685 = arith.constant 1 : i32
    %dma_start3A_1686 = arith.constant 29 : i32
    %dma_start3A_1687 = arith.constant 0 : i32
    %dma_start3A_1688 = arith.constant 0 : i32
    %dma_start3A_1689 = tpu.memref_slice %arg6[%dma_start3A_1685, %dma_start3A_1687, %dma_start3A_1688] : memref<4x512x32xf32, #tpu.memory_space<vmem>> -> memref<1x512x32xf32, #tpu.memory_space<vmem>>
    %dma_start3A_1690 = tpu.memref_squeeze %dma_start3A_1689 : memref<1x512x32xf32, #tpu.memory_space<vmem>> -> memref<512x32xf32, #tpu.memory_space<vmem>>
    %dma_start3A_1691 = arith.constant 0 : i32
    %dma_start3A_1692 = tpu.memref_slice %arg4[%mul3A_2, %dma_start3A_1686, %dma_start3A_1691] : memref<16384x50x32xf32, #tpu.memory_space<hbm>> -> memref<512x1x32xf32, #tpu.memory_space<hbm>>
    %dma_start3A_1693 = tpu.memref_squeeze %dma_start3A_1692 : memref<512x1x32xf32, #tpu.memory_space<hbm>> -> memref<512x32xf32, #tpu.memory_space<hbm>>
    %dma_start3A_1694 = arith.constant 0 : i32
    %dma_start3A_1695 = tpu.memref_slice %arg4[%mul3A_2, %dma_start3A_1686, %dma_start3A_1694] : memref<16384x50x32xf32, #tpu.memory_space<hbm>> -> memref<512x1x32xf32, #tpu.memory_space<hbm>>
    %dma_start3A_1696 = tpu.memref_squeeze %dma_start3A_1695 : memref<512x1x32xf32, #tpu.memory_space<hbm>> -> memref<512x32xf32, #tpu.memory_space<hbm>>
    %dma_start3A_1697 = arith.constant 0 : i32
    %dma_start3A_1698 = arith.constant 0 : i32
    %dma_start3A_1699 = tpu.memref_slice %arg6[%dma_start3A_1685, %dma_start3A_1697, %dma_start3A_1698] : memref<4x512x32xf32, #tpu.memory_space<vmem>> -> memref<1x512x32xf32, #tpu.memory_space<vmem>>
    %dma_start3A_1700 = tpu.memref_squeeze %dma_start3A_1699 : memref<1x512x32xf32, #tpu.memory_space<vmem>> -> memref<512x32xf32, #tpu.memory_space<vmem>>
    tpu.enqueue_dma source(%dma_start3A_1700 : memref<512x32xf32, #tpu.memory_space<vmem>>) target(%dma_start3A_1696 : memref<512x32xf32, #tpu.memory_space<hbm>>) target_semaphore(%arg8 : memref<!tpu.dma_semaphore, #tpu.memory_space<semaphore_mem>>)
    %dma_wait3A_1701 = arith.constant 1 : i32
    %dma_wait3A_1702 = arith.constant 29 : i32
    %dma_wait3A_1703 = arith.constant 0 : i32
    %dma_wait3A_1704 = arith.constant 0 : i32
    %dma_wait3A_1705 = tpu.memref_slice %arg6[%dma_wait3A_1701, %dma_wait3A_1703, %dma_wait3A_1704] : memref<4x512x32xf32, #tpu.memory_space<vmem>> -> memref<1x512x32xf32, #tpu.memory_space<vmem>>
    %dma_wait3A_1706 = tpu.memref_squeeze %dma_wait3A_1705 : memref<1x512x32xf32, #tpu.memory_space<vmem>> -> memref<512x32xf32, #tpu.memory_space<vmem>>
    %dma_wait3A_1707 = arith.constant 0 : i32
    %dma_wait3A_1708 = tpu.memref_slice %arg4[%mul3A_2, %dma_wait3A_1702, %dma_wait3A_1707] : memref<16384x50x32xf32, #tpu.memory_space<hbm>> -> memref<512x1x32xf32, #tpu.memory_space<hbm>>
    %dma_wait3A_1709 = tpu.memref_squeeze %dma_wait3A_1708 : memref<512x1x32xf32, #tpu.memory_space<hbm>> -> memref<512x32xf32, #tpu.memory_space<hbm>>
    %dma_wait3A_1710 = arith.constant 0 : i32
    %dma_wait3A_1711 = tpu.memref_slice %arg4[%mul3A_2, %dma_wait3A_1702, %dma_wait3A_1710] : memref<16384x50x32xf32, #tpu.memory_space<hbm>> -> memref<512x1x32xf32, #tpu.memory_space<hbm>>
    %dma_wait3A_1712 = tpu.memref_squeeze %dma_wait3A_1711 : memref<512x1x32xf32, #tpu.memory_space<hbm>> -> memref<512x32xf32, #tpu.memory_space<hbm>>
    %dma_wait3A_1713 = arith.constant 0 : i32
    %dma_wait3A_1714 = arith.constant 0 : i32
    %dma_wait3A_1715 = tpu.memref_slice %arg6[%dma_wait3A_1701, %dma_wait3A_1713, %dma_wait3A_1714] : memref<4x512x32xf32, #tpu.memory_space<vmem>> -> memref<1x512x32xf32, #tpu.memory_space<vmem>>
    %dma_wait3A_1716 = tpu.memref_squeeze %dma_wait3A_1715 : memref<1x512x32xf32, #tpu.memory_space<vmem>> -> memref<512x32xf32, #tpu.memory_space<vmem>>
    tpu.wait_dma2 semaphore(%arg8 : memref<!tpu.dma_semaphore, #tpu.memory_space<semaphore_mem>>) src(%dma_wait3A_1716 : memref<512x32xf32, #tpu.memory_space<vmem>>) dst(%dma_wait3A_1712 : memref<512x32xf32, #tpu.memory_space<hbm>>)
    %dma_start3A_1717 = arith.constant 33 : i32
    %dma_start3A_1718 = arith.constant 1 : i32
    %dma_start3A_1719 = arith.constant 0 : i32
    %dma_start3A_1720 = arith.constant 0 : i32
    %dma_start3A_1721 = tpu.memref_slice %arg6[%dma_start3A_1718, %dma_start3A_1719, %dma_start3A_1720] : memref<4x512x32xf32, #tpu.memory_space<vmem>> -> memref<1x512x32xf32, #tpu.memory_space<vmem>>
    %dma_start3A_1722 = tpu.memref_squeeze %dma_start3A_1721 : memref<1x512x32xf32, #tpu.memory_space<vmem>> -> memref<512x32xf32, #tpu.memory_space<vmem>>
    %dma_start3A_1723 = arith.constant 0 : i32
    %dma_start3A_1724 = tpu.memref_slice %arg5[%dma_start3A_1717, %dma_start3A_1723] : memref<50x512xi32, #tpu.memory_space<vmem>> -> memref<1x512xi32, #tpu.memory_space<vmem>>
    %dma_start3A_1725 = tpu.memref_squeeze %dma_start3A_1724 : memref<1x512xi32, #tpu.memory_space<vmem>> -> memref<512xi32, #tpu.memory_space<vmem>>
    %dma_start3A_1726 = arith.constant 0 : i32
    %dma_start3A_1727 = arith.constant 0 : i32
    %dma_start3A_1728 = tpu.memref_slice %arg3[%dma_start3A_1726, %dma_start3A_1727] : memref<1000000x32xf32, #tpu.memory_space<hbm>> -> memref<1000000x32xf32, #tpu.memory_space<hbm>>
    tpu.enqueue_indirect_dma source(%dma_start3A_1728 : memref<1000000x32xf32, #tpu.memory_space<hbm>>) target(%dma_start3A_1722 : memref<512x32xf32, #tpu.memory_space<vmem>>) offsets(%dma_start3A_1725 : memref<512xi32, #tpu.memory_space<vmem>>) semaphore(%arg7 : memref<!tpu.dma_semaphore, #tpu.memory_space<semaphore_mem>>)
    %dma_wait3A_1729 = arith.constant 30 : i32
    %dma_wait3A_1730 = arith.constant 2 : i32
    %dma_wait3A_1731 = arith.constant 0 : i32
    %dma_wait3A_1732 = arith.constant 0 : i32
    %dma_wait3A_1733 = tpu.memref_slice %arg6[%dma_wait3A_1730, %dma_wait3A_1731, %dma_wait3A_1732] : memref<4x512x32xf32, #tpu.memory_space<vmem>> -> memref<1x512x32xf32, #tpu.memory_space<vmem>>
    %dma_wait3A_1734 = tpu.memref_squeeze %dma_wait3A_1733 : memref<1x512x32xf32, #tpu.memory_space<vmem>> -> memref<512x32xf32, #tpu.memory_space<vmem>>
    %dma_wait3A_1735 = arith.constant 0 : i32
    %dma_wait3A_1736 = tpu.memref_slice %arg5[%dma_wait3A_1729, %dma_wait3A_1735] : memref<50x512xi32, #tpu.memory_space<vmem>> -> memref<1x512xi32, #tpu.memory_space<vmem>>
    %dma_wait3A_1737 = tpu.memref_squeeze %dma_wait3A_1736 : memref<1x512xi32, #tpu.memory_space<vmem>> -> memref<512xi32, #tpu.memory_space<vmem>>
    %dma_wait3A_1738 = arith.constant 0 : i32
    %dma_wait3A_1739 = arith.constant 0 : i32
    %dma_wait3A_1740 = tpu.memref_slice %arg3[%dma_wait3A_1738, %dma_wait3A_1739] : memref<1000000x32xf32, #tpu.memory_space<hbm>> -> memref<1000000x32xf32, #tpu.memory_space<hbm>>
    tpu.wait_indirect_dma semaphore(%arg7 : memref<!tpu.dma_semaphore, #tpu.memory_space<semaphore_mem>>) src(%dma_wait3A_1740 : memref<1000000x32xf32, #tpu.memory_space<hbm>>) dst(%dma_wait3A_1734 : memref<512x32xf32, #tpu.memory_space<vmem>>)
    %dma_start3A_1741 = arith.constant 2 : i32
    %dma_start3A_1742 = arith.constant 30 : i32
    %dma_start3A_1743 = arith.constant 0 : i32
    %dma_start3A_1744 = arith.constant 0 : i32
    %dma_start3A_1745 = tpu.memref_slice %arg6[%dma_start3A_1741, %dma_start3A_1743, %dma_start3A_1744] : memref<4x512x32xf32, #tpu.memory_space<vmem>> -> memref<1x512x32xf32, #tpu.memory_space<vmem>>
    %dma_start3A_1746 = tpu.memref_squeeze %dma_start3A_1745 : memref<1x512x32xf32, #tpu.memory_space<vmem>> -> memref<512x32xf32, #tpu.memory_space<vmem>>
    %dma_start3A_1747 = arith.constant 0 : i32
    %dma_start3A_1748 = tpu.memref_slice %arg4[%mul3A_2, %dma_start3A_1742, %dma_start3A_1747] : memref<16384x50x32xf32, #tpu.memory_space<hbm>> -> memref<512x1x32xf32, #tpu.memory_space<hbm>>
    %dma_start3A_1749 = tpu.memref_squeeze %dma_start3A_1748 : memref<512x1x32xf32, #tpu.memory_space<hbm>> -> memref<512x32xf32, #tpu.memory_space<hbm>>
    %dma_start3A_1750 = arith.constant 0 : i32
    %dma_start3A_1751 = tpu.memref_slice %arg4[%mul3A_2, %dma_start3A_1742, %dma_start3A_1750] : memref<16384x50x32xf32, #tpu.memory_space<hbm>> -> memref<512x1x32xf32, #tpu.memory_space<hbm>>
    %dma_start3A_1752 = tpu.memref_squeeze %dma_start3A_1751 : memref<512x1x32xf32, #tpu.memory_space<hbm>> -> memref<512x32xf32, #tpu.memory_space<hbm>>
    %dma_start3A_1753 = arith.constant 0 : i32
    %dma_start3A_1754 = arith.constant 0 : i32
    %dma_start3A_1755 = tpu.memref_slice %arg6[%dma_start3A_1741, %dma_start3A_1753, %dma_start3A_1754] : memref<4x512x32xf32, #tpu.memory_space<vmem>> -> memref<1x512x32xf32, #tpu.memory_space<vmem>>
    %dma_start3A_1756 = tpu.memref_squeeze %dma_start3A_1755 : memref<1x512x32xf32, #tpu.memory_space<vmem>> -> memref<512x32xf32, #tpu.memory_space<vmem>>
    tpu.enqueue_dma source(%dma_start3A_1756 : memref<512x32xf32, #tpu.memory_space<vmem>>) target(%dma_start3A_1752 : memref<512x32xf32, #tpu.memory_space<hbm>>) target_semaphore(%arg8 : memref<!tpu.dma_semaphore, #tpu.memory_space<semaphore_mem>>)
    %dma_wait3A_1757 = arith.constant 2 : i32
    %dma_wait3A_1758 = arith.constant 30 : i32
    %dma_wait3A_1759 = arith.constant 0 : i32
    %dma_wait3A_1760 = arith.constant 0 : i32
    %dma_wait3A_1761 = tpu.memref_slice %arg6[%dma_wait3A_1757, %dma_wait3A_1759, %dma_wait3A_1760] : memref<4x512x32xf32, #tpu.memory_space<vmem>> -> memref<1x512x32xf32, #tpu.memory_space<vmem>>
    %dma_wait3A_1762 = tpu.memref_squeeze %dma_wait3A_1761 : memref<1x512x32xf32, #tpu.memory_space<vmem>> -> memref<512x32xf32, #tpu.memory_space<vmem>>
    %dma_wait3A_1763 = arith.constant 0 : i32
    %dma_wait3A_1764 = tpu.memref_slice %arg4[%mul3A_2, %dma_wait3A_1758, %dma_wait3A_1763] : memref<16384x50x32xf32, #tpu.memory_space<hbm>> -> memref<512x1x32xf32, #tpu.memory_space<hbm>>
    %dma_wait3A_1765 = tpu.memref_squeeze %dma_wait3A_1764 : memref<512x1x32xf32, #tpu.memory_space<hbm>> -> memref<512x32xf32, #tpu.memory_space<hbm>>
    %dma_wait3A_1766 = arith.constant 0 : i32
    %dma_wait3A_1767 = tpu.memref_slice %arg4[%mul3A_2, %dma_wait3A_1758, %dma_wait3A_1766] : memref<16384x50x32xf32, #tpu.memory_space<hbm>> -> memref<512x1x32xf32, #tpu.memory_space<hbm>>
    %dma_wait3A_1768 = tpu.memref_squeeze %dma_wait3A_1767 : memref<512x1x32xf32, #tpu.memory_space<hbm>> -> memref<512x32xf32, #tpu.memory_space<hbm>>
    %dma_wait3A_1769 = arith.constant 0 : i32
    %dma_wait3A_1770 = arith.constant 0 : i32
    %dma_wait3A_1771 = tpu.memref_slice %arg6[%dma_wait3A_1757, %dma_wait3A_1769, %dma_wait3A_1770] : memref<4x512x32xf32, #tpu.memory_space<vmem>> -> memref<1x512x32xf32, #tpu.memory_space<vmem>>
    %dma_wait3A_1772 = tpu.memref_squeeze %dma_wait3A_1771 : memref<1x512x32xf32, #tpu.memory_space<vmem>> -> memref<512x32xf32, #tpu.memory_space<vmem>>
    tpu.wait_dma2 semaphore(%arg8 : memref<!tpu.dma_semaphore, #tpu.memory_space<semaphore_mem>>) src(%dma_wait3A_1772 : memref<512x32xf32, #tpu.memory_space<vmem>>) dst(%dma_wait3A_1768 : memref<512x32xf32, #tpu.memory_space<hbm>>)
    %dma_start3A_1773 = arith.constant 34 : i32
    %dma_start3A_1774 = arith.constant 2 : i32
    %dma_start3A_1775 = arith.constant 0 : i32
    %dma_start3A_1776 = arith.constant 0 : i32
    %dma_start3A_1777 = tpu.memref_slice %arg6[%dma_start3A_1774, %dma_start3A_1775, %dma_start3A_1776] : memref<4x512x32xf32, #tpu.memory_space<vmem>> -> memref<1x512x32xf32, #tpu.memory_space<vmem>>
    %dma_start3A_1778 = tpu.memref_squeeze %dma_start3A_1777 : memref<1x512x32xf32, #tpu.memory_space<vmem>> -> memref<512x32xf32, #tpu.memory_space<vmem>>
    %dma_start3A_1779 = arith.constant 0 : i32
    %dma_start3A_1780 = tpu.memref_slice %arg5[%dma_start3A_1773, %dma_start3A_1779] : memref<50x512xi32, #tpu.memory_space<vmem>> -> memref<1x512xi32, #tpu.memory_space<vmem>>
    %dma_start3A_1781 = tpu.memref_squeeze %dma_start3A_1780 : memref<1x512xi32, #tpu.memory_space<vmem>> -> memref<512xi32, #tpu.memory_space<vmem>>
    %dma_start3A_1782 = arith.constant 0 : i32
    %dma_start3A_1783 = arith.constant 0 : i32
    %dma_start3A_1784 = tpu.memref_slice %arg3[%dma_start3A_1782, %dma_start3A_1783] : memref<1000000x32xf32, #tpu.memory_space<hbm>> -> memref<1000000x32xf32, #tpu.memory_space<hbm>>
    tpu.enqueue_indirect_dma source(%dma_start3A_1784 : memref<1000000x32xf32, #tpu.memory_space<hbm>>) target(%dma_start3A_1778 : memref<512x32xf32, #tpu.memory_space<vmem>>) offsets(%dma_start3A_1781 : memref<512xi32, #tpu.memory_space<vmem>>) semaphore(%arg7 : memref<!tpu.dma_semaphore, #tpu.memory_space<semaphore_mem>>)
    %dma_wait3A_1785 = arith.constant 31 : i32
    %dma_wait3A_1786 = arith.constant 3 : i32
    %dma_wait3A_1787 = arith.constant 0 : i32
    %dma_wait3A_1788 = arith.constant 0 : i32
    %dma_wait3A_1789 = tpu.memref_slice %arg6[%dma_wait3A_1786, %dma_wait3A_1787, %dma_wait3A_1788] : memref<4x512x32xf32, #tpu.memory_space<vmem>> -> memref<1x512x32xf32, #tpu.memory_space<vmem>>
    %dma_wait3A_1790 = tpu.memref_squeeze %dma_wait3A_1789 : memref<1x512x32xf32, #tpu.memory_space<vmem>> -> memref<512x32xf32, #tpu.memory_space<vmem>>
    %dma_wait3A_1791 = arith.constant 0 : i32
    %dma_wait3A_1792 = tpu.memref_slice %arg5[%dma_wait3A_1785, %dma_wait3A_1791] : memref<50x512xi32, #tpu.memory_space<vmem>> -> memref<1x512xi32, #tpu.memory_space<vmem>>
    %dma_wait3A_1793 = tpu.memref_squeeze %dma_wait3A_1792 : memref<1x512xi32, #tpu.memory_space<vmem>> -> memref<512xi32, #tpu.memory_space<vmem>>
    %dma_wait3A_1794 = arith.constant 0 : i32
    %dma_wait3A_1795 = arith.constant 0 : i32
    %dma_wait3A_1796 = tpu.memref_slice %arg3[%dma_wait3A_1794, %dma_wait3A_1795] : memref<1000000x32xf32, #tpu.memory_space<hbm>> -> memref<1000000x32xf32, #tpu.memory_space<hbm>>
    tpu.wait_indirect_dma semaphore(%arg7 : memref<!tpu.dma_semaphore, #tpu.memory_space<semaphore_mem>>) src(%dma_wait3A_1796 : memref<1000000x32xf32, #tpu.memory_space<hbm>>) dst(%dma_wait3A_1790 : memref<512x32xf32, #tpu.memory_space<vmem>>)
    %dma_start3A_1797 = arith.constant 3 : i32
    %dma_start3A_1798 = arith.constant 31 : i32
    %dma_start3A_1799 = arith.constant 0 : i32
    %dma_start3A_1800 = arith.constant 0 : i32
    %dma_start3A_1801 = tpu.memref_slice %arg6[%dma_start3A_1797, %dma_start3A_1799, %dma_start3A_1800] : memref<4x512x32xf32, #tpu.memory_space<vmem>> -> memref<1x512x32xf32, #tpu.memory_space<vmem>>
    %dma_start3A_1802 = tpu.memref_squeeze %dma_start3A_1801 : memref<1x512x32xf32, #tpu.memory_space<vmem>> -> memref<512x32xf32, #tpu.memory_space<vmem>>
    %dma_start3A_1803 = arith.constant 0 : i32
    %dma_start3A_1804 = tpu.memref_slice %arg4[%mul3A_2, %dma_start3A_1798, %dma_start3A_1803] : memref<16384x50x32xf32, #tpu.memory_space<hbm>> -> memref<512x1x32xf32, #tpu.memory_space<hbm>>
    %dma_start3A_1805 = tpu.memref_squeeze %dma_start3A_1804 : memref<512x1x32xf32, #tpu.memory_space<hbm>> -> memref<512x32xf32, #tpu.memory_space<hbm>>
    %dma_start3A_1806 = arith.constant 0 : i32
    %dma_start3A_1807 = tpu.memref_slice %arg4[%mul3A_2, %dma_start3A_1798, %dma_start3A_1806] : memref<16384x50x32xf32, #tpu.memory_space<hbm>> -> memref<512x1x32xf32, #tpu.memory_space<hbm>>
    %dma_start3A_1808 = tpu.memref_squeeze %dma_start3A_1807 : memref<512x1x32xf32, #tpu.memory_space<hbm>> -> memref<512x32xf32, #tpu.memory_space<hbm>>
    %dma_start3A_1809 = arith.constant 0 : i32
    %dma_start3A_1810 = arith.constant 0 : i32
    %dma_start3A_1811 = tpu.memref_slice %arg6[%dma_start3A_1797, %dma_start3A_1809, %dma_start3A_1810] : memref<4x512x32xf32, #tpu.memory_space<vmem>> -> memref<1x512x32xf32, #tpu.memory_space<vmem>>
    %dma_start3A_1812 = tpu.memref_squeeze %dma_start3A_1811 : memref<1x512x32xf32, #tpu.memory_space<vmem>> -> memref<512x32xf32, #tpu.memory_space<vmem>>
    tpu.enqueue_dma source(%dma_start3A_1812 : memref<512x32xf32, #tpu.memory_space<vmem>>) target(%dma_start3A_1808 : memref<512x32xf32, #tpu.memory_space<hbm>>) target_semaphore(%arg8 : memref<!tpu.dma_semaphore, #tpu.memory_space<semaphore_mem>>)
    %dma_wait3A_1813 = arith.constant 3 : i32
    %dma_wait3A_1814 = arith.constant 31 : i32
    %dma_wait3A_1815 = arith.constant 0 : i32
    %dma_wait3A_1816 = arith.constant 0 : i32
    %dma_wait3A_1817 = tpu.memref_slice %arg6[%dma_wait3A_1813, %dma_wait3A_1815, %dma_wait3A_1816] : memref<4x512x32xf32, #tpu.memory_space<vmem>> -> memref<1x512x32xf32, #tpu.memory_space<vmem>>
    %dma_wait3A_1818 = tpu.memref_squeeze %dma_wait3A_1817 : memref<1x512x32xf32, #tpu.memory_space<vmem>> -> memref<512x32xf32, #tpu.memory_space<vmem>>
    %dma_wait3A_1819 = arith.constant 0 : i32
    %dma_wait3A_1820 = tpu.memref_slice %arg4[%mul3A_2, %dma_wait3A_1814, %dma_wait3A_1819] : memref<16384x50x32xf32, #tpu.memory_space<hbm>> -> memref<512x1x32xf32, #tpu.memory_space<hbm>>
    %dma_wait3A_1821 = tpu.memref_squeeze %dma_wait3A_1820 : memref<512x1x32xf32, #tpu.memory_space<hbm>> -> memref<512x32xf32, #tpu.memory_space<hbm>>
    %dma_wait3A_1822 = arith.constant 0 : i32
    %dma_wait3A_1823 = tpu.memref_slice %arg4[%mul3A_2, %dma_wait3A_1814, %dma_wait3A_1822] : memref<16384x50x32xf32, #tpu.memory_space<hbm>> -> memref<512x1x32xf32, #tpu.memory_space<hbm>>
    %dma_wait3A_1824 = tpu.memref_squeeze %dma_wait3A_1823 : memref<512x1x32xf32, #tpu.memory_space<hbm>> -> memref<512x32xf32, #tpu.memory_space<hbm>>
    %dma_wait3A_1825 = arith.constant 0 : i32
    %dma_wait3A_1826 = arith.constant 0 : i32
    %dma_wait3A_1827 = tpu.memref_slice %arg6[%dma_wait3A_1813, %dma_wait3A_1825, %dma_wait3A_1826] : memref<4x512x32xf32, #tpu.memory_space<vmem>> -> memref<1x512x32xf32, #tpu.memory_space<vmem>>
    %dma_wait3A_1828 = tpu.memref_squeeze %dma_wait3A_1827 : memref<1x512x32xf32, #tpu.memory_space<vmem>> -> memref<512x32xf32, #tpu.memory_space<vmem>>
    tpu.wait_dma2 semaphore(%arg8 : memref<!tpu.dma_semaphore, #tpu.memory_space<semaphore_mem>>) src(%dma_wait3A_1828 : memref<512x32xf32, #tpu.memory_space<vmem>>) dst(%dma_wait3A_1824 : memref<512x32xf32, #tpu.memory_space<hbm>>)
    %dma_start3A_1829 = arith.constant 35 : i32
    %dma_start3A_1830 = arith.constant 3 : i32
    %dma_start3A_1831 = arith.constant 0 : i32
    %dma_start3A_1832 = arith.constant 0 : i32
    %dma_start3A_1833 = tpu.memref_slice %arg6[%dma_start3A_1830, %dma_start3A_1831, %dma_start3A_1832] : memref<4x512x32xf32, #tpu.memory_space<vmem>> -> memref<1x512x32xf32, #tpu.memory_space<vmem>>
    %dma_start3A_1834 = tpu.memref_squeeze %dma_start3A_1833 : memref<1x512x32xf32, #tpu.memory_space<vmem>> -> memref<512x32xf32, #tpu.memory_space<vmem>>
    %dma_start3A_1835 = arith.constant 0 : i32
    %dma_start3A_1836 = tpu.memref_slice %arg5[%dma_start3A_1829, %dma_start3A_1835] : memref<50x512xi32, #tpu.memory_space<vmem>> -> memref<1x512xi32, #tpu.memory_space<vmem>>
    %dma_start3A_1837 = tpu.memref_squeeze %dma_start3A_1836 : memref<1x512xi32, #tpu.memory_space<vmem>> -> memref<512xi32, #tpu.memory_space<vmem>>
    %dma_start3A_1838 = arith.constant 0 : i32
    %dma_start3A_1839 = arith.constant 0 : i32
    %dma_start3A_1840 = tpu.memref_slice %arg3[%dma_start3A_1838, %dma_start3A_1839] : memref<1000000x32xf32, #tpu.memory_space<hbm>> -> memref<1000000x32xf32, #tpu.memory_space<hbm>>
    tpu.enqueue_indirect_dma source(%dma_start3A_1840 : memref<1000000x32xf32, #tpu.memory_space<hbm>>) target(%dma_start3A_1834 : memref<512x32xf32, #tpu.memory_space<vmem>>) offsets(%dma_start3A_1837 : memref<512xi32, #tpu.memory_space<vmem>>) semaphore(%arg7 : memref<!tpu.dma_semaphore, #tpu.memory_space<semaphore_mem>>)
    %dma_wait3A_1841 = arith.constant 32 : i32
    %dma_wait3A_1842 = arith.constant 0 : i32
    %dma_wait3A_1843 = arith.constant 0 : i32
    %dma_wait3A_1844 = arith.constant 0 : i32
    %dma_wait3A_1845 = tpu.memref_slice %arg6[%dma_wait3A_1842, %dma_wait3A_1843, %dma_wait3A_1844] : memref<4x512x32xf32, #tpu.memory_space<vmem>> -> memref<1x512x32xf32, #tpu.memory_space<vmem>>
    %dma_wait3A_1846 = tpu.memref_squeeze %dma_wait3A_1845 : memref<1x512x32xf32, #tpu.memory_space<vmem>> -> memref<512x32xf32, #tpu.memory_space<vmem>>
    %dma_wait3A_1847 = arith.constant 0 : i32
    %dma_wait3A_1848 = tpu.memref_slice %arg5[%dma_wait3A_1841, %dma_wait3A_1847] : memref<50x512xi32, #tpu.memory_space<vmem>> -> memref<1x512xi32, #tpu.memory_space<vmem>>
    %dma_wait3A_1849 = tpu.memref_squeeze %dma_wait3A_1848 : memref<1x512xi32, #tpu.memory_space<vmem>> -> memref<512xi32, #tpu.memory_space<vmem>>
    %dma_wait3A_1850 = arith.constant 0 : i32
    %dma_wait3A_1851 = arith.constant 0 : i32
    %dma_wait3A_1852 = tpu.memref_slice %arg3[%dma_wait3A_1850, %dma_wait3A_1851] : memref<1000000x32xf32, #tpu.memory_space<hbm>> -> memref<1000000x32xf32, #tpu.memory_space<hbm>>
    tpu.wait_indirect_dma semaphore(%arg7 : memref<!tpu.dma_semaphore, #tpu.memory_space<semaphore_mem>>) src(%dma_wait3A_1852 : memref<1000000x32xf32, #tpu.memory_space<hbm>>) dst(%dma_wait3A_1846 : memref<512x32xf32, #tpu.memory_space<vmem>>)
    %dma_start3A_1853 = arith.constant 0 : i32
    %dma_start3A_1854 = arith.constant 32 : i32
    %dma_start3A_1855 = arith.constant 0 : i32
    %dma_start3A_1856 = arith.constant 0 : i32
    %dma_start3A_1857 = tpu.memref_slice %arg6[%dma_start3A_1853, %dma_start3A_1855, %dma_start3A_1856] : memref<4x512x32xf32, #tpu.memory_space<vmem>> -> memref<1x512x32xf32, #tpu.memory_space<vmem>>
    %dma_start3A_1858 = tpu.memref_squeeze %dma_start3A_1857 : memref<1x512x32xf32, #tpu.memory_space<vmem>> -> memref<512x32xf32, #tpu.memory_space<vmem>>
    %dma_start3A_1859 = arith.constant 0 : i32
    %dma_start3A_1860 = tpu.memref_slice %arg4[%mul3A_2, %dma_start3A_1854, %dma_start3A_1859] : memref<16384x50x32xf32, #tpu.memory_space<hbm>> -> memref<512x1x32xf32, #tpu.memory_space<hbm>>
    %dma_start3A_1861 = tpu.memref_squeeze %dma_start3A_1860 : memref<512x1x32xf32, #tpu.memory_space<hbm>> -> memref<512x32xf32, #tpu.memory_space<hbm>>
    %dma_start3A_1862 = arith.constant 0 : i32
    %dma_start3A_1863 = tpu.memref_slice %arg4[%mul3A_2, %dma_start3A_1854, %dma_start3A_1862] : memref<16384x50x32xf32, #tpu.memory_space<hbm>> -> memref<512x1x32xf32, #tpu.memory_space<hbm>>
    %dma_start3A_1864 = tpu.memref_squeeze %dma_start3A_1863 : memref<512x1x32xf32, #tpu.memory_space<hbm>> -> memref<512x32xf32, #tpu.memory_space<hbm>>
    %dma_start3A_1865 = arith.constant 0 : i32
    %dma_start3A_1866 = arith.constant 0 : i32
    %dma_start3A_1867 = tpu.memref_slice %arg6[%dma_start3A_1853, %dma_start3A_1865, %dma_start3A_1866] : memref<4x512x32xf32, #tpu.memory_space<vmem>> -> memref<1x512x32xf32, #tpu.memory_space<vmem>>
    %dma_start3A_1868 = tpu.memref_squeeze %dma_start3A_1867 : memref<1x512x32xf32, #tpu.memory_space<vmem>> -> memref<512x32xf32, #tpu.memory_space<vmem>>
    tpu.enqueue_dma source(%dma_start3A_1868 : memref<512x32xf32, #tpu.memory_space<vmem>>) target(%dma_start3A_1864 : memref<512x32xf32, #tpu.memory_space<hbm>>) target_semaphore(%arg8 : memref<!tpu.dma_semaphore, #tpu.memory_space<semaphore_mem>>)
    %dma_wait3A_1869 = arith.constant 0 : i32
    %dma_wait3A_1870 = arith.constant 32 : i32
    %dma_wait3A_1871 = arith.constant 0 : i32
    %dma_wait3A_1872 = arith.constant 0 : i32
    %dma_wait3A_1873 = tpu.memref_slice %arg6[%dma_wait3A_1869, %dma_wait3A_1871, %dma_wait3A_1872] : memref<4x512x32xf32, #tpu.memory_space<vmem>> -> memref<1x512x32xf32, #tpu.memory_space<vmem>>
    %dma_wait3A_1874 = tpu.memref_squeeze %dma_wait3A_1873 : memref<1x512x32xf32, #tpu.memory_space<vmem>> -> memref<512x32xf32, #tpu.memory_space<vmem>>
    %dma_wait3A_1875 = arith.constant 0 : i32
    %dma_wait3A_1876 = tpu.memref_slice %arg4[%mul3A_2, %dma_wait3A_1870, %dma_wait3A_1875] : memref<16384x50x32xf32, #tpu.memory_space<hbm>> -> memref<512x1x32xf32, #tpu.memory_space<hbm>>
    %dma_wait3A_1877 = tpu.memref_squeeze %dma_wait3A_1876 : memref<512x1x32xf32, #tpu.memory_space<hbm>> -> memref<512x32xf32, #tpu.memory_space<hbm>>
    %dma_wait3A_1878 = arith.constant 0 : i32
    %dma_wait3A_1879 = tpu.memref_slice %arg4[%mul3A_2, %dma_wait3A_1870, %dma_wait3A_1878] : memref<16384x50x32xf32, #tpu.memory_space<hbm>> -> memref<512x1x32xf32, #tpu.memory_space<hbm>>
    %dma_wait3A_1880 = tpu.memref_squeeze %dma_wait3A_1879 : memref<512x1x32xf32, #tpu.memory_space<hbm>> -> memref<512x32xf32, #tpu.memory_space<hbm>>
    %dma_wait3A_1881 = arith.constant 0 : i32
    %dma_wait3A_1882 = arith.constant 0 : i32
    %dma_wait3A_1883 = tpu.memref_slice %arg6[%dma_wait3A_1869, %dma_wait3A_1881, %dma_wait3A_1882] : memref<4x512x32xf32, #tpu.memory_space<vmem>> -> memref<1x512x32xf32, #tpu.memory_space<vmem>>
    %dma_wait3A_1884 = tpu.memref_squeeze %dma_wait3A_1883 : memref<1x512x32xf32, #tpu.memory_space<vmem>> -> memref<512x32xf32, #tpu.memory_space<vmem>>
    tpu.wait_dma2 semaphore(%arg8 : memref<!tpu.dma_semaphore, #tpu.memory_space<semaphore_mem>>) src(%dma_wait3A_1884 : memref<512x32xf32, #tpu.memory_space<vmem>>) dst(%dma_wait3A_1880 : memref<512x32xf32, #tpu.memory_space<hbm>>)
    %dma_start3A_1885 = arith.constant 36 : i32
    %dma_start3A_1886 = arith.constant 0 : i32
    %dma_start3A_1887 = arith.constant 0 : i32
    %dma_start3A_1888 = arith.constant 0 : i32
    %dma_start3A_1889 = tpu.memref_slice %arg6[%dma_start3A_1886, %dma_start3A_1887, %dma_start3A_1888] : memref<4x512x32xf32, #tpu.memory_space<vmem>> -> memref<1x512x32xf32, #tpu.memory_space<vmem>>
    %dma_start3A_1890 = tpu.memref_squeeze %dma_start3A_1889 : memref<1x512x32xf32, #tpu.memory_space<vmem>> -> memref<512x32xf32, #tpu.memory_space<vmem>>
    %dma_start3A_1891 = arith.constant 0 : i32
    %dma_start3A_1892 = tpu.memref_slice %arg5[%dma_start3A_1885, %dma_start3A_1891] : memref<50x512xi32, #tpu.memory_space<vmem>> -> memref<1x512xi32, #tpu.memory_space<vmem>>
    %dma_start3A_1893 = tpu.memref_squeeze %dma_start3A_1892 : memref<1x512xi32, #tpu.memory_space<vmem>> -> memref<512xi32, #tpu.memory_space<vmem>>
    %dma_start3A_1894 = arith.constant 0 : i32
    %dma_start3A_1895 = arith.constant 0 : i32
    %dma_start3A_1896 = tpu.memref_slice %arg3[%dma_start3A_1894, %dma_start3A_1895] : memref<1000000x32xf32, #tpu.memory_space<hbm>> -> memref<1000000x32xf32, #tpu.memory_space<hbm>>
    tpu.enqueue_indirect_dma source(%dma_start3A_1896 : memref<1000000x32xf32, #tpu.memory_space<hbm>>) target(%dma_start3A_1890 : memref<512x32xf32, #tpu.memory_space<vmem>>) offsets(%dma_start3A_1893 : memref<512xi32, #tpu.memory_space<vmem>>) semaphore(%arg7 : memref<!tpu.dma_semaphore, #tpu.memory_space<semaphore_mem>>)
    %dma_wait3A_1897 = arith.constant 33 : i32
    %dma_wait3A_1898 = arith.constant 1 : i32
    %dma_wait3A_1899 = arith.constant 0 : i32
    %dma_wait3A_1900 = arith.constant 0 : i32
    %dma_wait3A_1901 = tpu.memref_slice %arg6[%dma_wait3A_1898, %dma_wait3A_1899, %dma_wait3A_1900] : memref<4x512x32xf32, #tpu.memory_space<vmem>> -> memref<1x512x32xf32, #tpu.memory_space<vmem>>
    %dma_wait3A_1902 = tpu.memref_squeeze %dma_wait3A_1901 : memref<1x512x32xf32, #tpu.memory_space<vmem>> -> memref<512x32xf32, #tpu.memory_space<vmem>>
    %dma_wait3A_1903 = arith.constant 0 : i32
    %dma_wait3A_1904 = tpu.memref_slice %arg5[%dma_wait3A_1897, %dma_wait3A_1903] : memref<50x512xi32, #tpu.memory_space<vmem>> -> memref<1x512xi32, #tpu.memory_space<vmem>>
    %dma_wait3A_1905 = tpu.memref_squeeze %dma_wait3A_1904 : memref<1x512xi32, #tpu.memory_space<vmem>> -> memref<512xi32, #tpu.memory_space<vmem>>
    %dma_wait3A_1906 = arith.constant 0 : i32
    %dma_wait3A_1907 = arith.constant 0 : i32
    %dma_wait3A_1908 = tpu.memref_slice %arg3[%dma_wait3A_1906, %dma_wait3A_1907] : memref<1000000x32xf32, #tpu.memory_space<hbm>> -> memref<1000000x32xf32, #tpu.memory_space<hbm>>
    tpu.wait_indirect_dma semaphore(%arg7 : memref<!tpu.dma_semaphore, #tpu.memory_space<semaphore_mem>>) src(%dma_wait3A_1908 : memref<1000000x32xf32, #tpu.memory_space<hbm>>) dst(%dma_wait3A_1902 : memref<512x32xf32, #tpu.memory_space<vmem>>)
    %dma_start3A_1909 = arith.constant 1 : i32
    %dma_start3A_1910 = arith.constant 33 : i32
    %dma_start3A_1911 = arith.constant 0 : i32
    %dma_start3A_1912 = arith.constant 0 : i32
    %dma_start3A_1913 = tpu.memref_slice %arg6[%dma_start3A_1909, %dma_start3A_1911, %dma_start3A_1912] : memref<4x512x32xf32, #tpu.memory_space<vmem>> -> memref<1x512x32xf32, #tpu.memory_space<vmem>>
    %dma_start3A_1914 = tpu.memref_squeeze %dma_start3A_1913 : memref<1x512x32xf32, #tpu.memory_space<vmem>> -> memref<512x32xf32, #tpu.memory_space<vmem>>
    %dma_start3A_1915 = arith.constant 0 : i32
    %dma_start3A_1916 = tpu.memref_slice %arg4[%mul3A_2, %dma_start3A_1910, %dma_start3A_1915] : memref<16384x50x32xf32, #tpu.memory_space<hbm>> -> memref<512x1x32xf32, #tpu.memory_space<hbm>>
    %dma_start3A_1917 = tpu.memref_squeeze %dma_start3A_1916 : memref<512x1x32xf32, #tpu.memory_space<hbm>> -> memref<512x32xf32, #tpu.memory_space<hbm>>
    %dma_start3A_1918 = arith.constant 0 : i32
    %dma_start3A_1919 = tpu.memref_slice %arg4[%mul3A_2, %dma_start3A_1910, %dma_start3A_1918] : memref<16384x50x32xf32, #tpu.memory_space<hbm>> -> memref<512x1x32xf32, #tpu.memory_space<hbm>>
    %dma_start3A_1920 = tpu.memref_squeeze %dma_start3A_1919 : memref<512x1x32xf32, #tpu.memory_space<hbm>> -> memref<512x32xf32, #tpu.memory_space<hbm>>
    %dma_start3A_1921 = arith.constant 0 : i32
    %dma_start3A_1922 = arith.constant 0 : i32
    %dma_start3A_1923 = tpu.memref_slice %arg6[%dma_start3A_1909, %dma_start3A_1921, %dma_start3A_1922] : memref<4x512x32xf32, #tpu.memory_space<vmem>> -> memref<1x512x32xf32, #tpu.memory_space<vmem>>
    %dma_start3A_1924 = tpu.memref_squeeze %dma_start3A_1923 : memref<1x512x32xf32, #tpu.memory_space<vmem>> -> memref<512x32xf32, #tpu.memory_space<vmem>>
    tpu.enqueue_dma source(%dma_start3A_1924 : memref<512x32xf32, #tpu.memory_space<vmem>>) target(%dma_start3A_1920 : memref<512x32xf32, #tpu.memory_space<hbm>>) target_semaphore(%arg8 : memref<!tpu.dma_semaphore, #tpu.memory_space<semaphore_mem>>)
    %dma_wait3A_1925 = arith.constant 1 : i32
    %dma_wait3A_1926 = arith.constant 33 : i32
    %dma_wait3A_1927 = arith.constant 0 : i32
    %dma_wait3A_1928 = arith.constant 0 : i32
    %dma_wait3A_1929 = tpu.memref_slice %arg6[%dma_wait3A_1925, %dma_wait3A_1927, %dma_wait3A_1928] : memref<4x512x32xf32, #tpu.memory_space<vmem>> -> memref<1x512x32xf32, #tpu.memory_space<vmem>>
    %dma_wait3A_1930 = tpu.memref_squeeze %dma_wait3A_1929 : memref<1x512x32xf32, #tpu.memory_space<vmem>> -> memref<512x32xf32, #tpu.memory_space<vmem>>
    %dma_wait3A_1931 = arith.constant 0 : i32
    %dma_wait3A_1932 = tpu.memref_slice %arg4[%mul3A_2, %dma_wait3A_1926, %dma_wait3A_1931] : memref<16384x50x32xf32, #tpu.memory_space<hbm>> -> memref<512x1x32xf32, #tpu.memory_space<hbm>>
    %dma_wait3A_1933 = tpu.memref_squeeze %dma_wait3A_1932 : memref<512x1x32xf32, #tpu.memory_space<hbm>> -> memref<512x32xf32, #tpu.memory_space<hbm>>
    %dma_wait3A_1934 = arith.constant 0 : i32
    %dma_wait3A_1935 = tpu.memref_slice %arg4[%mul3A_2, %dma_wait3A_1926, %dma_wait3A_1934] : memref<16384x50x32xf32, #tpu.memory_space<hbm>> -> memref<512x1x32xf32, #tpu.memory_space<hbm>>
    %dma_wait3A_1936 = tpu.memref_squeeze %dma_wait3A_1935 : memref<512x1x32xf32, #tpu.memory_space<hbm>> -> memref<512x32xf32, #tpu.memory_space<hbm>>
    %dma_wait3A_1937 = arith.constant 0 : i32
    %dma_wait3A_1938 = arith.constant 0 : i32
    %dma_wait3A_1939 = tpu.memref_slice %arg6[%dma_wait3A_1925, %dma_wait3A_1937, %dma_wait3A_1938] : memref<4x512x32xf32, #tpu.memory_space<vmem>> -> memref<1x512x32xf32, #tpu.memory_space<vmem>>
    %dma_wait3A_1940 = tpu.memref_squeeze %dma_wait3A_1939 : memref<1x512x32xf32, #tpu.memory_space<vmem>> -> memref<512x32xf32, #tpu.memory_space<vmem>>
    tpu.wait_dma2 semaphore(%arg8 : memref<!tpu.dma_semaphore, #tpu.memory_space<semaphore_mem>>) src(%dma_wait3A_1940 : memref<512x32xf32, #tpu.memory_space<vmem>>) dst(%dma_wait3A_1936 : memref<512x32xf32, #tpu.memory_space<hbm>>)
    %dma_start3A_1941 = arith.constant 37 : i32
    %dma_start3A_1942 = arith.constant 1 : i32
    %dma_start3A_1943 = arith.constant 0 : i32
    %dma_start3A_1944 = arith.constant 0 : i32
    %dma_start3A_1945 = tpu.memref_slice %arg6[%dma_start3A_1942, %dma_start3A_1943, %dma_start3A_1944] : memref<4x512x32xf32, #tpu.memory_space<vmem>> -> memref<1x512x32xf32, #tpu.memory_space<vmem>>
    %dma_start3A_1946 = tpu.memref_squeeze %dma_start3A_1945 : memref<1x512x32xf32, #tpu.memory_space<vmem>> -> memref<512x32xf32, #tpu.memory_space<vmem>>
    %dma_start3A_1947 = arith.constant 0 : i32
    %dma_start3A_1948 = tpu.memref_slice %arg5[%dma_start3A_1941, %dma_start3A_1947] : memref<50x512xi32, #tpu.memory_space<vmem>> -> memref<1x512xi32, #tpu.memory_space<vmem>>
    %dma_start3A_1949 = tpu.memref_squeeze %dma_start3A_1948 : memref<1x512xi32, #tpu.memory_space<vmem>> -> memref<512xi32, #tpu.memory_space<vmem>>
    %dma_start3A_1950 = arith.constant 0 : i32
    %dma_start3A_1951 = arith.constant 0 : i32
    %dma_start3A_1952 = tpu.memref_slice %arg3[%dma_start3A_1950, %dma_start3A_1951] : memref<1000000x32xf32, #tpu.memory_space<hbm>> -> memref<1000000x32xf32, #tpu.memory_space<hbm>>
    tpu.enqueue_indirect_dma source(%dma_start3A_1952 : memref<1000000x32xf32, #tpu.memory_space<hbm>>) target(%dma_start3A_1946 : memref<512x32xf32, #tpu.memory_space<vmem>>) offsets(%dma_start3A_1949 : memref<512xi32, #tpu.memory_space<vmem>>) semaphore(%arg7 : memref<!tpu.dma_semaphore, #tpu.memory_space<semaphore_mem>>)
    %dma_wait3A_1953 = arith.constant 34 : i32
    %dma_wait3A_1954 = arith.constant 2 : i32
    %dma_wait3A_1955 = arith.constant 0 : i32
    %dma_wait3A_1956 = arith.constant 0 : i32
    %dma_wait3A_1957 = tpu.memref_slice %arg6[%dma_wait3A_1954, %dma_wait3A_1955, %dma_wait3A_1956] : memref<4x512x32xf32, #tpu.memory_space<vmem>> -> memref<1x512x32xf32, #tpu.memory_space<vmem>>
    %dma_wait3A_1958 = tpu.memref_squeeze %dma_wait3A_1957 : memref<1x512x32xf32, #tpu.memory_space<vmem>> -> memref<512x32xf32, #tpu.memory_space<vmem>>
    %dma_wait3A_1959 = arith.constant 0 : i32
    %dma_wait3A_1960 = tpu.memref_slice %arg5[%dma_wait3A_1953, %dma_wait3A_1959] : memref<50x512xi32, #tpu.memory_space<vmem>> -> memref<1x512xi32, #tpu.memory_space<vmem>>
    %dma_wait3A_1961 = tpu.memref_squeeze %dma_wait3A_1960 : memref<1x512xi32, #tpu.memory_space<vmem>> -> memref<512xi32, #tpu.memory_space<vmem>>
    %dma_wait3A_1962 = arith.constant 0 : i32
    %dma_wait3A_1963 = arith.constant 0 : i32
    %dma_wait3A_1964 = tpu.memref_slice %arg3[%dma_wait3A_1962, %dma_wait3A_1963] : memref<1000000x32xf32, #tpu.memory_space<hbm>> -> memref<1000000x32xf32, #tpu.memory_space<hbm>>
    tpu.wait_indirect_dma semaphore(%arg7 : memref<!tpu.dma_semaphore, #tpu.memory_space<semaphore_mem>>) src(%dma_wait3A_1964 : memref<1000000x32xf32, #tpu.memory_space<hbm>>) dst(%dma_wait3A_1958 : memref<512x32xf32, #tpu.memory_space<vmem>>)
    %dma_start3A_1965 = arith.constant 2 : i32
    %dma_start3A_1966 = arith.constant 34 : i32
    %dma_start3A_1967 = arith.constant 0 : i32
    %dma_start3A_1968 = arith.constant 0 : i32
    %dma_start3A_1969 = tpu.memref_slice %arg6[%dma_start3A_1965, %dma_start3A_1967, %dma_start3A_1968] : memref<4x512x32xf32, #tpu.memory_space<vmem>> -> memref<1x512x32xf32, #tpu.memory_space<vmem>>
    %dma_start3A_1970 = tpu.memref_squeeze %dma_start3A_1969 : memref<1x512x32xf32, #tpu.memory_space<vmem>> -> memref<512x32xf32, #tpu.memory_space<vmem>>
    %dma_start3A_1971 = arith.constant 0 : i32
    %dma_start3A_1972 = tpu.memref_slice %arg4[%mul3A_2, %dma_start3A_1966, %dma_start3A_1971] : memref<16384x50x32xf32, #tpu.memory_space<hbm>> -> memref<512x1x32xf32, #tpu.memory_space<hbm>>
    %dma_start3A_1973 = tpu.memref_squeeze %dma_start3A_1972 : memref<512x1x32xf32, #tpu.memory_space<hbm>> -> memref<512x32xf32, #tpu.memory_space<hbm>>
    %dma_start3A_1974 = arith.constant 0 : i32
    %dma_start3A_1975 = tpu.memref_slice %arg4[%mul3A_2, %dma_start3A_1966, %dma_start3A_1974] : memref<16384x50x32xf32, #tpu.memory_space<hbm>> -> memref<512x1x32xf32, #tpu.memory_space<hbm>>
    %dma_start3A_1976 = tpu.memref_squeeze %dma_start3A_1975 : memref<512x1x32xf32, #tpu.memory_space<hbm>> -> memref<512x32xf32, #tpu.memory_space<hbm>>
    %dma_start3A_1977 = arith.constant 0 : i32
    %dma_start3A_1978 = arith.constant 0 : i32
    %dma_start3A_1979 = tpu.memref_slice %arg6[%dma_start3A_1965, %dma_start3A_1977, %dma_start3A_1978] : memref<4x512x32xf32, #tpu.memory_space<vmem>> -> memref<1x512x32xf32, #tpu.memory_space<vmem>>
    %dma_start3A_1980 = tpu.memref_squeeze %dma_start3A_1979 : memref<1x512x32xf32, #tpu.memory_space<vmem>> -> memref<512x32xf32, #tpu.memory_space<vmem>>
    tpu.enqueue_dma source(%dma_start3A_1980 : memref<512x32xf32, #tpu.memory_space<vmem>>) target(%dma_start3A_1976 : memref<512x32xf32, #tpu.memory_space<hbm>>) target_semaphore(%arg8 : memref<!tpu.dma_semaphore, #tpu.memory_space<semaphore_mem>>)
    %dma_wait3A_1981 = arith.constant 2 : i32
    %dma_wait3A_1982 = arith.constant 34 : i32
    %dma_wait3A_1983 = arith.constant 0 : i32
    %dma_wait3A_1984 = arith.constant 0 : i32
    %dma_wait3A_1985 = tpu.memref_slice %arg6[%dma_wait3A_1981, %dma_wait3A_1983, %dma_wait3A_1984] : memref<4x512x32xf32, #tpu.memory_space<vmem>> -> memref<1x512x32xf32, #tpu.memory_space<vmem>>
    %dma_wait3A_1986 = tpu.memref_squeeze %dma_wait3A_1985 : memref<1x512x32xf32, #tpu.memory_space<vmem>> -> memref<512x32xf32, #tpu.memory_space<vmem>>
    %dma_wait3A_1987 = arith.constant 0 : i32
    %dma_wait3A_1988 = tpu.memref_slice %arg4[%mul3A_2, %dma_wait3A_1982, %dma_wait3A_1987] : memref<16384x50x32xf32, #tpu.memory_space<hbm>> -> memref<512x1x32xf32, #tpu.memory_space<hbm>>
    %dma_wait3A_1989 = tpu.memref_squeeze %dma_wait3A_1988 : memref<512x1x32xf32, #tpu.memory_space<hbm>> -> memref<512x32xf32, #tpu.memory_space<hbm>>
    %dma_wait3A_1990 = arith.constant 0 : i32
    %dma_wait3A_1991 = tpu.memref_slice %arg4[%mul3A_2, %dma_wait3A_1982, %dma_wait3A_1990] : memref<16384x50x32xf32, #tpu.memory_space<hbm>> -> memref<512x1x32xf32, #tpu.memory_space<hbm>>
    %dma_wait3A_1992 = tpu.memref_squeeze %dma_wait3A_1991 : memref<512x1x32xf32, #tpu.memory_space<hbm>> -> memref<512x32xf32, #tpu.memory_space<hbm>>
    %dma_wait3A_1993 = arith.constant 0 : i32
    %dma_wait3A_1994 = arith.constant 0 : i32
    %dma_wait3A_1995 = tpu.memref_slice %arg6[%dma_wait3A_1981, %dma_wait3A_1993, %dma_wait3A_1994] : memref<4x512x32xf32, #tpu.memory_space<vmem>> -> memref<1x512x32xf32, #tpu.memory_space<vmem>>
    %dma_wait3A_1996 = tpu.memref_squeeze %dma_wait3A_1995 : memref<1x512x32xf32, #tpu.memory_space<vmem>> -> memref<512x32xf32, #tpu.memory_space<vmem>>
    tpu.wait_dma2 semaphore(%arg8 : memref<!tpu.dma_semaphore, #tpu.memory_space<semaphore_mem>>) src(%dma_wait3A_1996 : memref<512x32xf32, #tpu.memory_space<vmem>>) dst(%dma_wait3A_1992 : memref<512x32xf32, #tpu.memory_space<hbm>>)
    %dma_start3A_1997 = arith.constant 38 : i32
    %dma_start3A_1998 = arith.constant 2 : i32
    %dma_start3A_1999 = arith.constant 0 : i32
    %dma_start3A_2000 = arith.constant 0 : i32
    %dma_start3A_2001 = tpu.memref_slice %arg6[%dma_start3A_1998, %dma_start3A_1999, %dma_start3A_2000] : memref<4x512x32xf32, #tpu.memory_space<vmem>> -> memref<1x512x32xf32, #tpu.memory_space<vmem>>
    %dma_start3A_2002 = tpu.memref_squeeze %dma_start3A_2001 : memref<1x512x32xf32, #tpu.memory_space<vmem>> -> memref<512x32xf32, #tpu.memory_space<vmem>>
    %dma_start3A_2003 = arith.constant 0 : i32
    %dma_start3A_2004 = tpu.memref_slice %arg5[%dma_start3A_1997, %dma_start3A_2003] : memref<50x512xi32, #tpu.memory_space<vmem>> -> memref<1x512xi32, #tpu.memory_space<vmem>>
    %dma_start3A_2005 = tpu.memref_squeeze %dma_start3A_2004 : memref<1x512xi32, #tpu.memory_space<vmem>> -> memref<512xi32, #tpu.memory_space<vmem>>
    %dma_start3A_2006 = arith.constant 0 : i32
    %dma_start3A_2007 = arith.constant 0 : i32
    %dma_start3A_2008 = tpu.memref_slice %arg3[%dma_start3A_2006, %dma_start3A_2007] : memref<1000000x32xf32, #tpu.memory_space<hbm>> -> memref<1000000x32xf32, #tpu.memory_space<hbm>>
    tpu.enqueue_indirect_dma source(%dma_start3A_2008 : memref<1000000x32xf32, #tpu.memory_space<hbm>>) target(%dma_start3A_2002 : memref<512x32xf32, #tpu.memory_space<vmem>>) offsets(%dma_start3A_2005 : memref<512xi32, #tpu.memory_space<vmem>>) semaphore(%arg7 : memref<!tpu.dma_semaphore, #tpu.memory_space<semaphore_mem>>)
    %dma_wait3A_2009 = arith.constant 35 : i32
    %dma_wait3A_2010 = arith.constant 3 : i32
    %dma_wait3A_2011 = arith.constant 0 : i32
    %dma_wait3A_2012 = arith.constant 0 : i32
    %dma_wait3A_2013 = tpu.memref_slice %arg6[%dma_wait3A_2010, %dma_wait3A_2011, %dma_wait3A_2012] : memref<4x512x32xf32, #tpu.memory_space<vmem>> -> memref<1x512x32xf32, #tpu.memory_space<vmem>>
    %dma_wait3A_2014 = tpu.memref_squeeze %dma_wait3A_2013 : memref<1x512x32xf32, #tpu.memory_space<vmem>> -> memref<512x32xf32, #tpu.memory_space<vmem>>
    %dma_wait3A_2015 = arith.constant 0 : i32
    %dma_wait3A_2016 = tpu.memref_slice %arg5[%dma_wait3A_2009, %dma_wait3A_2015] : memref<50x512xi32, #tpu.memory_space<vmem>> -> memref<1x512xi32, #tpu.memory_space<vmem>>
    %dma_wait3A_2017 = tpu.memref_squeeze %dma_wait3A_2016 : memref<1x512xi32, #tpu.memory_space<vmem>> -> memref<512xi32, #tpu.memory_space<vmem>>
    %dma_wait3A_2018 = arith.constant 0 : i32
    %dma_wait3A_2019 = arith.constant 0 : i32
    %dma_wait3A_2020 = tpu.memref_slice %arg3[%dma_wait3A_2018, %dma_wait3A_2019] : memref<1000000x32xf32, #tpu.memory_space<hbm>> -> memref<1000000x32xf32, #tpu.memory_space<hbm>>
    tpu.wait_indirect_dma semaphore(%arg7 : memref<!tpu.dma_semaphore, #tpu.memory_space<semaphore_mem>>) src(%dma_wait3A_2020 : memref<1000000x32xf32, #tpu.memory_space<hbm>>) dst(%dma_wait3A_2014 : memref<512x32xf32, #tpu.memory_space<vmem>>)
    %dma_start3A_2021 = arith.constant 3 : i32
    %dma_start3A_2022 = arith.constant 35 : i32
    %dma_start3A_2023 = arith.constant 0 : i32
    %dma_start3A_2024 = arith.constant 0 : i32
    %dma_start3A_2025 = tpu.memref_slice %arg6[%dma_start3A_2021, %dma_start3A_2023, %dma_start3A_2024] : memref<4x512x32xf32, #tpu.memory_space<vmem>> -> memref<1x512x32xf32, #tpu.memory_space<vmem>>
    %dma_start3A_2026 = tpu.memref_squeeze %dma_start3A_2025 : memref<1x512x32xf32, #tpu.memory_space<vmem>> -> memref<512x32xf32, #tpu.memory_space<vmem>>
    %dma_start3A_2027 = arith.constant 0 : i32
    %dma_start3A_2028 = tpu.memref_slice %arg4[%mul3A_2, %dma_start3A_2022, %dma_start3A_2027] : memref<16384x50x32xf32, #tpu.memory_space<hbm>> -> memref<512x1x32xf32, #tpu.memory_space<hbm>>
    %dma_start3A_2029 = tpu.memref_squeeze %dma_start3A_2028 : memref<512x1x32xf32, #tpu.memory_space<hbm>> -> memref<512x32xf32, #tpu.memory_space<hbm>>
    %dma_start3A_2030 = arith.constant 0 : i32
    %dma_start3A_2031 = tpu.memref_slice %arg4[%mul3A_2, %dma_start3A_2022, %dma_start3A_2030] : memref<16384x50x32xf32, #tpu.memory_space<hbm>> -> memref<512x1x32xf32, #tpu.memory_space<hbm>>
    %dma_start3A_2032 = tpu.memref_squeeze %dma_start3A_2031 : memref<512x1x32xf32, #tpu.memory_space<hbm>> -> memref<512x32xf32, #tpu.memory_space<hbm>>
    %dma_start3A_2033 = arith.constant 0 : i32
    %dma_start3A_2034 = arith.constant 0 : i32
    %dma_start3A_2035 = tpu.memref_slice %arg6[%dma_start3A_2021, %dma_start3A_2033, %dma_start3A_2034] : memref<4x512x32xf32, #tpu.memory_space<vmem>> -> memref<1x512x32xf32, #tpu.memory_space<vmem>>
    %dma_start3A_2036 = tpu.memref_squeeze %dma_start3A_2035 : memref<1x512x32xf32, #tpu.memory_space<vmem>> -> memref<512x32xf32, #tpu.memory_space<vmem>>
    tpu.enqueue_dma source(%dma_start3A_2036 : memref<512x32xf32, #tpu.memory_space<vmem>>) target(%dma_start3A_2032 : memref<512x32xf32, #tpu.memory_space<hbm>>) target_semaphore(%arg8 : memref<!tpu.dma_semaphore, #tpu.memory_space<semaphore_mem>>)
    %dma_wait3A_2037 = arith.constant 3 : i32
    %dma_wait3A_2038 = arith.constant 35 : i32
    %dma_wait3A_2039 = arith.constant 0 : i32
    %dma_wait3A_2040 = arith.constant 0 : i32
    %dma_wait3A_2041 = tpu.memref_slice %arg6[%dma_wait3A_2037, %dma_wait3A_2039, %dma_wait3A_2040] : memref<4x512x32xf32, #tpu.memory_space<vmem>> -> memref<1x512x32xf32, #tpu.memory_space<vmem>>
    %dma_wait3A_2042 = tpu.memref_squeeze %dma_wait3A_2041 : memref<1x512x32xf32, #tpu.memory_space<vmem>> -> memref<512x32xf32, #tpu.memory_space<vmem>>
    %dma_wait3A_2043 = arith.constant 0 : i32
    %dma_wait3A_2044 = tpu.memref_slice %arg4[%mul3A_2, %dma_wait3A_2038, %dma_wait3A_2043] : memref<16384x50x32xf32, #tpu.memory_space<hbm>> -> memref<512x1x32xf32, #tpu.memory_space<hbm>>
    %dma_wait3A_2045 = tpu.memref_squeeze %dma_wait3A_2044 : memref<512x1x32xf32, #tpu.memory_space<hbm>> -> memref<512x32xf32, #tpu.memory_space<hbm>>
    %dma_wait3A_2046 = arith.constant 0 : i32
    %dma_wait3A_2047 = tpu.memref_slice %arg4[%mul3A_2, %dma_wait3A_2038, %dma_wait3A_2046] : memref<16384x50x32xf32, #tpu.memory_space<hbm>> -> memref<512x1x32xf32, #tpu.memory_space<hbm>>
    %dma_wait3A_2048 = tpu.memref_squeeze %dma_wait3A_2047 : memref<512x1x32xf32, #tpu.memory_space<hbm>> -> memref<512x32xf32, #tpu.memory_space<hbm>>
    %dma_wait3A_2049 = arith.constant 0 : i32
    %dma_wait3A_2050 = arith.constant 0 : i32
    %dma_wait3A_2051 = tpu.memref_slice %arg6[%dma_wait3A_2037, %dma_wait3A_2049, %dma_wait3A_2050] : memref<4x512x32xf32, #tpu.memory_space<vmem>> -> memref<1x512x32xf32, #tpu.memory_space<vmem>>
    %dma_wait3A_2052 = tpu.memref_squeeze %dma_wait3A_2051 : memref<1x512x32xf32, #tpu.memory_space<vmem>> -> memref<512x32xf32, #tpu.memory_space<vmem>>
    tpu.wait_dma2 semaphore(%arg8 : memref<!tpu.dma_semaphore, #tpu.memory_space<semaphore_mem>>) src(%dma_wait3A_2052 : memref<512x32xf32, #tpu.memory_space<vmem>>) dst(%dma_wait3A_2048 : memref<512x32xf32, #tpu.memory_space<hbm>>)
    %dma_start3A_2053 = arith.constant 39 : i32
    %dma_start3A_2054 = arith.constant 3 : i32
    %dma_start3A_2055 = arith.constant 0 : i32
    %dma_start3A_2056 = arith.constant 0 : i32
    %dma_start3A_2057 = tpu.memref_slice %arg6[%dma_start3A_2054, %dma_start3A_2055, %dma_start3A_2056] : memref<4x512x32xf32, #tpu.memory_space<vmem>> -> memref<1x512x32xf32, #tpu.memory_space<vmem>>
    %dma_start3A_2058 = tpu.memref_squeeze %dma_start3A_2057 : memref<1x512x32xf32, #tpu.memory_space<vmem>> -> memref<512x32xf32, #tpu.memory_space<vmem>>
    %dma_start3A_2059 = arith.constant 0 : i32
    %dma_start3A_2060 = tpu.memref_slice %arg5[%dma_start3A_2053, %dma_start3A_2059] : memref<50x512xi32, #tpu.memory_space<vmem>> -> memref<1x512xi32, #tpu.memory_space<vmem>>
    %dma_start3A_2061 = tpu.memref_squeeze %dma_start3A_2060 : memref<1x512xi32, #tpu.memory_space<vmem>> -> memref<512xi32, #tpu.memory_space<vmem>>
    %dma_start3A_2062 = arith.constant 0 : i32
    %dma_start3A_2063 = arith.constant 0 : i32
    %dma_start3A_2064 = tpu.memref_slice %arg3[%dma_start3A_2062, %dma_start3A_2063] : memref<1000000x32xf32, #tpu.memory_space<hbm>> -> memref<1000000x32xf32, #tpu.memory_space<hbm>>
    tpu.enqueue_indirect_dma source(%dma_start3A_2064 : memref<1000000x32xf32, #tpu.memory_space<hbm>>) target(%dma_start3A_2058 : memref<512x32xf32, #tpu.memory_space<vmem>>) offsets(%dma_start3A_2061 : memref<512xi32, #tpu.memory_space<vmem>>) semaphore(%arg7 : memref<!tpu.dma_semaphore, #tpu.memory_space<semaphore_mem>>)
    %dma_wait3A_2065 = arith.constant 36 : i32
    %dma_wait3A_2066 = arith.constant 0 : i32
    %dma_wait3A_2067 = arith.constant 0 : i32
    %dma_wait3A_2068 = arith.constant 0 : i32
    %dma_wait3A_2069 = tpu.memref_slice %arg6[%dma_wait3A_2066, %dma_wait3A_2067, %dma_wait3A_2068] : memref<4x512x32xf32, #tpu.memory_space<vmem>> -> memref<1x512x32xf32, #tpu.memory_space<vmem>>
    %dma_wait3A_2070 = tpu.memref_squeeze %dma_wait3A_2069 : memref<1x512x32xf32, #tpu.memory_space<vmem>> -> memref<512x32xf32, #tpu.memory_space<vmem>>
    %dma_wait3A_2071 = arith.constant 0 : i32
    %dma_wait3A_2072 = tpu.memref_slice %arg5[%dma_wait3A_2065, %dma_wait3A_2071] : memref<50x512xi32, #tpu.memory_space<vmem>> -> memref<1x512xi32, #tpu.memory_space<vmem>>
    %dma_wait3A_2073 = tpu.memref_squeeze %dma_wait3A_2072 : memref<1x512xi32, #tpu.memory_space<vmem>> -> memref<512xi32, #tpu.memory_space<vmem>>
    %dma_wait3A_2074 = arith.constant 0 : i32
    %dma_wait3A_2075 = arith.constant 0 : i32
    %dma_wait3A_2076 = tpu.memref_slice %arg3[%dma_wait3A_2074, %dma_wait3A_2075] : memref<1000000x32xf32, #tpu.memory_space<hbm>> -> memref<1000000x32xf32, #tpu.memory_space<hbm>>
    tpu.wait_indirect_dma semaphore(%arg7 : memref<!tpu.dma_semaphore, #tpu.memory_space<semaphore_mem>>) src(%dma_wait3A_2076 : memref<1000000x32xf32, #tpu.memory_space<hbm>>) dst(%dma_wait3A_2070 : memref<512x32xf32, #tpu.memory_space<vmem>>)
    %dma_start3A_2077 = arith.constant 0 : i32
    %dma_start3A_2078 = arith.constant 36 : i32
    %dma_start3A_2079 = arith.constant 0 : i32
    %dma_start3A_2080 = arith.constant 0 : i32
    %dma_start3A_2081 = tpu.memref_slice %arg6[%dma_start3A_2077, %dma_start3A_2079, %dma_start3A_2080] : memref<4x512x32xf32, #tpu.memory_space<vmem>> -> memref<1x512x32xf32, #tpu.memory_space<vmem>>
    %dma_start3A_2082 = tpu.memref_squeeze %dma_start3A_2081 : memref<1x512x32xf32, #tpu.memory_space<vmem>> -> memref<512x32xf32, #tpu.memory_space<vmem>>
    %dma_start3A_2083 = arith.constant 0 : i32
    %dma_start3A_2084 = tpu.memref_slice %arg4[%mul3A_2, %dma_start3A_2078, %dma_start3A_2083] : memref<16384x50x32xf32, #tpu.memory_space<hbm>> -> memref<512x1x32xf32, #tpu.memory_space<hbm>>
    %dma_start3A_2085 = tpu.memref_squeeze %dma_start3A_2084 : memref<512x1x32xf32, #tpu.memory_space<hbm>> -> memref<512x32xf32, #tpu.memory_space<hbm>>
    %dma_start3A_2086 = arith.constant 0 : i32
    %dma_start3A_2087 = tpu.memref_slice %arg4[%mul3A_2, %dma_start3A_2078, %dma_start3A_2086] : memref<16384x50x32xf32, #tpu.memory_space<hbm>> -> memref<512x1x32xf32, #tpu.memory_space<hbm>>
    %dma_start3A_2088 = tpu.memref_squeeze %dma_start3A_2087 : memref<512x1x32xf32, #tpu.memory_space<hbm>> -> memref<512x32xf32, #tpu.memory_space<hbm>>
    %dma_start3A_2089 = arith.constant 0 : i32
    %dma_start3A_2090 = arith.constant 0 : i32
    %dma_start3A_2091 = tpu.memref_slice %arg6[%dma_start3A_2077, %dma_start3A_2089, %dma_start3A_2090] : memref<4x512x32xf32, #tpu.memory_space<vmem>> -> memref<1x512x32xf32, #tpu.memory_space<vmem>>
    %dma_start3A_2092 = tpu.memref_squeeze %dma_start3A_2091 : memref<1x512x32xf32, #tpu.memory_space<vmem>> -> memref<512x32xf32, #tpu.memory_space<vmem>>
    tpu.enqueue_dma source(%dma_start3A_2092 : memref<512x32xf32, #tpu.memory_space<vmem>>) target(%dma_start3A_2088 : memref<512x32xf32, #tpu.memory_space<hbm>>) target_semaphore(%arg8 : memref<!tpu.dma_semaphore, #tpu.memory_space<semaphore_mem>>)
    %dma_wait3A_2093 = arith.constant 0 : i32
    %dma_wait3A_2094 = arith.constant 36 : i32
    %dma_wait3A_2095 = arith.constant 0 : i32
    %dma_wait3A_2096 = arith.constant 0 : i32
    %dma_wait3A_2097 = tpu.memref_slice %arg6[%dma_wait3A_2093, %dma_wait3A_2095, %dma_wait3A_2096] : memref<4x512x32xf32, #tpu.memory_space<vmem>> -> memref<1x512x32xf32, #tpu.memory_space<vmem>>
    %dma_wait3A_2098 = tpu.memref_squeeze %dma_wait3A_2097 : memref<1x512x32xf32, #tpu.memory_space<vmem>> -> memref<512x32xf32, #tpu.memory_space<vmem>>
    %dma_wait3A_2099 = arith.constant 0 : i32
    %dma_wait3A_2100 = tpu.memref_slice %arg4[%mul3A_2, %dma_wait3A_2094, %dma_wait3A_2099] : memref<16384x50x32xf32, #tpu.memory_space<hbm>> -> memref<512x1x32xf32, #tpu.memory_space<hbm>>
    %dma_wait3A_2101 = tpu.memref_squeeze %dma_wait3A_2100 : memref<512x1x32xf32, #tpu.memory_space<hbm>> -> memref<512x32xf32, #tpu.memory_space<hbm>>
    %dma_wait3A_2102 = arith.constant 0 : i32
    %dma_wait3A_2103 = tpu.memref_slice %arg4[%mul3A_2, %dma_wait3A_2094, %dma_wait3A_2102] : memref<16384x50x32xf32, #tpu.memory_space<hbm>> -> memref<512x1x32xf32, #tpu.memory_space<hbm>>
    %dma_wait3A_2104 = tpu.memref_squeeze %dma_wait3A_2103 : memref<512x1x32xf32, #tpu.memory_space<hbm>> -> memref<512x32xf32, #tpu.memory_space<hbm>>
    %dma_wait3A_2105 = arith.constant 0 : i32
    %dma_wait3A_2106 = arith.constant 0 : i32
    %dma_wait3A_2107 = tpu.memref_slice %arg6[%dma_wait3A_2093, %dma_wait3A_2105, %dma_wait3A_2106] : memref<4x512x32xf32, #tpu.memory_space<vmem>> -> memref<1x512x32xf32, #tpu.memory_space<vmem>>
    %dma_wait3A_2108 = tpu.memref_squeeze %dma_wait3A_2107 : memref<1x512x32xf32, #tpu.memory_space<vmem>> -> memref<512x32xf32, #tpu.memory_space<vmem>>
    tpu.wait_dma2 semaphore(%arg8 : memref<!tpu.dma_semaphore, #tpu.memory_space<semaphore_mem>>) src(%dma_wait3A_2108 : memref<512x32xf32, #tpu.memory_space<vmem>>) dst(%dma_wait3A_2104 : memref<512x32xf32, #tpu.memory_space<hbm>>)
    %dma_start3A_2109 = arith.constant 40 : i32
    %dma_start3A_2110 = arith.constant 0 : i32
    %dma_start3A_2111 = arith.constant 0 : i32
    %dma_start3A_2112 = arith.constant 0 : i32
    %dma_start3A_2113 = tpu.memref_slice %arg6[%dma_start3A_2110, %dma_start3A_2111, %dma_start3A_2112] : memref<4x512x32xf32, #tpu.memory_space<vmem>> -> memref<1x512x32xf32, #tpu.memory_space<vmem>>
    %dma_start3A_2114 = tpu.memref_squeeze %dma_start3A_2113 : memref<1x512x32xf32, #tpu.memory_space<vmem>> -> memref<512x32xf32, #tpu.memory_space<vmem>>
    %dma_start3A_2115 = arith.constant 0 : i32
    %dma_start3A_2116 = tpu.memref_slice %arg5[%dma_start3A_2109, %dma_start3A_2115] : memref<50x512xi32, #tpu.memory_space<vmem>> -> memref<1x512xi32, #tpu.memory_space<vmem>>
    %dma_start3A_2117 = tpu.memref_squeeze %dma_start3A_2116 : memref<1x512xi32, #tpu.memory_space<vmem>> -> memref<512xi32, #tpu.memory_space<vmem>>
    %dma_start3A_2118 = arith.constant 0 : i32
    %dma_start3A_2119 = arith.constant 0 : i32
    %dma_start3A_2120 = tpu.memref_slice %arg3[%dma_start3A_2118, %dma_start3A_2119] : memref<1000000x32xf32, #tpu.memory_space<hbm>> -> memref<1000000x32xf32, #tpu.memory_space<hbm>>
    tpu.enqueue_indirect_dma source(%dma_start3A_2120 : memref<1000000x32xf32, #tpu.memory_space<hbm>>) target(%dma_start3A_2114 : memref<512x32xf32, #tpu.memory_space<vmem>>) offsets(%dma_start3A_2117 : memref<512xi32, #tpu.memory_space<vmem>>) semaphore(%arg7 : memref<!tpu.dma_semaphore, #tpu.memory_space<semaphore_mem>>)
    %dma_wait3A_2121 = arith.constant 37 : i32
    %dma_wait3A_2122 = arith.constant 1 : i32
    %dma_wait3A_2123 = arith.constant 0 : i32
    %dma_wait3A_2124 = arith.constant 0 : i32
    %dma_wait3A_2125 = tpu.memref_slice %arg6[%dma_wait3A_2122, %dma_wait3A_2123, %dma_wait3A_2124] : memref<4x512x32xf32, #tpu.memory_space<vmem>> -> memref<1x512x32xf32, #tpu.memory_space<vmem>>
    %dma_wait3A_2126 = tpu.memref_squeeze %dma_wait3A_2125 : memref<1x512x32xf32, #tpu.memory_space<vmem>> -> memref<512x32xf32, #tpu.memory_space<vmem>>
    %dma_wait3A_2127 = arith.constant 0 : i32
    %dma_wait3A_2128 = tpu.memref_slice %arg5[%dma_wait3A_2121, %dma_wait3A_2127] : memref<50x512xi32, #tpu.memory_space<vmem>> -> memref<1x512xi32, #tpu.memory_space<vmem>>
    %dma_wait3A_2129 = tpu.memref_squeeze %dma_wait3A_2128 : memref<1x512xi32, #tpu.memory_space<vmem>> -> memref<512xi32, #tpu.memory_space<vmem>>
    %dma_wait3A_2130 = arith.constant 0 : i32
    %dma_wait3A_2131 = arith.constant 0 : i32
    %dma_wait3A_2132 = tpu.memref_slice %arg3[%dma_wait3A_2130, %dma_wait3A_2131] : memref<1000000x32xf32, #tpu.memory_space<hbm>> -> memref<1000000x32xf32, #tpu.memory_space<hbm>>
    tpu.wait_indirect_dma semaphore(%arg7 : memref<!tpu.dma_semaphore, #tpu.memory_space<semaphore_mem>>) src(%dma_wait3A_2132 : memref<1000000x32xf32, #tpu.memory_space<hbm>>) dst(%dma_wait3A_2126 : memref<512x32xf32, #tpu.memory_space<vmem>>)
    %dma_start3A_2133 = arith.constant 1 : i32
    %dma_start3A_2134 = arith.constant 37 : i32
    %dma_start3A_2135 = arith.constant 0 : i32
    %dma_start3A_2136 = arith.constant 0 : i32
    %dma_start3A_2137 = tpu.memref_slice %arg6[%dma_start3A_2133, %dma_start3A_2135, %dma_start3A_2136] : memref<4x512x32xf32, #tpu.memory_space<vmem>> -> memref<1x512x32xf32, #tpu.memory_space<vmem>>
    %dma_start3A_2138 = tpu.memref_squeeze %dma_start3A_2137 : memref<1x512x32xf32, #tpu.memory_space<vmem>> -> memref<512x32xf32, #tpu.memory_space<vmem>>
    %dma_start3A_2139 = arith.constant 0 : i32
    %dma_start3A_2140 = tpu.memref_slice %arg4[%mul3A_2, %dma_start3A_2134, %dma_start3A_2139] : memref<16384x50x32xf32, #tpu.memory_space<hbm>> -> memref<512x1x32xf32, #tpu.memory_space<hbm>>
    %dma_start3A_2141 = tpu.memref_squeeze %dma_start3A_2140 : memref<512x1x32xf32, #tpu.memory_space<hbm>> -> memref<512x32xf32, #tpu.memory_space<hbm>>
    %dma_start3A_2142 = arith.constant 0 : i32
    %dma_start3A_2143 = tpu.memref_slice %arg4[%mul3A_2, %dma_start3A_2134, %dma_start3A_2142] : memref<16384x50x32xf32, #tpu.memory_space<hbm>> -> memref<512x1x32xf32, #tpu.memory_space<hbm>>
    %dma_start3A_2144 = tpu.memref_squeeze %dma_start3A_2143 : memref<512x1x32xf32, #tpu.memory_space<hbm>> -> memref<512x32xf32, #tpu.memory_space<hbm>>
    %dma_start3A_2145 = arith.constant 0 : i32
    %dma_start3A_2146 = arith.constant 0 : i32
    %dma_start3A_2147 = tpu.memref_slice %arg6[%dma_start3A_2133, %dma_start3A_2145, %dma_start3A_2146] : memref<4x512x32xf32, #tpu.memory_space<vmem>> -> memref<1x512x32xf32, #tpu.memory_space<vmem>>
    %dma_start3A_2148 = tpu.memref_squeeze %dma_start3A_2147 : memref<1x512x32xf32, #tpu.memory_space<vmem>> -> memref<512x32xf32, #tpu.memory_space<vmem>>
    tpu.enqueue_dma source(%dma_start3A_2148 : memref<512x32xf32, #tpu.memory_space<vmem>>) target(%dma_start3A_2144 : memref<512x32xf32, #tpu.memory_space<hbm>>) target_semaphore(%arg8 : memref<!tpu.dma_semaphore, #tpu.memory_space<semaphore_mem>>)
    %dma_wait3A_2149 = arith.constant 1 : i32
    %dma_wait3A_2150 = arith.constant 37 : i32
    %dma_wait3A_2151 = arith.constant 0 : i32
    %dma_wait3A_2152 = arith.constant 0 : i32
    %dma_wait3A_2153 = tpu.memref_slice %arg6[%dma_wait3A_2149, %dma_wait3A_2151, %dma_wait3A_2152] : memref<4x512x32xf32, #tpu.memory_space<vmem>> -> memref<1x512x32xf32, #tpu.memory_space<vmem>>
    %dma_wait3A_2154 = tpu.memref_squeeze %dma_wait3A_2153 : memref<1x512x32xf32, #tpu.memory_space<vmem>> -> memref<512x32xf32, #tpu.memory_space<vmem>>
    %dma_wait3A_2155 = arith.constant 0 : i32
    %dma_wait3A_2156 = tpu.memref_slice %arg4[%mul3A_2, %dma_wait3A_2150, %dma_wait3A_2155] : memref<16384x50x32xf32, #tpu.memory_space<hbm>> -> memref<512x1x32xf32, #tpu.memory_space<hbm>>
    %dma_wait3A_2157 = tpu.memref_squeeze %dma_wait3A_2156 : memref<512x1x32xf32, #tpu.memory_space<hbm>> -> memref<512x32xf32, #tpu.memory_space<hbm>>
    %dma_wait3A_2158 = arith.constant 0 : i32
    %dma_wait3A_2159 = tpu.memref_slice %arg4[%mul3A_2, %dma_wait3A_2150, %dma_wait3A_2158] : memref<16384x50x32xf32, #tpu.memory_space<hbm>> -> memref<512x1x32xf32, #tpu.memory_space<hbm>>
    %dma_wait3A_2160 = tpu.memref_squeeze %dma_wait3A_2159 : memref<512x1x32xf32, #tpu.memory_space<hbm>> -> memref<512x32xf32, #tpu.memory_space<hbm>>
    %dma_wait3A_2161 = arith.constant 0 : i32
    %dma_wait3A_2162 = arith.constant 0 : i32
    %dma_wait3A_2163 = tpu.memref_slice %arg6[%dma_wait3A_2149, %dma_wait3A_2161, %dma_wait3A_2162] : memref<4x512x32xf32, #tpu.memory_space<vmem>> -> memref<1x512x32xf32, #tpu.memory_space<vmem>>
    %dma_wait3A_2164 = tpu.memref_squeeze %dma_wait3A_2163 : memref<1x512x32xf32, #tpu.memory_space<vmem>> -> memref<512x32xf32, #tpu.memory_space<vmem>>
    tpu.wait_dma2 semaphore(%arg8 : memref<!tpu.dma_semaphore, #tpu.memory_space<semaphore_mem>>) src(%dma_wait3A_2164 : memref<512x32xf32, #tpu.memory_space<vmem>>) dst(%dma_wait3A_2160 : memref<512x32xf32, #tpu.memory_space<hbm>>)
    %dma_start3A_2165 = arith.constant 41 : i32
    %dma_start3A_2166 = arith.constant 1 : i32
    %dma_start3A_2167 = arith.constant 0 : i32
    %dma_start3A_2168 = arith.constant 0 : i32
    %dma_start3A_2169 = tpu.memref_slice %arg6[%dma_start3A_2166, %dma_start3A_2167, %dma_start3A_2168] : memref<4x512x32xf32, #tpu.memory_space<vmem>> -> memref<1x512x32xf32, #tpu.memory_space<vmem>>
    %dma_start3A_2170 = tpu.memref_squeeze %dma_start3A_2169 : memref<1x512x32xf32, #tpu.memory_space<vmem>> -> memref<512x32xf32, #tpu.memory_space<vmem>>
    %dma_start3A_2171 = arith.constant 0 : i32
    %dma_start3A_2172 = tpu.memref_slice %arg5[%dma_start3A_2165, %dma_start3A_2171] : memref<50x512xi32, #tpu.memory_space<vmem>> -> memref<1x512xi32, #tpu.memory_space<vmem>>
    %dma_start3A_2173 = tpu.memref_squeeze %dma_start3A_2172 : memref<1x512xi32, #tpu.memory_space<vmem>> -> memref<512xi32, #tpu.memory_space<vmem>>
    %dma_start3A_2174 = arith.constant 0 : i32
    %dma_start3A_2175 = arith.constant 0 : i32
    %dma_start3A_2176 = tpu.memref_slice %arg3[%dma_start3A_2174, %dma_start3A_2175] : memref<1000000x32xf32, #tpu.memory_space<hbm>> -> memref<1000000x32xf32, #tpu.memory_space<hbm>>
    tpu.enqueue_indirect_dma source(%dma_start3A_2176 : memref<1000000x32xf32, #tpu.memory_space<hbm>>) target(%dma_start3A_2170 : memref<512x32xf32, #tpu.memory_space<vmem>>) offsets(%dma_start3A_2173 : memref<512xi32, #tpu.memory_space<vmem>>) semaphore(%arg7 : memref<!tpu.dma_semaphore, #tpu.memory_space<semaphore_mem>>)
    %dma_wait3A_2177 = arith.constant 38 : i32
    %dma_wait3A_2178 = arith.constant 2 : i32
    %dma_wait3A_2179 = arith.constant 0 : i32
    %dma_wait3A_2180 = arith.constant 0 : i32
    %dma_wait3A_2181 = tpu.memref_slice %arg6[%dma_wait3A_2178, %dma_wait3A_2179, %dma_wait3A_2180] : memref<4x512x32xf32, #tpu.memory_space<vmem>> -> memref<1x512x32xf32, #tpu.memory_space<vmem>>
    %dma_wait3A_2182 = tpu.memref_squeeze %dma_wait3A_2181 : memref<1x512x32xf32, #tpu.memory_space<vmem>> -> memref<512x32xf32, #tpu.memory_space<vmem>>
    %dma_wait3A_2183 = arith.constant 0 : i32
    %dma_wait3A_2184 = tpu.memref_slice %arg5[%dma_wait3A_2177, %dma_wait3A_2183] : memref<50x512xi32, #tpu.memory_space<vmem>> -> memref<1x512xi32, #tpu.memory_space<vmem>>
    %dma_wait3A_2185 = tpu.memref_squeeze %dma_wait3A_2184 : memref<1x512xi32, #tpu.memory_space<vmem>> -> memref<512xi32, #tpu.memory_space<vmem>>
    %dma_wait3A_2186 = arith.constant 0 : i32
    %dma_wait3A_2187 = arith.constant 0 : i32
    %dma_wait3A_2188 = tpu.memref_slice %arg3[%dma_wait3A_2186, %dma_wait3A_2187] : memref<1000000x32xf32, #tpu.memory_space<hbm>> -> memref<1000000x32xf32, #tpu.memory_space<hbm>>
    tpu.wait_indirect_dma semaphore(%arg7 : memref<!tpu.dma_semaphore, #tpu.memory_space<semaphore_mem>>) src(%dma_wait3A_2188 : memref<1000000x32xf32, #tpu.memory_space<hbm>>) dst(%dma_wait3A_2182 : memref<512x32xf32, #tpu.memory_space<vmem>>)
    %dma_start3A_2189 = arith.constant 2 : i32
    %dma_start3A_2190 = arith.constant 38 : i32
    %dma_start3A_2191 = arith.constant 0 : i32
    %dma_start3A_2192 = arith.constant 0 : i32
    %dma_start3A_2193 = tpu.memref_slice %arg6[%dma_start3A_2189, %dma_start3A_2191, %dma_start3A_2192] : memref<4x512x32xf32, #tpu.memory_space<vmem>> -> memref<1x512x32xf32, #tpu.memory_space<vmem>>
    %dma_start3A_2194 = tpu.memref_squeeze %dma_start3A_2193 : memref<1x512x32xf32, #tpu.memory_space<vmem>> -> memref<512x32xf32, #tpu.memory_space<vmem>>
    %dma_start3A_2195 = arith.constant 0 : i32
    %dma_start3A_2196 = tpu.memref_slice %arg4[%mul3A_2, %dma_start3A_2190, %dma_start3A_2195] : memref<16384x50x32xf32, #tpu.memory_space<hbm>> -> memref<512x1x32xf32, #tpu.memory_space<hbm>>
    %dma_start3A_2197 = tpu.memref_squeeze %dma_start3A_2196 : memref<512x1x32xf32, #tpu.memory_space<hbm>> -> memref<512x32xf32, #tpu.memory_space<hbm>>
    %dma_start3A_2198 = arith.constant 0 : i32
    %dma_start3A_2199 = tpu.memref_slice %arg4[%mul3A_2, %dma_start3A_2190, %dma_start3A_2198] : memref<16384x50x32xf32, #tpu.memory_space<hbm>> -> memref<512x1x32xf32, #tpu.memory_space<hbm>>
    %dma_start3A_2200 = tpu.memref_squeeze %dma_start3A_2199 : memref<512x1x32xf32, #tpu.memory_space<hbm>> -> memref<512x32xf32, #tpu.memory_space<hbm>>
    %dma_start3A_2201 = arith.constant 0 : i32
    %dma_start3A_2202 = arith.constant 0 : i32
    %dma_start3A_2203 = tpu.memref_slice %arg6[%dma_start3A_2189, %dma_start3A_2201, %dma_start3A_2202] : memref<4x512x32xf32, #tpu.memory_space<vmem>> -> memref<1x512x32xf32, #tpu.memory_space<vmem>>
    %dma_start3A_2204 = tpu.memref_squeeze %dma_start3A_2203 : memref<1x512x32xf32, #tpu.memory_space<vmem>> -> memref<512x32xf32, #tpu.memory_space<vmem>>
    tpu.enqueue_dma source(%dma_start3A_2204 : memref<512x32xf32, #tpu.memory_space<vmem>>) target(%dma_start3A_2200 : memref<512x32xf32, #tpu.memory_space<hbm>>) target_semaphore(%arg8 : memref<!tpu.dma_semaphore, #tpu.memory_space<semaphore_mem>>)
    %dma_wait3A_2205 = arith.constant 2 : i32
    %dma_wait3A_2206 = arith.constant 38 : i32
    %dma_wait3A_2207 = arith.constant 0 : i32
    %dma_wait3A_2208 = arith.constant 0 : i32
    %dma_wait3A_2209 = tpu.memref_slice %arg6[%dma_wait3A_2205, %dma_wait3A_2207, %dma_wait3A_2208] : memref<4x512x32xf32, #tpu.memory_space<vmem>> -> memref<1x512x32xf32, #tpu.memory_space<vmem>>
    %dma_wait3A_2210 = tpu.memref_squeeze %dma_wait3A_2209 : memref<1x512x32xf32, #tpu.memory_space<vmem>> -> memref<512x32xf32, #tpu.memory_space<vmem>>
    %dma_wait3A_2211 = arith.constant 0 : i32
    %dma_wait3A_2212 = tpu.memref_slice %arg4[%mul3A_2, %dma_wait3A_2206, %dma_wait3A_2211] : memref<16384x50x32xf32, #tpu.memory_space<hbm>> -> memref<512x1x32xf32, #tpu.memory_space<hbm>>
    %dma_wait3A_2213 = tpu.memref_squeeze %dma_wait3A_2212 : memref<512x1x32xf32, #tpu.memory_space<hbm>> -> memref<512x32xf32, #tpu.memory_space<hbm>>
    %dma_wait3A_2214 = arith.constant 0 : i32
    %dma_wait3A_2215 = tpu.memref_slice %arg4[%mul3A_2, %dma_wait3A_2206, %dma_wait3A_2214] : memref<16384x50x32xf32, #tpu.memory_space<hbm>> -> memref<512x1x32xf32, #tpu.memory_space<hbm>>
    %dma_wait3A_2216 = tpu.memref_squeeze %dma_wait3A_2215 : memref<512x1x32xf32, #tpu.memory_space<hbm>> -> memref<512x32xf32, #tpu.memory_space<hbm>>
    %dma_wait3A_2217 = arith.constant 0 : i32
    %dma_wait3A_2218 = arith.constant 0 : i32
    %dma_wait3A_2219 = tpu.memref_slice %arg6[%dma_wait3A_2205, %dma_wait3A_2217, %dma_wait3A_2218] : memref<4x512x32xf32, #tpu.memory_space<vmem>> -> memref<1x512x32xf32, #tpu.memory_space<vmem>>
    %dma_wait3A_2220 = tpu.memref_squeeze %dma_wait3A_2219 : memref<1x512x32xf32, #tpu.memory_space<vmem>> -> memref<512x32xf32, #tpu.memory_space<vmem>>
    tpu.wait_dma2 semaphore(%arg8 : memref<!tpu.dma_semaphore, #tpu.memory_space<semaphore_mem>>) src(%dma_wait3A_2220 : memref<512x32xf32, #tpu.memory_space<vmem>>) dst(%dma_wait3A_2216 : memref<512x32xf32, #tpu.memory_space<hbm>>)
    %dma_start3A_2221 = arith.constant 42 : i32
    %dma_start3A_2222 = arith.constant 2 : i32
    %dma_start3A_2223 = arith.constant 0 : i32
    %dma_start3A_2224 = arith.constant 0 : i32
    %dma_start3A_2225 = tpu.memref_slice %arg6[%dma_start3A_2222, %dma_start3A_2223, %dma_start3A_2224] : memref<4x512x32xf32, #tpu.memory_space<vmem>> -> memref<1x512x32xf32, #tpu.memory_space<vmem>>
    %dma_start3A_2226 = tpu.memref_squeeze %dma_start3A_2225 : memref<1x512x32xf32, #tpu.memory_space<vmem>> -> memref<512x32xf32, #tpu.memory_space<vmem>>
    %dma_start3A_2227 = arith.constant 0 : i32
    %dma_start3A_2228 = tpu.memref_slice %arg5[%dma_start3A_2221, %dma_start3A_2227] : memref<50x512xi32, #tpu.memory_space<vmem>> -> memref<1x512xi32, #tpu.memory_space<vmem>>
    %dma_start3A_2229 = tpu.memref_squeeze %dma_start3A_2228 : memref<1x512xi32, #tpu.memory_space<vmem>> -> memref<512xi32, #tpu.memory_space<vmem>>
    %dma_start3A_2230 = arith.constant 0 : i32
    %dma_start3A_2231 = arith.constant 0 : i32
    %dma_start3A_2232 = tpu.memref_slice %arg3[%dma_start3A_2230, %dma_start3A_2231] : memref<1000000x32xf32, #tpu.memory_space<hbm>> -> memref<1000000x32xf32, #tpu.memory_space<hbm>>
    tpu.enqueue_indirect_dma source(%dma_start3A_2232 : memref<1000000x32xf32, #tpu.memory_space<hbm>>) target(%dma_start3A_2226 : memref<512x32xf32, #tpu.memory_space<vmem>>) offsets(%dma_start3A_2229 : memref<512xi32, #tpu.memory_space<vmem>>) semaphore(%arg7 : memref<!tpu.dma_semaphore, #tpu.memory_space<semaphore_mem>>)
    %dma_wait3A_2233 = arith.constant 39 : i32
    %dma_wait3A_2234 = arith.constant 3 : i32
    %dma_wait3A_2235 = arith.constant 0 : i32
    %dma_wait3A_2236 = arith.constant 0 : i32
    %dma_wait3A_2237 = tpu.memref_slice %arg6[%dma_wait3A_2234, %dma_wait3A_2235, %dma_wait3A_2236] : memref<4x512x32xf32, #tpu.memory_space<vmem>> -> memref<1x512x32xf32, #tpu.memory_space<vmem>>
    %dma_wait3A_2238 = tpu.memref_squeeze %dma_wait3A_2237 : memref<1x512x32xf32, #tpu.memory_space<vmem>> -> memref<512x32xf32, #tpu.memory_space<vmem>>
    %dma_wait3A_2239 = arith.constant 0 : i32
    %dma_wait3A_2240 = tpu.memref_slice %arg5[%dma_wait3A_2233, %dma_wait3A_2239] : memref<50x512xi32, #tpu.memory_space<vmem>> -> memref<1x512xi32, #tpu.memory_space<vmem>>
    %dma_wait3A_2241 = tpu.memref_squeeze %dma_wait3A_2240 : memref<1x512xi32, #tpu.memory_space<vmem>> -> memref<512xi32, #tpu.memory_space<vmem>>
    %dma_wait3A_2242 = arith.constant 0 : i32
    %dma_wait3A_2243 = arith.constant 0 : i32
    %dma_wait3A_2244 = tpu.memref_slice %arg3[%dma_wait3A_2242, %dma_wait3A_2243] : memref<1000000x32xf32, #tpu.memory_space<hbm>> -> memref<1000000x32xf32, #tpu.memory_space<hbm>>
    tpu.wait_indirect_dma semaphore(%arg7 : memref<!tpu.dma_semaphore, #tpu.memory_space<semaphore_mem>>) src(%dma_wait3A_2244 : memref<1000000x32xf32, #tpu.memory_space<hbm>>) dst(%dma_wait3A_2238 : memref<512x32xf32, #tpu.memory_space<vmem>>)
    %dma_start3A_2245 = arith.constant 3 : i32
    %dma_start3A_2246 = arith.constant 39 : i32
    %dma_start3A_2247 = arith.constant 0 : i32
    %dma_start3A_2248 = arith.constant 0 : i32
    %dma_start3A_2249 = tpu.memref_slice %arg6[%dma_start3A_2245, %dma_start3A_2247, %dma_start3A_2248] : memref<4x512x32xf32, #tpu.memory_space<vmem>> -> memref<1x512x32xf32, #tpu.memory_space<vmem>>
    %dma_start3A_2250 = tpu.memref_squeeze %dma_start3A_2249 : memref<1x512x32xf32, #tpu.memory_space<vmem>> -> memref<512x32xf32, #tpu.memory_space<vmem>>
    %dma_start3A_2251 = arith.constant 0 : i32
    %dma_start3A_2252 = tpu.memref_slice %arg4[%mul3A_2, %dma_start3A_2246, %dma_start3A_2251] : memref<16384x50x32xf32, #tpu.memory_space<hbm>> -> memref<512x1x32xf32, #tpu.memory_space<hbm>>
    %dma_start3A_2253 = tpu.memref_squeeze %dma_start3A_2252 : memref<512x1x32xf32, #tpu.memory_space<hbm>> -> memref<512x32xf32, #tpu.memory_space<hbm>>
    %dma_start3A_2254 = arith.constant 0 : i32
    %dma_start3A_2255 = tpu.memref_slice %arg4[%mul3A_2, %dma_start3A_2246, %dma_start3A_2254] : memref<16384x50x32xf32, #tpu.memory_space<hbm>> -> memref<512x1x32xf32, #tpu.memory_space<hbm>>
    %dma_start3A_2256 = tpu.memref_squeeze %dma_start3A_2255 : memref<512x1x32xf32, #tpu.memory_space<hbm>> -> memref<512x32xf32, #tpu.memory_space<hbm>>
    %dma_start3A_2257 = arith.constant 0 : i32
    %dma_start3A_2258 = arith.constant 0 : i32
    %dma_start3A_2259 = tpu.memref_slice %arg6[%dma_start3A_2245, %dma_start3A_2257, %dma_start3A_2258] : memref<4x512x32xf32, #tpu.memory_space<vmem>> -> memref<1x512x32xf32, #tpu.memory_space<vmem>>
    %dma_start3A_2260 = tpu.memref_squeeze %dma_start3A_2259 : memref<1x512x32xf32, #tpu.memory_space<vmem>> -> memref<512x32xf32, #tpu.memory_space<vmem>>
    tpu.enqueue_dma source(%dma_start3A_2260 : memref<512x32xf32, #tpu.memory_space<vmem>>) target(%dma_start3A_2256 : memref<512x32xf32, #tpu.memory_space<hbm>>) target_semaphore(%arg8 : memref<!tpu.dma_semaphore, #tpu.memory_space<semaphore_mem>>)
    %dma_wait3A_2261 = arith.constant 3 : i32
    %dma_wait3A_2262 = arith.constant 39 : i32
    %dma_wait3A_2263 = arith.constant 0 : i32
    %dma_wait3A_2264 = arith.constant 0 : i32
    %dma_wait3A_2265 = tpu.memref_slice %arg6[%dma_wait3A_2261, %dma_wait3A_2263, %dma_wait3A_2264] : memref<4x512x32xf32, #tpu.memory_space<vmem>> -> memref<1x512x32xf32, #tpu.memory_space<vmem>>
    %dma_wait3A_2266 = tpu.memref_squeeze %dma_wait3A_2265 : memref<1x512x32xf32, #tpu.memory_space<vmem>> -> memref<512x32xf32, #tpu.memory_space<vmem>>
    %dma_wait3A_2267 = arith.constant 0 : i32
    %dma_wait3A_2268 = tpu.memref_slice %arg4[%mul3A_2, %dma_wait3A_2262, %dma_wait3A_2267] : memref<16384x50x32xf32, #tpu.memory_space<hbm>> -> memref<512x1x32xf32, #tpu.memory_space<hbm>>
    %dma_wait3A_2269 = tpu.memref_squeeze %dma_wait3A_2268 : memref<512x1x32xf32, #tpu.memory_space<hbm>> -> memref<512x32xf32, #tpu.memory_space<hbm>>
    %dma_wait3A_2270 = arith.constant 0 : i32
    %dma_wait3A_2271 = tpu.memref_slice %arg4[%mul3A_2, %dma_wait3A_2262, %dma_wait3A_2270] : memref<16384x50x32xf32, #tpu.memory_space<hbm>> -> memref<512x1x32xf32, #tpu.memory_space<hbm>>
    %dma_wait3A_2272 = tpu.memref_squeeze %dma_wait3A_2271 : memref<512x1x32xf32, #tpu.memory_space<hbm>> -> memref<512x32xf32, #tpu.memory_space<hbm>>
    %dma_wait3A_2273 = arith.constant 0 : i32
    %dma_wait3A_2274 = arith.constant 0 : i32
    %dma_wait3A_2275 = tpu.memref_slice %arg6[%dma_wait3A_2261, %dma_wait3A_2273, %dma_wait3A_2274] : memref<4x512x32xf32, #tpu.memory_space<vmem>> -> memref<1x512x32xf32, #tpu.memory_space<vmem>>
    %dma_wait3A_2276 = tpu.memref_squeeze %dma_wait3A_2275 : memref<1x512x32xf32, #tpu.memory_space<vmem>> -> memref<512x32xf32, #tpu.memory_space<vmem>>
    tpu.wait_dma2 semaphore(%arg8 : memref<!tpu.dma_semaphore, #tpu.memory_space<semaphore_mem>>) src(%dma_wait3A_2276 : memref<512x32xf32, #tpu.memory_space<vmem>>) dst(%dma_wait3A_2272 : memref<512x32xf32, #tpu.memory_space<hbm>>)
    %dma_start3A_2277 = arith.constant 43 : i32
    %dma_start3A_2278 = arith.constant 3 : i32
    %dma_start3A_2279 = arith.constant 0 : i32
    %dma_start3A_2280 = arith.constant 0 : i32
    %dma_start3A_2281 = tpu.memref_slice %arg6[%dma_start3A_2278, %dma_start3A_2279, %dma_start3A_2280] : memref<4x512x32xf32, #tpu.memory_space<vmem>> -> memref<1x512x32xf32, #tpu.memory_space<vmem>>
    %dma_start3A_2282 = tpu.memref_squeeze %dma_start3A_2281 : memref<1x512x32xf32, #tpu.memory_space<vmem>> -> memref<512x32xf32, #tpu.memory_space<vmem>>
    %dma_start3A_2283 = arith.constant 0 : i32
    %dma_start3A_2284 = tpu.memref_slice %arg5[%dma_start3A_2277, %dma_start3A_2283] : memref<50x512xi32, #tpu.memory_space<vmem>> -> memref<1x512xi32, #tpu.memory_space<vmem>>
    %dma_start3A_2285 = tpu.memref_squeeze %dma_start3A_2284 : memref<1x512xi32, #tpu.memory_space<vmem>> -> memref<512xi32, #tpu.memory_space<vmem>>
    %dma_start3A_2286 = arith.constant 0 : i32
    %dma_start3A_2287 = arith.constant 0 : i32
    %dma_start3A_2288 = tpu.memref_slice %arg3[%dma_start3A_2286, %dma_start3A_2287] : memref<1000000x32xf32, #tpu.memory_space<hbm>> -> memref<1000000x32xf32, #tpu.memory_space<hbm>>
    tpu.enqueue_indirect_dma source(%dma_start3A_2288 : memref<1000000x32xf32, #tpu.memory_space<hbm>>) target(%dma_start3A_2282 : memref<512x32xf32, #tpu.memory_space<vmem>>) offsets(%dma_start3A_2285 : memref<512xi32, #tpu.memory_space<vmem>>) semaphore(%arg7 : memref<!tpu.dma_semaphore, #tpu.memory_space<semaphore_mem>>)
    %dma_wait3A_2289 = arith.constant 40 : i32
    %dma_wait3A_2290 = arith.constant 0 : i32
    %dma_wait3A_2291 = arith.constant 0 : i32
    %dma_wait3A_2292 = arith.constant 0 : i32
    %dma_wait3A_2293 = tpu.memref_slice %arg6[%dma_wait3A_2290, %dma_wait3A_2291, %dma_wait3A_2292] : memref<4x512x32xf32, #tpu.memory_space<vmem>> -> memref<1x512x32xf32, #tpu.memory_space<vmem>>
    %dma_wait3A_2294 = tpu.memref_squeeze %dma_wait3A_2293 : memref<1x512x32xf32, #tpu.memory_space<vmem>> -> memref<512x32xf32, #tpu.memory_space<vmem>>
    %dma_wait3A_2295 = arith.constant 0 : i32
    %dma_wait3A_2296 = tpu.memref_slice %arg5[%dma_wait3A_2289, %dma_wait3A_2295] : memref<50x512xi32, #tpu.memory_space<vmem>> -> memref<1x512xi32, #tpu.memory_space<vmem>>
    %dma_wait3A_2297 = tpu.memref_squeeze %dma_wait3A_2296 : memref<1x512xi32, #tpu.memory_space<vmem>> -> memref<512xi32, #tpu.memory_space<vmem>>
    %dma_wait3A_2298 = arith.constant 0 : i32
    %dma_wait3A_2299 = arith.constant 0 : i32
    %dma_wait3A_2300 = tpu.memref_slice %arg3[%dma_wait3A_2298, %dma_wait3A_2299] : memref<1000000x32xf32, #tpu.memory_space<hbm>> -> memref<1000000x32xf32, #tpu.memory_space<hbm>>
    tpu.wait_indirect_dma semaphore(%arg7 : memref<!tpu.dma_semaphore, #tpu.memory_space<semaphore_mem>>) src(%dma_wait3A_2300 : memref<1000000x32xf32, #tpu.memory_space<hbm>>) dst(%dma_wait3A_2294 : memref<512x32xf32, #tpu.memory_space<vmem>>)
    %dma_start3A_2301 = arith.constant 0 : i32
    %dma_start3A_2302 = arith.constant 40 : i32
    %dma_start3A_2303 = arith.constant 0 : i32
    %dma_start3A_2304 = arith.constant 0 : i32
    %dma_start3A_2305 = tpu.memref_slice %arg6[%dma_start3A_2301, %dma_start3A_2303, %dma_start3A_2304] : memref<4x512x32xf32, #tpu.memory_space<vmem>> -> memref<1x512x32xf32, #tpu.memory_space<vmem>>
    %dma_start3A_2306 = tpu.memref_squeeze %dma_start3A_2305 : memref<1x512x32xf32, #tpu.memory_space<vmem>> -> memref<512x32xf32, #tpu.memory_space<vmem>>
    %dma_start3A_2307 = arith.constant 0 : i32
    %dma_start3A_2308 = tpu.memref_slice %arg4[%mul3A_2, %dma_start3A_2302, %dma_start3A_2307] : memref<16384x50x32xf32, #tpu.memory_space<hbm>> -> memref<512x1x32xf32, #tpu.memory_space<hbm>>
    %dma_start3A_2309 = tpu.memref_squeeze %dma_start3A_2308 : memref<512x1x32xf32, #tpu.memory_space<hbm>> -> memref<512x32xf32, #tpu.memory_space<hbm>>
    %dma_start3A_2310 = arith.constant 0 : i32
    %dma_start3A_2311 = tpu.memref_slice %arg4[%mul3A_2, %dma_start3A_2302, %dma_start3A_2310] : memref<16384x50x32xf32, #tpu.memory_space<hbm>> -> memref<512x1x32xf32, #tpu.memory_space<hbm>>
    %dma_start3A_2312 = tpu.memref_squeeze %dma_start3A_2311 : memref<512x1x32xf32, #tpu.memory_space<hbm>> -> memref<512x32xf32, #tpu.memory_space<hbm>>
    %dma_start3A_2313 = arith.constant 0 : i32
    %dma_start3A_2314 = arith.constant 0 : i32
    %dma_start3A_2315 = tpu.memref_slice %arg6[%dma_start3A_2301, %dma_start3A_2313, %dma_start3A_2314] : memref<4x512x32xf32, #tpu.memory_space<vmem>> -> memref<1x512x32xf32, #tpu.memory_space<vmem>>
    %dma_start3A_2316 = tpu.memref_squeeze %dma_start3A_2315 : memref<1x512x32xf32, #tpu.memory_space<vmem>> -> memref<512x32xf32, #tpu.memory_space<vmem>>
    tpu.enqueue_dma source(%dma_start3A_2316 : memref<512x32xf32, #tpu.memory_space<vmem>>) target(%dma_start3A_2312 : memref<512x32xf32, #tpu.memory_space<hbm>>) target_semaphore(%arg8 : memref<!tpu.dma_semaphore, #tpu.memory_space<semaphore_mem>>)
    %dma_wait3A_2317 = arith.constant 0 : i32
    %dma_wait3A_2318 = arith.constant 40 : i32
    %dma_wait3A_2319 = arith.constant 0 : i32
    %dma_wait3A_2320 = arith.constant 0 : i32
    %dma_wait3A_2321 = tpu.memref_slice %arg6[%dma_wait3A_2317, %dma_wait3A_2319, %dma_wait3A_2320] : memref<4x512x32xf32, #tpu.memory_space<vmem>> -> memref<1x512x32xf32, #tpu.memory_space<vmem>>
    %dma_wait3A_2322 = tpu.memref_squeeze %dma_wait3A_2321 : memref<1x512x32xf32, #tpu.memory_space<vmem>> -> memref<512x32xf32, #tpu.memory_space<vmem>>
    %dma_wait3A_2323 = arith.constant 0 : i32
    %dma_wait3A_2324 = tpu.memref_slice %arg4[%mul3A_2, %dma_wait3A_2318, %dma_wait3A_2323] : memref<16384x50x32xf32, #tpu.memory_space<hbm>> -> memref<512x1x32xf32, #tpu.memory_space<hbm>>
    %dma_wait3A_2325 = tpu.memref_squeeze %dma_wait3A_2324 : memref<512x1x32xf32, #tpu.memory_space<hbm>> -> memref<512x32xf32, #tpu.memory_space<hbm>>
    %dma_wait3A_2326 = arith.constant 0 : i32
    %dma_wait3A_2327 = tpu.memref_slice %arg4[%mul3A_2, %dma_wait3A_2318, %dma_wait3A_2326] : memref<16384x50x32xf32, #tpu.memory_space<hbm>> -> memref<512x1x32xf32, #tpu.memory_space<hbm>>
    %dma_wait3A_2328 = tpu.memref_squeeze %dma_wait3A_2327 : memref<512x1x32xf32, #tpu.memory_space<hbm>> -> memref<512x32xf32, #tpu.memory_space<hbm>>
    %dma_wait3A_2329 = arith.constant 0 : i32
    %dma_wait3A_2330 = arith.constant 0 : i32
    %dma_wait3A_2331 = tpu.memref_slice %arg6[%dma_wait3A_2317, %dma_wait3A_2329, %dma_wait3A_2330] : memref<4x512x32xf32, #tpu.memory_space<vmem>> -> memref<1x512x32xf32, #tpu.memory_space<vmem>>
    %dma_wait3A_2332 = tpu.memref_squeeze %dma_wait3A_2331 : memref<1x512x32xf32, #tpu.memory_space<vmem>> -> memref<512x32xf32, #tpu.memory_space<vmem>>
    tpu.wait_dma2 semaphore(%arg8 : memref<!tpu.dma_semaphore, #tpu.memory_space<semaphore_mem>>) src(%dma_wait3A_2332 : memref<512x32xf32, #tpu.memory_space<vmem>>) dst(%dma_wait3A_2328 : memref<512x32xf32, #tpu.memory_space<hbm>>)
    %dma_start3A_2333 = arith.constant 44 : i32
    %dma_start3A_2334 = arith.constant 0 : i32
    %dma_start3A_2335 = arith.constant 0 : i32
    %dma_start3A_2336 = arith.constant 0 : i32
    %dma_start3A_2337 = tpu.memref_slice %arg6[%dma_start3A_2334, %dma_start3A_2335, %dma_start3A_2336] : memref<4x512x32xf32, #tpu.memory_space<vmem>> -> memref<1x512x32xf32, #tpu.memory_space<vmem>>
    %dma_start3A_2338 = tpu.memref_squeeze %dma_start3A_2337 : memref<1x512x32xf32, #tpu.memory_space<vmem>> -> memref<512x32xf32, #tpu.memory_space<vmem>>
    %dma_start3A_2339 = arith.constant 0 : i32
    %dma_start3A_2340 = tpu.memref_slice %arg5[%dma_start3A_2333, %dma_start3A_2339] : memref<50x512xi32, #tpu.memory_space<vmem>> -> memref<1x512xi32, #tpu.memory_space<vmem>>
    %dma_start3A_2341 = tpu.memref_squeeze %dma_start3A_2340 : memref<1x512xi32, #tpu.memory_space<vmem>> -> memref<512xi32, #tpu.memory_space<vmem>>
    %dma_start3A_2342 = arith.constant 0 : i32
    %dma_start3A_2343 = arith.constant 0 : i32
    %dma_start3A_2344 = tpu.memref_slice %arg3[%dma_start3A_2342, %dma_start3A_2343] : memref<1000000x32xf32, #tpu.memory_space<hbm>> -> memref<1000000x32xf32, #tpu.memory_space<hbm>>
    tpu.enqueue_indirect_dma source(%dma_start3A_2344 : memref<1000000x32xf32, #tpu.memory_space<hbm>>) target(%dma_start3A_2338 : memref<512x32xf32, #tpu.memory_space<vmem>>) offsets(%dma_start3A_2341 : memref<512xi32, #tpu.memory_space<vmem>>) semaphore(%arg7 : memref<!tpu.dma_semaphore, #tpu.memory_space<semaphore_mem>>)
    %dma_wait3A_2345 = arith.constant 41 : i32
    %dma_wait3A_2346 = arith.constant 1 : i32
    %dma_wait3A_2347 = arith.constant 0 : i32
    %dma_wait3A_2348 = arith.constant 0 : i32
    %dma_wait3A_2349 = tpu.memref_slice %arg6[%dma_wait3A_2346, %dma_wait3A_2347, %dma_wait3A_2348] : memref<4x512x32xf32, #tpu.memory_space<vmem>> -> memref<1x512x32xf32, #tpu.memory_space<vmem>>
    %dma_wait3A_2350 = tpu.memref_squeeze %dma_wait3A_2349 : memref<1x512x32xf32, #tpu.memory_space<vmem>> -> memref<512x32xf32, #tpu.memory_space<vmem>>
    %dma_wait3A_2351 = arith.constant 0 : i32
    %dma_wait3A_2352 = tpu.memref_slice %arg5[%dma_wait3A_2345, %dma_wait3A_2351] : memref<50x512xi32, #tpu.memory_space<vmem>> -> memref<1x512xi32, #tpu.memory_space<vmem>>
    %dma_wait3A_2353 = tpu.memref_squeeze %dma_wait3A_2352 : memref<1x512xi32, #tpu.memory_space<vmem>> -> memref<512xi32, #tpu.memory_space<vmem>>
    %dma_wait3A_2354 = arith.constant 0 : i32
    %dma_wait3A_2355 = arith.constant 0 : i32
    %dma_wait3A_2356 = tpu.memref_slice %arg3[%dma_wait3A_2354, %dma_wait3A_2355] : memref<1000000x32xf32, #tpu.memory_space<hbm>> -> memref<1000000x32xf32, #tpu.memory_space<hbm>>
    tpu.wait_indirect_dma semaphore(%arg7 : memref<!tpu.dma_semaphore, #tpu.memory_space<semaphore_mem>>) src(%dma_wait3A_2356 : memref<1000000x32xf32, #tpu.memory_space<hbm>>) dst(%dma_wait3A_2350 : memref<512x32xf32, #tpu.memory_space<vmem>>)
    %dma_start3A_2357 = arith.constant 1 : i32
    %dma_start3A_2358 = arith.constant 41 : i32
    %dma_start3A_2359 = arith.constant 0 : i32
    %dma_start3A_2360 = arith.constant 0 : i32
    %dma_start3A_2361 = tpu.memref_slice %arg6[%dma_start3A_2357, %dma_start3A_2359, %dma_start3A_2360] : memref<4x512x32xf32, #tpu.memory_space<vmem>> -> memref<1x512x32xf32, #tpu.memory_space<vmem>>
    %dma_start3A_2362 = tpu.memref_squeeze %dma_start3A_2361 : memref<1x512x32xf32, #tpu.memory_space<vmem>> -> memref<512x32xf32, #tpu.memory_space<vmem>>
    %dma_start3A_2363 = arith.constant 0 : i32
    %dma_start3A_2364 = tpu.memref_slice %arg4[%mul3A_2, %dma_start3A_2358, %dma_start3A_2363] : memref<16384x50x32xf32, #tpu.memory_space<hbm>> -> memref<512x1x32xf32, #tpu.memory_space<hbm>>
    %dma_start3A_2365 = tpu.memref_squeeze %dma_start3A_2364 : memref<512x1x32xf32, #tpu.memory_space<hbm>> -> memref<512x32xf32, #tpu.memory_space<hbm>>
    %dma_start3A_2366 = arith.constant 0 : i32
    %dma_start3A_2367 = tpu.memref_slice %arg4[%mul3A_2, %dma_start3A_2358, %dma_start3A_2366] : memref<16384x50x32xf32, #tpu.memory_space<hbm>> -> memref<512x1x32xf32, #tpu.memory_space<hbm>>
    %dma_start3A_2368 = tpu.memref_squeeze %dma_start3A_2367 : memref<512x1x32xf32, #tpu.memory_space<hbm>> -> memref<512x32xf32, #tpu.memory_space<hbm>>
    %dma_start3A_2369 = arith.constant 0 : i32
    %dma_start3A_2370 = arith.constant 0 : i32
    %dma_start3A_2371 = tpu.memref_slice %arg6[%dma_start3A_2357, %dma_start3A_2369, %dma_start3A_2370] : memref<4x512x32xf32, #tpu.memory_space<vmem>> -> memref<1x512x32xf32, #tpu.memory_space<vmem>>
    %dma_start3A_2372 = tpu.memref_squeeze %dma_start3A_2371 : memref<1x512x32xf32, #tpu.memory_space<vmem>> -> memref<512x32xf32, #tpu.memory_space<vmem>>
    tpu.enqueue_dma source(%dma_start3A_2372 : memref<512x32xf32, #tpu.memory_space<vmem>>) target(%dma_start3A_2368 : memref<512x32xf32, #tpu.memory_space<hbm>>) target_semaphore(%arg8 : memref<!tpu.dma_semaphore, #tpu.memory_space<semaphore_mem>>)
    %dma_wait3A_2373 = arith.constant 1 : i32
    %dma_wait3A_2374 = arith.constant 41 : i32
    %dma_wait3A_2375 = arith.constant 0 : i32
    %dma_wait3A_2376 = arith.constant 0 : i32
    %dma_wait3A_2377 = tpu.memref_slice %arg6[%dma_wait3A_2373, %dma_wait3A_2375, %dma_wait3A_2376] : memref<4x512x32xf32, #tpu.memory_space<vmem>> -> memref<1x512x32xf32, #tpu.memory_space<vmem>>
    %dma_wait3A_2378 = tpu.memref_squeeze %dma_wait3A_2377 : memref<1x512x32xf32, #tpu.memory_space<vmem>> -> memref<512x32xf32, #tpu.memory_space<vmem>>
    %dma_wait3A_2379 = arith.constant 0 : i32
    %dma_wait3A_2380 = tpu.memref_slice %arg4[%mul3A_2, %dma_wait3A_2374, %dma_wait3A_2379] : memref<16384x50x32xf32, #tpu.memory_space<hbm>> -> memref<512x1x32xf32, #tpu.memory_space<hbm>>
    %dma_wait3A_2381 = tpu.memref_squeeze %dma_wait3A_2380 : memref<512x1x32xf32, #tpu.memory_space<hbm>> -> memref<512x32xf32, #tpu.memory_space<hbm>>
    %dma_wait3A_2382 = arith.constant 0 : i32
    %dma_wait3A_2383 = tpu.memref_slice %arg4[%mul3A_2, %dma_wait3A_2374, %dma_wait3A_2382] : memref<16384x50x32xf32, #tpu.memory_space<hbm>> -> memref<512x1x32xf32, #tpu.memory_space<hbm>>
    %dma_wait3A_2384 = tpu.memref_squeeze %dma_wait3A_2383 : memref<512x1x32xf32, #tpu.memory_space<hbm>> -> memref<512x32xf32, #tpu.memory_space<hbm>>
    %dma_wait3A_2385 = arith.constant 0 : i32
    %dma_wait3A_2386 = arith.constant 0 : i32
    %dma_wait3A_2387 = tpu.memref_slice %arg6[%dma_wait3A_2373, %dma_wait3A_2385, %dma_wait3A_2386] : memref<4x512x32xf32, #tpu.memory_space<vmem>> -> memref<1x512x32xf32, #tpu.memory_space<vmem>>
    %dma_wait3A_2388 = tpu.memref_squeeze %dma_wait3A_2387 : memref<1x512x32xf32, #tpu.memory_space<vmem>> -> memref<512x32xf32, #tpu.memory_space<vmem>>
    tpu.wait_dma2 semaphore(%arg8 : memref<!tpu.dma_semaphore, #tpu.memory_space<semaphore_mem>>) src(%dma_wait3A_2388 : memref<512x32xf32, #tpu.memory_space<vmem>>) dst(%dma_wait3A_2384 : memref<512x32xf32, #tpu.memory_space<hbm>>)
    %dma_start3A_2389 = arith.constant 45 : i32
    %dma_start3A_2390 = arith.constant 1 : i32
    %dma_start3A_2391 = arith.constant 0 : i32
    %dma_start3A_2392 = arith.constant 0 : i32
    %dma_start3A_2393 = tpu.memref_slice %arg6[%dma_start3A_2390, %dma_start3A_2391, %dma_start3A_2392] : memref<4x512x32xf32, #tpu.memory_space<vmem>> -> memref<1x512x32xf32, #tpu.memory_space<vmem>>
    %dma_start3A_2394 = tpu.memref_squeeze %dma_start3A_2393 : memref<1x512x32xf32, #tpu.memory_space<vmem>> -> memref<512x32xf32, #tpu.memory_space<vmem>>
    %dma_start3A_2395 = arith.constant 0 : i32
    %dma_start3A_2396 = tpu.memref_slice %arg5[%dma_start3A_2389, %dma_start3A_2395] : memref<50x512xi32, #tpu.memory_space<vmem>> -> memref<1x512xi32, #tpu.memory_space<vmem>>
    %dma_start3A_2397 = tpu.memref_squeeze %dma_start3A_2396 : memref<1x512xi32, #tpu.memory_space<vmem>> -> memref<512xi32, #tpu.memory_space<vmem>>
    %dma_start3A_2398 = arith.constant 0 : i32
    %dma_start3A_2399 = arith.constant 0 : i32
    %dma_start3A_2400 = tpu.memref_slice %arg3[%dma_start3A_2398, %dma_start3A_2399] : memref<1000000x32xf32, #tpu.memory_space<hbm>> -> memref<1000000x32xf32, #tpu.memory_space<hbm>>
    tpu.enqueue_indirect_dma source(%dma_start3A_2400 : memref<1000000x32xf32, #tpu.memory_space<hbm>>) target(%dma_start3A_2394 : memref<512x32xf32, #tpu.memory_space<vmem>>) offsets(%dma_start3A_2397 : memref<512xi32, #tpu.memory_space<vmem>>) semaphore(%arg7 : memref<!tpu.dma_semaphore, #tpu.memory_space<semaphore_mem>>)
    %dma_wait3A_2401 = arith.constant 42 : i32
    %dma_wait3A_2402 = arith.constant 2 : i32
    %dma_wait3A_2403 = arith.constant 0 : i32
    %dma_wait3A_2404 = arith.constant 0 : i32
    %dma_wait3A_2405 = tpu.memref_slice %arg6[%dma_wait3A_2402, %dma_wait3A_2403, %dma_wait3A_2404] : memref<4x512x32xf32, #tpu.memory_space<vmem>> -> memref<1x512x32xf32, #tpu.memory_space<vmem>>
    %dma_wait3A_2406 = tpu.memref_squeeze %dma_wait3A_2405 : memref<1x512x32xf32, #tpu.memory_space<vmem>> -> memref<512x32xf32, #tpu.memory_space<vmem>>
    %dma_wait3A_2407 = arith.constant 0 : i32
    %dma_wait3A_2408 = tpu.memref_slice %arg5[%dma_wait3A_2401, %dma_wait3A_2407] : memref<50x512xi32, #tpu.memory_space<vmem>> -> memref<1x512xi32, #tpu.memory_space<vmem>>
    %dma_wait3A_2409 = tpu.memref_squeeze %dma_wait3A_2408 : memref<1x512xi32, #tpu.memory_space<vmem>> -> memref<512xi32, #tpu.memory_space<vmem>>
    %dma_wait3A_2410 = arith.constant 0 : i32
    %dma_wait3A_2411 = arith.constant 0 : i32
    %dma_wait3A_2412 = tpu.memref_slice %arg3[%dma_wait3A_2410, %dma_wait3A_2411] : memref<1000000x32xf32, #tpu.memory_space<hbm>> -> memref<1000000x32xf32, #tpu.memory_space<hbm>>
    tpu.wait_indirect_dma semaphore(%arg7 : memref<!tpu.dma_semaphore, #tpu.memory_space<semaphore_mem>>) src(%dma_wait3A_2412 : memref<1000000x32xf32, #tpu.memory_space<hbm>>) dst(%dma_wait3A_2406 : memref<512x32xf32, #tpu.memory_space<vmem>>)
    %dma_start3A_2413 = arith.constant 2 : i32
    %dma_start3A_2414 = arith.constant 42 : i32
    %dma_start3A_2415 = arith.constant 0 : i32
    %dma_start3A_2416 = arith.constant 0 : i32
    %dma_start3A_2417 = tpu.memref_slice %arg6[%dma_start3A_2413, %dma_start3A_2415, %dma_start3A_2416] : memref<4x512x32xf32, #tpu.memory_space<vmem>> -> memref<1x512x32xf32, #tpu.memory_space<vmem>>
    %dma_start3A_2418 = tpu.memref_squeeze %dma_start3A_2417 : memref<1x512x32xf32, #tpu.memory_space<vmem>> -> memref<512x32xf32, #tpu.memory_space<vmem>>
    %dma_start3A_2419 = arith.constant 0 : i32
    %dma_start3A_2420 = tpu.memref_slice %arg4[%mul3A_2, %dma_start3A_2414, %dma_start3A_2419] : memref<16384x50x32xf32, #tpu.memory_space<hbm>> -> memref<512x1x32xf32, #tpu.memory_space<hbm>>
    %dma_start3A_2421 = tpu.memref_squeeze %dma_start3A_2420 : memref<512x1x32xf32, #tpu.memory_space<hbm>> -> memref<512x32xf32, #tpu.memory_space<hbm>>
    %dma_start3A_2422 = arith.constant 0 : i32
    %dma_start3A_2423 = tpu.memref_slice %arg4[%mul3A_2, %dma_start3A_2414, %dma_start3A_2422] : memref<16384x50x32xf32, #tpu.memory_space<hbm>> -> memref<512x1x32xf32, #tpu.memory_space<hbm>>
    %dma_start3A_2424 = tpu.memref_squeeze %dma_start3A_2423 : memref<512x1x32xf32, #tpu.memory_space<hbm>> -> memref<512x32xf32, #tpu.memory_space<hbm>>
    %dma_start3A_2425 = arith.constant 0 : i32
    %dma_start3A_2426 = arith.constant 0 : i32
    %dma_start3A_2427 = tpu.memref_slice %arg6[%dma_start3A_2413, %dma_start3A_2425, %dma_start3A_2426] : memref<4x512x32xf32, #tpu.memory_space<vmem>> -> memref<1x512x32xf32, #tpu.memory_space<vmem>>
    %dma_start3A_2428 = tpu.memref_squeeze %dma_start3A_2427 : memref<1x512x32xf32, #tpu.memory_space<vmem>> -> memref<512x32xf32, #tpu.memory_space<vmem>>
    tpu.enqueue_dma source(%dma_start3A_2428 : memref<512x32xf32, #tpu.memory_space<vmem>>) target(%dma_start3A_2424 : memref<512x32xf32, #tpu.memory_space<hbm>>) target_semaphore(%arg8 : memref<!tpu.dma_semaphore, #tpu.memory_space<semaphore_mem>>)
    %dma_wait3A_2429 = arith.constant 2 : i32
    %dma_wait3A_2430 = arith.constant 42 : i32
    %dma_wait3A_2431 = arith.constant 0 : i32
    %dma_wait3A_2432 = arith.constant 0 : i32
    %dma_wait3A_2433 = tpu.memref_slice %arg6[%dma_wait3A_2429, %dma_wait3A_2431, %dma_wait3A_2432] : memref<4x512x32xf32, #tpu.memory_space<vmem>> -> memref<1x512x32xf32, #tpu.memory_space<vmem>>
    %dma_wait3A_2434 = tpu.memref_squeeze %dma_wait3A_2433 : memref<1x512x32xf32, #tpu.memory_space<vmem>> -> memref<512x32xf32, #tpu.memory_space<vmem>>
    %dma_wait3A_2435 = arith.constant 0 : i32
    %dma_wait3A_2436 = tpu.memref_slice %arg4[%mul3A_2, %dma_wait3A_2430, %dma_wait3A_2435] : memref<16384x50x32xf32, #tpu.memory_space<hbm>> -> memref<512x1x32xf32, #tpu.memory_space<hbm>>
    %dma_wait3A_2437 = tpu.memref_squeeze %dma_wait3A_2436 : memref<512x1x32xf32, #tpu.memory_space<hbm>> -> memref<512x32xf32, #tpu.memory_space<hbm>>
    %dma_wait3A_2438 = arith.constant 0 : i32
    %dma_wait3A_2439 = tpu.memref_slice %arg4[%mul3A_2, %dma_wait3A_2430, %dma_wait3A_2438] : memref<16384x50x32xf32, #tpu.memory_space<hbm>> -> memref<512x1x32xf32, #tpu.memory_space<hbm>>
    %dma_wait3A_2440 = tpu.memref_squeeze %dma_wait3A_2439 : memref<512x1x32xf32, #tpu.memory_space<hbm>> -> memref<512x32xf32, #tpu.memory_space<hbm>>
    %dma_wait3A_2441 = arith.constant 0 : i32
    %dma_wait3A_2442 = arith.constant 0 : i32
    %dma_wait3A_2443 = tpu.memref_slice %arg6[%dma_wait3A_2429, %dma_wait3A_2441, %dma_wait3A_2442] : memref<4x512x32xf32, #tpu.memory_space<vmem>> -> memref<1x512x32xf32, #tpu.memory_space<vmem>>
    %dma_wait3A_2444 = tpu.memref_squeeze %dma_wait3A_2443 : memref<1x512x32xf32, #tpu.memory_space<vmem>> -> memref<512x32xf32, #tpu.memory_space<vmem>>
    tpu.wait_dma2 semaphore(%arg8 : memref<!tpu.dma_semaphore, #tpu.memory_space<semaphore_mem>>) src(%dma_wait3A_2444 : memref<512x32xf32, #tpu.memory_space<vmem>>) dst(%dma_wait3A_2440 : memref<512x32xf32, #tpu.memory_space<hbm>>)
    %dma_start3A_2445 = arith.constant 46 : i32
    %dma_start3A_2446 = arith.constant 2 : i32
    %dma_start3A_2447 = arith.constant 0 : i32
    %dma_start3A_2448 = arith.constant 0 : i32
    %dma_start3A_2449 = tpu.memref_slice %arg6[%dma_start3A_2446, %dma_start3A_2447, %dma_start3A_2448] : memref<4x512x32xf32, #tpu.memory_space<vmem>> -> memref<1x512x32xf32, #tpu.memory_space<vmem>>
    %dma_start3A_2450 = tpu.memref_squeeze %dma_start3A_2449 : memref<1x512x32xf32, #tpu.memory_space<vmem>> -> memref<512x32xf32, #tpu.memory_space<vmem>>
    %dma_start3A_2451 = arith.constant 0 : i32
    %dma_start3A_2452 = tpu.memref_slice %arg5[%dma_start3A_2445, %dma_start3A_2451] : memref<50x512xi32, #tpu.memory_space<vmem>> -> memref<1x512xi32, #tpu.memory_space<vmem>>
    %dma_start3A_2453 = tpu.memref_squeeze %dma_start3A_2452 : memref<1x512xi32, #tpu.memory_space<vmem>> -> memref<512xi32, #tpu.memory_space<vmem>>
    %dma_start3A_2454 = arith.constant 0 : i32
    %dma_start3A_2455 = arith.constant 0 : i32
    %dma_start3A_2456 = tpu.memref_slice %arg3[%dma_start3A_2454, %dma_start3A_2455] : memref<1000000x32xf32, #tpu.memory_space<hbm>> -> memref<1000000x32xf32, #tpu.memory_space<hbm>>
    tpu.enqueue_indirect_dma source(%dma_start3A_2456 : memref<1000000x32xf32, #tpu.memory_space<hbm>>) target(%dma_start3A_2450 : memref<512x32xf32, #tpu.memory_space<vmem>>) offsets(%dma_start3A_2453 : memref<512xi32, #tpu.memory_space<vmem>>) semaphore(%arg7 : memref<!tpu.dma_semaphore, #tpu.memory_space<semaphore_mem>>)
    %dma_wait3A_2457 = arith.constant 43 : i32
    %dma_wait3A_2458 = arith.constant 3 : i32
    %dma_wait3A_2459 = arith.constant 0 : i32
    %dma_wait3A_2460 = arith.constant 0 : i32
    %dma_wait3A_2461 = tpu.memref_slice %arg6[%dma_wait3A_2458, %dma_wait3A_2459, %dma_wait3A_2460] : memref<4x512x32xf32, #tpu.memory_space<vmem>> -> memref<1x512x32xf32, #tpu.memory_space<vmem>>
    %dma_wait3A_2462 = tpu.memref_squeeze %dma_wait3A_2461 : memref<1x512x32xf32, #tpu.memory_space<vmem>> -> memref<512x32xf32, #tpu.memory_space<vmem>>
    %dma_wait3A_2463 = arith.constant 0 : i32
    %dma_wait3A_2464 = tpu.memref_slice %arg5[%dma_wait3A_2457, %dma_wait3A_2463] : memref<50x512xi32, #tpu.memory_space<vmem>> -> memref<1x512xi32, #tpu.memory_space<vmem>>
    %dma_wait3A_2465 = tpu.memref_squeeze %dma_wait3A_2464 : memref<1x512xi32, #tpu.memory_space<vmem>> -> memref<512xi32, #tpu.memory_space<vmem>>
    %dma_wait3A_2466 = arith.constant 0 : i32
    %dma_wait3A_2467 = arith.constant 0 : i32
    %dma_wait3A_2468 = tpu.memref_slice %arg3[%dma_wait3A_2466, %dma_wait3A_2467] : memref<1000000x32xf32, #tpu.memory_space<hbm>> -> memref<1000000x32xf32, #tpu.memory_space<hbm>>
    tpu.wait_indirect_dma semaphore(%arg7 : memref<!tpu.dma_semaphore, #tpu.memory_space<semaphore_mem>>) src(%dma_wait3A_2468 : memref<1000000x32xf32, #tpu.memory_space<hbm>>) dst(%dma_wait3A_2462 : memref<512x32xf32, #tpu.memory_space<vmem>>)
    %dma_start3A_2469 = arith.constant 3 : i32
    %dma_start3A_2470 = arith.constant 43 : i32
    %dma_start3A_2471 = arith.constant 0 : i32
    %dma_start3A_2472 = arith.constant 0 : i32
    %dma_start3A_2473 = tpu.memref_slice %arg6[%dma_start3A_2469, %dma_start3A_2471, %dma_start3A_2472] : memref<4x512x32xf32, #tpu.memory_space<vmem>> -> memref<1x512x32xf32, #tpu.memory_space<vmem>>
    %dma_start3A_2474 = tpu.memref_squeeze %dma_start3A_2473 : memref<1x512x32xf32, #tpu.memory_space<vmem>> -> memref<512x32xf32, #tpu.memory_space<vmem>>
    %dma_start3A_2475 = arith.constant 0 : i32
    %dma_start3A_2476 = tpu.memref_slice %arg4[%mul3A_2, %dma_start3A_2470, %dma_start3A_2475] : memref<16384x50x32xf32, #tpu.memory_space<hbm>> -> memref<512x1x32xf32, #tpu.memory_space<hbm>>
    %dma_start3A_2477 = tpu.memref_squeeze %dma_start3A_2476 : memref<512x1x32xf32, #tpu.memory_space<hbm>> -> memref<512x32xf32, #tpu.memory_space<hbm>>
    %dma_start3A_2478 = arith.constant 0 : i32
    %dma_start3A_2479 = tpu.memref_slice %arg4[%mul3A_2, %dma_start3A_2470, %dma_start3A_2478] : memref<16384x50x32xf32, #tpu.memory_space<hbm>> -> memref<512x1x32xf32, #tpu.memory_space<hbm>>
    %dma_start3A_2480 = tpu.memref_squeeze %dma_start3A_2479 : memref<512x1x32xf32, #tpu.memory_space<hbm>> -> memref<512x32xf32, #tpu.memory_space<hbm>>
    %dma_start3A_2481 = arith.constant 0 : i32
    %dma_start3A_2482 = arith.constant 0 : i32
    %dma_start3A_2483 = tpu.memref_slice %arg6[%dma_start3A_2469, %dma_start3A_2481, %dma_start3A_2482] : memref<4x512x32xf32, #tpu.memory_space<vmem>> -> memref<1x512x32xf32, #tpu.memory_space<vmem>>
    %dma_start3A_2484 = tpu.memref_squeeze %dma_start3A_2483 : memref<1x512x32xf32, #tpu.memory_space<vmem>> -> memref<512x32xf32, #tpu.memory_space<vmem>>
    tpu.enqueue_dma source(%dma_start3A_2484 : memref<512x32xf32, #tpu.memory_space<vmem>>) target(%dma_start3A_2480 : memref<512x32xf32, #tpu.memory_space<hbm>>) target_semaphore(%arg8 : memref<!tpu.dma_semaphore, #tpu.memory_space<semaphore_mem>>)
    %dma_wait3A_2485 = arith.constant 3 : i32
    %dma_wait3A_2486 = arith.constant 43 : i32
    %dma_wait3A_2487 = arith.constant 0 : i32
    %dma_wait3A_2488 = arith.constant 0 : i32
    %dma_wait3A_2489 = tpu.memref_slice %arg6[%dma_wait3A_2485, %dma_wait3A_2487, %dma_wait3A_2488] : memref<4x512x32xf32, #tpu.memory_space<vmem>> -> memref<1x512x32xf32, #tpu.memory_space<vmem>>
    %dma_wait3A_2490 = tpu.memref_squeeze %dma_wait3A_2489 : memref<1x512x32xf32, #tpu.memory_space<vmem>> -> memref<512x32xf32, #tpu.memory_space<vmem>>
    %dma_wait3A_2491 = arith.constant 0 : i32
    %dma_wait3A_2492 = tpu.memref_slice %arg4[%mul3A_2, %dma_wait3A_2486, %dma_wait3A_2491] : memref<16384x50x32xf32, #tpu.memory_space<hbm>> -> memref<512x1x32xf32, #tpu.memory_space<hbm>>
    %dma_wait3A_2493 = tpu.memref_squeeze %dma_wait3A_2492 : memref<512x1x32xf32, #tpu.memory_space<hbm>> -> memref<512x32xf32, #tpu.memory_space<hbm>>
    %dma_wait3A_2494 = arith.constant 0 : i32
    %dma_wait3A_2495 = tpu.memref_slice %arg4[%mul3A_2, %dma_wait3A_2486, %dma_wait3A_2494] : memref<16384x50x32xf32, #tpu.memory_space<hbm>> -> memref<512x1x32xf32, #tpu.memory_space<hbm>>
    %dma_wait3A_2496 = tpu.memref_squeeze %dma_wait3A_2495 : memref<512x1x32xf32, #tpu.memory_space<hbm>> -> memref<512x32xf32, #tpu.memory_space<hbm>>
    %dma_wait3A_2497 = arith.constant 0 : i32
    %dma_wait3A_2498 = arith.constant 0 : i32
    %dma_wait3A_2499 = tpu.memref_slice %arg6[%dma_wait3A_2485, %dma_wait3A_2497, %dma_wait3A_2498] : memref<4x512x32xf32, #tpu.memory_space<vmem>> -> memref<1x512x32xf32, #tpu.memory_space<vmem>>
    %dma_wait3A_2500 = tpu.memref_squeeze %dma_wait3A_2499 : memref<1x512x32xf32, #tpu.memory_space<vmem>> -> memref<512x32xf32, #tpu.memory_space<vmem>>
    tpu.wait_dma2 semaphore(%arg8 : memref<!tpu.dma_semaphore, #tpu.memory_space<semaphore_mem>>) src(%dma_wait3A_2500 : memref<512x32xf32, #tpu.memory_space<vmem>>) dst(%dma_wait3A_2496 : memref<512x32xf32, #tpu.memory_space<hbm>>)
    %dma_start3A_2501 = arith.constant 47 : i32
    %dma_start3A_2502 = arith.constant 3 : i32
    %dma_start3A_2503 = arith.constant 0 : i32
    %dma_start3A_2504 = arith.constant 0 : i32
    %dma_start3A_2505 = tpu.memref_slice %arg6[%dma_start3A_2502, %dma_start3A_2503, %dma_start3A_2504] : memref<4x512x32xf32, #tpu.memory_space<vmem>> -> memref<1x512x32xf32, #tpu.memory_space<vmem>>
    %dma_start3A_2506 = tpu.memref_squeeze %dma_start3A_2505 : memref<1x512x32xf32, #tpu.memory_space<vmem>> -> memref<512x32xf32, #tpu.memory_space<vmem>>
    %dma_start3A_2507 = arith.constant 0 : i32
    %dma_start3A_2508 = tpu.memref_slice %arg5[%dma_start3A_2501, %dma_start3A_2507] : memref<50x512xi32, #tpu.memory_space<vmem>> -> memref<1x512xi32, #tpu.memory_space<vmem>>
    %dma_start3A_2509 = tpu.memref_squeeze %dma_start3A_2508 : memref<1x512xi32, #tpu.memory_space<vmem>> -> memref<512xi32, #tpu.memory_space<vmem>>
    %dma_start3A_2510 = arith.constant 0 : i32
    %dma_start3A_2511 = arith.constant 0 : i32
    %dma_start3A_2512 = tpu.memref_slice %arg3[%dma_start3A_2510, %dma_start3A_2511] : memref<1000000x32xf32, #tpu.memory_space<hbm>> -> memref<1000000x32xf32, #tpu.memory_space<hbm>>
    tpu.enqueue_indirect_dma source(%dma_start3A_2512 : memref<1000000x32xf32, #tpu.memory_space<hbm>>) target(%dma_start3A_2506 : memref<512x32xf32, #tpu.memory_space<vmem>>) offsets(%dma_start3A_2509 : memref<512xi32, #tpu.memory_space<vmem>>) semaphore(%arg7 : memref<!tpu.dma_semaphore, #tpu.memory_space<semaphore_mem>>)
    %dma_wait3A_2513 = arith.constant 44 : i32
    %dma_wait3A_2514 = arith.constant 0 : i32
    %dma_wait3A_2515 = arith.constant 0 : i32
    %dma_wait3A_2516 = arith.constant 0 : i32
    %dma_wait3A_2517 = tpu.memref_slice %arg6[%dma_wait3A_2514, %dma_wait3A_2515, %dma_wait3A_2516] : memref<4x512x32xf32, #tpu.memory_space<vmem>> -> memref<1x512x32xf32, #tpu.memory_space<vmem>>
    %dma_wait3A_2518 = tpu.memref_squeeze %dma_wait3A_2517 : memref<1x512x32xf32, #tpu.memory_space<vmem>> -> memref<512x32xf32, #tpu.memory_space<vmem>>
    %dma_wait3A_2519 = arith.constant 0 : i32
    %dma_wait3A_2520 = tpu.memref_slice %arg5[%dma_wait3A_2513, %dma_wait3A_2519] : memref<50x512xi32, #tpu.memory_space<vmem>> -> memref<1x512xi32, #tpu.memory_space<vmem>>
    %dma_wait3A_2521 = tpu.memref_squeeze %dma_wait3A_2520 : memref<1x512xi32, #tpu.memory_space<vmem>> -> memref<512xi32, #tpu.memory_space<vmem>>
    %dma_wait3A_2522 = arith.constant 0 : i32
    %dma_wait3A_2523 = arith.constant 0 : i32
    %dma_wait3A_2524 = tpu.memref_slice %arg3[%dma_wait3A_2522, %dma_wait3A_2523] : memref<1000000x32xf32, #tpu.memory_space<hbm>> -> memref<1000000x32xf32, #tpu.memory_space<hbm>>
    tpu.wait_indirect_dma semaphore(%arg7 : memref<!tpu.dma_semaphore, #tpu.memory_space<semaphore_mem>>) src(%dma_wait3A_2524 : memref<1000000x32xf32, #tpu.memory_space<hbm>>) dst(%dma_wait3A_2518 : memref<512x32xf32, #tpu.memory_space<vmem>>)
    %dma_start3A_2525 = arith.constant 0 : i32
    %dma_start3A_2526 = arith.constant 44 : i32
    %dma_start3A_2527 = arith.constant 0 : i32
    %dma_start3A_2528 = arith.constant 0 : i32
    %dma_start3A_2529 = tpu.memref_slice %arg6[%dma_start3A_2525, %dma_start3A_2527, %dma_start3A_2528] : memref<4x512x32xf32, #tpu.memory_space<vmem>> -> memref<1x512x32xf32, #tpu.memory_space<vmem>>
    %dma_start3A_2530 = tpu.memref_squeeze %dma_start3A_2529 : memref<1x512x32xf32, #tpu.memory_space<vmem>> -> memref<512x32xf32, #tpu.memory_space<vmem>>
    %dma_start3A_2531 = arith.constant 0 : i32
    %dma_start3A_2532 = tpu.memref_slice %arg4[%mul3A_2, %dma_start3A_2526, %dma_start3A_2531] : memref<16384x50x32xf32, #tpu.memory_space<hbm>> -> memref<512x1x32xf32, #tpu.memory_space<hbm>>
    %dma_start3A_2533 = tpu.memref_squeeze %dma_start3A_2532 : memref<512x1x32xf32, #tpu.memory_space<hbm>> -> memref<512x32xf32, #tpu.memory_space<hbm>>
    %dma_start3A_2534 = arith.constant 0 : i32
    %dma_start3A_2535 = tpu.memref_slice %arg4[%mul3A_2, %dma_start3A_2526, %dma_start3A_2534] : memref<16384x50x32xf32, #tpu.memory_space<hbm>> -> memref<512x1x32xf32, #tpu.memory_space<hbm>>
    %dma_start3A_2536 = tpu.memref_squeeze %dma_start3A_2535 : memref<512x1x32xf32, #tpu.memory_space<hbm>> -> memref<512x32xf32, #tpu.memory_space<hbm>>
    %dma_start3A_2537 = arith.constant 0 : i32
    %dma_start3A_2538 = arith.constant 0 : i32
    %dma_start3A_2539 = tpu.memref_slice %arg6[%dma_start3A_2525, %dma_start3A_2537, %dma_start3A_2538] : memref<4x512x32xf32, #tpu.memory_space<vmem>> -> memref<1x512x32xf32, #tpu.memory_space<vmem>>
    %dma_start3A_2540 = tpu.memref_squeeze %dma_start3A_2539 : memref<1x512x32xf32, #tpu.memory_space<vmem>> -> memref<512x32xf32, #tpu.memory_space<vmem>>
    tpu.enqueue_dma source(%dma_start3A_2540 : memref<512x32xf32, #tpu.memory_space<vmem>>) target(%dma_start3A_2536 : memref<512x32xf32, #tpu.memory_space<hbm>>) target_semaphore(%arg8 : memref<!tpu.dma_semaphore, #tpu.memory_space<semaphore_mem>>)
    %dma_wait3A_2541 = arith.constant 0 : i32
    %dma_wait3A_2542 = arith.constant 44 : i32
    %dma_wait3A_2543 = arith.constant 0 : i32
    %dma_wait3A_2544 = arith.constant 0 : i32
    %dma_wait3A_2545 = tpu.memref_slice %arg6[%dma_wait3A_2541, %dma_wait3A_2543, %dma_wait3A_2544] : memref<4x512x32xf32, #tpu.memory_space<vmem>> -> memref<1x512x32xf32, #tpu.memory_space<vmem>>
    %dma_wait3A_2546 = tpu.memref_squeeze %dma_wait3A_2545 : memref<1x512x32xf32, #tpu.memory_space<vmem>> -> memref<512x32xf32, #tpu.memory_space<vmem>>
    %dma_wait3A_2547 = arith.constant 0 : i32
    %dma_wait3A_2548 = tpu.memref_slice %arg4[%mul3A_2, %dma_wait3A_2542, %dma_wait3A_2547] : memref<16384x50x32xf32, #tpu.memory_space<hbm>> -> memref<512x1x32xf32, #tpu.memory_space<hbm>>
    %dma_wait3A_2549 = tpu.memref_squeeze %dma_wait3A_2548 : memref<512x1x32xf32, #tpu.memory_space<hbm>> -> memref<512x32xf32, #tpu.memory_space<hbm>>
    %dma_wait3A_2550 = arith.constant 0 : i32
    %dma_wait3A_2551 = tpu.memref_slice %arg4[%mul3A_2, %dma_wait3A_2542, %dma_wait3A_2550] : memref<16384x50x32xf32, #tpu.memory_space<hbm>> -> memref<512x1x32xf32, #tpu.memory_space<hbm>>
    %dma_wait3A_2552 = tpu.memref_squeeze %dma_wait3A_2551 : memref<512x1x32xf32, #tpu.memory_space<hbm>> -> memref<512x32xf32, #tpu.memory_space<hbm>>
    %dma_wait3A_2553 = arith.constant 0 : i32
    %dma_wait3A_2554 = arith.constant 0 : i32
    %dma_wait3A_2555 = tpu.memref_slice %arg6[%dma_wait3A_2541, %dma_wait3A_2553, %dma_wait3A_2554] : memref<4x512x32xf32, #tpu.memory_space<vmem>> -> memref<1x512x32xf32, #tpu.memory_space<vmem>>
    %dma_wait3A_2556 = tpu.memref_squeeze %dma_wait3A_2555 : memref<1x512x32xf32, #tpu.memory_space<vmem>> -> memref<512x32xf32, #tpu.memory_space<vmem>>
    tpu.wait_dma2 semaphore(%arg8 : memref<!tpu.dma_semaphore, #tpu.memory_space<semaphore_mem>>) src(%dma_wait3A_2556 : memref<512x32xf32, #tpu.memory_space<vmem>>) dst(%dma_wait3A_2552 : memref<512x32xf32, #tpu.memory_space<hbm>>)
    %dma_start3A_2557 = arith.constant 48 : i32
    %dma_start3A_2558 = arith.constant 0 : i32
    %dma_start3A_2559 = arith.constant 0 : i32
    %dma_start3A_2560 = arith.constant 0 : i32
    %dma_start3A_2561 = tpu.memref_slice %arg6[%dma_start3A_2558, %dma_start3A_2559, %dma_start3A_2560] : memref<4x512x32xf32, #tpu.memory_space<vmem>> -> memref<1x512x32xf32, #tpu.memory_space<vmem>>
    %dma_start3A_2562 = tpu.memref_squeeze %dma_start3A_2561 : memref<1x512x32xf32, #tpu.memory_space<vmem>> -> memref<512x32xf32, #tpu.memory_space<vmem>>
    %dma_start3A_2563 = arith.constant 0 : i32
    %dma_start3A_2564 = tpu.memref_slice %arg5[%dma_start3A_2557, %dma_start3A_2563] : memref<50x512xi32, #tpu.memory_space<vmem>> -> memref<1x512xi32, #tpu.memory_space<vmem>>
    %dma_start3A_2565 = tpu.memref_squeeze %dma_start3A_2564 : memref<1x512xi32, #tpu.memory_space<vmem>> -> memref<512xi32, #tpu.memory_space<vmem>>
    %dma_start3A_2566 = arith.constant 0 : i32
    %dma_start3A_2567 = arith.constant 0 : i32
    %dma_start3A_2568 = tpu.memref_slice %arg3[%dma_start3A_2566, %dma_start3A_2567] : memref<1000000x32xf32, #tpu.memory_space<hbm>> -> memref<1000000x32xf32, #tpu.memory_space<hbm>>
    tpu.enqueue_indirect_dma source(%dma_start3A_2568 : memref<1000000x32xf32, #tpu.memory_space<hbm>>) target(%dma_start3A_2562 : memref<512x32xf32, #tpu.memory_space<vmem>>) offsets(%dma_start3A_2565 : memref<512xi32, #tpu.memory_space<vmem>>) semaphore(%arg7 : memref<!tpu.dma_semaphore, #tpu.memory_space<semaphore_mem>>)
    %dma_wait3A_2569 = arith.constant 45 : i32
    %dma_wait3A_2570 = arith.constant 1 : i32
    %dma_wait3A_2571 = arith.constant 0 : i32
    %dma_wait3A_2572 = arith.constant 0 : i32
    %dma_wait3A_2573 = tpu.memref_slice %arg6[%dma_wait3A_2570, %dma_wait3A_2571, %dma_wait3A_2572] : memref<4x512x32xf32, #tpu.memory_space<vmem>> -> memref<1x512x32xf32, #tpu.memory_space<vmem>>
    %dma_wait3A_2574 = tpu.memref_squeeze %dma_wait3A_2573 : memref<1x512x32xf32, #tpu.memory_space<vmem>> -> memref<512x32xf32, #tpu.memory_space<vmem>>
    %dma_wait3A_2575 = arith.constant 0 : i32
    %dma_wait3A_2576 = tpu.memref_slice %arg5[%dma_wait3A_2569, %dma_wait3A_2575] : memref<50x512xi32, #tpu.memory_space<vmem>> -> memref<1x512xi32, #tpu.memory_space<vmem>>
    %dma_wait3A_2577 = tpu.memref_squeeze %dma_wait3A_2576 : memref<1x512xi32, #tpu.memory_space<vmem>> -> memref<512xi32, #tpu.memory_space<vmem>>
    %dma_wait3A_2578 = arith.constant 0 : i32
    %dma_wait3A_2579 = arith.constant 0 : i32
    %dma_wait3A_2580 = tpu.memref_slice %arg3[%dma_wait3A_2578, %dma_wait3A_2579] : memref<1000000x32xf32, #tpu.memory_space<hbm>> -> memref<1000000x32xf32, #tpu.memory_space<hbm>>
    tpu.wait_indirect_dma semaphore(%arg7 : memref<!tpu.dma_semaphore, #tpu.memory_space<semaphore_mem>>) src(%dma_wait3A_2580 : memref<1000000x32xf32, #tpu.memory_space<hbm>>) dst(%dma_wait3A_2574 : memref<512x32xf32, #tpu.memory_space<vmem>>)
    %dma_start3A_2581 = arith.constant 1 : i32
    %dma_start3A_2582 = arith.constant 45 : i32
    %dma_start3A_2583 = arith.constant 0 : i32
    %dma_start3A_2584 = arith.constant 0 : i32
    %dma_start3A_2585 = tpu.memref_slice %arg6[%dma_start3A_2581, %dma_start3A_2583, %dma_start3A_2584] : memref<4x512x32xf32, #tpu.memory_space<vmem>> -> memref<1x512x32xf32, #tpu.memory_space<vmem>>
    %dma_start3A_2586 = tpu.memref_squeeze %dma_start3A_2585 : memref<1x512x32xf32, #tpu.memory_space<vmem>> -> memref<512x32xf32, #tpu.memory_space<vmem>>
    %dma_start3A_2587 = arith.constant 0 : i32
    %dma_start3A_2588 = tpu.memref_slice %arg4[%mul3A_2, %dma_start3A_2582, %dma_start3A_2587] : memref<16384x50x32xf32, #tpu.memory_space<hbm>> -> memref<512x1x32xf32, #tpu.memory_space<hbm>>
    %dma_start3A_2589 = tpu.memref_squeeze %dma_start3A_2588 : memref<512x1x32xf32, #tpu.memory_space<hbm>> -> memref<512x32xf32, #tpu.memory_space<hbm>>
    %dma_start3A_2590 = arith.constant 0 : i32
    %dma_start3A_2591 = tpu.memref_slice %arg4[%mul3A_2, %dma_start3A_2582, %dma_start3A_2590] : memref<16384x50x32xf32, #tpu.memory_space<hbm>> -> memref<512x1x32xf32, #tpu.memory_space<hbm>>
    %dma_start3A_2592 = tpu.memref_squeeze %dma_start3A_2591 : memref<512x1x32xf32, #tpu.memory_space<hbm>> -> memref<512x32xf32, #tpu.memory_space<hbm>>
    %dma_start3A_2593 = arith.constant 0 : i32
    %dma_start3A_2594 = arith.constant 0 : i32
    %dma_start3A_2595 = tpu.memref_slice %arg6[%dma_start3A_2581, %dma_start3A_2593, %dma_start3A_2594] : memref<4x512x32xf32, #tpu.memory_space<vmem>> -> memref<1x512x32xf32, #tpu.memory_space<vmem>>
    %dma_start3A_2596 = tpu.memref_squeeze %dma_start3A_2595 : memref<1x512x32xf32, #tpu.memory_space<vmem>> -> memref<512x32xf32, #tpu.memory_space<vmem>>
    tpu.enqueue_dma source(%dma_start3A_2596 : memref<512x32xf32, #tpu.memory_space<vmem>>) target(%dma_start3A_2592 : memref<512x32xf32, #tpu.memory_space<hbm>>) target_semaphore(%arg8 : memref<!tpu.dma_semaphore, #tpu.memory_space<semaphore_mem>>)
    %dma_wait3A_2597 = arith.constant 1 : i32
    %dma_wait3A_2598 = arith.constant 45 : i32
    %dma_wait3A_2599 = arith.constant 0 : i32
    %dma_wait3A_2600 = arith.constant 0 : i32
    %dma_wait3A_2601 = tpu.memref_slice %arg6[%dma_wait3A_2597, %dma_wait3A_2599, %dma_wait3A_2600] : memref<4x512x32xf32, #tpu.memory_space<vmem>> -> memref<1x512x32xf32, #tpu.memory_space<vmem>>
    %dma_wait3A_2602 = tpu.memref_squeeze %dma_wait3A_2601 : memref<1x512x32xf32, #tpu.memory_space<vmem>> -> memref<512x32xf32, #tpu.memory_space<vmem>>
    %dma_wait3A_2603 = arith.constant 0 : i32
    %dma_wait3A_2604 = tpu.memref_slice %arg4[%mul3A_2, %dma_wait3A_2598, %dma_wait3A_2603] : memref<16384x50x32xf32, #tpu.memory_space<hbm>> -> memref<512x1x32xf32, #tpu.memory_space<hbm>>
    %dma_wait3A_2605 = tpu.memref_squeeze %dma_wait3A_2604 : memref<512x1x32xf32, #tpu.memory_space<hbm>> -> memref<512x32xf32, #tpu.memory_space<hbm>>
    %dma_wait3A_2606 = arith.constant 0 : i32
    %dma_wait3A_2607 = tpu.memref_slice %arg4[%mul3A_2, %dma_wait3A_2598, %dma_wait3A_2606] : memref<16384x50x32xf32, #tpu.memory_space<hbm>> -> memref<512x1x32xf32, #tpu.memory_space<hbm>>
    %dma_wait3A_2608 = tpu.memref_squeeze %dma_wait3A_2607 : memref<512x1x32xf32, #tpu.memory_space<hbm>> -> memref<512x32xf32, #tpu.memory_space<hbm>>
    %dma_wait3A_2609 = arith.constant 0 : i32
    %dma_wait3A_2610 = arith.constant 0 : i32
    %dma_wait3A_2611 = tpu.memref_slice %arg6[%dma_wait3A_2597, %dma_wait3A_2609, %dma_wait3A_2610] : memref<4x512x32xf32, #tpu.memory_space<vmem>> -> memref<1x512x32xf32, #tpu.memory_space<vmem>>
    %dma_wait3A_2612 = tpu.memref_squeeze %dma_wait3A_2611 : memref<1x512x32xf32, #tpu.memory_space<vmem>> -> memref<512x32xf32, #tpu.memory_space<vmem>>
    tpu.wait_dma2 semaphore(%arg8 : memref<!tpu.dma_semaphore, #tpu.memory_space<semaphore_mem>>) src(%dma_wait3A_2612 : memref<512x32xf32, #tpu.memory_space<vmem>>) dst(%dma_wait3A_2608 : memref<512x32xf32, #tpu.memory_space<hbm>>)
    %dma_start3A_2613 = arith.constant 49 : i32
    %dma_start3A_2614 = arith.constant 1 : i32
    %dma_start3A_2615 = arith.constant 0 : i32
    %dma_start3A_2616 = arith.constant 0 : i32
    %dma_start3A_2617 = tpu.memref_slice %arg6[%dma_start3A_2614, %dma_start3A_2615, %dma_start3A_2616] : memref<4x512x32xf32, #tpu.memory_space<vmem>> -> memref<1x512x32xf32, #tpu.memory_space<vmem>>
    %dma_start3A_2618 = tpu.memref_squeeze %dma_start3A_2617 : memref<1x512x32xf32, #tpu.memory_space<vmem>> -> memref<512x32xf32, #tpu.memory_space<vmem>>
    %dma_start3A_2619 = arith.constant 0 : i32
    %dma_start3A_2620 = tpu.memref_slice %arg5[%dma_start3A_2613, %dma_start3A_2619] : memref<50x512xi32, #tpu.memory_space<vmem>> -> memref<1x512xi32, #tpu.memory_space<vmem>>
    %dma_start3A_2621 = tpu.memref_squeeze %dma_start3A_2620 : memref<1x512xi32, #tpu.memory_space<vmem>> -> memref<512xi32, #tpu.memory_space<vmem>>
    %dma_start3A_2622 = arith.constant 0 : i32
    %dma_start3A_2623 = arith.constant 0 : i32
    %dma_start3A_2624 = tpu.memref_slice %arg3[%dma_start3A_2622, %dma_start3A_2623] : memref<1000000x32xf32, #tpu.memory_space<hbm>> -> memref<1000000x32xf32, #tpu.memory_space<hbm>>
    tpu.enqueue_indirect_dma source(%dma_start3A_2624 : memref<1000000x32xf32, #tpu.memory_space<hbm>>) target(%dma_start3A_2618 : memref<512x32xf32, #tpu.memory_space<vmem>>) offsets(%dma_start3A_2621 : memref<512xi32, #tpu.memory_space<vmem>>) semaphore(%arg7 : memref<!tpu.dma_semaphore, #tpu.memory_space<semaphore_mem>>)
    %dma_wait3A_2625 = arith.constant 46 : i32
    %dma_wait3A_2626 = arith.constant 2 : i32
    %dma_wait3A_2627 = arith.constant 0 : i32
    %dma_wait3A_2628 = arith.constant 0 : i32
    %dma_wait3A_2629 = tpu.memref_slice %arg6[%dma_wait3A_2626, %dma_wait3A_2627, %dma_wait3A_2628] : memref<4x512x32xf32, #tpu.memory_space<vmem>> -> memref<1x512x32xf32, #tpu.memory_space<vmem>>
    %dma_wait3A_2630 = tpu.memref_squeeze %dma_wait3A_2629 : memref<1x512x32xf32, #tpu.memory_space<vmem>> -> memref<512x32xf32, #tpu.memory_space<vmem>>
    %dma_wait3A_2631 = arith.constant 0 : i32
    %dma_wait3A_2632 = tpu.memref_slice %arg5[%dma_wait3A_2625, %dma_wait3A_2631] : memref<50x512xi32, #tpu.memory_space<vmem>> -> memref<1x512xi32, #tpu.memory_space<vmem>>
    %dma_wait3A_2633 = tpu.memref_squeeze %dma_wait3A_2632 : memref<1x512xi32, #tpu.memory_space<vmem>> -> memref<512xi32, #tpu.memory_space<vmem>>
    %dma_wait3A_2634 = arith.constant 0 : i32
    %dma_wait3A_2635 = arith.constant 0 : i32
    %dma_wait3A_2636 = tpu.memref_slice %arg3[%dma_wait3A_2634, %dma_wait3A_2635] : memref<1000000x32xf32, #tpu.memory_space<hbm>> -> memref<1000000x32xf32, #tpu.memory_space<hbm>>
    tpu.wait_indirect_dma semaphore(%arg7 : memref<!tpu.dma_semaphore, #tpu.memory_space<semaphore_mem>>) src(%dma_wait3A_2636 : memref<1000000x32xf32, #tpu.memory_space<hbm>>) dst(%dma_wait3A_2630 : memref<512x32xf32, #tpu.memory_space<vmem>>)
    %dma_start3A_2637 = arith.constant 2 : i32
    %dma_start3A_2638 = arith.constant 46 : i32
    %dma_start3A_2639 = arith.constant 0 : i32
    %dma_start3A_2640 = arith.constant 0 : i32
    %dma_start3A_2641 = tpu.memref_slice %arg6[%dma_start3A_2637, %dma_start3A_2639, %dma_start3A_2640] : memref<4x512x32xf32, #tpu.memory_space<vmem>> -> memref<1x512x32xf32, #tpu.memory_space<vmem>>
    %dma_start3A_2642 = tpu.memref_squeeze %dma_start3A_2641 : memref<1x512x32xf32, #tpu.memory_space<vmem>> -> memref<512x32xf32, #tpu.memory_space<vmem>>
    %dma_start3A_2643 = arith.constant 0 : i32
    %dma_start3A_2644 = tpu.memref_slice %arg4[%mul3A_2, %dma_start3A_2638, %dma_start3A_2643] : memref<16384x50x32xf32, #tpu.memory_space<hbm>> -> memref<512x1x32xf32, #tpu.memory_space<hbm>>
    %dma_start3A_2645 = tpu.memref_squeeze %dma_start3A_2644 : memref<512x1x32xf32, #tpu.memory_space<hbm>> -> memref<512x32xf32, #tpu.memory_space<hbm>>
    %dma_start3A_2646 = arith.constant 0 : i32
    %dma_start3A_2647 = tpu.memref_slice %arg4[%mul3A_2, %dma_start3A_2638, %dma_start3A_2646] : memref<16384x50x32xf32, #tpu.memory_space<hbm>> -> memref<512x1x32xf32, #tpu.memory_space<hbm>>
    %dma_start3A_2648 = tpu.memref_squeeze %dma_start3A_2647 : memref<512x1x32xf32, #tpu.memory_space<hbm>> -> memref<512x32xf32, #tpu.memory_space<hbm>>
    %dma_start3A_2649 = arith.constant 0 : i32
    %dma_start3A_2650 = arith.constant 0 : i32
    %dma_start3A_2651 = tpu.memref_slice %arg6[%dma_start3A_2637, %dma_start3A_2649, %dma_start3A_2650] : memref<4x512x32xf32, #tpu.memory_space<vmem>> -> memref<1x512x32xf32, #tpu.memory_space<vmem>>
    %dma_start3A_2652 = tpu.memref_squeeze %dma_start3A_2651 : memref<1x512x32xf32, #tpu.memory_space<vmem>> -> memref<512x32xf32, #tpu.memory_space<vmem>>
    tpu.enqueue_dma source(%dma_start3A_2652 : memref<512x32xf32, #tpu.memory_space<vmem>>) target(%dma_start3A_2648 : memref<512x32xf32, #tpu.memory_space<hbm>>) target_semaphore(%arg8 : memref<!tpu.dma_semaphore, #tpu.memory_space<semaphore_mem>>)
    %dma_wait3A_2653 = arith.constant 47 : i32
    %dma_wait3A_2654 = arith.constant 3 : i32
    %dma_wait3A_2655 = arith.constant 0 : i32
    %dma_wait3A_2656 = arith.constant 0 : i32
    %dma_wait3A_2657 = tpu.memref_slice %arg6[%dma_wait3A_2654, %dma_wait3A_2655, %dma_wait3A_2656] : memref<4x512x32xf32, #tpu.memory_space<vmem>> -> memref<1x512x32xf32, #tpu.memory_space<vmem>>
    %dma_wait3A_2658 = tpu.memref_squeeze %dma_wait3A_2657 : memref<1x512x32xf32, #tpu.memory_space<vmem>> -> memref<512x32xf32, #tpu.memory_space<vmem>>
    %dma_wait3A_2659 = arith.constant 0 : i32
    %dma_wait3A_2660 = tpu.memref_slice %arg5[%dma_wait3A_2653, %dma_wait3A_2659] : memref<50x512xi32, #tpu.memory_space<vmem>> -> memref<1x512xi32, #tpu.memory_space<vmem>>
    %dma_wait3A_2661 = tpu.memref_squeeze %dma_wait3A_2660 : memref<1x512xi32, #tpu.memory_space<vmem>> -> memref<512xi32, #tpu.memory_space<vmem>>
    %dma_wait3A_2662 = arith.constant 0 : i32
    %dma_wait3A_2663 = arith.constant 0 : i32
    %dma_wait3A_2664 = tpu.memref_slice %arg3[%dma_wait3A_2662, %dma_wait3A_2663] : memref<1000000x32xf32, #tpu.memory_space<hbm>> -> memref<1000000x32xf32, #tpu.memory_space<hbm>>
    tpu.wait_indirect_dma semaphore(%arg7 : memref<!tpu.dma_semaphore, #tpu.memory_space<semaphore_mem>>) src(%dma_wait3A_2664 : memref<1000000x32xf32, #tpu.memory_space<hbm>>) dst(%dma_wait3A_2658 : memref<512x32xf32, #tpu.memory_space<vmem>>)
    %dma_start3A_2665 = arith.constant 3 : i32
    %dma_start3A_2666 = arith.constant 47 : i32
    %dma_start3A_2667 = arith.constant 0 : i32
    %dma_start3A_2668 = arith.constant 0 : i32
    %dma_start3A_2669 = tpu.memref_slice %arg6[%dma_start3A_2665, %dma_start3A_2667, %dma_start3A_2668] : memref<4x512x32xf32, #tpu.memory_space<vmem>> -> memref<1x512x32xf32, #tpu.memory_space<vmem>>
    %dma_start3A_2670 = tpu.memref_squeeze %dma_start3A_2669 : memref<1x512x32xf32, #tpu.memory_space<vmem>> -> memref<512x32xf32, #tpu.memory_space<vmem>>
    %dma_start3A_2671 = arith.constant 0 : i32
    %dma_start3A_2672 = tpu.memref_slice %arg4[%mul3A_2, %dma_start3A_2666, %dma_start3A_2671] : memref<16384x50x32xf32, #tpu.memory_space<hbm>> -> memref<512x1x32xf32, #tpu.memory_space<hbm>>
    %dma_start3A_2673 = tpu.memref_squeeze %dma_start3A_2672 : memref<512x1x32xf32, #tpu.memory_space<hbm>> -> memref<512x32xf32, #tpu.memory_space<hbm>>
    %dma_start3A_2674 = arith.constant 0 : i32
    %dma_start3A_2675 = tpu.memref_slice %arg4[%mul3A_2, %dma_start3A_2666, %dma_start3A_2674] : memref<16384x50x32xf32, #tpu.memory_space<hbm>> -> memref<512x1x32xf32, #tpu.memory_space<hbm>>
    %dma_start3A_2676 = tpu.memref_squeeze %dma_start3A_2675 : memref<512x1x32xf32, #tpu.memory_space<hbm>> -> memref<512x32xf32, #tpu.memory_space<hbm>>
    %dma_start3A_2677 = arith.constant 0 : i32
    %dma_start3A_2678 = arith.constant 0 : i32
    %dma_start3A_2679 = tpu.memref_slice %arg6[%dma_start3A_2665, %dma_start3A_2677, %dma_start3A_2678] : memref<4x512x32xf32, #tpu.memory_space<vmem>> -> memref<1x512x32xf32, #tpu.memory_space<vmem>>
    %dma_start3A_2680 = tpu.memref_squeeze %dma_start3A_2679 : memref<1x512x32xf32, #tpu.memory_space<vmem>> -> memref<512x32xf32, #tpu.memory_space<vmem>>
    tpu.enqueue_dma source(%dma_start3A_2680 : memref<512x32xf32, #tpu.memory_space<vmem>>) target(%dma_start3A_2676 : memref<512x32xf32, #tpu.memory_space<hbm>>) target_semaphore(%arg8 : memref<!tpu.dma_semaphore, #tpu.memory_space<semaphore_mem>>)
    %dma_wait3A_2681 = arith.constant 48 : i32
    %dma_wait3A_2682 = arith.constant 0 : i32
    %dma_wait3A_2683 = arith.constant 0 : i32
    %dma_wait3A_2684 = arith.constant 0 : i32
    %dma_wait3A_2685 = tpu.memref_slice %arg6[%dma_wait3A_2682, %dma_wait3A_2683, %dma_wait3A_2684] : memref<4x512x32xf32, #tpu.memory_space<vmem>> -> memref<1x512x32xf32, #tpu.memory_space<vmem>>
    %dma_wait3A_2686 = tpu.memref_squeeze %dma_wait3A_2685 : memref<1x512x32xf32, #tpu.memory_space<vmem>> -> memref<512x32xf32, #tpu.memory_space<vmem>>
    %dma_wait3A_2687 = arith.constant 0 : i32
    %dma_wait3A_2688 = tpu.memref_slice %arg5[%dma_wait3A_2681, %dma_wait3A_2687] : memref<50x512xi32, #tpu.memory_space<vmem>> -> memref<1x512xi32, #tpu.memory_space<vmem>>
    %dma_wait3A_2689 = tpu.memref_squeeze %dma_wait3A_2688 : memref<1x512xi32, #tpu.memory_space<vmem>> -> memref<512xi32, #tpu.memory_space<vmem>>
    %dma_wait3A_2690 = arith.constant 0 : i32
    %dma_wait3A_2691 = arith.constant 0 : i32
    %dma_wait3A_2692 = tpu.memref_slice %arg3[%dma_wait3A_2690, %dma_wait3A_2691] : memref<1000000x32xf32, #tpu.memory_space<hbm>> -> memref<1000000x32xf32, #tpu.memory_space<hbm>>
    tpu.wait_indirect_dma semaphore(%arg7 : memref<!tpu.dma_semaphore, #tpu.memory_space<semaphore_mem>>) src(%dma_wait3A_2692 : memref<1000000x32xf32, #tpu.memory_space<hbm>>) dst(%dma_wait3A_2686 : memref<512x32xf32, #tpu.memory_space<vmem>>)
    %dma_start3A_2693 = arith.constant 0 : i32
    %dma_start3A_2694 = arith.constant 48 : i32
    %dma_start3A_2695 = arith.constant 0 : i32
    %dma_start3A_2696 = arith.constant 0 : i32
    %dma_start3A_2697 = tpu.memref_slice %arg6[%dma_start3A_2693, %dma_start3A_2695, %dma_start3A_2696] : memref<4x512x32xf32, #tpu.memory_space<vmem>> -> memref<1x512x32xf32, #tpu.memory_space<vmem>>
    %dma_start3A_2698 = tpu.memref_squeeze %dma_start3A_2697 : memref<1x512x32xf32, #tpu.memory_space<vmem>> -> memref<512x32xf32, #tpu.memory_space<vmem>>
    %dma_start3A_2699 = arith.constant 0 : i32
    %dma_start3A_2700 = tpu.memref_slice %arg4[%mul3A_2, %dma_start3A_2694, %dma_start3A_2699] : memref<16384x50x32xf32, #tpu.memory_space<hbm>> -> memref<512x1x32xf32, #tpu.memory_space<hbm>>
    %dma_start3A_2701 = tpu.memref_squeeze %dma_start3A_2700 : memref<512x1x32xf32, #tpu.memory_space<hbm>> -> memref<512x32xf32, #tpu.memory_space<hbm>>
    %dma_start3A_2702 = arith.constant 0 : i32
    %dma_start3A_2703 = tpu.memref_slice %arg4[%mul3A_2, %dma_start3A_2694, %dma_start3A_2702] : memref<16384x50x32xf32, #tpu.memory_space<hbm>> -> memref<512x1x32xf32, #tpu.memory_space<hbm>>
    %dma_start3A_2704 = tpu.memref_squeeze %dma_start3A_2703 : memref<512x1x32xf32, #tpu.memory_space<hbm>> -> memref<512x32xf32, #tpu.memory_space<hbm>>
    %dma_start3A_2705 = arith.constant 0 : i32
    %dma_start3A_2706 = arith.constant 0 : i32
    %dma_start3A_2707 = tpu.memref_slice %arg6[%dma_start3A_2693, %dma_start3A_2705, %dma_start3A_2706] : memref<4x512x32xf32, #tpu.memory_space<vmem>> -> memref<1x512x32xf32, #tpu.memory_space<vmem>>
    %dma_start3A_2708 = tpu.memref_squeeze %dma_start3A_2707 : memref<1x512x32xf32, #tpu.memory_space<vmem>> -> memref<512x32xf32, #tpu.memory_space<vmem>>
    tpu.enqueue_dma source(%dma_start3A_2708 : memref<512x32xf32, #tpu.memory_space<vmem>>) target(%dma_start3A_2704 : memref<512x32xf32, #tpu.memory_space<hbm>>) target_semaphore(%arg8 : memref<!tpu.dma_semaphore, #tpu.memory_space<semaphore_mem>>)
    %dma_wait3A_2709 = arith.constant 49 : i32
    %dma_wait3A_2710 = arith.constant 1 : i32
    %dma_wait3A_2711 = arith.constant 0 : i32
    %dma_wait3A_2712 = arith.constant 0 : i32
    %dma_wait3A_2713 = tpu.memref_slice %arg6[%dma_wait3A_2710, %dma_wait3A_2711, %dma_wait3A_2712] : memref<4x512x32xf32, #tpu.memory_space<vmem>> -> memref<1x512x32xf32, #tpu.memory_space<vmem>>
    %dma_wait3A_2714 = tpu.memref_squeeze %dma_wait3A_2713 : memref<1x512x32xf32, #tpu.memory_space<vmem>> -> memref<512x32xf32, #tpu.memory_space<vmem>>
    %dma_wait3A_2715 = arith.constant 0 : i32
    %dma_wait3A_2716 = tpu.memref_slice %arg5[%dma_wait3A_2709, %dma_wait3A_2715] : memref<50x512xi32, #tpu.memory_space<vmem>> -> memref<1x512xi32, #tpu.memory_space<vmem>>
    %dma_wait3A_2717 = tpu.memref_squeeze %dma_wait3A_2716 : memref<1x512xi32, #tpu.memory_space<vmem>> -> memref<512xi32, #tpu.memory_space<vmem>>
    %dma_wait3A_2718 = arith.constant 0 : i32
    %dma_wait3A_2719 = arith.constant 0 : i32
    %dma_wait3A_2720 = tpu.memref_slice %arg3[%dma_wait3A_2718, %dma_wait3A_2719] : memref<1000000x32xf32, #tpu.memory_space<hbm>> -> memref<1000000x32xf32, #tpu.memory_space<hbm>>
    tpu.wait_indirect_dma semaphore(%arg7 : memref<!tpu.dma_semaphore, #tpu.memory_space<semaphore_mem>>) src(%dma_wait3A_2720 : memref<1000000x32xf32, #tpu.memory_space<hbm>>) dst(%dma_wait3A_2714 : memref<512x32xf32, #tpu.memory_space<vmem>>)
    %dma_start3A_2721 = arith.constant 1 : i32
    %dma_start3A_2722 = arith.constant 49 : i32
    %dma_start3A_2723 = arith.constant 0 : i32
    %dma_start3A_2724 = arith.constant 0 : i32
    %dma_start3A_2725 = tpu.memref_slice %arg6[%dma_start3A_2721, %dma_start3A_2723, %dma_start3A_2724] : memref<4x512x32xf32, #tpu.memory_space<vmem>> -> memref<1x512x32xf32, #tpu.memory_space<vmem>>
    %dma_start3A_2726 = tpu.memref_squeeze %dma_start3A_2725 : memref<1x512x32xf32, #tpu.memory_space<vmem>> -> memref<512x32xf32, #tpu.memory_space<vmem>>
    %dma_start3A_2727 = arith.constant 0 : i32
    %dma_start3A_2728 = tpu.memref_slice %arg4[%mul3A_2, %dma_start3A_2722, %dma_start3A_2727] : memref<16384x50x32xf32, #tpu.memory_space<hbm>> -> memref<512x1x32xf32, #tpu.memory_space<hbm>>
    %dma_start3A_2729 = tpu.memref_squeeze %dma_start3A_2728 : memref<512x1x32xf32, #tpu.memory_space<hbm>> -> memref<512x32xf32, #tpu.memory_space<hbm>>
    %dma_start3A_2730 = arith.constant 0 : i32
    %dma_start3A_2731 = tpu.memref_slice %arg4[%mul3A_2, %dma_start3A_2722, %dma_start3A_2730] : memref<16384x50x32xf32, #tpu.memory_space<hbm>> -> memref<512x1x32xf32, #tpu.memory_space<hbm>>
    %dma_start3A_2732 = tpu.memref_squeeze %dma_start3A_2731 : memref<512x1x32xf32, #tpu.memory_space<hbm>> -> memref<512x32xf32, #tpu.memory_space<hbm>>
    %dma_start3A_2733 = arith.constant 0 : i32
    %dma_start3A_2734 = arith.constant 0 : i32
    %dma_start3A_2735 = tpu.memref_slice %arg6[%dma_start3A_2721, %dma_start3A_2733, %dma_start3A_2734] : memref<4x512x32xf32, #tpu.memory_space<vmem>> -> memref<1x512x32xf32, #tpu.memory_space<vmem>>
    %dma_start3A_2736 = tpu.memref_squeeze %dma_start3A_2735 : memref<1x512x32xf32, #tpu.memory_space<vmem>> -> memref<512x32xf32, #tpu.memory_space<vmem>>
    tpu.enqueue_dma source(%dma_start3A_2736 : memref<512x32xf32, #tpu.memory_space<vmem>>) target(%dma_start3A_2732 : memref<512x32xf32, #tpu.memory_space<hbm>>) target_semaphore(%arg8 : memref<!tpu.dma_semaphore, #tpu.memory_space<semaphore_mem>>)
    %dma_wait3A_2737 = arith.constant 2 : i32
    %dma_wait3A_2738 = arith.constant 46 : i32
    %dma_wait3A_2739 = arith.constant 0 : i32
    %dma_wait3A_2740 = arith.constant 0 : i32
    %dma_wait3A_2741 = tpu.memref_slice %arg6[%dma_wait3A_2737, %dma_wait3A_2739, %dma_wait3A_2740] : memref<4x512x32xf32, #tpu.memory_space<vmem>> -> memref<1x512x32xf32, #tpu.memory_space<vmem>>
    %dma_wait3A_2742 = tpu.memref_squeeze %dma_wait3A_2741 : memref<1x512x32xf32, #tpu.memory_space<vmem>> -> memref<512x32xf32, #tpu.memory_space<vmem>>
    %dma_wait3A_2743 = arith.constant 0 : i32
    %dma_wait3A_2744 = tpu.memref_slice %arg4[%mul3A_2, %dma_wait3A_2738, %dma_wait3A_2743] : memref<16384x50x32xf32, #tpu.memory_space<hbm>> -> memref<512x1x32xf32, #tpu.memory_space<hbm>>
    %dma_wait3A_2745 = tpu.memref_squeeze %dma_wait3A_2744 : memref<512x1x32xf32, #tpu.memory_space<hbm>> -> memref<512x32xf32, #tpu.memory_space<hbm>>
    %dma_wait3A_2746 = arith.constant 0 : i32
    %dma_wait3A_2747 = tpu.memref_slice %arg4[%mul3A_2, %dma_wait3A_2738, %dma_wait3A_2746] : memref<16384x50x32xf32, #tpu.memory_space<hbm>> -> memref<512x1x32xf32, #tpu.memory_space<hbm>>
    %dma_wait3A_2748 = tpu.memref_squeeze %dma_wait3A_2747 : memref<512x1x32xf32, #tpu.memory_space<hbm>> -> memref<512x32xf32, #tpu.memory_space<hbm>>
    %dma_wait3A_2749 = arith.constant 0 : i32
    %dma_wait3A_2750 = arith.constant 0 : i32
    %dma_wait3A_2751 = tpu.memref_slice %arg6[%dma_wait3A_2737, %dma_wait3A_2749, %dma_wait3A_2750] : memref<4x512x32xf32, #tpu.memory_space<vmem>> -> memref<1x512x32xf32, #tpu.memory_space<vmem>>
    %dma_wait3A_2752 = tpu.memref_squeeze %dma_wait3A_2751 : memref<1x512x32xf32, #tpu.memory_space<vmem>> -> memref<512x32xf32, #tpu.memory_space<vmem>>
    tpu.wait_dma2 semaphore(%arg8 : memref<!tpu.dma_semaphore, #tpu.memory_space<semaphore_mem>>) src(%dma_wait3A_2752 : memref<512x32xf32, #tpu.memory_space<vmem>>) dst(%dma_wait3A_2748 : memref<512x32xf32, #tpu.memory_space<hbm>>)
    %dma_wait3A_2753 = arith.constant 3 : i32
    %dma_wait3A_2754 = arith.constant 47 : i32
    %dma_wait3A_2755 = arith.constant 0 : i32
    %dma_wait3A_2756 = arith.constant 0 : i32
    %dma_wait3A_2757 = tpu.memref_slice %arg6[%dma_wait3A_2753, %dma_wait3A_2755, %dma_wait3A_2756] : memref<4x512x32xf32, #tpu.memory_space<vmem>> -> memref<1x512x32xf32, #tpu.memory_space<vmem>>
    %dma_wait3A_2758 = tpu.memref_squeeze %dma_wait3A_2757 : memref<1x512x32xf32, #tpu.memory_space<vmem>> -> memref<512x32xf32, #tpu.memory_space<vmem>>
    %dma_wait3A_2759 = arith.constant 0 : i32
    %dma_wait3A_2760 = tpu.memref_slice %arg4[%mul3A_2, %dma_wait3A_2754, %dma_wait3A_2759] : memref<16384x50x32xf32, #tpu.memory_space<hbm>> -> memref<512x1x32xf32, #tpu.memory_space<hbm>>
    %dma_wait3A_2761 = tpu.memref_squeeze %dma_wait3A_2760 : memref<512x1x32xf32, #tpu.memory_space<hbm>> -> memref<512x32xf32, #tpu.memory_space<hbm>>
    %dma_wait3A_2762 = arith.constant 0 : i32
    %dma_wait3A_2763 = tpu.memref_slice %arg4[%mul3A_2, %dma_wait3A_2754, %dma_wait3A_2762] : memref<16384x50x32xf32, #tpu.memory_space<hbm>> -> memref<512x1x32xf32, #tpu.memory_space<hbm>>
    %dma_wait3A_2764 = tpu.memref_squeeze %dma_wait3A_2763 : memref<512x1x32xf32, #tpu.memory_space<hbm>> -> memref<512x32xf32, #tpu.memory_space<hbm>>
    %dma_wait3A_2765 = arith.constant 0 : i32
    %dma_wait3A_2766 = arith.constant 0 : i32
    %dma_wait3A_2767 = tpu.memref_slice %arg6[%dma_wait3A_2753, %dma_wait3A_2765, %dma_wait3A_2766] : memref<4x512x32xf32, #tpu.memory_space<vmem>> -> memref<1x512x32xf32, #tpu.memory_space<vmem>>
    %dma_wait3A_2768 = tpu.memref_squeeze %dma_wait3A_2767 : memref<1x512x32xf32, #tpu.memory_space<vmem>> -> memref<512x32xf32, #tpu.memory_space<vmem>>
    tpu.wait_dma2 semaphore(%arg8 : memref<!tpu.dma_semaphore, #tpu.memory_space<semaphore_mem>>) src(%dma_wait3A_2768 : memref<512x32xf32, #tpu.memory_space<vmem>>) dst(%dma_wait3A_2764 : memref<512x32xf32, #tpu.memory_space<hbm>>)
    %dma_wait3A_2769 = arith.constant 0 : i32
    %dma_wait3A_2770 = arith.constant 48 : i32
    %dma_wait3A_2771 = arith.constant 0 : i32
    %dma_wait3A_2772 = arith.constant 0 : i32
    %dma_wait3A_2773 = tpu.memref_slice %arg6[%dma_wait3A_2769, %dma_wait3A_2771, %dma_wait3A_2772] : memref<4x512x32xf32, #tpu.memory_space<vmem>> -> memref<1x512x32xf32, #tpu.memory_space<vmem>>
    %dma_wait3A_2774 = tpu.memref_squeeze %dma_wait3A_2773 : memref<1x512x32xf32, #tpu.memory_space<vmem>> -> memref<512x32xf32, #tpu.memory_space<vmem>>
    %dma_wait3A_2775 = arith.constant 0 : i32
    %dma_wait3A_2776 = tpu.memref_slice %arg4[%mul3A_2, %dma_wait3A_2770, %dma_wait3A_2775] : memref<16384x50x32xf32, #tpu.memory_space<hbm>> -> memref<512x1x32xf32, #tpu.memory_space<hbm>>
    %dma_wait3A_2777 = tpu.memref_squeeze %dma_wait3A_2776 : memref<512x1x32xf32, #tpu.memory_space<hbm>> -> memref<512x32xf32, #tpu.memory_space<hbm>>
    %dma_wait3A_2778 = arith.constant 0 : i32
    %dma_wait3A_2779 = tpu.memref_slice %arg4[%mul3A_2, %dma_wait3A_2770, %dma_wait3A_2778] : memref<16384x50x32xf32, #tpu.memory_space<hbm>> -> memref<512x1x32xf32, #tpu.memory_space<hbm>>
    %dma_wait3A_2780 = tpu.memref_squeeze %dma_wait3A_2779 : memref<512x1x32xf32, #tpu.memory_space<hbm>> -> memref<512x32xf32, #tpu.memory_space<hbm>>
    %dma_wait3A_2781 = arith.constant 0 : i32
    %dma_wait3A_2782 = arith.constant 0 : i32
    %dma_wait3A_2783 = tpu.memref_slice %arg6[%dma_wait3A_2769, %dma_wait3A_2781, %dma_wait3A_2782] : memref<4x512x32xf32, #tpu.memory_space<vmem>> -> memref<1x512x32xf32, #tpu.memory_space<vmem>>
    %dma_wait3A_2784 = tpu.memref_squeeze %dma_wait3A_2783 : memref<1x512x32xf32, #tpu.memory_space<vmem>> -> memref<512x32xf32, #tpu.memory_space<vmem>>
    tpu.wait_dma2 semaphore(%arg8 : memref<!tpu.dma_semaphore, #tpu.memory_space<semaphore_mem>>) src(%dma_wait3A_2784 : memref<512x32xf32, #tpu.memory_space<vmem>>) dst(%dma_wait3A_2780 : memref<512x32xf32, #tpu.memory_space<hbm>>)
    %dma_wait3A_2785 = arith.constant 1 : i32
    %dma_wait3A_2786 = arith.constant 49 : i32
    %dma_wait3A_2787 = arith.constant 0 : i32
    %dma_wait3A_2788 = arith.constant 0 : i32
    %dma_wait3A_2789 = tpu.memref_slice %arg6[%dma_wait3A_2785, %dma_wait3A_2787, %dma_wait3A_2788] : memref<4x512x32xf32, #tpu.memory_space<vmem>> -> memref<1x512x32xf32, #tpu.memory_space<vmem>>
    %dma_wait3A_2790 = tpu.memref_squeeze %dma_wait3A_2789 : memref<1x512x32xf32, #tpu.memory_space<vmem>> -> memref<512x32xf32, #tpu.memory_space<vmem>>
    %dma_wait3A_2791 = arith.constant 0 : i32
    %dma_wait3A_2792 = tpu.memref_slice %arg4[%mul3A_2, %dma_wait3A_2786, %dma_wait3A_2791] : memref<16384x50x32xf32, #tpu.memory_space<hbm>> -> memref<512x1x32xf32, #tpu.memory_space<hbm>>
    %dma_wait3A_2793 = tpu.memref_squeeze %dma_wait3A_2792 : memref<512x1x32xf32, #tpu.memory_space<hbm>> -> memref<512x32xf32, #tpu.memory_space<hbm>>
    %dma_wait3A_2794 = arith.constant 0 : i32
    %dma_wait3A_2795 = tpu.memref_slice %arg4[%mul3A_2, %dma_wait3A_2786, %dma_wait3A_2794] : memref<16384x50x32xf32, #tpu.memory_space<hbm>> -> memref<512x1x32xf32, #tpu.memory_space<hbm>>
    %dma_wait3A_2796 = tpu.memref_squeeze %dma_wait3A_2795 : memref<512x1x32xf32, #tpu.memory_space<hbm>> -> memref<512x32xf32, #tpu.memory_space<hbm>>
    %dma_wait3A_2797 = arith.constant 0 : i32
    %dma_wait3A_2798 = arith.constant 0 : i32
    %dma_wait3A_2799 = tpu.memref_slice %arg6[%dma_wait3A_2785, %dma_wait3A_2797, %dma_wait3A_2798] : memref<4x512x32xf32, #tpu.memory_space<vmem>> -> memref<1x512x32xf32, #tpu.memory_space<vmem>>
    %dma_wait3A_2800 = tpu.memref_squeeze %dma_wait3A_2799 : memref<1x512x32xf32, #tpu.memory_space<vmem>> -> memref<512x32xf32, #tpu.memory_space<vmem>>
    tpu.wait_dma2 semaphore(%arg8 : memref<!tpu.dma_semaphore, #tpu.memory_space<semaphore_mem>>) src(%dma_wait3A_2800 : memref<512x32xf32, #tpu.memory_space<vmem>>) dst(%dma_wait3A_2796 : memref<512x32xf32, #tpu.memory_space<hbm>>)
    return
  }
}

</mosaic_0001>

<sc_bundles>
// kernel: kernel.3.cloned.1.call-start
scs
__scs_entry_jumppad:
0x0: {  	(pc) =	sbr.rel $0x88, $3  }
0x1: {  	(tag) =	ssettag $0x0;
	lr =	simm.s32 $0x1  }
0x2: {  	[smem:$0x3F9F] =	sst lr;
	_ =	strace $0xD0000000  }
0x3: {  	_ = 	snop  }
0x4: {  	_ = 	snop  }
0x5: {  	_ = 	snop  }
0x6: {  	_ = 	snop  }
0x7: {  	_ = 	snop  }
__scs_overlays_trampoline_lowered:
0x8: {  	[smem:$0x3FAE] =	sst s0  }
0x9: {  	[smem:$0x3FAF] =	sst s1  }
0xa: {  	[smem:$0x3FB0] =	sst s2  }
0xb: {  	[smem:$0x3FB1] =	sst s3  }
0xc: {  	[smem:$0x3FB2] =	sst s4  }
0xd: {  	[smem:$0x3FB3] =	sst s5  }
0xe: {  	[smem:$0x3FB4] =	sst s6  }
0xf: {  	[smem:$0x3FB5] =	sst s7  }
0x10: {  	[smem:$0x3FB6] =	sst s8  }
0x11: {  	[smem:$0x3FB7] =	sst s9;
	s0 =	simm.s32 @!p0 $0x0  }
0x12: {  	s1 =	sld [smem:$0x3F9D];
	s0 =	simm.s32 @p0 $0x1  }
0x13: {  	[smem:$0x3FB8] =	sst s0;
	s0 =	simm.s32 @!p1 $0x0  }
0x14: {  	s2 =	sld [smem:$0x3F9C];
	s0 =	simm.s32 @p1 $0x1  }
0x15: {  	[smem:$0x3FB9] =	sst s0;
	s0 =	simm.s32 @!p2 $0x0  }
0x16: {  	s3 =	sld [smem:$0x3FDB];
	s0 =	simm.s32 @p2 $0x1  }
0x17: {  	s4 =	simm.s32 $0x1BF5;
	[smem:$0x3FBB] =	sst s0  }
0x18: {  	s0 =	sld [smem:$0x3F9E];
	_ =	swait.ge [sflag:s4], $0x0  }
0x19: {  	s7 =	sld [smem:$0x3F9F]  }
0x1a: {  	s8 =	sadd.s32 $0xFFFFE003, lr  }
0x1b: {  	s9 =	sadd.s32 $0xFFFFFEF7, lr;
	s5 =	simm.s32 $0xFFFFFFFF;
	p2 =	slt.u32 s8, $0xFFFFF086  }
0x1c: {  	p1 =	slt.u32 s9, $0xF7A;
	s5 =	simm.s32 @!p2 $0x0  }
0x1d: {  	s5 =	simm.s32 @p1 $0x1;
	p0 =	seq.s32 s7, s2  }
0x1e: {  	s7 =	smul.u32 @!p0 $0xF7A, s2;
	p2 =	seq.s32 @!p0 s5, $0x0  }
0x1f: {  	s9 =	smul.u32 $0xF7A, s1;
	s8 =	simm.s32 @!p0 $0x1BF5;
	p2 =	por !p2, p0  }
0x20: {  	[sflag:s8] =	ssyncset.s32 @!p0 $0xFFFFF086;
	s6 =	sadd.s32 @!p0 s3, s7;
	s7 =	simm.s32 @!p0 $0x108  }
0x21: {  	s3 =	sadd.s32 s3, s9;
	s6 =	sadd.s32 @!p0 $0x88, s6;
	s7 =	simm.s32 @p2 $0x1082  }
0x22: {  	[simem:s7], [sflag:s8] =	dma.local @!p0 [hbm:s6], $0xF7A  }
0x23: {  	s9 =	sor.u32 $0xD0000000, s2;
	s6 =	simm.s32 $0x108;
	_ =	swait.ge @!p0 [sflag:s8], $0x0  }
0x24: {  	s3 =	sadd.s32 $0x88, s3;
	s6 =	simm.s32 @!p1 $0x1082;
	[sflag:s4] =	ssyncset.s32 $0xFFFFF086  }
0x25: {  	[simem:s6], [sflag:s4] =	dma.local [hbm:s3], $0xF7A  }
0x26: {  	[smem:$0x3F9F] =	sst s1;
	(tag) =	ssettag s2;
	_ =	strace s9  }
0x27: {  	s1 =	sld [smem:$0x3FAF]  }
0x28: {  	s2 =	sld [smem:$0x3FB0]  }
0x29: {  	s4 =	sld [smem:$0x3FB2]  }
0x2a: {  	p0 =	seq.s32 s5, $0x0;
	s5 =	sld [smem:$0x3FB3]  }
0x2b: {  	s6 =	sld [smem:$0x3FB4]  }
0x2c: {  	s7 =	sld [smem:$0x3FB5]  }
0x2d: {  	s3 =	simm.s32 $0x108;
	s8 =	sld [smem:$0x3FB6]  }
0x2e: {  	s3 =	simm.s32 @!p0 $0x1082;
	s9 =	sld [smem:$0x3FB7]  }
0x2f: {  	lr =	sadd.s32 s0, s3;
	s0 =	sld [smem:$0x3FAE]  }
0x30: {  	s3 =	sld [smem:$0x3FB1]  }
0x31: {  	[smem:$0x3FBA] =	sst s10  }
0x32: {  	s10 =	sld [smem:$0x3FB8];
	_ =	sdelay $0x3  }
0x33: {  	p0 =	seq.s32 s10, $0x1;
	s10 =	sld [smem:$0x3FBA];
	_ =	sdelay $0x3  }
0x34: {  	[smem:$0x3FBA] =	sst s10  }
0x35: {  	s10 =	sld [smem:$0x3FB9];
	_ =	sdelay $0x3  }
0x36: {  	p1 =	seq.s32 s10, $0x1;
	s10 =	sld [smem:$0x3FBA];
	_ =	sdelay $0x3  }
0x37: {  	[smem:$0x3FBA] =	sst s10  }
0x38: {  	s10 =	sld [smem:$0x3FBB]  }
0x39: {  	_ = 	snop;
	(pc) =	sbr.ind lr, $3  }
0x3a: {  	_ = 	snop  }
0x3b: {  	_ = 	snop  }
0x3c: {  	p2 =	seq.s32 s10, $0x1;
	s10 =	sld [smem:$0x3FBA]  }
0x3d: {  	_ =	shalt  }
0x3e: {  	_ =	shalt  }
0x3f: {  	_ =	shalt  }
0x40: {  	_ =	shalt  }
0x41: {  	_ =	shalt  }
0x42: {  	_ =	shalt  }
0x43: {  	_ =	shalt  }
0x44: {  	_ =	shalt  }
0x45: {  	_ =	shalt  }
0x46: {  	_ =	shalt  }
0x47: {  	_ =	shalt  }
0x48: {  	_ =	shalt  }
0x49: {  	_ =	shalt  }
0x4a: {  	_ =	shalt  }
0x4b: {  	_ =	shalt  }
0x4c: {  	_ =	shalt  }
0x4d: {  	_ =	shalt  }
0x4e: {  	_ =	shalt  }
0x4f: {  	_ =	shalt  }
0x50: {  	_ =	shalt  }
0x51: {  	_ =	shalt  }
0x52: {  	_ =	shalt  }
0x53: {  	_ =	shalt  }
0x54: {  	_ =	shalt  }
0x55: {  	_ =	shalt  }
0x56: {  	_ =	shalt  }
0x57: {  	_ =	shalt  }
0x58: {  	_ =	shalt  }
0x59: {  	_ =	shalt  }
0x5a: {  	_ =	shalt  }
0x5b: {  	_ =	shalt  }
0x5c: {  	_ =	shalt  }
0x5d: {  	_ =	shalt  }
0x5e: {  	_ =	shalt  }
0x5f: {  	_ =	shalt  }
0x60: {  	_ =	shalt  }
0x61: {  	_ =	shalt  }
0x62: {  	_ =	shalt  }
0x63: {  	_ =	shalt  }
0x64: {  	_ =	shalt  }
0x65: {  	_ =	shalt  }
0x66: {  	_ =	shalt  }
0x67: {  	_ =	shalt  }
0x68: {  	_ =	shalt  }
0x69: {  	_ =	shalt  }
0x6a: {  	_ =	shalt  }
0x6b: {  	_ =	shalt  }
0x6c: {  	_ =	shalt  }
0x6d: {  	_ =	shalt  }
0x6e: {  	_ =	shalt  }
0x6f: {  	_ =	shalt  }
0x70: {  	_ =	shalt  }
0x71: {  	_ =	shalt  }
0x72: {  	_ =	shalt  }
0x73: {  	_ =	shalt  }
0x74: {  	_ =	shalt  }
0x75: {  	_ =	shalt  }
0x76: {  	_ =	shalt  }
0x77: {  	_ =	shalt  }
0x78: {  	_ =	shalt  }
0x79: {  	_ =	shalt  }
0x7a: {  	_ =	shalt  }
0x7b: {  	_ =	shalt  }
0x7c: {  	_ =	shalt  }
0x7d: {  	_ =	shalt  }
0x7e: {  	_ =	shalt  }
0x7f: {  	_ =	shalt  }
0x80: {  	_ =	shalt  }
0x81: {  	_ =	shalt  }
0x82: {  	_ =	shalt  }
0x83: {  	_ =	shalt  }
0x84: {  	_ =	shalt  }
0x85: {  	_ =	shalt  }
0x86: {  	_ =	shalt  }
0x87: {  	_ =	shalt  }
.Lfunc_end0:
.L_simem_size_0:
called_computation.1_lowered:
.L_overlay_start_0:
0x88: {  	s2 =	sld [smem:$0x3FD9]  }
0x89: {  	s3 =	sld [smem:$0x3FFE];
	_ =	sdelay $0x1  }
0x8a: {  	s1 =	srdreg.scid  }
0x8b: {  	s0 =	sand.u32 $0x1, s1  }
0x8c: {  	s17 =	sshll.u32 s0, $0xA;
	s2 =	sadd.s32 s3, s2  }
0x8d: {  	s2 =	sadd.s32 s2, s17  }
0x8e: {  	[smem:$0x3FC6] =	sst s2  }
0x8f: {  	_ = 	snop  }
0x90: {  	s2 =	sld [smem:$0x3FD0];
	(tm) =	ssettm $0x1  }
0x91: {  	s18 =	sld [smem:$0x3FFB];
	_ =	sdelay $0x3  }
0x92: {  	_ =	strace s18  }
0x93: {  	s3 =	sld [smem:$0x3FFC];
	_ =	sdelay $0x3  }
0x94: {  	_ =	strace s3  }
0x95: {  	s3 =	sld [smem:$0x3FFD];
	_ =	sdelay $0x3  }
0x96: {  	_ =	strace s3  }
0x97: {  	_ =	strace $0x8FFFFFFF  }
0x98: {  	s19 =	sld [smem:$0x3FDB];
	_ =	sdelay $0x1  }
0x99: {  	s4 =	simm.s32 $_scs_section_size  }
0x9a: {  	s5 =	simm.s32 $_size__tile_overlayer_lowered;
	s6 =	simm.s32 $_tile_overlayer_lowered  }
0x9b: {  	s22 =	simm.s32 $0x1BFF;
	s21 =	sshll.u32 s6, $0x1;
	s3 =	sadd.s32 s4, s19  }
0x9c: {  	s7 =	simm.s32 $0x0;
	s20 =	sshll.u32 s5, $0x1;
	s5 =	sadd.s32 s21, s3  }
0x9d: {  	[timem:s7], [sflag:s22] =	dma.local [hbm:s5], s20  }
0x9e: {  	_ =	swait.ge [sflag:s22], s20  }
0x9f: {  	s4 =	ssub.s32 $0x0, s20;
	[sflag:s22] =	ssyncset.done $0x0  }
0xa0: {  	[sflag:s22] =	ssyncadd.s32 s4;
	_ =	sdelay $0x1  }
0xa1: {  	s23 =	simm.s32 $0x1B8B  }
0xa2: {  	_ =	swait.ge [sflag:s23], $0x1  }
0xa3: {  	[sflag:s23] =	ssyncset.done $0x0  }
0xa4: {  	s25 =	simm.s32 $0x1B8E;
	s24 =	sld [smem:$0x3FFE];
	[sflag:s23] =	ssyncadd.s32 $0xFFFFFFFF  }
0xa5: {  	s26 =	simm.s32 $execute0_lowered;
	[smem:$0x3FD2] =	sst s25  }
0xa6: {  	s5 =	sshll.u32 s26, $0x1;
	_ =	strace $0x80000046;
	[dreg:$0x1] =	wrdreg $0xFFFFFFFF  }
0xa7: {  	s28 =	simm.s32 $_size_execute0_lowered;
	s3 =	sadd.s32 s3, s5;
	[dreg:$0x0] =	wrdreg $0x0  }
0xa8: {  	s5 =	sshll.u32 s28, $0x1;
	[dreg:$0x2] =	wrdreg s3  }
0xa9: {  	[dreg:$0x3] =	wrdreg s5  }
0xaa: {  	[dreg:$0x4] =	wrdreg $0xC0  }
0xab: {  	_ =	task [dreg:s7], $0x5FFFF  }
0xac: {  	[dreg:$0x1] =	wrdreg $0xFFFFFFFF  }
0xad: {  	[dreg:$0x0] =	wrdreg $0x60  }
0xae: {  	[dreg:$0x2] =	wrdreg s24  }
0xaf: {  	[dreg:$0x3] =	wrdreg s2  }
0xb0: {  	[dreg:$0x4] =	wrdreg $0x9  }
0xb1: {  	_ =	task.clear_ibuf [dreg:s7], $0x5FFFF;
	_ =	strace $0x90000046  }
0xb2: {  	s29 =	simm.s32 $0x9;
	_ =	strace $0x80000048  }
0xb3: {  	_ =	swait.ge [sflag:s29], $0x1  }
0xb4: {  	[sflag:s29] =	ssyncadd.s32 $0xFFFFFFFF  }
0xb5: {  	_ =	strace $0x90000048  }
0xb6: {  	_ =	sfence  }
0xb7: {  	s30 =	sld [smem:$0x0];
	_ =	sdelay $0x2  }
0xb8: {  	s31 =	sshll.u32 s1, $0xD;
	s1 =	sshrl.u32 s1, $0x2  }
0xb9: {  	s3 =	sand.u32 $0x4000, s31;
	s1 =	sadd.s32 s1, s30  }
0xba: {  	s0 =	sor.u32 s3, s0;
	s1 =	sshll.u32 s1, $0x11  }
0xbb: {  	s0 =	sor.u32 s1, s0  }
0xbc: {  	s0 =	sadd.s32 $0x8F2B, s0  }
0xbd: {  	[sflag:s0] =	ssyncadd.remote.s32 $0x1  }
0xbe: {  	_ =	sfence.sel $0xFFFF  }
0xbf: {  	[dreg:$0x0] =	wrdreg $0xFFFFFFFF;
	(pc) =	sbr.abs _section_cstart, $3  }
0xc0: {  	[dreg:$0x1] =	wrdreg $0xFFFFFFFF  }
0xc1: {  	_ =	task.clear_ibuf [dreg:s7], $0x2FFFF;
	_ =	strace $0x9FFFFFFF  }
0xc2: {  	(tm) =	ssettm $0x7FFFFFFF  }
0xc3: {  	_ =	shalt  }
tec
execute0_lowered:
.L_overlay_start_1:
0x0: {  	(tag) =	ssettag $0x1  }
0x1: {  	s0 =	srdreg.scid  }
0x2: {  	s12 =	stileid.u32;
	s1 =	sand.u32 $0x1, s0  }
0x3: {  	s3 =	sshll.u32 s12, $0xA;
	s4 =	sshll.u32 s1, $0x9  }
0x4: {  	s3 =	sor.u32 s4, s3  }
0x5: {  	s2 =	rddreg [dreg:$0x0];
	s4 =	sshrl.u32 s3, $0x3;
	s3 =	smul.u32 $0xC8, s3  }
0x6: {  	s13 =	rddreg [dreg:$0x1];
	s30 =	simm.s32 $0x0;
	s4 =	sadd.s32 s4, s2  }
0x7: {  	[smem:$0x7FF] =	sst s30;
	s4 =	sadd.s32 $0xA00, s4;
	s29 =	sadd.s32 s13, s3  }
0x8: {  	_ =	strace $0x80000047;
	[dreg:$0x3] =	wrdreg s4;
	s0 =	sadd.s32 $0x4, s29  }
0x9: {  	s14 =	sadd.s32 $0x8, s29;
	[dreg:$0x4] =	wrdreg s0  }
0xa: {  	s15 =	sadd.s32 $0xC, s29;
	[dreg:$0x5] =	wrdreg s14  }
0xb: {  	s16 =	sadd.s32 $0x10, s29;
	[dreg:$0x6] =	wrdreg s15  }
0xc: {  	s17 =	sadd.s32 $0x14, s29;
	[dreg:$0x7] =	wrdreg s16  }
0xd: {  	s18 =	sadd.s32 $0x18, s29;
	[dreg:$0x8] =	wrdreg s17  }
0xe: {  	s19 =	sadd.s32 $0x1C, s29;
	[dreg:$0x9] =	wrdreg s18  }
0xf: {  	s20 =	sadd.s32 $0x20, s29;
	[dreg:$0xa] =	wrdreg s19  }
0x10: {  	s21 =	sadd.s32 $0x24, s29;
	[dreg:$0xb] =	wrdreg s20  }
0x11: {  	s22 =	sadd.s32 $0x28, s29;
	[dreg:$0xc] =	wrdreg s21  }
0x12: {  	s23 =	sadd.s32 $0x2C, s29;
	[dreg:$0xd] =	wrdreg s22  }
0x13: {  	s24 =	sadd.s32 $0x30, s29;
	[dreg:$0xe] =	wrdreg s23  }
0x14: {  	s25 =	sadd.s32 $0x34, s29;
	[dreg:$0xf] =	wrdreg s24  }
0x15: {  	s26 =	sadd.s32 $0x38, s29;
	[dreg:$0x10] =	wrdreg s25  }
0x16: {  	s3 =	sadd.s32 $0x3C, s29;
	[dreg:$0x11] =	wrdreg s26  }
0x17: {  	s4 =	sadd.s32 $0x40, s29;
	[dreg:$0x12] =	wrdreg s3  }
0x18: {  	s5 =	sadd.s32 $0x44, s29;
	[dreg:$0x13] =	wrdreg s4  }
0x19: {  	s6 =	sadd.s32 $0x48, s29;
	[dreg:$0x14] =	wrdreg s5  }
0x1a: {  	s7 =	sadd.s32 $0x4C, s29;
	[dreg:$0x15] =	wrdreg s6  }
0x1b: {  	s8 =	sadd.s32 $0x50, s29;
	[dreg:$0x16] =	wrdreg s7  }
0x1c: {  	s9 =	sadd.s32 $0x54, s29;
	[dreg:$0x17] =	wrdreg s8  }
0x1d: {  	s10 =	sadd.s32 $0x58, s29;
	[dreg:$0x18] =	wrdreg s9  }
0x1e: {  	s11 =	sadd.s32 $0x5C, s29;
	[dreg:$0x19] =	wrdreg s10  }
0x1f: {  	s13 =	sadd.s32 $0x60, s29;
	[dreg:$0x1a] =	wrdreg s11  }
0x20: {  	[dreg:$0x1b] =	wrdreg s13  }
0x21: {  	s14 =	sadd.s32 $0x64, s29;
	s0 =	rddreg [dreg:$0x3]  }
0x22: {  	s15 =	sadd.s32 $0x68, s29;
	[dreg:$0x1c] =	wrdreg s14  }
0x23: {  	s16 =	sadd.s32 $0x6C, s29;
	[dreg:$0x1d] =	wrdreg s15  }
0x24: {  	s17 =	sadd.s32 $0x70, s29;
	[dreg:$0x1e] =	wrdreg s16  }
0x25: {  	s18 =	sadd.s32 $0x74, s29;
	[dreg:$0x1f] =	wrdreg s17  }
0x26: {  	s19 =	sadd.s32 $0x78, s29;
	[smem:$0x7C9] =	sst s18  }
0x27: {  	s20 =	sadd.s32 $0x7C, s29;
	[smem:$0x7CA] =	sst s19  }
0x28: {  	s21 =	sadd.s32 $0x80, s29;
	[smem:$0x7CB] =	sst s20  }
0x29: {  	s22 =	sadd.s32 $0x84, s29;
	[smem:$0x7CC] =	sst s21  }
0x2a: {  	s23 =	sadd.s32 $0x88, s29;
	[smem:$0x7CD] =	sst s22  }
0x2b: {  	s24 =	sadd.s32 $0x8C, s29;
	[smem:$0x7CE] =	sst s23  }
0x2c: {  	s25 =	sadd.s32 $0x90, s29;
	[smem:$0x7CF] =	sst s24  }
0x2d: {  	s26 =	sadd.s32 $0x94, s29;
	[smem:$0x7D0] =	sst s25  }
0x2e: {  	s3 =	sadd.s32 $0x98, s29;
	[smem:$0x7D1] =	sst s26  }
0x2f: {  	s4 =	sadd.s32 $0x9C, s29;
	[smem:$0x7D2] =	sst s3  }
0x30: {  	s5 =	sadd.s32 $0xA0, s29;
	[smem:$0x7D3] =	sst s4  }
0x31: {  	s6 =	sadd.s32 $0xA4, s29;
	[smem:$0x7D4] =	sst s5  }
0x32: {  	s7 =	sadd.s32 $0xA8, s29;
	[smem:$0x7D5] =	sst s6  }
0x33: {  	s8 =	sadd.s32 $0xAC, s29;
	[smem:$0x7D6] =	sst s7  }
0x34: {  	s9 =	sadd.s32 $0xB0, s29;
	[smem:$0x7D7] =	sst s8  }
0x35: {  	s10 =	sadd.s32 $0xB4, s29;
	[smem:$0x7D8] =	sst s9  }
0x36: {  	s11 =	sadd.s32 $0xB8, s29;
	[smem:$0x7D9] =	sst s10  }
0x37: {  	s13 =	sadd.s32 $0xBC, s29;
	[smem:$0x7DA] =	sst s11  }
0x38: {  	[smem:$0x7DB] =	sst s13;
	s14 =	sadd.s32 $0xC0, s29  }
0x39: {  	s15 =	sadd.s32 $0xC4, s29;
	[smem:$0x7DC] =	sst s14  }
0x3a: {  	s16 =	simm.s32 $0x400;
	[smem:$0x7DD] =	sst s15  }
0x3b: {  	s17 =	simm.s32 $0x600;
	[smem:$0x7DE] =	sst s16  }
0x3c: {  	s18 =	simm.s32 $0x800;
	[smem:$0x7DF] =	sst s17  }
0x3d: {  	s19 =	simm.s32 $0xA00;
	[smem:$0x7E0] =	sst s18  }
0x3e: {  	s20 =	simm.s32 $0xC00;
	[smem:$0x7E1] =	sst s19  }
0x3f: {  	s21 =	simm.s32 $0xE00;
	[smem:$0x7E2] =	sst s20  }
0x40: {  	s22 =	simm.s32 $0x1000;
	[smem:$0x7E3] =	sst s21  }
0x41: {  	s23 =	simm.s32 $0x1200;
	[smem:$0x7E4] =	sst s22  }
0x42: {  	s24 =	simm.s32 $0x1400;
	[smem:$0x7E5] =	sst s23  }
0x43: {  	s25 =	simm.s32 $0x1600;
	[smem:$0x7E6] =	sst s24  }
0x44: {  	s26 =	simm.s32 $0x1800;
	[smem:$0x7E7] =	sst s25  }
0x45: {  	s3 =	simm.s32 $0x1A00;
	[smem:$0x7E8] =	sst s26  }
0x46: {  	s4 =	simm.s32 $0x1C00;
	[smem:$0x7E9] =	sst s3  }
0x47: {  	s5 =	simm.s32 $0x1E00;
	[smem:$0x7EA] =	sst s4  }
0x48: {  	s6 =	simm.s32 $0x2000;
	[smem:$0x7EB] =	sst s5  }
0x49: {  	s31 =	simm.s32 $0x3;
	s7 =	simm.s32 $0x2200;
	[smem:$0x7EC] =	sst s6  }
0x4a: {  	s28 =	simm.s32 $0x4800;
	s8 =	simm.s32 $0x2400;
	[smem:$0x7ED] =	sst s7  }
0x4b: {  	p0 =	por $0x0, $0x0;
	s9 =	simm.s32 $0x2600;
	[smem:$0x7EE] =	sst s8  }
0x4c: {  	s1 =	ssub.s32 $0x2, s1;
	s10 =	simm.s32 $0x2800;
	[smem:$0x7EF] =	sst s9  }
0x4d: {  	s11 =	sshrl.u32 s1, $0x1;
	s13 =	simm.s32 $0x2A00;
	[smem:$0x7F0] =	sst s10  }
0x4e: {  	s2 =	sadd.s32 $0xF42E00, s2;
	s1 =	ssub.s32 s1, s11;
	[smem:$0x7F1] =	sst s13  }
0x4f: {  	s14 =	simm.s32 $0x2C00;
	s15 =	simm.s32 $0x2E00;
	s6 =	simm.s32 $0x200  }
0x50: {  	s16 =	simm.s32 $0x3000;
	s26 =	simm.s32 $0x4000;
	[smem:$0x7F2] =	sst s14  }
0x51: {  	s17 =	simm.s32 $0x3200;
	s18 =	simm.s32 $0x3400;
	[smem:$0x7F3] =	sst s15  }
0x52: {  	s4 =	simm.s32 $0x6400;
	s19 =	simm.s32 $0x3600;
	[smem:$0x7F4] =	sst s16  }
0x53: {  	s3 =	simm.s32 $0xA400;
	s20 =	simm.s32 $0x3800;
	[smem:$0x7F5] =	sst s17  }
0x54: {  	s11 =	simm.s32 $0xE400;
	s21 =	simm.s32 $0x3A00;
	[smem:$0x7F6] =	sst s18  }
0x55: {  	s10 =	simm.s32 $0x12400;
	s22 =	simm.s32 $0x3C00;
	[smem:$0x7F7] =	sst s19  }
0x56: {  	s7 =	simm.s32 $0x1;
	s23 =	simm.s32 $0x3E00;
	[smem:$0x7F8] =	sst s20  }
0x57: {  	s8 =	simm.s32 $0x20;
	s24 =	simm.s32 $0x4200;
	[smem:$0x7F9] =	sst s21  }
0x58: {  	s9 =	simm.s32 $0x640;
	s25 =	simm.s32 $0x4400;
	[smem:$0x7FA] =	sst s22  }
0x59: {  	s5 =	simm.s32 $0x2;
	s1 =	smax.u32 s1, $0x1;
	[smem:$0x7FB] =	sst s23  }
0x5a: {  	s13 =	simm.s32 $0x6200;
	[smem:$0x7FC] =	sst s24;
	p1 =	sne.s32 s1, $0x1  }
.Ltmp0:
0x5b: {  	[smem:$0x7FD] =	sst s25;
	s25 =	simm.s32 $0x4A00;
	(pc) =	sbr.rel @!p1 .LBB2_1-.Ltmp0, $4  }
0x5c: {  	s24 =	simm.s32 $0x4C00;
	s23 =	simm.s32 $0x4E00;
	s22 =	simm.s32 $0x5000  }
0x5d: {  	s21 =	simm.s32 $0x5200;
	s20 =	simm.s32 $0x5400;
	s19 =	simm.s32 $0x5600  }
0x5e: {  	s18 =	simm.s32 $0x5800;
	s17 =	simm.s32 $0x5A00;
	s16 =	simm.s32 $0x5C00  }
0x5f: {  	s15 =	simm.s32 $0x5E00;
	s14 =	simm.s32 $0x6000;
	s1 =	sadd.s32 $0xFFFFFFFF, s1  }
0x60: {  	[tilespmem:s30], [sflag:$0x3] =	stream.strided.gather [hbm4b:s0+s6], $0x6400, s26, s6, $0x38;
	[tilespmem:$0x16400] =	vst v63  }
0x61: {  	_ =	swait.ge [sflag:s31], $0x6400  }
0x62: {  	[sflag:s31] =	ssyncset.done $0x0  }
0x63: {  	[sflag:s31] =	ssyncadd.s32 $0xFFFF9C00  }
0x64: {  	[tilespmem:s4], [sflag:$0x1] =	stream.indirect.gather [hbm4b:s2+s6], $0x20, s30, s6, $0xb8;
	[tilespmem:$0x16400] =	vst v63  }
0x65: {  	s0 =	sld [smem:$0x7DE]  }
0x66: {  	[tilespmem:s3], [sflag:$0x1] =	stream.indirect.gather [hbm4b:s2+s6], $0x20, s6, s6, $0xb8;
	[tilespmem:$0x16400] =	vst v63  }
0x67: {  	s12 =	smov.u32 s1;
	s1 =	sld [smem:$0x7DF]  }
0x68: {  	[tilespmem:s11], [sflag:$0x1] =	stream.indirect.gather [hbm4b:s2+s6], $0x20, s0, s6, $0xb8;
	[tilespmem:$0x16400] =	vst v63  }
0x69: {  	_ = 	snop  }
0x6a: {  	[tilespmem:s10], [sflag:$0x1] =	stream.indirect.gather [hbm4b:s2+s6], $0x20, s1, s6, $0xb8;
	[tilespmem:$0x16400] =	vst v63  }
0x6b: {  	_ =	swait.ge [sflag:s7], $0x4000  }
0x6c: {  	[sflag:s7] =	ssyncset.done $0x0  }
0x6d: {  	[sflag:s7] =	ssyncadd.s32 $0xFFFFC000  }
0x6e: {  	[hbm4b:s29+s8] =	stream.strided.scatter [tilespmem:s4], [sflag:$0x2], $0x4000, s9, s8, $0x38;
	[tilespmem:$0x16400] =	vst v63  }
0x6f: {  	_ =	swait.ge [sflag:s5], $0x4000  }
0x70: {  	s1 =	sld [smem:$0x7E0]  }
0x71: {  	[sflag:s5] =	ssyncset.done $0x0  }
0x72: {  	[sflag:s5] =	ssyncadd.s32 $0xFFFFC000  }
0x73: {  	[tilespmem:s4], [sflag:$0x1] =	stream.indirect.gather [hbm4b:s2+s6], $0x20, s1, s6, $0xb8;
	[tilespmem:$0x16400] =	vst v63  }
0x74: {  	_ =	swait.ge [sflag:s7], $0x4000  }
0x75: {  	[sflag:s7] =	ssyncset.done $0x0  }
0x76: {  	s1 =	rddreg [dreg:$0x4];
	[sflag:s7] =	ssyncadd.s32 $0xFFFFC000  }
0x77: {  	[hbm4b:s1+s8] =	stream.strided.scatter [tilespmem:s3], [sflag:$0x2], $0x4000, s9, s8, $0x38;
	[tilespmem:$0x16400] =	vst v63  }
0x78: {  	_ =	swait.ge [sflag:s5], $0x4000  }
0x79: {  	s1 =	sld [smem:$0x7E1]  }
0x7a: {  	[sflag:s5] =	ssyncset.done $0x0  }
0x7b: {  	[sflag:s5] =	ssyncadd.s32 $0xFFFFC000  }
0x7c: {  	[tilespmem:s3], [sflag:$0x1] =	stream.indirect.gather [hbm4b:s2+s6], $0x20, s1, s6, $0xb8;
	[tilespmem:$0x16400] =	vst v63  }
0x7d: {  	_ =	swait.ge [sflag:s7], $0x4000  }
0x7e: {  	[sflag:s7] =	ssyncset.done $0x0  }
0x7f: {  	s1 =	rddreg [dreg:$0x5];
	[sflag:s7] =	ssyncadd.s32 $0xFFFFC000  }
0x80: {  	[hbm4b:s1+s8] =	stream.strided.scatter [tilespmem:s11], [sflag:$0x2], $0x4000, s9, s8, $0x38;
	[tilespmem:$0x16400] =	vst v63  }
0x81: {  	_ =	swait.ge [sflag:s5], $0x4000  }
0x82: {  	s1 =	sld [smem:$0x7E2]  }
0x83: {  	[sflag:s5] =	ssyncset.done $0x0  }
0x84: {  	[sflag:s5] =	ssyncadd.s32 $0xFFFFC000  }
0x85: {  	[tilespmem:s11], [sflag:$0x1] =	stream.indirect.gather [hbm4b:s2+s6], $0x20, s1, s6, $0xb8;
	[tilespmem:$0x16400] =	vst v63  }
0x86: {  	_ =	swait.ge [sflag:s7], $0x4000  }
0x87: {  	[sflag:s7] =	ssyncset.done $0x0  }
0x88: {  	s1 =	rddreg [dreg:$0x6];
	[sflag:s7] =	ssyncadd.s32 $0xFFFFC000  }
0x89: {  	[hbm4b:s1+s8] =	stream.strided.scatter [tilespmem:s10], [sflag:$0x2], $0x4000, s9, s8, $0x38;
	[tilespmem:$0x16400] =	vst v63  }
0x8a: {  	_ =	swait.ge [sflag:s5], $0x4000  }
0x8b: {  	s1 =	sld [smem:$0x7E3]  }
0x8c: {  	[sflag:s5] =	ssyncset.done $0x0  }
0x8d: {  	[sflag:s5] =	ssyncadd.s32 $0xFFFFC000  }
0x8e: {  	[tilespmem:s10], [sflag:$0x1] =	stream.indirect.gather [hbm4b:s2+s6], $0x20, s1, s6, $0xb8;
	[tilespmem:$0x16400] =	vst v63  }
0x8f: {  	_ =	swait.ge [sflag:s7], $0x4000  }
0x90: {  	[sflag:s7] =	ssyncset.done $0x0  }
0x91: {  	s1 =	rddreg [dreg:$0x7];
	[sflag:s7] =	ssyncadd.s32 $0xFFFFC000  }
0x92: {  	[hbm4b:s1+s8] =	stream.strided.scatter [tilespmem:s4], [sflag:$0x2], $0x4000, s9, s8, $0x38;
	[tilespmem:$0x16400] =	vst v63  }
0x93: {  	_ =	swait.ge [sflag:s5], $0x4000  }
0x94: {  	s1 =	sld [smem:$0x7E4]  }
0x95: {  	[sflag:s5] =	ssyncset.done $0x0  }
0x96: {  	[sflag:s5] =	ssyncadd.s32 $0xFFFFC000  }
0x97: {  	[tilespmem:s4], [sflag:$0x1] =	stream.indirect.gather [hbm4b:s2+s6], $0x20, s1, s6, $0xb8;
	[tilespmem:$0x16400] =	vst v63  }
0x98: {  	_ =	swait.ge [sflag:s7], $0x4000  }
0x99: {  	[sflag:s7] =	ssyncset.done $0x0  }
0x9a: {  	s1 =	rddreg [dreg:$0x8];
	[sflag:s7] =	ssyncadd.s32 $0xFFFFC000  }
0x9b: {  	[hbm4b:s1+s8] =	stream.strided.scatter [tilespmem:s3], [sflag:$0x2], $0x4000, s9, s8, $0x38;
	[tilespmem:$0x16400] =	vst v63  }
0x9c: {  	_ =	swait.ge [sflag:s5], $0x4000  }
0x9d: {  	s1 =	sld [smem:$0x7E5]  }
0x9e: {  	[sflag:s5] =	ssyncset.done $0x0  }
0x9f: {  	[sflag:s5] =	ssyncadd.s32 $0xFFFFC000  }
0xa0: {  	[tilespmem:s3], [sflag:$0x1] =	stream.indirect.gather [hbm4b:s2+s6], $0x20, s1, s6, $0xb8;
	[tilespmem:$0x16400] =	vst v63  }
0xa1: {  	_ =	swait.ge [sflag:s7], $0x4000  }
0xa2: {  	[sflag:s7] =	ssyncset.done $0x0  }
0xa3: {  	s1 =	rddreg [dreg:$0x9];
	[sflag:s7] =	ssyncadd.s32 $0xFFFFC000  }
0xa4: {  	[hbm4b:s1+s8] =	stream.strided.scatter [tilespmem:s11], [sflag:$0x2], $0x4000, s9, s8, $0x38;
	[tilespmem:$0x16400] =	vst v63  }
0xa5: {  	_ =	swait.ge [sflag:s5], $0x4000  }
0xa6: {  	s1 =	sld [smem:$0x7E6]  }
0xa7: {  	[sflag:s5] =	ssyncset.done $0x0  }
0xa8: {  	[sflag:s5] =	ssyncadd.s32 $0xFFFFC000  }
0xa9: {  	[tilespmem:s11], [sflag:$0x1] =	stream.indirect.gather [hbm4b:s2+s6], $0x20, s1, s6, $0xb8;
	[tilespmem:$0x16400] =	vst v63  }
0xaa: {  	_ =	swait.ge [sflag:s7], $0x4000  }
0xab: {  	[sflag:s7] =	ssyncset.done $0x0  }
0xac: {  	s1 =	rddreg [dreg:$0xa];
	[sflag:s7] =	ssyncadd.s32 $0xFFFFC000  }
0xad: {  	[hbm4b:s1+s8] =	stream.strided.scatter [tilespmem:s10], [sflag:$0x2], $0x4000, s9, s8, $0x38;
	[tilespmem:$0x16400] =	vst v63  }
0xae: {  	_ =	swait.ge [sflag:s5], $0x4000  }
0xaf: {  	s1 =	sld [smem:$0x7E7]  }
0xb0: {  	[sflag:s5] =	ssyncset.done $0x0  }
0xb1: {  	[sflag:s5] =	ssyncadd.s32 $0xFFFFC000  }
0xb2: {  	[tilespmem:s10], [sflag:$0x1] =	stream.indirect.gather [hbm4b:s2+s6], $0x20, s1, s6, $0xb8;
	[tilespmem:$0x16400] =	vst v63  }
0xb3: {  	_ =	swait.ge [sflag:s7], $0x4000  }
0xb4: {  	[sflag:s7] =	ssyncset.done $0x0  }
0xb5: {  	s1 =	rddreg [dreg:$0xb];
	[sflag:s7] =	ssyncadd.s32 $0xFFFFC000  }
0xb6: {  	[hbm4b:s1+s8] =	stream.strided.scatter [tilespmem:s4], [sflag:$0x2], $0x4000, s9, s8, $0x38;
	[tilespmem:$0x16400] =	vst v63  }
0xb7: {  	_ =	swait.ge [sflag:s5], $0x4000  }
0xb8: {  	s1 =	sld [smem:$0x7E8]  }
0xb9: {  	[sflag:s5] =	ssyncset.done $0x0  }
0xba: {  	[sflag:s5] =	ssyncadd.s32 $0xFFFFC000  }
0xbb: {  	[tilespmem:s4], [sflag:$0x1] =	stream.indirect.gather [hbm4b:s2+s6], $0x20, s1, s6, $0xb8;
	[tilespmem:$0x16400] =	vst v63  }
0xbc: {  	_ =	swait.ge [sflag:s7], $0x4000  }
0xbd: {  	[sflag:s7] =	ssyncset.done $0x0  }
0xbe: {  	s1 =	rddreg [dreg:$0xc];
	[sflag:s7] =	ssyncadd.s32 $0xFFFFC000  }
0xbf: {  	[hbm4b:s1+s8] =	stream.strided.scatter [tilespmem:s3], [sflag:$0x2], $0x4000, s9, s8, $0x38;
	[tilespmem:$0x16400] =	vst v63  }
0xc0: {  	_ =	swait.ge [sflag:s5], $0x4000  }
0xc1: {  	s1 =	sld [smem:$0x7E9]  }
0xc2: {  	[sflag:s5] =	ssyncset.done $0x0  }
0xc3: {  	[sflag:s5] =	ssyncadd.s32 $0xFFFFC000  }
0xc4: {  	[tilespmem:s3], [sflag:$0x1] =	stream.indirect.gather [hbm4b:s2+s6], $0x20, s1, s6, $0xb8;
	[tilespmem:$0x16400] =	vst v63  }
0xc5: {  	_ =	swait.ge [sflag:s7], $0x4000  }
0xc6: {  	[sflag:s7] =	ssyncset.done $0x0  }
0xc7: {  	s1 =	rddreg [dreg:$0xd];
	[sflag:s7] =	ssyncadd.s32 $0xFFFFC000  }
0xc8: {  	[hbm4b:s1+s8] =	stream.strided.scatter [tilespmem:s11], [sflag:$0x2], $0x4000, s9, s8, $0x38;
	[tilespmem:$0x16400] =	vst v63  }
0xc9: {  	_ =	swait.ge [sflag:s5], $0x4000  }
0xca: {  	s1 =	sld [smem:$0x7EA]  }
0xcb: {  	[sflag:s5] =	ssyncset.done $0x0  }
0xcc: {  	[sflag:s5] =	ssyncadd.s32 $0xFFFFC000  }
0xcd: {  	[tilespmem:s11], [sflag:$0x1] =	stream.indirect.gather [hbm4b:s2+s6], $0x20, s1, s6, $0xb8;
	[tilespmem:$0x16400] =	vst v63  }
0xce: {  	_ =	swait.ge [sflag:s7], $0x4000  }
0xcf: {  	[sflag:s7] =	ssyncset.done $0x0  }
0xd0: {  	s1 =	rddreg [dreg:$0xe];
	[sflag:s7] =	ssyncadd.s32 $0xFFFFC000  }
0xd1: {  	[hbm4b:s1+s8] =	stream.strided.scatter [tilespmem:s10], [sflag:$0x2], $0x4000, s9, s8, $0x38;
	[tilespmem:$0x16400] =	vst v63  }
0xd2: {  	_ =	swait.ge [sflag:s5], $0x4000  }
0xd3: {  	s1 =	sld [smem:$0x7EB]  }
0xd4: {  	[sflag:s5] =	ssyncset.done $0x0  }
0xd5: {  	[sflag:s5] =	ssyncadd.s32 $0xFFFFC000  }
0xd6: {  	[tilespmem:s10], [sflag:$0x1] =	stream.indirect.gather [hbm4b:s2+s6], $0x20, s1, s6, $0xb8;
	[tilespmem:$0x16400] =	vst v63  }
0xd7: {  	_ =	swait.ge [sflag:s7], $0x4000  }
0xd8: {  	[sflag:s7] =	ssyncset.done $0x0  }
0xd9: {  	s1 =	rddreg [dreg:$0xf];
	[sflag:s7] =	ssyncadd.s32 $0xFFFFC000  }
0xda: {  	[hbm4b:s1+s8] =	stream.strided.scatter [tilespmem:s4], [sflag:$0x2], $0x4000, s9, s8, $0x38;
	[tilespmem:$0x16400] =	vst v63  }
0xdb: {  	_ =	swait.ge [sflag:s5], $0x4000  }
0xdc: {  	s1 =	sld [smem:$0x7EC]  }
0xdd: {  	[sflag:s5] =	ssyncset.done $0x0  }
0xde: {  	[sflag:s5] =	ssyncadd.s32 $0xFFFFC000  }
0xdf: {  	[tilespmem:s4], [sflag:$0x1] =	stream.indirect.gather [hbm4b:s2+s6], $0x20, s1, s6, $0xb8;
	[tilespmem:$0x16400] =	vst v63  }
0xe0: {  	_ =	swait.ge [sflag:s7], $0x4000  }
0xe1: {  	[sflag:s7] =	ssyncset.done $0x0  }
0xe2: {  	s1 =	rddreg [dreg:$0x10];
	[sflag:s7] =	ssyncadd.s32 $0xFFFFC000  }
0xe3: {  	[hbm4b:s1+s8] =	stream.strided.scatter [tilespmem:s3], [sflag:$0x2], $0x4000, s9, s8, $0x38;
	[tilespmem:$0x16400] =	vst v63  }
0xe4: {  	_ =	swait.ge [sflag:s5], $0x4000  }
0xe5: {  	s1 =	sld [smem:$0x7ED]  }
0xe6: {  	[sflag:s5] =	ssyncset.done $0x0  }
0xe7: {  	[sflag:s5] =	ssyncadd.s32 $0xFFFFC000  }
0xe8: {  	[tilespmem:s3], [sflag:$0x1] =	stream.indirect.gather [hbm4b:s2+s6], $0x20, s1, s6, $0xb8;
	[tilespmem:$0x16400] =	vst v63  }
0xe9: {  	_ =	swait.ge [sflag:s7], $0x4000  }
0xea: {  	[sflag:s7] =	ssyncset.done $0x0  }
0xeb: {  	s1 =	rddreg [dreg:$0x11];
	[sflag:s7] =	ssyncadd.s32 $0xFFFFC000  }
0xec: {  	[hbm4b:s1+s8] =	stream.strided.scatter [tilespmem:s11], [sflag:$0x2], $0x4000, s9, s8, $0x38;
	[tilespmem:$0x16400] =	vst v63  }
0xed: {  	_ =	swait.ge [sflag:s5], $0x4000  }
0xee: {  	s1 =	sld [smem:$0x7EE]  }
0xef: {  	[sflag:s5] =	ssyncset.done $0x0  }
0xf0: {  	[sflag:s5] =	ssyncadd.s32 $0xFFFFC000  }
0xf1: {  	[tilespmem:s11], [sflag:$0x1] =	stream.indirect.gather [hbm4b:s2+s6], $0x20, s1, s6, $0xb8;
	[tilespmem:$0x16400] =	vst v63  }
0xf2: {  	_ =	swait.ge [sflag:s7], $0x4000  }
0xf3: {  	[sflag:s7] =	ssyncset.done $0x0  }
0xf4: {  	s1 =	rddreg [dreg:$0x12];
	[sflag:s7] =	ssyncadd.s32 $0xFFFFC000  }
0xf5: {  	[hbm4b:s1+s8] =	stream.strided.scatter [tilespmem:s10], [sflag:$0x2], $0x4000, s9, s8, $0x38;
	[tilespmem:$0x16400] =	vst v63  }
0xf6: {  	_ =	swait.ge [sflag:s5], $0x4000  }
0xf7: {  	s1 =	sld [smem:$0x7EF]  }
0xf8: {  	[sflag:s5] =	ssyncset.done $0x0  }
0xf9: {  	[sflag:s5] =	ssyncadd.s32 $0xFFFFC000  }
0xfa: {  	[tilespmem:s10], [sflag:$0x1] =	stream.indirect.gather [hbm4b:s2+s6], $0x20, s1, s6, $0xb8;
	[tilespmem:$0x16400] =	vst v63  }
0xfb: {  	_ =	swait.ge [sflag:s7], $0x4000  }
0xfc: {  	[sflag:s7] =	ssyncset.done $0x0  }
0xfd: {  	s1 =	rddreg [dreg:$0x13];
	[sflag:s7] =	ssyncadd.s32 $0xFFFFC000  }
0xfe: {  	[hbm4b:s1+s8] =	stream.strided.scatter [tilespmem:s4], [sflag:$0x2], $0x4000, s9, s8, $0x38;
	[tilespmem:$0x16400] =	vst v63  }
0xff: {  	_ =	swait.ge [sflag:s5], $0x4000  }
0x100: {  	s1 =	sld [smem:$0x7F0]  }
0x101: {  	[sflag:s5] =	ssyncset.done $0x0  }
0x102: {  	[sflag:s5] =	ssyncadd.s32 $0xFFFFC000  }
0x103: {  	[tilespmem:s4], [sflag:$0x1] =	stream.indirect.gather [hbm4b:s2+s6], $0x20, s1, s6, $0xb8;
	[tilespmem:$0x16400] =	vst v63  }
0x104: {  	_ =	swait.ge [sflag:s7], $0x4000  }
0x105: {  	[sflag:s7] =	ssyncset.done $0x0  }
0x106: {  	s1 =	rddreg [dreg:$0x14];
	[sflag:s7] =	ssyncadd.s32 $0xFFFFC000  }
0x107: {  	[hbm4b:s1+s8] =	stream.strided.scatter [tilespmem:s3], [sflag:$0x2], $0x4000, s9, s8, $0x38;
	[tilespmem:$0x16400] =	vst v63  }
0x108: {  	_ =	swait.ge [sflag:s5], $0x4000  }
0x109: {  	s1 =	sld [smem:$0x7F1]  }
0x10a: {  	[sflag:s5] =	ssyncset.done $0x0  }
0x10b: {  	[sflag:s5] =	ssyncadd.s32 $0xFFFFC000  }
0x10c: {  	[tilespmem:s3], [sflag:$0x1] =	stream.indirect.gather [hbm4b:s2+s6], $0x20, s1, s6, $0xb8;
	[tilespmem:$0x16400] =	vst v63  }
0x10d: {  	_ =	swait.ge [sflag:s7], $0x4000  }
0x10e: {  	[sflag:s7] =	ssyncset.done $0x0  }
0x10f: {  	s1 =	rddreg [dreg:$0x15];
	[sflag:s7] =	ssyncadd.s32 $0xFFFFC000  }
0x110: {  	[hbm4b:s1+s8] =	stream.strided.scatter [tilespmem:s11], [sflag:$0x2], $0x4000, s9, s8, $0x38;
	[tilespmem:$0x16400] =	vst v63  }
0x111: {  	_ =	swait.ge [sflag:s5], $0x4000  }
0x112: {  	s1 =	sld [smem:$0x7F2]  }
0x113: {  	[sflag:s5] =	ssyncset.done $0x0  }
0x114: {  	[sflag:s5] =	ssyncadd.s32 $0xFFFFC000  }
0x115: {  	[tilespmem:s11], [sflag:$0x1] =	stream.indirect.gather [hbm4b:s2+s6], $0x20, s1, s6, $0xb8;
	[tilespmem:$0x16400] =	vst v63  }
0x116: {  	_ =	swait.ge [sflag:s7], $0x4000  }
0x117: {  	[sflag:s7] =	ssyncset.done $0x0  }
0x118: {  	s1 =	rddreg [dreg:$0x16];
	[sflag:s7] =	ssyncadd.s32 $0xFFFFC000  }
0x119: {  	[hbm4b:s1+s8] =	stream.strided.scatter [tilespmem:s10], [sflag:$0x2], $0x4000, s9, s8, $0x38;
	[tilespmem:$0x16400] =	vst v63  }
0x11a: {  	_ =	swait.ge [sflag:s5], $0x4000  }
0x11b: {  	s1 =	sld [smem:$0x7F3]  }
0x11c: {  	[sflag:s5] =	ssyncset.done $0x0  }
0x11d: {  	[sflag:s5] =	ssyncadd.s32 $0xFFFFC000  }
0x11e: {  	[tilespmem:s10], [sflag:$0x1] =	stream.indirect.gather [hbm4b:s2+s6], $0x20, s1, s6, $0xb8;
	[tilespmem:$0x16400] =	vst v63  }
0x11f: {  	_ =	swait.ge [sflag:s7], $0x4000  }
0x120: {  	[sflag:s7] =	ssyncset.done $0x0  }
0x121: {  	s1 =	rddreg [dreg:$0x17];
	[sflag:s7] =	ssyncadd.s32 $0xFFFFC000  }
0x122: {  	[hbm4b:s1+s8] =	stream.strided.scatter [tilespmem:s4], [sflag:$0x2], $0x4000, s9, s8, $0x38;
	[tilespmem:$0x16400] =	vst v63  }
0x123: {  	_ =	swait.ge [sflag:s5], $0x4000  }
0x124: {  	s1 =	sld [smem:$0x7F4]  }
0x125: {  	[sflag:s5] =	ssyncset.done $0x0  }
0x126: {  	[sflag:s5] =	ssyncadd.s32 $0xFFFFC000  }
0x127: {  	[tilespmem:s4], [sflag:$0x1] =	stream.indirect.gather [hbm4b:s2+s6], $0x20, s1, s6, $0xb8;
	[tilespmem:$0x16400] =	vst v63  }
0x128: {  	_ =	swait.ge [sflag:s7], $0x4000  }
0x129: {  	[sflag:s7] =	ssyncset.done $0x0  }
0x12a: {  	s1 =	rddreg [dreg:$0x18];
	[sflag:s7] =	ssyncadd.s32 $0xFFFFC000  }
0x12b: {  	[hbm4b:s1+s8] =	stream.strided.scatter [tilespmem:s3], [sflag:$0x2], $0x4000, s9, s8, $0x38;
	[tilespmem:$0x16400] =	vst v63  }
0x12c: {  	_ =	swait.ge [sflag:s5], $0x4000  }
0x12d: {  	s1 =	sld [smem:$0x7F5]  }
0x12e: {  	[sflag:s5] =	ssyncset.done $0x0  }
0x12f: {  	[sflag:s5] =	ssyncadd.s32 $0xFFFFC000  }
0x130: {  	[tilespmem:s3], [sflag:$0x1] =	stream.indirect.gather [hbm4b:s2+s6], $0x20, s1, s6, $0xb8;
	[tilespmem:$0x16400] =	vst v63  }
0x131: {  	_ =	swait.ge [sflag:s7], $0x4000  }
0x132: {  	[sflag:s7] =	ssyncset.done $0x0  }
0x133: {  	s1 =	rddreg [dreg:$0x19];
	[sflag:s7] =	ssyncadd.s32 $0xFFFFC000  }
0x134: {  	[hbm4b:s1+s8] =	stream.strided.scatter [tilespmem:s11], [sflag:$0x2], $0x4000, s9, s8, $0x38;
	[tilespmem:$0x16400] =	vst v63  }
0x135: {  	_ =	swait.ge [sflag:s5], $0x4000  }
0x136: {  	s1 =	sld [smem:$0x7F6]  }
0x137: {  	[sflag:s5] =	ssyncset.done $0x0  }
0x138: {  	[sflag:s5] =	ssyncadd.s32 $0xFFFFC000  }
0x139: {  	[tilespmem:s11], [sflag:$0x1] =	stream.indirect.gather [hbm4b:s2+s6], $0x20, s1, s6, $0xb8;
	[tilespmem:$0x16400] =	vst v63  }
0x13a: {  	_ =	swait.ge [sflag:s7], $0x4000  }
0x13b: {  	[sflag:s7] =	ssyncset.done $0x0  }
0x13c: {  	s1 =	rddreg [dreg:$0x1a];
	[sflag:s7] =	ssyncadd.s32 $0xFFFFC000  }
0x13d: {  	[hbm4b:s1+s8] =	stream.strided.scatter [tilespmem:s10], [sflag:$0x2], $0x4000, s9, s8, $0x38;
	[tilespmem:$0x16400] =	vst v63  }
0x13e: {  	_ =	swait.ge [sflag:s5], $0x4000  }
0x13f: {  	s1 =	sld [smem:$0x7F7]  }
0x140: {  	[sflag:s5] =	ssyncset.done $0x0  }
0x141: {  	[sflag:s5] =	ssyncadd.s32 $0xFFFFC000  }
0x142: {  	[tilespmem:s10], [sflag:$0x1] =	stream.indirect.gather [hbm4b:s2+s6], $0x20, s1, s6, $0xb8;
	[tilespmem:$0x16400] =	vst v63  }
0x143: {  	_ =	swait.ge [sflag:s7], $0x4000  }
0x144: {  	[sflag:s7] =	ssyncset.done $0x0  }
0x145: {  	s1 =	rddreg [dreg:$0x1b];
	[sflag:s7] =	ssyncadd.s32 $0xFFFFC000  }
0x146: {  	[hbm4b:s1+s8] =	stream.strided.scatter [tilespmem:s4], [sflag:$0x2], $0x4000, s9, s8, $0x38;
	[tilespmem:$0x16400] =	vst v63  }
0x147: {  	_ =	swait.ge [sflag:s5], $0x4000  }
0x148: {  	s1 =	sld [smem:$0x7F8]  }
0x149: {  	[sflag:s5] =	ssyncset.done $0x0  }
0x14a: {  	[sflag:s5] =	ssyncadd.s32 $0xFFFFC000  }
0x14b: {  	[tilespmem:s4], [sflag:$0x1] =	stream.indirect.gather [hbm4b:s2+s6], $0x20, s1, s6, $0xb8;
	[tilespmem:$0x16400] =	vst v63  }
0x14c: {  	_ =	swait.ge [sflag:s7], $0x4000  }
0x14d: {  	[sflag:s7] =	ssyncset.done $0x0  }
0x14e: {  	s1 =	rddreg [dreg:$0x1c];
	[sflag:s7] =	ssyncadd.s32 $0xFFFFC000  }
0x14f: {  	[hbm4b:s1+s8] =	stream.strided.scatter [tilespmem:s3], [sflag:$0x2], $0x4000, s9, s8, $0x38;
	[tilespmem:$0x16400] =	vst v63  }
0x150: {  	_ =	swait.ge [sflag:s5], $0x4000  }
0x151: {  	s1 =	sld [smem:$0x7F9]  }
0x152: {  	[sflag:s5] =	ssyncset.done $0x0  }
0x153: {  	[sflag:s5] =	ssyncadd.s32 $0xFFFFC000  }
0x154: {  	[tilespmem:s3], [sflag:$0x1] =	stream.indirect.gather [hbm4b:s2+s6], $0x20, s1, s6, $0xb8;
	[tilespmem:$0x16400] =	vst v63  }
0x155: {  	_ =	swait.ge [sflag:s7], $0x4000  }
0x156: {  	[sflag:s7] =	ssyncset.done $0x0  }
0x157: {  	s1 =	rddreg [dreg:$0x1d];
	[sflag:s7] =	ssyncadd.s32 $0xFFFFC000  }
0x158: {  	[hbm4b:s1+s8] =	stream.strided.scatter [tilespmem:s11], [sflag:$0x2], $0x4000, s9, s8, $0x38;
	[tilespmem:$0x16400] =	vst v63  }
0x159: {  	_ =	swait.ge [sflag:s5], $0x4000  }
0x15a: {  	s1 =	sld [smem:$0x7FA]  }
0x15b: {  	[sflag:s5] =	ssyncset.done $0x0  }
0x15c: {  	[sflag:s5] =	ssyncadd.s32 $0xFFFFC000  }
0x15d: {  	[tilespmem:s11], [sflag:$0x1] =	stream.indirect.gather [hbm4b:s2+s6], $0x20, s1, s6, $0xb8;
	[tilespmem:$0x16400] =	vst v63  }
0x15e: {  	_ =	swait.ge [sflag:s7], $0x4000  }
0x15f: {  	[sflag:s7] =	ssyncset.done $0x0  }
0x160: {  	s1 =	rddreg [dreg:$0x1e];
	[sflag:s7] =	ssyncadd.s32 $0xFFFFC000  }
0x161: {  	[hbm4b:s1+s8] =	stream.strided.scatter [tilespmem:s10], [sflag:$0x2], $0x4000, s9, s8, $0x38;
	[tilespmem:$0x16400] =	vst v63  }
0x162: {  	_ =	swait.ge [sflag:s5], $0x4000  }
0x163: {  	s1 =	sld [smem:$0x7FB]  }
0x164: {  	[sflag:s5] =	ssyncset.done $0x0  }
0x165: {  	[sflag:s5] =	ssyncadd.s32 $0xFFFFC000  }
0x166: {  	[tilespmem:s10], [sflag:$0x1] =	stream.indirect.gather [hbm4b:s2+s6], $0x20, s1, s6, $0xb8;
	[tilespmem:$0x16400] =	vst v63  }
0x167: {  	_ =	swait.ge [sflag:s7], $0x4000  }
0x168: {  	[sflag:s7] =	ssyncset.done $0x0  }
0x169: {  	s1 =	rddreg [dreg:$0x1f];
	[sflag:s7] =	ssyncadd.s32 $0xFFFFC000  }
0x16a: {  	[hbm4b:s1+s8] =	stream.strided.scatter [tilespmem:s4], [sflag:$0x2], $0x4000, s9, s8, $0x38;
	[tilespmem:$0x16400] =	vst v63  }
0x16b: {  	_ =	swait.ge [sflag:s5], $0x4000  }
0x16c: {  	[sflag:s5] =	ssyncset.done $0x0  }
0x16d: {  	[sflag:s5] =	ssyncadd.s32 $0xFFFFC000  }
0x16e: {  	[tilespmem:s4], [sflag:$0x1] =	stream.indirect.gather [hbm4b:s2+s6], $0x20, s26, s6, $0xb8;
	[tilespmem:$0x16400] =	vst v63  }
0x16f: {  	_ =	swait.ge [sflag:s7], $0x4000  }
0x170: {  	s1 =	sld [smem:$0x7C9]  }
0x171: {  	[sflag:s7] =	ssyncset.done $0x0  }
0x172: {  	[sflag:s7] =	ssyncadd.s32 $0xFFFFC000  }
0x173: {  	[hbm4b:s1+s8] =	stream.strided.scatter [tilespmem:s3], [sflag:$0x2], $0x4000, s9, s8, $0x38;
	[tilespmem:$0x16400] =	vst v63  }
0x174: {  	_ =	swait.ge [sflag:s5], $0x4000  }
0x175: {  	s1 =	sld [smem:$0x7FC]  }
0x176: {  	[sflag:s5] =	ssyncset.done $0x0  }
0x177: {  	[sflag:s5] =	ssyncadd.s32 $0xFFFFC000  }
0x178: {  	[tilespmem:s3], [sflag:$0x1] =	stream.indirect.gather [hbm4b:s2+s6], $0x20, s1, s6, $0xb8;
	[tilespmem:$0x16400] =	vst v63  }
0x179: {  	_ =	swait.ge [sflag:s7], $0x4000  }
0x17a: {  	s1 =	sld [smem:$0x7CA]  }
0x17b: {  	[sflag:s7] =	ssyncset.done $0x0  }
0x17c: {  	[sflag:s7] =	ssyncadd.s32 $0xFFFFC000  }
0x17d: {  	[hbm4b:s1+s8] =	stream.strided.scatter [tilespmem:s11], [sflag:$0x2], $0x4000, s9, s8, $0x38;
	[tilespmem:$0x16400] =	vst v63  }
0x17e: {  	_ =	swait.ge [sflag:s5], $0x4000  }
0x17f: {  	s1 =	sld [smem:$0x7FD]  }
0x180: {  	[sflag:s5] =	ssyncset.done $0x0  }
0x181: {  	[sflag:s5] =	ssyncadd.s32 $0xFFFFC000  }
0x182: {  	[tilespmem:s11], [sflag:$0x1] =	stream.indirect.gather [hbm4b:s2+s6], $0x20, s1, s6, $0xb8;
	[tilespmem:$0x16400] =	vst v63  }
0x183: {  	_ =	swait.ge [sflag:s7], $0x4000  }
0x184: {  	s1 =	sld [smem:$0x7CB]  }
0x185: {  	[sflag:s7] =	ssyncset.done $0x0  }
0x186: {  	[sflag:s7] =	ssyncadd.s32 $0xFFFFC000  }
0x187: {  	[hbm4b:s1+s8] =	stream.strided.scatter [tilespmem:s10], [sflag:$0x2], $0x4000, s9, s8, $0x38;
	[tilespmem:$0x16400] =	vst v63  }
0x188: {  	_ =	swait.ge [sflag:s5], $0x4000  }
0x189: {  	[sflag:s5] =	ssyncset.done $0x0  }
0x18a: {  	s1 =	simm.s32 $0x4600;
	[sflag:s5] =	ssyncadd.s32 $0xFFFFC000  }
0x18b: {  	[tilespmem:s10], [sflag:$0x1] =	stream.indirect.gather [hbm4b:s2+s6], $0x20, s1, s6, $0xb8;
	[tilespmem:$0x16400] =	vst v63  }
0x18c: {  	_ =	swait.ge [sflag:s7], $0x4000  }
0x18d: {  	s1 =	sld [smem:$0x7CC]  }
0x18e: {  	[sflag:s7] =	ssyncset.done $0x0  }
0x18f: {  	[sflag:s7] =	ssyncadd.s32 $0xFFFFC000  }
0x190: {  	[hbm4b:s1+s8] =	stream.strided.scatter [tilespmem:s4], [sflag:$0x2], $0x4000, s9, s8, $0x38;
	[tilespmem:$0x16400] =	vst v63  }
0x191: {  	_ =	swait.ge [sflag:s5], $0x4000  }
0x192: {  	[sflag:s5] =	ssyncset.done $0x0  }
0x193: {  	[sflag:s5] =	ssyncadd.s32 $0xFFFFC000  }
0x194: {  	[tilespmem:s4], [sflag:$0x1] =	stream.indirect.gather [hbm4b:s2+s6], $0x20, s28, s6, $0xb8;
	[tilespmem:$0x16400] =	vst v63  }
0x195: {  	_ =	swait.ge [sflag:s7], $0x4000  }
0x196: {  	s1 =	sld [smem:$0x7CD]  }
0x197: {  	[sflag:s7] =	ssyncset.done $0x0  }
0x198: {  	[sflag:s7] =	ssyncadd.s32 $0xFFFFC000  }
0x199: {  	[hbm4b:s1+s8] =	stream.strided.scatter [tilespmem:s3], [sflag:$0x2], $0x4000, s9, s8, $0x38;
	[tilespmem:$0x16400] =	vst v63  }
0x19a: {  	_ =	swait.ge [sflag:s5], $0x4000  }
0x19b: {  	[sflag:s5] =	ssyncset.done $0x0  }
0x19c: {  	[sflag:s5] =	ssyncadd.s32 $0xFFFFC000  }
0x19d: {  	[tilespmem:s3], [sflag:$0x1] =	stream.indirect.gather [hbm4b:s2+s6], $0x20, s25, s6, $0xb8;
	[tilespmem:$0x16400] =	vst v63  }
0x19e: {  	_ =	swait.ge [sflag:s7], $0x4000  }
0x19f: {  	s1 =	sld [smem:$0x7CE]  }
0x1a0: {  	[sflag:s7] =	ssyncset.done $0x0  }
0x1a1: {  	[sflag:s7] =	ssyncadd.s32 $0xFFFFC000  }
0x1a2: {  	[hbm4b:s1+s8] =	stream.strided.scatter [tilespmem:s11], [sflag:$0x2], $0x4000, s9, s8, $0x38;
	[tilespmem:$0x16400] =	vst v63  }
0x1a3: {  	_ =	swait.ge [sflag:s5], $0x4000  }
0x1a4: {  	[sflag:s5] =	ssyncset.done $0x0  }
0x1a5: {  	[sflag:s5] =	ssyncadd.s32 $0xFFFFC000  }
0x1a6: {  	[tilespmem:s11], [sflag:$0x1] =	stream.indirect.gather [hbm4b:s2+s6], $0x20, s24, s6, $0xb8;
	[tilespmem:$0x16400] =	vst v63  }
0x1a7: {  	_ =	swait.ge [sflag:s7], $0x4000  }
0x1a8: {  	s1 =	sld [smem:$0x7CF]  }
0x1a9: {  	[sflag:s7] =	ssyncset.done $0x0  }
0x1aa: {  	[sflag:s7] =	ssyncadd.s32 $0xFFFFC000  }
0x1ab: {  	[hbm4b:s1+s8] =	stream.strided.scatter [tilespmem:s10], [sflag:$0x2], $0x4000, s9, s8, $0x38;
	[tilespmem:$0x16400] =	vst v63  }
0x1ac: {  	_ =	swait.ge [sflag:s5], $0x4000  }
0x1ad: {  	[sflag:s5] =	ssyncset.done $0x0  }
0x1ae: {  	[sflag:s5] =	ssyncadd.s32 $0xFFFFC000  }
0x1af: {  	[tilespmem:s10], [sflag:$0x1] =	stream.indirect.gather [hbm4b:s2+s6], $0x20, s23, s6, $0xb8;
	[tilespmem:$0x16400] =	vst v63  }
0x1b0: {  	_ =	swait.ge [sflag:s7], $0x4000  }
0x1b1: {  	s1 =	sld [smem:$0x7D0]  }
0x1b2: {  	[sflag:s7] =	ssyncset.done $0x0  }
0x1b3: {  	[sflag:s7] =	ssyncadd.s32 $0xFFFFC000  }
0x1b4: {  	[hbm4b:s1+s8] =	stream.strided.scatter [tilespmem:s4], [sflag:$0x2], $0x4000, s9, s8, $0x38;
	[tilespmem:$0x16400] =	vst v63  }
0x1b5: {  	_ =	swait.ge [sflag:s5], $0x4000  }
0x1b6: {  	[sflag:s5] =	ssyncset.done $0x0  }
0x1b7: {  	[sflag:s5] =	ssyncadd.s32 $0xFFFFC000  }
0x1b8: {  	[tilespmem:s4], [sflag:$0x1] =	stream.indirect.gather [hbm4b:s2+s6], $0x20, s22, s6, $0xb8;
	[tilespmem:$0x16400] =	vst v63  }
0x1b9: {  	_ =	swait.ge [sflag:s7], $0x4000  }
0x1ba: {  	s1 =	sld [smem:$0x7D1]  }
0x1bb: {  	[sflag:s7] =	ssyncset.done $0x0  }
0x1bc: {  	[sflag:s7] =	ssyncadd.s32 $0xFFFFC000  }
0x1bd: {  	[hbm4b:s1+s8] =	stream.strided.scatter [tilespmem:s3], [sflag:$0x2], $0x4000, s9, s8, $0x38;
	[tilespmem:$0x16400] =	vst v63  }
0x1be: {  	_ =	swait.ge [sflag:s5], $0x4000  }
0x1bf: {  	[sflag:s5] =	ssyncset.done $0x0  }
0x1c0: {  	[sflag:s5] =	ssyncadd.s32 $0xFFFFC000  }
0x1c1: {  	[tilespmem:s3], [sflag:$0x1] =	stream.indirect.gather [hbm4b:s2+s6], $0x20, s21, s6, $0xb8;
	[tilespmem:$0x16400] =	vst v63  }
0x1c2: {  	_ =	swait.ge [sflag:s7], $0x4000  }
0x1c3: {  	s1 =	sld [smem:$0x7D2]  }
0x1c4: {  	[sflag:s7] =	ssyncset.done $0x0  }
0x1c5: {  	[sflag:s7] =	ssyncadd.s32 $0xFFFFC000  }
0x1c6: {  	[hbm4b:s1+s8] =	stream.strided.scatter [tilespmem:s11], [sflag:$0x2], $0x4000, s9, s8, $0x38;
	[tilespmem:$0x16400] =	vst v63  }
0x1c7: {  	_ =	swait.ge [sflag:s5], $0x4000  }
0x1c8: {  	[sflag:s5] =	ssyncset.done $0x0  }
0x1c9: {  	[sflag:s5] =	ssyncadd.s32 $0xFFFFC000  }
0x1ca: {  	[tilespmem:s11], [sflag:$0x1] =	stream.indirect.gather [hbm4b:s2+s6], $0x20, s20, s6, $0xb8;
	[tilespmem:$0x16400] =	vst v63  }
0x1cb: {  	_ =	swait.ge [sflag:s7], $0x4000  }
0x1cc: {  	s1 =	sld [smem:$0x7D3]  }
0x1cd: {  	[sflag:s7] =	ssyncset.done $0x0  }
0x1ce: {  	[sflag:s7] =	ssyncadd.s32 $0xFFFFC000  }
0x1cf: {  	[hbm4b:s1+s8] =	stream.strided.scatter [tilespmem:s10], [sflag:$0x2], $0x4000, s9, s8, $0x38;
	[tilespmem:$0x16400] =	vst v63  }
0x1d0: {  	_ =	swait.ge [sflag:s5], $0x4000  }
0x1d1: {  	[sflag:s5] =	ssyncset.done $0x0  }
0x1d2: {  	[sflag:s5] =	ssyncadd.s32 $0xFFFFC000  }
0x1d3: {  	[tilespmem:s10], [sflag:$0x1] =	stream.indirect.gather [hbm4b:s2+s6], $0x20, s19, s6, $0xb8;
	[tilespmem:$0x16400] =	vst v63  }
0x1d4: {  	_ =	swait.ge [sflag:s7], $0x4000  }
0x1d5: {  	s1 =	sld [smem:$0x7D4]  }
0x1d6: {  	[sflag:s7] =	ssyncset.done $0x0  }
0x1d7: {  	[sflag:s7] =	ssyncadd.s32 $0xFFFFC000  }
0x1d8: {  	[hbm4b:s1+s8] =	stream.strided.scatter [tilespmem:s4], [sflag:$0x2], $0x4000, s9, s8, $0x38;
	[tilespmem:$0x16400] =	vst v63  }
0x1d9: {  	_ =	swait.ge [sflag:s5], $0x4000  }
0x1da: {  	[sflag:s5] =	ssyncset.done $0x0  }
0x1db: {  	[sflag:s5] =	ssyncadd.s32 $0xFFFFC000  }
0x1dc: {  	[tilespmem:s4], [sflag:$0x1] =	stream.indirect.gather [hbm4b:s2+s6], $0x20, s18, s6, $0xb8;
	[tilespmem:$0x16400] =	vst v63  }
0x1dd: {  	_ =	swait.ge [sflag:s7], $0x4000  }
0x1de: {  	s1 =	sld [smem:$0x7D5]  }
0x1df: {  	[sflag:s7] =	ssyncset.done $0x0  }
0x1e0: {  	[sflag:s7] =	ssyncadd.s32 $0xFFFFC000  }
0x1e1: {  	[hbm4b:s1+s8] =	stream.strided.scatter [tilespmem:s3], [sflag:$0x2], $0x4000, s9, s8, $0x38;
	[tilespmem:$0x16400] =	vst v63  }
0x1e2: {  	_ =	swait.ge [sflag:s5], $0x4000  }
0x1e3: {  	[sflag:s5] =	ssyncset.done $0x0  }
0x1e4: {  	[sflag:s5] =	ssyncadd.s32 $0xFFFFC000  }
0x1e5: {  	[tilespmem:s3], [sflag:$0x1] =	stream.indirect.gather [hbm4b:s2+s6], $0x20, s17, s6, $0xb8;
	[tilespmem:$0x16400] =	vst v63  }
0x1e6: {  	_ =	swait.ge [sflag:s7], $0x4000  }
0x1e7: {  	s1 =	sld [smem:$0x7D6]  }
0x1e8: {  	[sflag:s7] =	ssyncset.done $0x0  }
0x1e9: {  	[sflag:s7] =	ssyncadd.s32 $0xFFFFC000  }
0x1ea: {  	[hbm4b:s1+s8] =	stream.strided.scatter [tilespmem:s11], [sflag:$0x2], $0x4000, s9, s8, $0x38;
	[tilespmem:$0x16400] =	vst v63  }
0x1eb: {  	_ =	swait.ge [sflag:s5], $0x4000  }
0x1ec: {  	[sflag:s5] =	ssyncset.done $0x0  }
0x1ed: {  	[sflag:s5] =	ssyncadd.s32 $0xFFFFC000  }
0x1ee: {  	[tilespmem:s11], [sflag:$0x1] =	stream.indirect.gather [hbm4b:s2+s6], $0x20, s16, s6, $0xb8;
	[tilespmem:$0x16400] =	vst v63  }
0x1ef: {  	_ =	swait.ge [sflag:s7], $0x4000  }
0x1f0: {  	s1 =	sld [smem:$0x7D7]  }
0x1f1: {  	[sflag:s7] =	ssyncset.done $0x0  }
0x1f2: {  	[sflag:s7] =	ssyncadd.s32 $0xFFFFC000  }
0x1f3: {  	[hbm4b:s1+s8] =	stream.strided.scatter [tilespmem:s10], [sflag:$0x2], $0x4000, s9, s8, $0x38;
	[tilespmem:$0x16400] =	vst v63  }
0x1f4: {  	_ =	swait.ge [sflag:s5], $0x4000  }
0x1f5: {  	[sflag:s5] =	ssyncset.done $0x0  }
0x1f6: {  	[sflag:s5] =	ssyncadd.s32 $0xFFFFC000  }
0x1f7: {  	[tilespmem:s10], [sflag:$0x1] =	stream.indirect.gather [hbm4b:s2+s6], $0x20, s15, s6, $0xb8;
	[tilespmem:$0x16400] =	vst v63  }
0x1f8: {  	_ =	swait.ge [sflag:s7], $0x4000  }
0x1f9: {  	s1 =	sld [smem:$0x7D8]  }
0x1fa: {  	[sflag:s7] =	ssyncset.done $0x0  }
0x1fb: {  	[sflag:s7] =	ssyncadd.s32 $0xFFFFC000  }
0x1fc: {  	[hbm4b:s1+s8] =	stream.strided.scatter [tilespmem:s4], [sflag:$0x2], $0x4000, s9, s8, $0x38;
	[tilespmem:$0x16400] =	vst v63  }
0x1fd: {  	_ =	swait.ge [sflag:s5], $0x4000  }
0x1fe: {  	[sflag:s5] =	ssyncset.done $0x0  }
0x1ff: {  	[sflag:s5] =	ssyncadd.s32 $0xFFFFC000  }
0x200: {  	[tilespmem:s4], [sflag:$0x1] =	stream.indirect.gather [hbm4b:s2+s6], $0x20, s14, s6, $0xb8;
	[tilespmem:$0x16400] =	vst v63  }
0x201: {  	_ =	swait.ge [sflag:s7], $0x4000  }
0x202: {  	s1 =	sld [smem:$0x7D9]  }
0x203: {  	[sflag:s7] =	ssyncset.done $0x0  }
0x204: {  	[sflag:s7] =	ssyncadd.s32 $0xFFFFC000  }
0x205: {  	[hbm4b:s1+s8] =	stream.strided.scatter [tilespmem:s3], [sflag:$0x2], $0x4000, s9, s8, $0x38;
	[tilespmem:$0x16400] =	vst v63  }
0x206: {  	_ =	swait.ge [sflag:s5], $0x4000  }
0x207: {  	[sflag:s5] =	ssyncset.done $0x0  }
0x208: {  	[sflag:s5] =	ssyncadd.s32 $0xFFFFC000  }
0x209: {  	[tilespmem:s3], [sflag:$0x1] =	stream.indirect.gather [hbm4b:s2+s6], $0x20, s13, s6, $0xb8;
	[tilespmem:$0x16400] =	vst v63  }
0x20a: {  	_ =	swait.ge [sflag:s7], $0x4000  }
0x20b: {  	s1 =	sld [smem:$0x7DA]  }
0x20c: {  	[sflag:s7] =	ssyncset.done $0x0  }
0x20d: {  	[sflag:s7] =	ssyncadd.s32 $0xFFFFC000  }
0x20e: {  	[hbm4b:s1+s8] =	stream.strided.scatter [tilespmem:s11], [sflag:$0x2], $0x4000, s9, s8, $0x38;
	[tilespmem:$0x16400] =	vst v63  }
0x20f: {  	_ =	swait.ge [sflag:s7], $0x4000  }
0x210: {  	s1 =	sld [smem:$0x7DB]  }
0x211: {  	[sflag:s7] =	ssyncset.done $0x0  }
0x212: {  	[sflag:s7] =	ssyncadd.s32 $0xFFFFC000  }
0x213: {  	[hbm4b:s1+s8] =	stream.strided.scatter [tilespmem:s10], [sflag:$0x2], $0x4000, s9, s8, $0x38;
	[tilespmem:$0x16400] =	vst v63  }
0x214: {  	_ =	swait.ge [sflag:s7], $0x4000  }
0x215: {  	s1 =	sld [smem:$0x7DC]  }
0x216: {  	[sflag:s7] =	ssyncset.done $0x0  }
0x217: {  	[sflag:s7] =	ssyncadd.s32 $0xFFFFC000  }
0x218: {  	[hbm4b:s1+s8] =	stream.strided.scatter [tilespmem:s4], [sflag:$0x2], $0x4000, s9, s8, $0x38;
	[tilespmem:$0x16400] =	vst v63  }
0x219: {  	_ =	swait.ge [sflag:s7], $0x4000  }
0x21a: {  	s1 =	sld [smem:$0x7DD]  }
0x21b: {  	[sflag:s7] =	ssyncset.done $0x0  }
0x21c: {  	[sflag:s7] =	ssyncadd.s32 $0xFFFFC000  }
0x21d: {  	[hbm4b:s1+s8] =	stream.strided.scatter [tilespmem:s3], [sflag:$0x2], $0x4000, s9, s8, $0x38;
	[tilespmem:$0x16400] =	vst v63  }
0x21e: {  	_ =	swait.ge [sflag:s5], $0x4000  }
0x21f: {  	[sflag:s5] =	ssyncset.done $0x0  }
0x220: {  	[sflag:s5] =	ssyncadd.s32 $0xFFFFC000  }
0x221: {  	_ =	swait.ge [sflag:s5], $0x4000  }
0x222: {  	[sflag:s5] =	ssyncset.done $0x0  }
0x223: {  	p1 =	sne.s32 s12, $0x1;
	[sflag:s5] =	ssyncadd.s32 $0xFFFFC000  }
.Ltmp1:
0x224: {  	_ =	swait.ge [sflag:s5], $0x4000;
	(pc) =	sbr.rel @!p1 .LBB2_3-.Ltmp1, $4  }
0x225: {  	[sflag:s5] =	ssyncset.done $0x0  }
0x226: {  	[sflag:s5] =	ssyncadd.s32 $0xFFFFC000  }
0x227: {  	p0 =	por $0x1, $0x1;
	_ =	swait.ge [sflag:s5], $0x4000  }
0x228: {  	s1 =	sadd.s32 $0xFFFFFFFF, s12;
	s0 =	rddreg [dreg:$0x3];
	[sflag:s5] =	ssyncset.done $0x0  }
.LBB2_4:
0x229: {  	[sflag:s5] =	ssyncadd.s32 $0xFFFFC000  }
0x22a: {  	[tilespmem:s30], [sflag:$0x3] =	stream.strided.gather [hbm4b:s0+s6], $0x6400, s26, s6, $0x38;
	[tilespmem:$0x16400] =	vst v63  }
0x22b: {  	_ =	swait.ge [sflag:s31], $0x6400  }
0x22c: {  	[sflag:s31] =	ssyncset.done $0x0  }
0x22d: {  	[sflag:s31] =	ssyncadd.s32 $0xFFFF9C00  }
0x22e: {  	[tilespmem:s4], [sflag:$0x1] =	stream.indirect.gather [hbm4b:s2+s6], $0x20, s30, s6, $0xb8;
	[tilespmem:$0x16400] =	vst v63  }
0x22f: {  	s0 =	sld [smem:$0x7DE]  }
0x230: {  	[tilespmem:s3], [sflag:$0x1] =	stream.indirect.gather [hbm4b:s2+s6], $0x20, s6, s6, $0xb8;
	[tilespmem:$0x16400] =	vst v63  }
0x231: {  	s12 =	sld [smem:$0x7DF]  }
0x232: {  	[tilespmem:s11], [sflag:$0x1] =	stream.indirect.gather [hbm4b:s2+s6], $0x20, s0, s6, $0xb8;
	[tilespmem:$0x16400] =	vst v63  }
0x233: {  	_ = 	snop  }
0x234: {  	[tilespmem:s10], [sflag:$0x1] =	stream.indirect.gather [hbm4b:s2+s6], $0x20, s12, s6, $0xb8;
	[tilespmem:$0x16400] =	vst v63  }
0x235: {  	_ =	swait.ge [sflag:s7], $0x4000  }
0x236: {  	[sflag:s7] =	ssyncset.done $0x0  }
0x237: {  	[sflag:s7] =	ssyncadd.s32 $0xFFFFC000  }
0x238: {  	[hbm4b:s29+s8] =	stream.strided.scatter [tilespmem:s4], [sflag:$0x2], $0x4000, s9, s8, $0x38;
	[tilespmem:$0x16400] =	vst v63  }
0x239: {  	_ =	swait.ge [sflag:s5], $0x4000  }
0x23a: {  	s12 =	sld [smem:$0x7E0]  }
0x23b: {  	[sflag:s5] =	ssyncset.done $0x0  }
0x23c: {  	[sflag:s5] =	ssyncadd.s32 $0xFFFFC000  }
0x23d: {  	[tilespmem:s4], [sflag:$0x1] =	stream.indirect.gather [hbm4b:s2+s6], $0x20, s12, s6, $0xb8;
	[tilespmem:$0x16400] =	vst v63  }
0x23e: {  	_ =	swait.ge [sflag:s7], $0x4000  }
0x23f: {  	[sflag:s7] =	ssyncset.done $0x0  }
0x240: {  	s12 =	rddreg [dreg:$0x4];
	[sflag:s7] =	ssyncadd.s32 $0xFFFFC000  }
0x241: {  	[hbm4b:s12+s8] =	stream.strided.scatter [tilespmem:s3], [sflag:$0x2], $0x4000, s9, s8, $0x38;
	[tilespmem:$0x16400] =	vst v63  }
0x242: {  	_ =	swait.ge [sflag:s5], $0x4000  }
0x243: {  	s12 =	sld [smem:$0x7E1]  }
0x244: {  	[sflag:s5] =	ssyncset.done $0x0  }
0x245: {  	[sflag:s5] =	ssyncadd.s32 $0xFFFFC000  }
0x246: {  	[tilespmem:s3], [sflag:$0x1] =	stream.indirect.gather [hbm4b:s2+s6], $0x20, s12, s6, $0xb8;
	[tilespmem:$0x16400] =	vst v63  }
0x247: {  	_ =	swait.ge [sflag:s7], $0x4000  }
0x248: {  	[sflag:s7] =	ssyncset.done $0x0  }
0x249: {  	s12 =	rddreg [dreg:$0x5];
	[sflag:s7] =	ssyncadd.s32 $0xFFFFC000  }
0x24a: {  	[hbm4b:s12+s8] =	stream.strided.scatter [tilespmem:s11], [sflag:$0x2], $0x4000, s9, s8, $0x38;
	[tilespmem:$0x16400] =	vst v63  }
0x24b: {  	_ =	swait.ge [sflag:s5], $0x4000  }
0x24c: {  	s12 =	sld [smem:$0x7E2]  }
0x24d: {  	[sflag:s5] =	ssyncset.done $0x0  }
0x24e: {  	[sflag:s5] =	ssyncadd.s32 $0xFFFFC000  }
0x24f: {  	[tilespmem:s11], [sflag:$0x1] =	stream.indirect.gather [hbm4b:s2+s6], $0x20, s12, s6, $0xb8;
	[tilespmem:$0x16400] =	vst v63  }
0x250: {  	_ =	swait.ge [sflag:s7], $0x4000  }
0x251: {  	[sflag:s7] =	ssyncset.done $0x0  }
0x252: {  	s12 =	rddreg [dreg:$0x6];
	[sflag:s7] =	ssyncadd.s32 $0xFFFFC000  }
0x253: {  	[hbm4b:s12+s8] =	stream.strided.scatter [tilespmem:s10], [sflag:$0x2], $0x4000, s9, s8, $0x38;
	[tilespmem:$0x16400] =	vst v63  }
0x254: {  	_ =	swait.ge [sflag:s5], $0x4000  }
0x255: {  	s12 =	sld [smem:$0x7E3]  }
0x256: {  	[sflag:s5] =	ssyncset.done $0x0  }
0x257: {  	[sflag:s5] =	ssyncadd.s32 $0xFFFFC000  }
0x258: {  	[tilespmem:s10], [sflag:$0x1] =	stream.indirect.gather [hbm4b:s2+s6], $0x20, s12, s6, $0xb8;
	[tilespmem:$0x16400] =	vst v63  }
0x259: {  	_ =	swait.ge [sflag:s7], $0x4000  }
0x25a: {  	[sflag:s7] =	ssyncset.done $0x0  }
0x25b: {  	s12 =	rddreg [dreg:$0x7];
	[sflag:s7] =	ssyncadd.s32 $0xFFFFC000  }
0x25c: {  	[hbm4b:s12+s8] =	stream.strided.scatter [tilespmem:s4], [sflag:$0x2], $0x4000, s9, s8, $0x38;
	[tilespmem:$0x16400] =	vst v63  }
0x25d: {  	_ =	swait.ge [sflag:s5], $0x4000  }
0x25e: {  	s12 =	sld [smem:$0x7E4]  }
0x25f: {  	[sflag:s5] =	ssyncset.done $0x0  }
0x260: {  	[sflag:s5] =	ssyncadd.s32 $0xFFFFC000  }
0x261: {  	[tilespmem:s4], [sflag:$0x1] =	stream.indirect.gather [hbm4b:s2+s6], $0x20, s12, s6, $0xb8;
	[tilespmem:$0x16400] =	vst v63  }
0x262: {  	_ =	swait.ge [sflag:s7], $0x4000  }
0x263: {  	[sflag:s7] =	ssyncset.done $0x0  }
0x264: {  	s12 =	rddreg [dreg:$0x8];
	[sflag:s7] =	ssyncadd.s32 $0xFFFFC000  }
0x265: {  	[hbm4b:s12+s8] =	stream.strided.scatter [tilespmem:s3], [sflag:$0x2], $0x4000, s9, s8, $0x38;
	[tilespmem:$0x16400] =	vst v63  }
0x266: {  	_ =	swait.ge [sflag:s5], $0x4000  }
0x267: {  	s12 =	sld [smem:$0x7E5]  }
0x268: {  	[sflag:s5] =	ssyncset.done $0x0  }
0x269: {  	[sflag:s5] =	ssyncadd.s32 $0xFFFFC000  }
0x26a: {  	[tilespmem:s3], [sflag:$0x1] =	stream.indirect.gather [hbm4b:s2+s6], $0x20, s12, s6, $0xb8;
	[tilespmem:$0x16400] =	vst v63  }
0x26b: {  	_ =	swait.ge [sflag:s7], $0x4000  }
0x26c: {  	[sflag:s7] =	ssyncset.done $0x0  }
0x26d: {  	s12 =	rddreg [dreg:$0x9];
	[sflag:s7] =	ssyncadd.s32 $0xFFFFC000  }
0x26e: {  	[hbm4b:s12+s8] =	stream.strided.scatter [tilespmem:s11], [sflag:$0x2], $0x4000, s9, s8, $0x38;
	[tilespmem:$0x16400] =	vst v63  }
0x26f: {  	_ =	swait.ge [sflag:s5], $0x4000  }
0x270: {  	s12 =	sld [smem:$0x7E6]  }
0x271: {  	[sflag:s5] =	ssyncset.done $0x0  }
0x272: {  	[sflag:s5] =	ssyncadd.s32 $0xFFFFC000  }
0x273: {  	[tilespmem:s11], [sflag:$0x1] =	stream.indirect.gather [hbm4b:s2+s6], $0x20, s12, s6, $0xb8;
	[tilespmem:$0x16400] =	vst v63  }
0x274: {  	_ =	swait.ge [sflag:s7], $0x4000  }
0x275: {  	[sflag:s7] =	ssyncset.done $0x0  }
0x276: {  	s12 =	rddreg [dreg:$0xa];
	[sflag:s7] =	ssyncadd.s32 $0xFFFFC000  }
0x277: {  	[hbm4b:s12+s8] =	stream.strided.scatter [tilespmem:s10], [sflag:$0x2], $0x4000, s9, s8, $0x38;
	[tilespmem:$0x16400] =	vst v63  }
0x278: {  	_ =	swait.ge [sflag:s5], $0x4000  }
0x279: {  	s12 =	sld [smem:$0x7E7]  }
0x27a: {  	[sflag:s5] =	ssyncset.done $0x0  }
0x27b: {  	[sflag:s5] =	ssyncadd.s32 $0xFFFFC000  }
0x27c: {  	[tilespmem:s10], [sflag:$0x1] =	stream.indirect.gather [hbm4b:s2+s6], $0x20, s12, s6, $0xb8;
	[tilespmem:$0x16400] =	vst v63  }
0x27d: {  	_ =	swait.ge [sflag:s7], $0x4000  }
0x27e: {  	[sflag:s7] =	ssyncset.done $0x0  }
0x27f: {  	s12 =	rddreg [dreg:$0xb];
	[sflag:s7] =	ssyncadd.s32 $0xFFFFC000  }
0x280: {  	[hbm4b:s12+s8] =	stream.strided.scatter [tilespmem:s4], [sflag:$0x2], $0x4000, s9, s8, $0x38;
	[tilespmem:$0x16400] =	vst v63  }
0x281: {  	_ =	swait.ge [sflag:s5], $0x4000  }
0x282: {  	s12 =	sld [smem:$0x7E8]  }
0x283: {  	[sflag:s5] =	ssyncset.done $0x0  }
0x284: {  	[sflag:s5] =	ssyncadd.s32 $0xFFFFC000  }
0x285: {  	[tilespmem:s4], [sflag:$0x1] =	stream.indirect.gather [hbm4b:s2+s6], $0x20, s12, s6, $0xb8;
	[tilespmem:$0x16400] =	vst v63  }
0x286: {  	_ =	swait.ge [sflag:s7], $0x4000  }
0x287: {  	[sflag:s7] =	ssyncset.done $0x0  }
0x288: {  	s12 =	rddreg [dreg:$0xc];
	[sflag:s7] =	ssyncadd.s32 $0xFFFFC000  }
0x289: {  	[hbm4b:s12+s8] =	stream.strided.scatter [tilespmem:s3], [sflag:$0x2], $0x4000, s9, s8, $0x38;
	[tilespmem:$0x16400] =	vst v63  }
0x28a: {  	_ =	swait.ge [sflag:s5], $0x4000  }
0x28b: {  	s12 =	sld [smem:$0x7E9]  }
0x28c: {  	[sflag:s5] =	ssyncset.done $0x0  }
0x28d: {  	[sflag:s5] =	ssyncadd.s32 $0xFFFFC000  }
0x28e: {  	[tilespmem:s3], [sflag:$0x1] =	stream.indirect.gather [hbm4b:s2+s6], $0x20, s12, s6, $0xb8;
	[tilespmem:$0x16400] =	vst v63  }
0x28f: {  	_ =	swait.ge [sflag:s7], $0x4000  }
0x290: {  	[sflag:s7] =	ssyncset.done $0x0  }
0x291: {  	s12 =	rddreg [dreg:$0xd];
	[sflag:s7] =	ssyncadd.s32 $0xFFFFC000  }
0x292: {  	[hbm4b:s12+s8] =	stream.strided.scatter [tilespmem:s11], [sflag:$0x2], $0x4000, s9, s8, $0x38;
	[tilespmem:$0x16400] =	vst v63  }
0x293: {  	_ =	swait.ge [sflag:s5], $0x4000  }
0x294: {  	s12 =	sld [smem:$0x7EA]  }
0x295: {  	[sflag:s5] =	ssyncset.done $0x0  }
0x296: {  	[sflag:s5] =	ssyncadd.s32 $0xFFFFC000  }
0x297: {  	[tilespmem:s11], [sflag:$0x1] =	stream.indirect.gather [hbm4b:s2+s6], $0x20, s12, s6, $0xb8;
	[tilespmem:$0x16400] =	vst v63  }
0x298: {  	_ =	swait.ge [sflag:s7], $0x4000  }
0x299: {  	[sflag:s7] =	ssyncset.done $0x0  }
0x29a: {  	s12 =	rddreg [dreg:$0xe];
	[sflag:s7] =	ssyncadd.s32 $0xFFFFC000  }
0x29b: {  	[hbm4b:s12+s8] =	stream.strided.scatter [tilespmem:s10], [sflag:$0x2], $0x4000, s9, s8, $0x38;
	[tilespmem:$0x16400] =	vst v63  }
0x29c: {  	_ =	swait.ge [sflag:s5], $0x4000  }
0x29d: {  	s12 =	sld [smem:$0x7EB]  }
0x29e: {  	[sflag:s5] =	ssyncset.done $0x0  }
0x29f: {  	[sflag:s5] =	ssyncadd.s32 $0xFFFFC000  }
0x2a0: {  	[tilespmem:s10], [sflag:$0x1] =	stream.indirect.gather [hbm4b:s2+s6], $0x20, s12, s6, $0xb8;
	[tilespmem:$0x16400] =	vst v63  }
0x2a1: {  	_ =	swait.ge [sflag:s7], $0x4000  }
0x2a2: {  	[sflag:s7] =	ssyncset.done $0x0  }
0x2a3: {  	s12 =	rddreg [dreg:$0xf];
	[sflag:s7] =	ssyncadd.s32 $0xFFFFC000  }
0x2a4: {  	[hbm4b:s12+s8] =	stream.strided.scatter [tilespmem:s4], [sflag:$0x2], $0x4000, s9, s8, $0x38;
	[tilespmem:$0x16400] =	vst v63  }
0x2a5: {  	_ =	swait.ge [sflag:s5], $0x4000  }
0x2a6: {  	s12 =	sld [smem:$0x7EC]  }
0x2a7: {  	[sflag:s5] =	ssyncset.done $0x0  }
0x2a8: {  	[sflag:s5] =	ssyncadd.s32 $0xFFFFC000  }
0x2a9: {  	[tilespmem:s4], [sflag:$0x1] =	stream.indirect.gather [hbm4b:s2+s6], $0x20, s12, s6, $0xb8;
	[tilespmem:$0x16400] =	vst v63  }
0x2aa: {  	_ =	swait.ge [sflag:s7], $0x4000  }
0x2ab: {  	[sflag:s7] =	ssyncset.done $0x0  }
0x2ac: {  	s12 =	rddreg [dreg:$0x10];
	[sflag:s7] =	ssyncadd.s32 $0xFFFFC000  }
0x2ad: {  	[hbm4b:s12+s8] =	stream.strided.scatter [tilespmem:s3], [sflag:$0x2], $0x4000, s9, s8, $0x38;
	[tilespmem:$0x16400] =	vst v63  }
0x2ae: {  	_ =	swait.ge [sflag:s5], $0x4000  }
0x2af: {  	s12 =	sld [smem:$0x7ED]  }
0x2b0: {  	[sflag:s5] =	ssyncset.done $0x0  }
0x2b1: {  	[sflag:s5] =	ssyncadd.s32 $0xFFFFC000  }
0x2b2: {  	[tilespmem:s3], [sflag:$0x1] =	stream.indirect.gather [hbm4b:s2+s6], $0x20, s12, s6, $0xb8;
	[tilespmem:$0x16400] =	vst v63  }
0x2b3: {  	_ =	swait.ge [sflag:s7], $0x4000  }
0x2b4: {  	[sflag:s7] =	ssyncset.done $0x0  }
0x2b5: {  	s12 =	rddreg [dreg:$0x11];
	[sflag:s7] =	ssyncadd.s32 $0xFFFFC000  }
0x2b6: {  	[hbm4b:s12+s8] =	stream.strided.scatter [tilespmem:s11], [sflag:$0x2], $0x4000, s9, s8, $0x38;
	[tilespmem:$0x16400] =	vst v63  }
0x2b7: {  	_ =	swait.ge [sflag:s5], $0x4000  }
0x2b8: {  	s12 =	sld [smem:$0x7EE]  }
0x2b9: {  	[sflag:s5] =	ssyncset.done $0x0  }
0x2ba: {  	[sflag:s5] =	ssyncadd.s32 $0xFFFFC000  }
0x2bb: {  	[tilespmem:s11], [sflag:$0x1] =	stream.indirect.gather [hbm4b:s2+s6], $0x20, s12, s6, $0xb8;
	[tilespmem:$0x16400] =	vst v63  }
0x2bc: {  	_ =	swait.ge [sflag:s7], $0x4000  }
0x2bd: {  	[sflag:s7] =	ssyncset.done $0x0  }
0x2be: {  	s12 =	rddreg [dreg:$0x12];
	[sflag:s7] =	ssyncadd.s32 $0xFFFFC000  }
0x2bf: {  	[hbm4b:s12+s8] =	stream.strided.scatter [tilespmem:s10], [sflag:$0x2], $0x4000, s9, s8, $0x38;
	[tilespmem:$0x16400] =	vst v63  }
0x2c0: {  	_ =	swait.ge [sflag:s5], $0x4000  }
0x2c1: {  	s12 =	sld [smem:$0x7EF]  }
0x2c2: {  	[sflag:s5] =	ssyncset.done $0x0  }
0x2c3: {  	[sflag:s5] =	ssyncadd.s32 $0xFFFFC000  }
0x2c4: {  	[tilespmem:s10], [sflag:$0x1] =	stream.indirect.gather [hbm4b:s2+s6], $0x20, s12, s6, $0xb8;
	[tilespmem:$0x16400] =	vst v63  }
0x2c5: {  	_ =	swait.ge [sflag:s7], $0x4000  }
0x2c6: {  	[sflag:s7] =	ssyncset.done $0x0  }
0x2c7: {  	s12 =	rddreg [dreg:$0x13];
	[sflag:s7] =	ssyncadd.s32 $0xFFFFC000  }
0x2c8: {  	[hbm4b:s12+s8] =	stream.strided.scatter [tilespmem:s4], [sflag:$0x2], $0x4000, s9, s8, $0x38;
	[tilespmem:$0x16400] =	vst v63  }
0x2c9: {  	_ =	swait.ge [sflag:s5], $0x4000  }
0x2ca: {  	s12 =	sld [smem:$0x7F0]  }
0x2cb: {  	[sflag:s5] =	ssyncset.done $0x0  }
0x2cc: {  	[sflag:s5] =	ssyncadd.s32 $0xFFFFC000  }
0x2cd: {  	[tilespmem:s4], [sflag:$0x1] =	stream.indirect.gather [hbm4b:s2+s6], $0x20, s12, s6, $0xb8;
	[tilespmem:$0x16400] =	vst v63  }
0x2ce: {  	_ =	swait.ge [sflag:s7], $0x4000  }
0x2cf: {  	[sflag:s7] =	ssyncset.done $0x0  }
0x2d0: {  	s12 =	rddreg [dreg:$0x14];
	[sflag:s7] =	ssyncadd.s32 $0xFFFFC000  }
0x2d1: {  	[hbm4b:s12+s8] =	stream.strided.scatter [tilespmem:s3], [sflag:$0x2], $0x4000, s9, s8, $0x38;
	[tilespmem:$0x16400] =	vst v63  }
0x2d2: {  	_ =	swait.ge [sflag:s5], $0x4000  }
0x2d3: {  	s12 =	sld [smem:$0x7F1]  }
0x2d4: {  	[sflag:s5] =	ssyncset.done $0x0  }
0x2d5: {  	[sflag:s5] =	ssyncadd.s32 $0xFFFFC000  }
0x2d6: {  	[tilespmem:s3], [sflag:$0x1] =	stream.indirect.gather [hbm4b:s2+s6], $0x20, s12, s6, $0xb8;
	[tilespmem:$0x16400] =	vst v63  }
0x2d7: {  	_ =	swait.ge [sflag:s7], $0x4000  }
0x2d8: {  	[sflag:s7] =	ssyncset.done $0x0  }
0x2d9: {  	s12 =	rddreg [dreg:$0x15];
	[sflag:s7] =	ssyncadd.s32 $0xFFFFC000  }
0x2da: {  	[hbm4b:s12+s8] =	stream.strided.scatter [tilespmem:s11], [sflag:$0x2], $0x4000, s9, s8, $0x38;
	[tilespmem:$0x16400] =	vst v63  }
0x2db: {  	_ =	swait.ge [sflag:s5], $0x4000  }
0x2dc: {  	s12 =	sld [smem:$0x7F2]  }
0x2dd: {  	[sflag:s5] =	ssyncset.done $0x0  }
0x2de: {  	[sflag:s5] =	ssyncadd.s32 $0xFFFFC000  }
0x2df: {  	[tilespmem:s11], [sflag:$0x1] =	stream.indirect.gather [hbm4b:s2+s6], $0x20, s12, s6, $0xb8;
	[tilespmem:$0x16400] =	vst v63  }
0x2e0: {  	_ =	swait.ge [sflag:s7], $0x4000  }
0x2e1: {  	[sflag:s7] =	ssyncset.done $0x0  }
0x2e2: {  	s12 =	rddreg [dreg:$0x16];
	[sflag:s7] =	ssyncadd.s32 $0xFFFFC000  }
0x2e3: {  	[hbm4b:s12+s8] =	stream.strided.scatter [tilespmem:s10], [sflag:$0x2], $0x4000, s9, s8, $0x38;
	[tilespmem:$0x16400] =	vst v63  }
0x2e4: {  	_ =	swait.ge [sflag:s5], $0x4000  }
0x2e5: {  	s12 =	sld [smem:$0x7F3]  }
0x2e6: {  	[sflag:s5] =	ssyncset.done $0x0  }
0x2e7: {  	[sflag:s5] =	ssyncadd.s32 $0xFFFFC000  }
0x2e8: {  	[tilespmem:s10], [sflag:$0x1] =	stream.indirect.gather [hbm4b:s2+s6], $0x20, s12, s6, $0xb8;
	[tilespmem:$0x16400] =	vst v63  }
0x2e9: {  	_ =	swait.ge [sflag:s7], $0x4000  }
0x2ea: {  	[sflag:s7] =	ssyncset.done $0x0  }
0x2eb: {  	s12 =	rddreg [dreg:$0x17];
	[sflag:s7] =	ssyncadd.s32 $0xFFFFC000  }
0x2ec: {  	[hbm4b:s12+s8] =	stream.strided.scatter [tilespmem:s4], [sflag:$0x2], $0x4000, s9, s8, $0x38;
	[tilespmem:$0x16400] =	vst v63  }
0x2ed: {  	_ =	swait.ge [sflag:s5], $0x4000  }
0x2ee: {  	s12 =	sld [smem:$0x7F4]  }
0x2ef: {  	[sflag:s5] =	ssyncset.done $0x0  }
0x2f0: {  	[sflag:s5] =	ssyncadd.s32 $0xFFFFC000  }
0x2f1: {  	[tilespmem:s4], [sflag:$0x1] =	stream.indirect.gather [hbm4b:s2+s6], $0x20, s12, s6, $0xb8;
	[tilespmem:$0x16400] =	vst v63  }
0x2f2: {  	_ =	swait.ge [sflag:s7], $0x4000  }
0x2f3: {  	[sflag:s7] =	ssyncset.done $0x0  }
0x2f4: {  	s12 =	rddreg [dreg:$0x18];
	[sflag:s7] =	ssyncadd.s32 $0xFFFFC000  }
0x2f5: {  	[hbm4b:s12+s8] =	stream.strided.scatter [tilespmem:s3], [sflag:$0x2], $0x4000, s9, s8, $0x38;
	[tilespmem:$0x16400] =	vst v63  }
0x2f6: {  	_ =	swait.ge [sflag:s5], $0x4000  }
0x2f7: {  	s12 =	sld [smem:$0x7F5]  }
0x2f8: {  	[sflag:s5] =	ssyncset.done $0x0  }
0x2f9: {  	[sflag:s5] =	ssyncadd.s32 $0xFFFFC000  }
0x2fa: {  	[tilespmem:s3], [sflag:$0x1] =	stream.indirect.gather [hbm4b:s2+s6], $0x20, s12, s6, $0xb8;
	[tilespmem:$0x16400] =	vst v63  }
0x2fb: {  	_ =	swait.ge [sflag:s7], $0x4000  }
0x2fc: {  	[sflag:s7] =	ssyncset.done $0x0  }
0x2fd: {  	s12 =	rddreg [dreg:$0x19];
	[sflag:s7] =	ssyncadd.s32 $0xFFFFC000  }
0x2fe: {  	[hbm4b:s12+s8] =	stream.strided.scatter [tilespmem:s11], [sflag:$0x2], $0x4000, s9, s8, $0x38;
	[tilespmem:$0x16400] =	vst v63  }
0x2ff: {  	_ =	swait.ge [sflag:s5], $0x4000  }
0x300: {  	s12 =	sld [smem:$0x7F6]  }
0x301: {  	[sflag:s5] =	ssyncset.done $0x0  }
0x302: {  	[sflag:s5] =	ssyncadd.s32 $0xFFFFC000  }
0x303: {  	[tilespmem:s11], [sflag:$0x1] =	stream.indirect.gather [hbm4b:s2+s6], $0x20, s12, s6, $0xb8;
	[tilespmem:$0x16400] =	vst v63  }
0x304: {  	_ =	swait.ge [sflag:s7], $0x4000  }
0x305: {  	[sflag:s7] =	ssyncset.done $0x0  }
0x306: {  	s12 =	rddreg [dreg:$0x1a];
	[sflag:s7] =	ssyncadd.s32 $0xFFFFC000  }
0x307: {  	[hbm4b:s12+s8] =	stream.strided.scatter [tilespmem:s10], [sflag:$0x2], $0x4000, s9, s8, $0x38;
	[tilespmem:$0x16400] =	vst v63  }
0x308: {  	_ =	swait.ge [sflag:s5], $0x4000  }
0x309: {  	s12 =	sld [smem:$0x7F7]  }
0x30a: {  	[sflag:s5] =	ssyncset.done $0x0  }
0x30b: {  	[sflag:s5] =	ssyncadd.s32 $0xFFFFC000  }
0x30c: {  	[tilespmem:s10], [sflag:$0x1] =	stream.indirect.gather [hbm4b:s2+s6], $0x20, s12, s6, $0xb8;
	[tilespmem:$0x16400] =	vst v63  }
0x30d: {  	_ =	swait.ge [sflag:s7], $0x4000  }
0x30e: {  	[sflag:s7] =	ssyncset.done $0x0  }
0x30f: {  	s12 =	rddreg [dreg:$0x1b];
	[sflag:s7] =	ssyncadd.s32 $0xFFFFC000  }
0x310: {  	[hbm4b:s12+s8] =	stream.strided.scatter [tilespmem:s4], [sflag:$0x2], $0x4000, s9, s8, $0x38;
	[tilespmem:$0x16400] =	vst v63  }
0x311: {  	_ =	swait.ge [sflag:s5], $0x4000  }
0x312: {  	s12 =	sld [smem:$0x7F8]  }
0x313: {  	[sflag:s5] =	ssyncset.done $0x0  }
0x314: {  	[sflag:s5] =	ssyncadd.s32 $0xFFFFC000  }
0x315: {  	[tilespmem:s4], [sflag:$0x1] =	stream.indirect.gather [hbm4b:s2+s6], $0x20, s12, s6, $0xb8;
	[tilespmem:$0x16400] =	vst v63  }
0x316: {  	_ =	swait.ge [sflag:s7], $0x4000  }
0x317: {  	[sflag:s7] =	ssyncset.done $0x0  }
0x318: {  	s12 =	rddreg [dreg:$0x1c];
	[sflag:s7] =	ssyncadd.s32 $0xFFFFC000  }
0x319: {  	[hbm4b:s12+s8] =	stream.strided.scatter [tilespmem:s3], [sflag:$0x2], $0x4000, s9, s8, $0x38;
	[tilespmem:$0x16400] =	vst v63  }
0x31a: {  	_ =	swait.ge [sflag:s5], $0x4000  }
0x31b: {  	s12 =	sld [smem:$0x7F9]  }
0x31c: {  	[sflag:s5] =	ssyncset.done $0x0  }
0x31d: {  	[sflag:s5] =	ssyncadd.s32 $0xFFFFC000  }
0x31e: {  	[tilespmem:s3], [sflag:$0x1] =	stream.indirect.gather [hbm4b:s2+s6], $0x20, s12, s6, $0xb8;
	[tilespmem:$0x16400] =	vst v63  }
0x31f: {  	_ =	swait.ge [sflag:s7], $0x4000  }
0x320: {  	[sflag:s7] =	ssyncset.done $0x0  }
0x321: {  	s12 =	rddreg [dreg:$0x1d];
	[sflag:s7] =	ssyncadd.s32 $0xFFFFC000  }
0x322: {  	[hbm4b:s12+s8] =	stream.strided.scatter [tilespmem:s11], [sflag:$0x2], $0x4000, s9, s8, $0x38;
	[tilespmem:$0x16400] =	vst v63  }
0x323: {  	_ =	swait.ge [sflag:s5], $0x4000  }
0x324: {  	s12 =	sld [smem:$0x7FA]  }
0x325: {  	[sflag:s5] =	ssyncset.done $0x0  }
0x326: {  	[sflag:s5] =	ssyncadd.s32 $0xFFFFC000  }
0x327: {  	[tilespmem:s11], [sflag:$0x1] =	stream.indirect.gather [hbm4b:s2+s6], $0x20, s12, s6, $0xb8;
	[tilespmem:$0x16400] =	vst v63  }
0x328: {  	_ =	swait.ge [sflag:s7], $0x4000  }
0x329: {  	[sflag:s7] =	ssyncset.done $0x0  }
0x32a: {  	s12 =	rddreg [dreg:$0x1e];
	[sflag:s7] =	ssyncadd.s32 $0xFFFFC000  }
0x32b: {  	[hbm4b:s12+s8] =	stream.strided.scatter [tilespmem:s10], [sflag:$0x2], $0x4000, s9, s8, $0x38;
	[tilespmem:$0x16400] =	vst v63  }
0x32c: {  	_ =	swait.ge [sflag:s5], $0x4000  }
0x32d: {  	s12 =	sld [smem:$0x7FB]  }
0x32e: {  	[sflag:s5] =	ssyncset.done $0x0  }
0x32f: {  	[sflag:s5] =	ssyncadd.s32 $0xFFFFC000  }
0x330: {  	[tilespmem:s10], [sflag:$0x1] =	stream.indirect.gather [hbm4b:s2+s6], $0x20, s12, s6, $0xb8;
	[tilespmem:$0x16400] =	vst v63  }
0x331: {  	_ =	swait.ge [sflag:s7], $0x4000  }
0x332: {  	[sflag:s7] =	ssyncset.done $0x0  }
0x333: {  	s12 =	rddreg [dreg:$0x1f];
	[sflag:s7] =	ssyncadd.s32 $0xFFFFC000  }
0x334: {  	[hbm4b:s12+s8] =	stream.strided.scatter [tilespmem:s4], [sflag:$0x2], $0x4000, s9, s8, $0x38;
	[tilespmem:$0x16400] =	vst v63  }
0x335: {  	_ =	swait.ge [sflag:s5], $0x4000  }
0x336: {  	[sflag:s5] =	ssyncset.done $0x0  }
0x337: {  	[sflag:s5] =	ssyncadd.s32 $0xFFFFC000  }
0x338: {  	[tilespmem:s4], [sflag:$0x1] =	stream.indirect.gather [hbm4b:s2+s6], $0x20, s26, s6, $0xb8;
	[tilespmem:$0x16400] =	vst v63  }
0x339: {  	_ =	swait.ge [sflag:s7], $0x4000  }
0x33a: {  	s12 =	sld [smem:$0x7C9]  }
0x33b: {  	[sflag:s7] =	ssyncset.done $0x0  }
0x33c: {  	[sflag:s7] =	ssyncadd.s32 $0xFFFFC000  }
0x33d: {  	[hbm4b:s12+s8] =	stream.strided.scatter [tilespmem:s3], [sflag:$0x2], $0x4000, s9, s8, $0x38;
	[tilespmem:$0x16400] =	vst v63  }
0x33e: {  	_ =	swait.ge [sflag:s5], $0x4000  }
0x33f: {  	s12 =	sld [smem:$0x7FC]  }
0x340: {  	[sflag:s5] =	ssyncset.done $0x0  }
0x341: {  	[sflag:s5] =	ssyncadd.s32 $0xFFFFC000  }
0x342: {  	[tilespmem:s3], [sflag:$0x1] =	stream.indirect.gather [hbm4b:s2+s6], $0x20, s12, s6, $0xb8;
	[tilespmem:$0x16400] =	vst v63  }
0x343: {  	_ =	swait.ge [sflag:s7], $0x4000  }
0x344: {  	s12 =	sld [smem:$0x7CA]  }
0x345: {  	[sflag:s7] =	ssyncset.done $0x0  }
0x346: {  	[sflag:s7] =	ssyncadd.s32 $0xFFFFC000  }
0x347: {  	[hbm4b:s12+s8] =	stream.strided.scatter [tilespmem:s11], [sflag:$0x2], $0x4000, s9, s8, $0x38;
	[tilespmem:$0x16400] =	vst v63  }
0x348: {  	_ =	swait.ge [sflag:s5], $0x4000  }
0x349: {  	s12 =	sld [smem:$0x7FD]  }
0x34a: {  	[sflag:s5] =	ssyncset.done $0x0  }
0x34b: {  	[sflag:s5] =	ssyncadd.s32 $0xFFFFC000  }
0x34c: {  	[tilespmem:s11], [sflag:$0x1] =	stream.indirect.gather [hbm4b:s2+s6], $0x20, s12, s6, $0xb8;
	[tilespmem:$0x16400] =	vst v63  }
0x34d: {  	_ =	swait.ge [sflag:s7], $0x4000  }
0x34e: {  	s12 =	sld [smem:$0x7CB]  }
0x34f: {  	[sflag:s7] =	ssyncset.done $0x0  }
0x350: {  	[sflag:s7] =	ssyncadd.s32 $0xFFFFC000  }
0x351: {  	[hbm4b:s12+s8] =	stream.strided.scatter [tilespmem:s10], [sflag:$0x2], $0x4000, s9, s8, $0x38;
	[tilespmem:$0x16400] =	vst v63  }
0x352: {  	_ =	swait.ge [sflag:s5], $0x4000  }
0x353: {  	[sflag:s5] =	ssyncset.done $0x0  }
0x354: {  	s12 =	simm.s32 $0x4600;
	[sflag:s5] =	ssyncadd.s32 $0xFFFFC000  }
0x355: {  	[tilespmem:s10], [sflag:$0x1] =	stream.indirect.gather [hbm4b:s2+s6], $0x20, s12, s6, $0xb8;
	[tilespmem:$0x16400] =	vst v63  }
0x356: {  	_ =	swait.ge [sflag:s7], $0x4000  }
0x357: {  	s12 =	sld [smem:$0x7CC]  }
0x358: {  	[sflag:s7] =	ssyncset.done $0x0  }
0x359: {  	[sflag:s7] =	ssyncadd.s32 $0xFFFFC000  }
0x35a: {  	[hbm4b:s12+s8] =	stream.strided.scatter [tilespmem:s4], [sflag:$0x2], $0x4000, s9, s8, $0x38;
	[tilespmem:$0x16400] =	vst v63  }
0x35b: {  	_ =	swait.ge [sflag:s5], $0x4000  }
0x35c: {  	[sflag:s5] =	ssyncset.done $0x0  }
0x35d: {  	[sflag:s5] =	ssyncadd.s32 $0xFFFFC000  }
0x35e: {  	[tilespmem:s4], [sflag:$0x1] =	stream.indirect.gather [hbm4b:s2+s6], $0x20, s28, s6, $0xb8;
	[tilespmem:$0x16400] =	vst v63  }
0x35f: {  	_ =	swait.ge [sflag:s7], $0x4000  }
0x360: {  	s12 =	sld [smem:$0x7CD]  }
0x361: {  	[sflag:s7] =	ssyncset.done $0x0  }
0x362: {  	[sflag:s7] =	ssyncadd.s32 $0xFFFFC000  }
0x363: {  	[hbm4b:s12+s8] =	stream.strided.scatter [tilespmem:s3], [sflag:$0x2], $0x4000, s9, s8, $0x38;
	[tilespmem:$0x16400] =	vst v63  }
0x364: {  	_ =	swait.ge [sflag:s5], $0x4000  }
0x365: {  	[sflag:s5] =	ssyncset.done $0x0  }
0x366: {  	[sflag:s5] =	ssyncadd.s32 $0xFFFFC000  }
0x367: {  	[tilespmem:s3], [sflag:$0x1] =	stream.indirect.gather [hbm4b:s2+s6], $0x20, s25, s6, $0xb8;
	[tilespmem:$0x16400] =	vst v63  }
0x368: {  	_ =	swait.ge [sflag:s7], $0x4000  }
0x369: {  	s12 =	sld [smem:$0x7CE]  }
0x36a: {  	[sflag:s7] =	ssyncset.done $0x0  }
0x36b: {  	[sflag:s7] =	ssyncadd.s32 $0xFFFFC000  }
0x36c: {  	[hbm4b:s12+s8] =	stream.strided.scatter [tilespmem:s11], [sflag:$0x2], $0x4000, s9, s8, $0x38;
	[tilespmem:$0x16400] =	vst v63  }
0x36d: {  	_ =	swait.ge [sflag:s5], $0x4000  }
0x36e: {  	[sflag:s5] =	ssyncset.done $0x0  }
0x36f: {  	[sflag:s5] =	ssyncadd.s32 $0xFFFFC000  }
0x370: {  	[tilespmem:s11], [sflag:$0x1] =	stream.indirect.gather [hbm4b:s2+s6], $0x20, s24, s6, $0xb8;
	[tilespmem:$0x16400] =	vst v63  }
0x371: {  	_ =	swait.ge [sflag:s7], $0x4000  }
0x372: {  	s12 =	sld [smem:$0x7CF]  }
0x373: {  	[sflag:s7] =	ssyncset.done $0x0  }
0x374: {  	[sflag:s7] =	ssyncadd.s32 $0xFFFFC000  }
0x375: {  	[hbm4b:s12+s8] =	stream.strided.scatter [tilespmem:s10], [sflag:$0x2], $0x4000, s9, s8, $0x38;
	[tilespmem:$0x16400] =	vst v63  }
0x376: {  	_ =	swait.ge [sflag:s5], $0x4000  }
0x377: {  	[sflag:s5] =	ssyncset.done $0x0  }
0x378: {  	[sflag:s5] =	ssyncadd.s32 $0xFFFFC000  }
0x379: {  	[tilespmem:s10], [sflag:$0x1] =	stream.indirect.gather [hbm4b:s2+s6], $0x20, s23, s6, $0xb8;
	[tilespmem:$0x16400] =	vst v63  }
0x37a: {  	_ =	swait.ge [sflag:s7], $0x4000  }
0x37b: {  	s12 =	sld [smem:$0x7D0]  }
0x37c: {  	[sflag:s7] =	ssyncset.done $0x0  }
0x37d: {  	[sflag:s7] =	ssyncadd.s32 $0xFFFFC000  }
0x37e: {  	[hbm4b:s12+s8] =	stream.strided.scatter [tilespmem:s4], [sflag:$0x2], $0x4000, s9, s8, $0x38;
	[tilespmem:$0x16400] =	vst v63  }
0x37f: {  	_ =	swait.ge [sflag:s5], $0x4000  }
0x380: {  	[sflag:s5] =	ssyncset.done $0x0  }
0x381: {  	[sflag:s5] =	ssyncadd.s32 $0xFFFFC000  }
0x382: {  	[tilespmem:s4], [sflag:$0x1] =	stream.indirect.gather [hbm4b:s2+s6], $0x20, s22, s6, $0xb8;
	[tilespmem:$0x16400] =	vst v63  }
0x383: {  	_ =	swait.ge [sflag:s7], $0x4000  }
0x384: {  	s12 =	sld [smem:$0x7D1]  }
0x385: {  	[sflag:s7] =	ssyncset.done $0x0  }
0x386: {  	[sflag:s7] =	ssyncadd.s32 $0xFFFFC000  }
0x387: {  	[hbm4b:s12+s8] =	stream.strided.scatter [tilespmem:s3], [sflag:$0x2], $0x4000, s9, s8, $0x38;
	[tilespmem:$0x16400] =	vst v63  }
0x388: {  	_ =	swait.ge [sflag:s5], $0x4000  }
0x389: {  	[sflag:s5] =	ssyncset.done $0x0  }
0x38a: {  	[sflag:s5] =	ssyncadd.s32 $0xFFFFC000  }
0x38b: {  	[tilespmem:s3], [sflag:$0x1] =	stream.indirect.gather [hbm4b:s2+s6], $0x20, s21, s6, $0xb8;
	[tilespmem:$0x16400] =	vst v63  }
0x38c: {  	_ =	swait.ge [sflag:s7], $0x4000  }
0x38d: {  	s12 =	sld [smem:$0x7D2]  }
0x38e: {  	[sflag:s7] =	ssyncset.done $0x0  }
0x38f: {  	[sflag:s7] =	ssyncadd.s32 $0xFFFFC000  }
0x390: {  	[hbm4b:s12+s8] =	stream.strided.scatter [tilespmem:s11], [sflag:$0x2], $0x4000, s9, s8, $0x38;
	[tilespmem:$0x16400] =	vst v63  }
0x391: {  	_ =	swait.ge [sflag:s5], $0x4000  }
0x392: {  	[sflag:s5] =	ssyncset.done $0x0  }
0x393: {  	[sflag:s5] =	ssyncadd.s32 $0xFFFFC000  }
0x394: {  	[tilespmem:s11], [sflag:$0x1] =	stream.indirect.gather [hbm4b:s2+s6], $0x20, s20, s6, $0xb8;
	[tilespmem:$0x16400] =	vst v63  }
0x395: {  	_ =	swait.ge [sflag:s7], $0x4000  }
0x396: {  	s12 =	sld [smem:$0x7D3]  }
0x397: {  	[sflag:s7] =	ssyncset.done $0x0  }
0x398: {  	[sflag:s7] =	ssyncadd.s32 $0xFFFFC000  }
0x399: {  	[hbm4b:s12+s8] =	stream.strided.scatter [tilespmem:s10], [sflag:$0x2], $0x4000, s9, s8, $0x38;
	[tilespmem:$0x16400] =	vst v63  }
0x39a: {  	_ =	swait.ge [sflag:s5], $0x4000  }
0x39b: {  	[sflag:s5] =	ssyncset.done $0x0  }
0x39c: {  	[sflag:s5] =	ssyncadd.s32 $0xFFFFC000  }
0x39d: {  	[tilespmem:s10], [sflag:$0x1] =	stream.indirect.gather [hbm4b:s2+s6], $0x20, s19, s6, $0xb8;
	[tilespmem:$0x16400] =	vst v63  }
0x39e: {  	_ =	swait.ge [sflag:s7], $0x4000  }
0x39f: {  	s12 =	sld [smem:$0x7D4]  }
0x3a0: {  	[sflag:s7] =	ssyncset.done $0x0  }
0x3a1: {  	[sflag:s7] =	ssyncadd.s32 $0xFFFFC000  }
0x3a2: {  	[hbm4b:s12+s8] =	stream.strided.scatter [tilespmem:s4], [sflag:$0x2], $0x4000, s9, s8, $0x38;
	[tilespmem:$0x16400] =	vst v63  }
0x3a3: {  	_ =	swait.ge [sflag:s5], $0x4000  }
0x3a4: {  	[sflag:s5] =	ssyncset.done $0x0  }
0x3a5: {  	[sflag:s5] =	ssyncadd.s32 $0xFFFFC000  }
0x3a6: {  	[tilespmem:s4], [sflag:$0x1] =	stream.indirect.gather [hbm4b:s2+s6], $0x20, s18, s6, $0xb8;
	[tilespmem:$0x16400] =	vst v63  }
0x3a7: {  	_ =	swait.ge [sflag:s7], $0x4000  }
0x3a8: {  	s12 =	sld [smem:$0x7D5]  }
0x3a9: {  	[sflag:s7] =	ssyncset.done $0x0  }
0x3aa: {  	[sflag:s7] =	ssyncadd.s32 $0xFFFFC000  }
0x3ab: {  	[hbm4b:s12+s8] =	stream.strided.scatter [tilespmem:s3], [sflag:$0x2], $0x4000, s9, s8, $0x38;
	[tilespmem:$0x16400] =	vst v63  }
0x3ac: {  	_ =	swait.ge [sflag:s5], $0x4000  }
0x3ad: {  	[sflag:s5] =	ssyncset.done $0x0  }
0x3ae: {  	[sflag:s5] =	ssyncadd.s32 $0xFFFFC000  }
0x3af: {  	[tilespmem:s3], [sflag:$0x1] =	stream.indirect.gather [hbm4b:s2+s6], $0x20, s17, s6, $0xb8;
	[tilespmem:$0x16400] =	vst v63  }
0x3b0: {  	_ =	swait.ge [sflag:s7], $0x4000  }
0x3b1: {  	s12 =	sld [smem:$0x7D6]  }
0x3b2: {  	[sflag:s7] =	ssyncset.done $0x0  }
0x3b3: {  	[sflag:s7] =	ssyncadd.s32 $0xFFFFC000  }
0x3b4: {  	[hbm4b:s12+s8] =	stream.strided.scatter [tilespmem:s11], [sflag:$0x2], $0x4000, s9, s8, $0x38;
	[tilespmem:$0x16400] =	vst v63  }
0x3b5: {  	_ =	swait.ge [sflag:s5], $0x4000  }
0x3b6: {  	[sflag:s5] =	ssyncset.done $0x0  }
0x3b7: {  	[sflag:s5] =	ssyncadd.s32 $0xFFFFC000  }
0x3b8: {  	[tilespmem:s11], [sflag:$0x1] =	stream.indirect.gather [hbm4b:s2+s6], $0x20, s16, s6, $0xb8;
	[tilespmem:$0x16400] =	vst v63  }
0x3b9: {  	_ =	swait.ge [sflag:s7], $0x4000  }
0x3ba: {  	s12 =	sld [smem:$0x7D7]  }
0x3bb: {  	[sflag:s7] =	ssyncset.done $0x0  }
0x3bc: {  	[sflag:s7] =	ssyncadd.s32 $0xFFFFC000  }
0x3bd: {  	[hbm4b:s12+s8] =	stream.strided.scatter [tilespmem:s10], [sflag:$0x2], $0x4000, s9, s8, $0x38;
	[tilespmem:$0x16400] =	vst v63  }
0x3be: {  	_ =	swait.ge [sflag:s5], $0x4000  }
0x3bf: {  	[sflag:s5] =	ssyncset.done $0x0  }
0x3c0: {  	[sflag:s5] =	ssyncadd.s32 $0xFFFFC000  }
0x3c1: {  	[tilespmem:s10], [sflag:$0x1] =	stream.indirect.gather [hbm4b:s2+s6], $0x20, s15, s6, $0xb8;
	[tilespmem:$0x16400] =	vst v63  }
0x3c2: {  	_ =	swait.ge [sflag:s7], $0x4000  }
0x3c3: {  	s12 =	sld [smem:$0x7D8]  }
0x3c4: {  	[sflag:s7] =	ssyncset.done $0x0  }
0x3c5: {  	[sflag:s7] =	ssyncadd.s32 $0xFFFFC000  }
0x3c6: {  	[hbm4b:s12+s8] =	stream.strided.scatter [tilespmem:s4], [sflag:$0x2], $0x4000, s9, s8, $0x38;
	[tilespmem:$0x16400] =	vst v63  }
0x3c7: {  	_ =	swait.ge [sflag:s5], $0x4000  }
0x3c8: {  	[sflag:s5] =	ssyncset.done $0x0  }
0x3c9: {  	[sflag:s5] =	ssyncadd.s32 $0xFFFFC000  }
0x3ca: {  	[tilespmem:s4], [sflag:$0x1] =	stream.indirect.gather [hbm4b:s2+s6], $0x20, s14, s6, $0xb8;
	[tilespmem:$0x16400] =	vst v63  }
0x3cb: {  	_ =	swait.ge [sflag:s7], $0x4000  }
0x3cc: {  	s12 =	sld [smem:$0x7D9]  }
0x3cd: {  	[sflag:s7] =	ssyncset.done $0x0  }
0x3ce: {  	[sflag:s7] =	ssyncadd.s32 $0xFFFFC000  }
0x3cf: {  	[hbm4b:s12+s8] =	stream.strided.scatter [tilespmem:s3], [sflag:$0x2], $0x4000, s9, s8, $0x38;
	[tilespmem:$0x16400] =	vst v63  }
0x3d0: {  	_ =	swait.ge [sflag:s5], $0x4000  }
0x3d1: {  	[sflag:s5] =	ssyncset.done $0x0  }
0x3d2: {  	[sflag:s5] =	ssyncadd.s32 $0xFFFFC000  }
0x3d3: {  	[tilespmem:s3], [sflag:$0x1] =	stream.indirect.gather [hbm4b:s2+s6], $0x20, s13, s6, $0xb8;
	[tilespmem:$0x16400] =	vst v63  }
0x3d4: {  	_ =	swait.ge [sflag:s7], $0x4000  }
0x3d5: {  	s12 =	sld [smem:$0x7DA]  }
0x3d6: {  	[sflag:s7] =	ssyncset.done $0x0  }
0x3d7: {  	[sflag:s7] =	ssyncadd.s32 $0xFFFFC000  }
0x3d8: {  	[hbm4b:s12+s8] =	stream.strided.scatter [tilespmem:s11], [sflag:$0x2], $0x4000, s9, s8, $0x38;
	[tilespmem:$0x16400] =	vst v63  }
0x3d9: {  	_ =	swait.ge [sflag:s7], $0x4000  }
0x3da: {  	s12 =	sld [smem:$0x7DB]  }
0x3db: {  	[sflag:s7] =	ssyncset.done $0x0  }
0x3dc: {  	[sflag:s7] =	ssyncadd.s32 $0xFFFFC000  }
0x3dd: {  	[hbm4b:s12+s8] =	stream.strided.scatter [tilespmem:s10], [sflag:$0x2], $0x4000, s9, s8, $0x38;
	[tilespmem:$0x16400] =	vst v63  }
0x3de: {  	_ =	swait.ge [sflag:s7], $0x4000  }
0x3df: {  	s12 =	sld [smem:$0x7DC]  }
0x3e0: {  	[sflag:s7] =	ssyncset.done $0x0  }
0x3e1: {  	[sflag:s7] =	ssyncadd.s32 $0xFFFFC000  }
0x3e2: {  	[hbm4b:s12+s8] =	stream.strided.scatter [tilespmem:s4], [sflag:$0x2], $0x4000, s9, s8, $0x38;
	[tilespmem:$0x16400] =	vst v63  }
0x3e3: {  	_ =	swait.ge [sflag:s7], $0x4000  }
0x3e4: {  	s12 =	sld [smem:$0x7DD]  }
0x3e5: {  	[sflag:s7] =	ssyncset.done $0x0  }
0x3e6: {  	[sflag:s7] =	ssyncadd.s32 $0xFFFFC000  }
0x3e7: {  	[hbm4b:s12+s8] =	stream.strided.scatter [tilespmem:s3], [sflag:$0x2], $0x4000, s9, s8, $0x38;
	[tilespmem:$0x16400] =	vst v63  }
0x3e8: {  	_ =	swait.ge [sflag:s5], $0x4000  }
0x3e9: {  	[sflag:s5] =	ssyncset.done $0x0  }
0x3ea: {  	[sflag:s5] =	ssyncadd.s32 $0xFFFFC000  }
0x3eb: {  	_ =	swait.ge [sflag:s5], $0x4000  }
0x3ec: {  	[sflag:s5] =	ssyncset.done $0x0  }
0x3ed: {  	p1 =	sne.s32 s1, $0x1;
	[sflag:s5] =	ssyncadd.s32 $0xFFFFC000  }
.Ltmp2:
0x3ee: {  	_ =	swait.ge [sflag:s5], $0x4000;
	(pc) =	sbr.rel @p1 .LBB2_4-.Ltmp2, $4  }
0x3ef: {  	[sflag:s5] =	ssyncset.done $0x0  }
0x3f0: {  	[sflag:s5] =	ssyncadd.s32 $0xFFFFC000  }
0x3f1: {  	_ =	swait.ge [sflag:s5], $0x4000  }
0x3f2: {  	s1 =	sadd.s32 $0xFFFFFFFF, s1;
	s0 =	rddreg [dreg:$0x3];
	[sflag:s5] =	ssyncset.done $0x0  }
0x3f3: {  	s13 =	simm.s32 $0x4600;
	s28 =	simm.s32 $0x4800;
	s25 =	simm.s32 $0x4A00  }
0x3f4: {  	s24 =	simm.s32 $0x4C00;
	s23 =	simm.s32 $0x4E00;
	s22 =	simm.s32 $0x5000  }
0x3f5: {  	s21 =	simm.s32 $0x5200;
	s20 =	simm.s32 $0x5400;
	s19 =	simm.s32 $0x5600  }
0x3f6: {  	s18 =	simm.s32 $0x5800;
	s17 =	simm.s32 $0x5A00;
	s16 =	simm.s32 $0x5C00  }
0x3f7: {  	s15 =	simm.s32 $0x5E00;
	s14 =	simm.s32 $0x6000;
	s12 =	stileid.u32  }
.LBB2_6:
0x3f8: {  	[sflag:s5] =	ssyncadd.s32 @p0 $0xFFFFC000  }
0x3f9: {  	[tilespmem:s30], [sflag:$0x3] =	stream.strided.gather [hbm4b:s0+s6], $0x6400, s26, s6, $0x38;
	[tilespmem:$0x16400] =	vst v63  }
0x3fa: {  	_ =	swait.ge [sflag:s31], $0x6400  }
0x3fb: {  	[sflag:s31] =	ssyncset.done $0x0  }
0x3fc: {  	[sflag:s31] =	ssyncadd.s32 $0xFFFF9C00  }
0x3fd: {  	[tilespmem:s4], [sflag:$0x1] =	stream.indirect.gather [hbm4b:s2+s6], $0x20, s30, s6, $0xb8;
	[tilespmem:$0x16400] =	vst v63  }
0x3fe: {  	s31 =	sld [smem:$0x7DE]  }
0x3ff: {  	[tilespmem:s3], [sflag:$0x1] =	stream.indirect.gather [hbm4b:s2+s6], $0x20, s6, s6, $0xb8;
	[tilespmem:$0x16400] =	vst v63  }
0x400: {  	s1 =	sld [smem:$0x7DF]  }
0x401: {  	[tilespmem:s11], [sflag:$0x1] =	stream.indirect.gather [hbm4b:s2+s6], $0x20, s31, s6, $0xb8;
	[tilespmem:$0x16400] =	vst v63  }
0x402: {  	_ = 	snop  }
0x403: {  	[tilespmem:s10], [sflag:$0x1] =	stream.indirect.gather [hbm4b:s2+s6], $0x20, s1, s6, $0xb8;
	[tilespmem:$0x16400] =	vst v63  }
0x404: {  	_ =	swait.ge [sflag:s7], $0x4000  }
0x405: {  	[sflag:s7] =	ssyncset.done $0x0  }
0x406: {  	[sflag:s7] =	ssyncadd.s32 $0xFFFFC000  }
0x407: {  	[hbm4b:s29+s8] =	stream.strided.scatter [tilespmem:s4], [sflag:$0x2], $0x4000, s9, s8, $0x38;
	[tilespmem:$0x16400] =	vst v63  }
0x408: {  	_ =	swait.ge [sflag:s5], $0x4000  }
0x409: {  	s29 =	sld [smem:$0x7E0]  }
0x40a: {  	[sflag:s5] =	ssyncset.done $0x0  }
0x40b: {  	[sflag:s5] =	ssyncadd.s32 $0xFFFFC000  }
0x40c: {  	[tilespmem:s4], [sflag:$0x1] =	stream.indirect.gather [hbm4b:s2+s6], $0x20, s29, s6, $0xb8;
	[tilespmem:$0x16400] =	vst v63  }
0x40d: {  	_ =	swait.ge [sflag:s7], $0x4000  }
0x40e: {  	[sflag:s7] =	ssyncset.done $0x0  }
0x40f: {  	s30 =	rddreg [dreg:$0x4];
	[sflag:s7] =	ssyncadd.s32 $0xFFFFC000  }
0x410: {  	[hbm4b:s30+s8] =	stream.strided.scatter [tilespmem:s3], [sflag:$0x2], $0x4000, s9, s8, $0x38;
	[tilespmem:$0x16400] =	vst v63  }
0x411: {  	_ =	swait.ge [sflag:s5], $0x4000  }
0x412: {  	s31 =	sld [smem:$0x7E1]  }
0x413: {  	[sflag:s5] =	ssyncset.done $0x0  }
0x414: {  	[sflag:s5] =	ssyncadd.s32 $0xFFFFC000  }
0x415: {  	[tilespmem:s3], [sflag:$0x1] =	stream.indirect.gather [hbm4b:s2+s6], $0x20, s31, s6, $0xb8;
	[tilespmem:$0x16400] =	vst v63  }
0x416: {  	_ =	swait.ge [sflag:s7], $0x4000  }
0x417: {  	[sflag:s7] =	ssyncset.done $0x0  }
0x418: {  	s1 =	rddreg [dreg:$0x5];
	[sflag:s7] =	ssyncadd.s32 $0xFFFFC000  }
0x419: {  	[hbm4b:s1+s8] =	stream.strided.scatter [tilespmem:s11], [sflag:$0x2], $0x4000, s9, s8, $0x38;
	[tilespmem:$0x16400] =	vst v63  }
0x41a: {  	_ =	swait.ge [sflag:s5], $0x4000  }
0x41b: {  	s29 =	sld [smem:$0x7E2]  }
0x41c: {  	[sflag:s5] =	ssyncset.done $0x0  }
0x41d: {  	[sflag:s5] =	ssyncadd.s32 $0xFFFFC000  }
0x41e: {  	[tilespmem:s11], [sflag:$0x1] =	stream.indirect.gather [hbm4b:s2+s6], $0x20, s29, s6, $0xb8;
	[tilespmem:$0x16400] =	vst v63  }
0x41f: {  	_ =	swait.ge [sflag:s7], $0x4000  }
0x420: {  	[sflag:s7] =	ssyncset.done $0x0  }
0x421: {  	s30 =	rddreg [dreg:$0x6];
	[sflag:s7] =	ssyncadd.s32 $0xFFFFC000  }
0x422: {  	[hbm4b:s30+s8] =	stream.strided.scatter [tilespmem:s10], [sflag:$0x2], $0x4000, s9, s8, $0x38;
	[tilespmem:$0x16400] =	vst v63  }
0x423: {  	_ =	swait.ge [sflag:s5], $0x4000  }
0x424: {  	s31 =	sld [smem:$0x7E3]  }
0x425: {  	[sflag:s5] =	ssyncset.done $0x0  }
0x426: {  	[sflag:s5] =	ssyncadd.s32 $0xFFFFC000  }
0x427: {  	[tilespmem:s10], [sflag:$0x1] =	stream.indirect.gather [hbm4b:s2+s6], $0x20, s31, s6, $0xb8;
	[tilespmem:$0x16400] =	vst v63  }
0x428: {  	_ =	swait.ge [sflag:s7], $0x4000  }
0x429: {  	[sflag:s7] =	ssyncset.done $0x0  }
0x42a: {  	s1 =	rddreg [dreg:$0x7];
	[sflag:s7] =	ssyncadd.s32 $0xFFFFC000  }
0x42b: {  	[hbm4b:s1+s8] =	stream.strided.scatter [tilespmem:s4], [sflag:$0x2], $0x4000, s9, s8, $0x38;
	[tilespmem:$0x16400] =	vst v63  }
0x42c: {  	_ =	swait.ge [sflag:s5], $0x4000  }
0x42d: {  	s29 =	sld [smem:$0x7E4]  }
0x42e: {  	[sflag:s5] =	ssyncset.done $0x0  }
0x42f: {  	[sflag:s5] =	ssyncadd.s32 $0xFFFFC000  }
0x430: {  	[tilespmem:s4], [sflag:$0x1] =	stream.indirect.gather [hbm4b:s2+s6], $0x20, s29, s6, $0xb8;
	[tilespmem:$0x16400] =	vst v63  }
0x431: {  	_ =	swait.ge [sflag:s7], $0x4000  }
0x432: {  	[sflag:s7] =	ssyncset.done $0x0  }
0x433: {  	s30 =	rddreg [dreg:$0x8];
	[sflag:s7] =	ssyncadd.s32 $0xFFFFC000  }
0x434: {  	[hbm4b:s30+s8] =	stream.strided.scatter [tilespmem:s3], [sflag:$0x2], $0x4000, s9, s8, $0x38;
	[tilespmem:$0x16400] =	vst v63  }
0x435: {  	_ =	swait.ge [sflag:s5], $0x4000  }
0x436: {  	s31 =	sld [smem:$0x7E5]  }
0x437: {  	[sflag:s5] =	ssyncset.done $0x0  }
0x438: {  	[sflag:s5] =	ssyncadd.s32 $0xFFFFC000  }
0x439: {  	[tilespmem:s3], [sflag:$0x1] =	stream.indirect.gather [hbm4b:s2+s6], $0x20, s31, s6, $0xb8;
	[tilespmem:$0x16400] =	vst v63  }
0x43a: {  	_ =	swait.ge [sflag:s7], $0x4000  }
0x43b: {  	[sflag:s7] =	ssyncset.done $0x0  }
0x43c: {  	s1 =	rddreg [dreg:$0x9];
	[sflag:s7] =	ssyncadd.s32 $0xFFFFC000  }
0x43d: {  	[hbm4b:s1+s8] =	stream.strided.scatter [tilespmem:s11], [sflag:$0x2], $0x4000, s9, s8, $0x38;
	[tilespmem:$0x16400] =	vst v63  }
0x43e: {  	_ =	swait.ge [sflag:s5], $0x4000  }
0x43f: {  	s29 =	sld [smem:$0x7E6]  }
0x440: {  	[sflag:s5] =	ssyncset.done $0x0  }
0x441: {  	[sflag:s5] =	ssyncadd.s32 $0xFFFFC000  }
0x442: {  	[tilespmem:s11], [sflag:$0x1] =	stream.indirect.gather [hbm4b:s2+s6], $0x20, s29, s6, $0xb8;
	[tilespmem:$0x16400] =	vst v63  }
0x443: {  	_ =	swait.ge [sflag:s7], $0x4000  }
0x444: {  	[sflag:s7] =	ssyncset.done $0x0  }
0x445: {  	s30 =	rddreg [dreg:$0xa];
	[sflag:s7] =	ssyncadd.s32 $0xFFFFC000  }
0x446: {  	[hbm4b:s30+s8] =	stream.strided.scatter [tilespmem:s10], [sflag:$0x2], $0x4000, s9, s8, $0x38;
	[tilespmem:$0x16400] =	vst v63  }
0x447: {  	_ =	swait.ge [sflag:s5], $0x4000  }
0x448: {  	s31 =	sld [smem:$0x7E7]  }
0x449: {  	[sflag:s5] =	ssyncset.done $0x0  }
0x44a: {  	[sflag:s5] =	ssyncadd.s32 $0xFFFFC000  }
0x44b: {  	[tilespmem:s10], [sflag:$0x1] =	stream.indirect.gather [hbm4b:s2+s6], $0x20, s31, s6, $0xb8;
	[tilespmem:$0x16400] =	vst v63  }
0x44c: {  	_ =	swait.ge [sflag:s7], $0x4000  }
0x44d: {  	[sflag:s7] =	ssyncset.done $0x0  }
0x44e: {  	s1 =	rddreg [dreg:$0xb];
	[sflag:s7] =	ssyncadd.s32 $0xFFFFC000  }
0x44f: {  	[hbm4b:s1+s8] =	stream.strided.scatter [tilespmem:s4], [sflag:$0x2], $0x4000, s9, s8, $0x38;
	[tilespmem:$0x16400] =	vst v63  }
0x450: {  	_ =	swait.ge [sflag:s5], $0x4000  }
0x451: {  	s29 =	sld [smem:$0x7E8]  }
0x452: {  	[sflag:s5] =	ssyncset.done $0x0  }
0x453: {  	[sflag:s5] =	ssyncadd.s32 $0xFFFFC000  }
0x454: {  	[tilespmem:s4], [sflag:$0x1] =	stream.indirect.gather [hbm4b:s2+s6], $0x20, s29, s6, $0xb8;
	[tilespmem:$0x16400] =	vst v63  }
0x455: {  	_ =	swait.ge [sflag:s7], $0x4000  }
0x456: {  	[sflag:s7] =	ssyncset.done $0x0  }
0x457: {  	s30 =	rddreg [dreg:$0xc];
	[sflag:s7] =	ssyncadd.s32 $0xFFFFC000  }
0x458: {  	[hbm4b:s30+s8] =	stream.strided.scatter [tilespmem:s3], [sflag:$0x2], $0x4000, s9, s8, $0x38;
	[tilespmem:$0x16400] =	vst v63  }
0x459: {  	_ =	swait.ge [sflag:s5], $0x4000  }
0x45a: {  	s31 =	sld [smem:$0x7E9]  }
0x45b: {  	[sflag:s5] =	ssyncset.done $0x0  }
0x45c: {  	[sflag:s5] =	ssyncadd.s32 $0xFFFFC000  }
0x45d: {  	[tilespmem:s3], [sflag:$0x1] =	stream.indirect.gather [hbm4b:s2+s6], $0x20, s31, s6, $0xb8;
	[tilespmem:$0x16400] =	vst v63  }
0x45e: {  	_ =	swait.ge [sflag:s7], $0x4000  }
0x45f: {  	[sflag:s7] =	ssyncset.done $0x0  }
0x460: {  	s1 =	rddreg [dreg:$0xd];
	[sflag:s7] =	ssyncadd.s32 $0xFFFFC000  }
0x461: {  	[hbm4b:s1+s8] =	stream.strided.scatter [tilespmem:s11], [sflag:$0x2], $0x4000, s9, s8, $0x38;
	[tilespmem:$0x16400] =	vst v63  }
0x462: {  	_ =	swait.ge [sflag:s5], $0x4000  }
0x463: {  	s29 =	sld [smem:$0x7EA]  }
0x464: {  	[sflag:s5] =	ssyncset.done $0x0  }
0x465: {  	[sflag:s5] =	ssyncadd.s32 $0xFFFFC000  }
0x466: {  	[tilespmem:s11], [sflag:$0x1] =	stream.indirect.gather [hbm4b:s2+s6], $0x20, s29, s6, $0xb8;
	[tilespmem:$0x16400] =	vst v63  }
0x467: {  	_ =	swait.ge [sflag:s7], $0x4000  }
0x468: {  	[sflag:s7] =	ssyncset.done $0x0  }
0x469: {  	s30 =	rddreg [dreg:$0xe];
	[sflag:s7] =	ssyncadd.s32 $0xFFFFC000  }
0x46a: {  	[hbm4b:s30+s8] =	stream.strided.scatter [tilespmem:s10], [sflag:$0x2], $0x4000, s9, s8, $0x38;
	[tilespmem:$0x16400] =	vst v63  }
0x46b: {  	_ =	swait.ge [sflag:s5], $0x4000  }
0x46c: {  	s31 =	sld [smem:$0x7EB]  }
0x46d: {  	[sflag:s5] =	ssyncset.done $0x0  }
0x46e: {  	[sflag:s5] =	ssyncadd.s32 $0xFFFFC000  }
0x46f: {  	[tilespmem:s10], [sflag:$0x1] =	stream.indirect.gather [hbm4b:s2+s6], $0x20, s31, s6, $0xb8;
	[tilespmem:$0x16400] =	vst v63  }
0x470: {  	_ =	swait.ge [sflag:s7], $0x4000  }
0x471: {  	[sflag:s7] =	ssyncset.done $0x0  }
0x472: {  	s1 =	rddreg [dreg:$0xf];
	[sflag:s7] =	ssyncadd.s32 $0xFFFFC000  }
0x473: {  	[hbm4b:s1+s8] =	stream.strided.scatter [tilespmem:s4], [sflag:$0x2], $0x4000, s9, s8, $0x38;
	[tilespmem:$0x16400] =	vst v63  }
0x474: {  	_ =	swait.ge [sflag:s5], $0x4000  }
0x475: {  	s29 =	sld [smem:$0x7EC]  }
0x476: {  	[sflag:s5] =	ssyncset.done $0x0  }
0x477: {  	[sflag:s5] =	ssyncadd.s32 $0xFFFFC000  }
0x478: {  	[tilespmem:s4], [sflag:$0x1] =	stream.indirect.gather [hbm4b:s2+s6], $0x20, s29, s6, $0xb8;
	[tilespmem:$0x16400] =	vst v63  }
0x479: {  	_ =	swait.ge [sflag:s7], $0x4000  }
0x47a: {  	[sflag:s7] =	ssyncset.done $0x0  }
0x47b: {  	s30 =	rddreg [dreg:$0x10];
	[sflag:s7] =	ssyncadd.s32 $0xFFFFC000  }
0x47c: {  	[hbm4b:s30+s8] =	stream.strided.scatter [tilespmem:s3], [sflag:$0x2], $0x4000, s9, s8, $0x38;
	[tilespmem:$0x16400] =	vst v63  }
0x47d: {  	_ =	swait.ge [sflag:s5], $0x4000  }
0x47e: {  	s31 =	sld [smem:$0x7ED]  }
0x47f: {  	[sflag:s5] =	ssyncset.done $0x0  }
0x480: {  	[sflag:s5] =	ssyncadd.s32 $0xFFFFC000  }
0x481: {  	[tilespmem:s3], [sflag:$0x1] =	stream.indirect.gather [hbm4b:s2+s6], $0x20, s31, s6, $0xb8;
	[tilespmem:$0x16400] =	vst v63  }
0x482: {  	_ =	swait.ge [sflag:s7], $0x4000  }
0x483: {  	[sflag:s7] =	ssyncset.done $0x0  }
0x484: {  	s1 =	rddreg [dreg:$0x11];
	[sflag:s7] =	ssyncadd.s32 $0xFFFFC000  }
0x485: {  	[hbm4b:s1+s8] =	stream.strided.scatter [tilespmem:s11], [sflag:$0x2], $0x4000, s9, s8, $0x38;
	[tilespmem:$0x16400] =	vst v63  }
0x486: {  	_ =	swait.ge [sflag:s5], $0x4000  }
0x487: {  	s29 =	sld [smem:$0x7EE]  }
0x488: {  	[sflag:s5] =	ssyncset.done $0x0  }
0x489: {  	[sflag:s5] =	ssyncadd.s32 $0xFFFFC000  }
0x48a: {  	[tilespmem:s11], [sflag:$0x1] =	stream.indirect.gather [hbm4b:s2+s6], $0x20, s29, s6, $0xb8;
	[tilespmem:$0x16400] =	vst v63  }
0x48b: {  	_ =	swait.ge [sflag:s7], $0x4000  }
0x48c: {  	[sflag:s7] =	ssyncset.done $0x0  }
0x48d: {  	s30 =	rddreg [dreg:$0x12];
	[sflag:s7] =	ssyncadd.s32 $0xFFFFC000  }
0x48e: {  	[hbm4b:s30+s8] =	stream.strided.scatter [tilespmem:s10], [sflag:$0x2], $0x4000, s9, s8, $0x38;
	[tilespmem:$0x16400] =	vst v63  }
0x48f: {  	_ =	swait.ge [sflag:s5], $0x4000  }
0x490: {  	s31 =	sld [smem:$0x7EF]  }
0x491: {  	[sflag:s5] =	ssyncset.done $0x0  }
0x492: {  	[sflag:s5] =	ssyncadd.s32 $0xFFFFC000  }
0x493: {  	[tilespmem:s10], [sflag:$0x1] =	stream.indirect.gather [hbm4b:s2+s6], $0x20, s31, s6, $0xb8;
	[tilespmem:$0x16400] =	vst v63  }
0x494: {  	_ =	swait.ge [sflag:s7], $0x4000  }
0x495: {  	[sflag:s7] =	ssyncset.done $0x0  }
0x496: {  	s1 =	rddreg [dreg:$0x13];
	[sflag:s7] =	ssyncadd.s32 $0xFFFFC000  }
0x497: {  	[hbm4b:s1+s8] =	stream.strided.scatter [tilespmem:s4], [sflag:$0x2], $0x4000, s9, s8, $0x38;
	[tilespmem:$0x16400] =	vst v63  }
0x498: {  	_ =	swait.ge [sflag:s5], $0x4000  }
0x499: {  	s29 =	sld [smem:$0x7F0]  }
0x49a: {  	[sflag:s5] =	ssyncset.done $0x0  }
0x49b: {  	[sflag:s5] =	ssyncadd.s32 $0xFFFFC000  }
0x49c: {  	[tilespmem:s4], [sflag:$0x1] =	stream.indirect.gather [hbm4b:s2+s6], $0x20, s29, s6, $0xb8;
	[tilespmem:$0x16400] =	vst v63  }
0x49d: {  	_ =	swait.ge [sflag:s7], $0x4000  }
0x49e: {  	[sflag:s7] =	ssyncset.done $0x0  }
0x49f: {  	s30 =	rddreg [dreg:$0x14];
	[sflag:s7] =	ssyncadd.s32 $0xFFFFC000  }
0x4a0: {  	[hbm4b:s30+s8] =	stream.strided.scatter [tilespmem:s3], [sflag:$0x2], $0x4000, s9, s8, $0x38;
	[tilespmem:$0x16400] =	vst v63  }
0x4a1: {  	_ =	swait.ge [sflag:s5], $0x4000  }
0x4a2: {  	s31 =	sld [smem:$0x7F1]  }
0x4a3: {  	[sflag:s5] =	ssyncset.done $0x0  }
0x4a4: {  	[sflag:s5] =	ssyncadd.s32 $0xFFFFC000  }
0x4a5: {  	[tilespmem:s3], [sflag:$0x1] =	stream.indirect.gather [hbm4b:s2+s6], $0x20, s31, s6, $0xb8;
	[tilespmem:$0x16400] =	vst v63  }
0x4a6: {  	_ =	swait.ge [sflag:s7], $0x4000  }
0x4a7: {  	[sflag:s7] =	ssyncset.done $0x0  }
0x4a8: {  	s1 =	rddreg [dreg:$0x15];
	[sflag:s7] =	ssyncadd.s32 $0xFFFFC000  }
0x4a9: {  	[hbm4b:s1+s8] =	stream.strided.scatter [tilespmem:s11], [sflag:$0x2], $0x4000, s9, s8, $0x38;
	[tilespmem:$0x16400] =	vst v63  }
0x4aa: {  	_ =	swait.ge [sflag:s5], $0x4000  }
0x4ab: {  	s29 =	sld [smem:$0x7F2]  }
0x4ac: {  	[sflag:s5] =	ssyncset.done $0x0  }
0x4ad: {  	[sflag:s5] =	ssyncadd.s32 $0xFFFFC000  }
0x4ae: {  	[tilespmem:s11], [sflag:$0x1] =	stream.indirect.gather [hbm4b:s2+s6], $0x20, s29, s6, $0xb8;
	[tilespmem:$0x16400] =	vst v63  }
0x4af: {  	_ =	swait.ge [sflag:s7], $0x4000  }
0x4b0: {  	[sflag:s7] =	ssyncset.done $0x0  }
0x4b1: {  	s30 =	rddreg [dreg:$0x16];
	[sflag:s7] =	ssyncadd.s32 $0xFFFFC000  }
0x4b2: {  	[hbm4b:s30+s8] =	stream.strided.scatter [tilespmem:s10], [sflag:$0x2], $0x4000, s9, s8, $0x38;
	[tilespmem:$0x16400] =	vst v63  }
0x4b3: {  	_ =	swait.ge [sflag:s5], $0x4000  }
0x4b4: {  	s31 =	sld [smem:$0x7F3]  }
0x4b5: {  	[sflag:s5] =	ssyncset.done $0x0  }
0x4b6: {  	[sflag:s5] =	ssyncadd.s32 $0xFFFFC000  }
0x4b7: {  	[tilespmem:s10], [sflag:$0x1] =	stream.indirect.gather [hbm4b:s2+s6], $0x20, s31, s6, $0xb8;
	[tilespmem:$0x16400] =	vst v63  }
0x4b8: {  	_ =	swait.ge [sflag:s7], $0x4000  }
0x4b9: {  	[sflag:s7] =	ssyncset.done $0x0  }
0x4ba: {  	s1 =	rddreg [dreg:$0x17];
	[sflag:s7] =	ssyncadd.s32 $0xFFFFC000  }
0x4bb: {  	[hbm4b:s1+s8] =	stream.strided.scatter [tilespmem:s4], [sflag:$0x2], $0x4000, s9, s8, $0x38;
	[tilespmem:$0x16400] =	vst v63  }
0x4bc: {  	_ =	swait.ge [sflag:s5], $0x4000  }
0x4bd: {  	s29 =	sld [smem:$0x7F4]  }
0x4be: {  	[sflag:s5] =	ssyncset.done $0x0  }
0x4bf: {  	[sflag:s5] =	ssyncadd.s32 $0xFFFFC000  }
0x4c0: {  	[tilespmem:s4], [sflag:$0x1] =	stream.indirect.gather [hbm4b:s2+s6], $0x20, s29, s6, $0xb8;
	[tilespmem:$0x16400] =	vst v63  }
0x4c1: {  	_ =	swait.ge [sflag:s7], $0x4000  }
0x4c2: {  	[sflag:s7] =	ssyncset.done $0x0  }
0x4c3: {  	s30 =	rddreg [dreg:$0x18];
	[sflag:s7] =	ssyncadd.s32 $0xFFFFC000  }
0x4c4: {  	[hbm4b:s30+s8] =	stream.strided.scatter [tilespmem:s3], [sflag:$0x2], $0x4000, s9, s8, $0x38;
	[tilespmem:$0x16400] =	vst v63  }
0x4c5: {  	_ =	swait.ge [sflag:s5], $0x4000  }
0x4c6: {  	s31 =	sld [smem:$0x7F5]  }
0x4c7: {  	[sflag:s5] =	ssyncset.done $0x0  }
0x4c8: {  	[sflag:s5] =	ssyncadd.s32 $0xFFFFC000  }
0x4c9: {  	[tilespmem:s3], [sflag:$0x1] =	stream.indirect.gather [hbm4b:s2+s6], $0x20, s31, s6, $0xb8;
	[tilespmem:$0x16400] =	vst v63  }
0x4ca: {  	_ =	swait.ge [sflag:s7], $0x4000  }
0x4cb: {  	[sflag:s7] =	ssyncset.done $0x0  }
0x4cc: {  	s1 =	rddreg [dreg:$0x19];
	[sflag:s7] =	ssyncadd.s32 $0xFFFFC000  }
0x4cd: {  	[hbm4b:s1+s8] =	stream.strided.scatter [tilespmem:s11], [sflag:$0x2], $0x4000, s9, s8, $0x38;
	[tilespmem:$0x16400] =	vst v63  }
0x4ce: {  	_ =	swait.ge [sflag:s5], $0x4000  }
0x4cf: {  	s29 =	sld [smem:$0x7F6]  }
0x4d0: {  	[sflag:s5] =	ssyncset.done $0x0  }
0x4d1: {  	[sflag:s5] =	ssyncadd.s32 $0xFFFFC000  }
0x4d2: {  	[tilespmem:s11], [sflag:$0x1] =	stream.indirect.gather [hbm4b:s2+s6], $0x20, s29, s6, $0xb8;
	[tilespmem:$0x16400] =	vst v63  }
0x4d3: {  	_ =	swait.ge [sflag:s7], $0x4000  }
0x4d4: {  	[sflag:s7] =	ssyncset.done $0x0  }
0x4d5: {  	s30 =	rddreg [dreg:$0x1a];
	[sflag:s7] =	ssyncadd.s32 $0xFFFFC000  }
0x4d6: {  	[hbm4b:s30+s8] =	stream.strided.scatter [tilespmem:s10], [sflag:$0x2], $0x4000, s9, s8, $0x38;
	[tilespmem:$0x16400] =	vst v63  }
0x4d7: {  	_ =	swait.ge [sflag:s5], $0x4000  }
0x4d8: {  	s31 =	sld [smem:$0x7F7]  }
0x4d9: {  	[sflag:s5] =	ssyncset.done $0x0  }
0x4da: {  	[sflag:s5] =	ssyncadd.s32 $0xFFFFC000  }
0x4db: {  	[tilespmem:s10], [sflag:$0x1] =	stream.indirect.gather [hbm4b:s2+s6], $0x20, s31, s6, $0xb8;
	[tilespmem:$0x16400] =	vst v63  }
0x4dc: {  	_ =	swait.ge [sflag:s7], $0x4000  }
0x4dd: {  	[sflag:s7] =	ssyncset.done $0x0  }
0x4de: {  	s1 =	rddreg [dreg:$0x1b];
	[sflag:s7] =	ssyncadd.s32 $0xFFFFC000  }
0x4df: {  	[hbm4b:s1+s8] =	stream.strided.scatter [tilespmem:s4], [sflag:$0x2], $0x4000, s9, s8, $0x38;
	[tilespmem:$0x16400] =	vst v63  }
0x4e0: {  	_ =	swait.ge [sflag:s5], $0x4000  }
0x4e1: {  	s29 =	sld [smem:$0x7F8]  }
0x4e2: {  	[sflag:s5] =	ssyncset.done $0x0  }
0x4e3: {  	[sflag:s5] =	ssyncadd.s32 $0xFFFFC000  }
0x4e4: {  	[tilespmem:s4], [sflag:$0x1] =	stream.indirect.gather [hbm4b:s2+s6], $0x20, s29, s6, $0xb8;
	[tilespmem:$0x16400] =	vst v63  }
0x4e5: {  	_ =	swait.ge [sflag:s7], $0x4000  }
0x4e6: {  	[sflag:s7] =	ssyncset.done $0x0  }
0x4e7: {  	s30 =	rddreg [dreg:$0x1c];
	[sflag:s7] =	ssyncadd.s32 $0xFFFFC000  }
0x4e8: {  	[hbm4b:s30+s8] =	stream.strided.scatter [tilespmem:s3], [sflag:$0x2], $0x4000, s9, s8, $0x38;
	[tilespmem:$0x16400] =	vst v63  }
0x4e9: {  	_ =	swait.ge [sflag:s5], $0x4000  }
0x4ea: {  	s31 =	sld [smem:$0x7F9]  }
0x4eb: {  	[sflag:s5] =	ssyncset.done $0x0  }
0x4ec: {  	[sflag:s5] =	ssyncadd.s32 $0xFFFFC000  }
0x4ed: {  	[tilespmem:s3], [sflag:$0x1] =	stream.indirect.gather [hbm4b:s2+s6], $0x20, s31, s6, $0xb8;
	[tilespmem:$0x16400] =	vst v63  }
0x4ee: {  	_ =	swait.ge [sflag:s7], $0x4000  }
0x4ef: {  	[sflag:s7] =	ssyncset.done $0x0  }
0x4f0: {  	s1 =	rddreg [dreg:$0x1d];
	[sflag:s7] =	ssyncadd.s32 $0xFFFFC000  }
0x4f1: {  	[hbm4b:s1+s8] =	stream.strided.scatter [tilespmem:s11], [sflag:$0x2], $0x4000, s9, s8, $0x38;
	[tilespmem:$0x16400] =	vst v63  }
0x4f2: {  	_ =	swait.ge [sflag:s5], $0x4000  }
0x4f3: {  	s29 =	sld [smem:$0x7FA]  }
0x4f4: {  	[sflag:s5] =	ssyncset.done $0x0  }
0x4f5: {  	[sflag:s5] =	ssyncadd.s32 $0xFFFFC000  }
0x4f6: {  	[tilespmem:s11], [sflag:$0x1] =	stream.indirect.gather [hbm4b:s2+s6], $0x20, s29, s6, $0xb8;
	[tilespmem:$0x16400] =	vst v63  }
0x4f7: {  	_ =	swait.ge [sflag:s7], $0x4000  }
0x4f8: {  	[sflag:s7] =	ssyncset.done $0x0  }
0x4f9: {  	s30 =	rddreg [dreg:$0x1e];
	[sflag:s7] =	ssyncadd.s32 $0xFFFFC000  }
0x4fa: {  	[hbm4b:s30+s8] =	stream.strided.scatter [tilespmem:s10], [sflag:$0x2], $0x4000, s9, s8, $0x38;
	[tilespmem:$0x16400] =	vst v63  }
0x4fb: {  	_ =	swait.ge [sflag:s5], $0x4000  }
0x4fc: {  	s31 =	sld [smem:$0x7FB]  }
0x4fd: {  	[sflag:s5] =	ssyncset.done $0x0  }
0x4fe: {  	[sflag:s5] =	ssyncadd.s32 $0xFFFFC000  }
0x4ff: {  	[tilespmem:s10], [sflag:$0x1] =	stream.indirect.gather [hbm4b:s2+s6], $0x20, s31, s6, $0xb8;
	[tilespmem:$0x16400] =	vst v63  }
0x500: {  	_ =	swait.ge [sflag:s7], $0x4000  }
0x501: {  	[sflag:s7] =	ssyncset.done $0x0  }
0x502: {  	s1 =	rddreg [dreg:$0x1f];
	[sflag:s7] =	ssyncadd.s32 $0xFFFFC000  }
0x503: {  	[hbm4b:s1+s8] =	stream.strided.scatter [tilespmem:s4], [sflag:$0x2], $0x4000, s9, s8, $0x38;
	[tilespmem:$0x16400] =	vst v63  }
0x504: {  	_ =	swait.ge [sflag:s5], $0x4000  }
0x505: {  	[sflag:s5] =	ssyncset.done $0x0  }
0x506: {  	[sflag:s5] =	ssyncadd.s32 $0xFFFFC000  }
0x507: {  	[tilespmem:s4], [sflag:$0x1] =	stream.indirect.gather [hbm4b:s2+s6], $0x20, s26, s6, $0xb8;
	[tilespmem:$0x16400] =	vst v63  }
0x508: {  	_ =	swait.ge [sflag:s7], $0x4000  }
0x509: {  	s26 =	sld [smem:$0x7C9]  }
0x50a: {  	[sflag:s7] =	ssyncset.done $0x0  }
0x50b: {  	[sflag:s7] =	ssyncadd.s32 $0xFFFFC000  }
0x50c: {  	[hbm4b:s26+s8] =	stream.strided.scatter [tilespmem:s3], [sflag:$0x2], $0x4000, s9, s8, $0x38;
	[tilespmem:$0x16400] =	vst v63  }
0x50d: {  	_ =	swait.ge [sflag:s5], $0x4000  }
0x50e: {  	s29 =	sld [smem:$0x7FC]  }
0x50f: {  	[sflag:s5] =	ssyncset.done $0x0  }
0x510: {  	[sflag:s5] =	ssyncadd.s32 $0xFFFFC000  }
0x511: {  	[tilespmem:s3], [sflag:$0x1] =	stream.indirect.gather [hbm4b:s2+s6], $0x20, s29, s6, $0xb8;
	[tilespmem:$0x16400] =	vst v63  }
0x512: {  	_ =	swait.ge [sflag:s7], $0x4000  }
0x513: {  	s30 =	sld [smem:$0x7CA]  }
0x514: {  	[sflag:s7] =	ssyncset.done $0x0  }
0x515: {  	[sflag:s7] =	ssyncadd.s32 $0xFFFFC000  }
0x516: {  	[hbm4b:s30+s8] =	stream.strided.scatter [tilespmem:s11], [sflag:$0x2], $0x4000, s9, s8, $0x38;
	[tilespmem:$0x16400] =	vst v63  }
0x517: {  	_ =	swait.ge [sflag:s5], $0x4000  }
0x518: {  	s31 =	sld [smem:$0x7FD]  }
0x519: {  	[sflag:s5] =	ssyncset.done $0x0  }
0x51a: {  	[sflag:s5] =	ssyncadd.s32 $0xFFFFC000  }
0x51b: {  	[tilespmem:s11], [sflag:$0x1] =	stream.indirect.gather [hbm4b:s2+s6], $0x20, s31, s6, $0xb8;
	[tilespmem:$0x16400] =	vst v63  }
0x51c: {  	_ =	swait.ge [sflag:s7], $0x4000  }
0x51d: {  	s1 =	sld [smem:$0x7CB]  }
0x51e: {  	[sflag:s7] =	ssyncset.done $0x0  }
0x51f: {  	[sflag:s7] =	ssyncadd.s32 $0xFFFFC000  }
0x520: {  	[hbm4b:s1+s8] =	stream.strided.scatter [tilespmem:s10], [sflag:$0x2], $0x4000, s9, s8, $0x38;
	[tilespmem:$0x16400] =	vst v63  }
0x521: {  	_ =	swait.ge [sflag:s5], $0x4000  }
0x522: {  	[sflag:s5] =	ssyncset.done $0x0  }
0x523: {  	[sflag:s5] =	ssyncadd.s32 $0xFFFFC000  }
0x524: {  	[tilespmem:s10], [sflag:$0x1] =	stream.indirect.gather [hbm4b:s2+s6], $0x20, s13, s6, $0xb8;
	[tilespmem:$0x16400] =	vst v63  }
0x525: {  	_ =	swait.ge [sflag:s7], $0x4000  }
0x526: {  	s13 =	sld [smem:$0x7CC]  }
0x527: {  	[sflag:s7] =	ssyncset.done $0x0  }
0x528: {  	[sflag:s7] =	ssyncadd.s32 $0xFFFFC000  }
0x529: {  	[hbm4b:s13+s8] =	stream.strided.scatter [tilespmem:s4], [sflag:$0x2], $0x4000, s9, s8, $0x38;
	[tilespmem:$0x16400] =	vst v63  }
0x52a: {  	_ =	swait.ge [sflag:s5], $0x4000  }
0x52b: {  	[sflag:s5] =	ssyncset.done $0x0  }
0x52c: {  	[sflag:s5] =	ssyncadd.s32 $0xFFFFC000  }
0x52d: {  	[tilespmem:s4], [sflag:$0x1] =	stream.indirect.gather [hbm4b:s2+s6], $0x20, s28, s6, $0xb8;
	[tilespmem:$0x16400] =	vst v63  }
0x52e: {  	_ =	swait.ge [sflag:s7], $0x4000  }
0x52f: {  	s26 =	sld [smem:$0x7CD]  }
0x530: {  	[sflag:s7] =	ssyncset.done $0x0  }
0x531: {  	[sflag:s7] =	ssyncadd.s32 $0xFFFFC000  }
0x532: {  	[hbm4b:s26+s8] =	stream.strided.scatter [tilespmem:s3], [sflag:$0x2], $0x4000, s9, s8, $0x38;
	[tilespmem:$0x16400] =	vst v63  }
0x533: {  	_ =	swait.ge [sflag:s5], $0x4000  }
0x534: {  	[sflag:s5] =	ssyncset.done $0x0  }
0x535: {  	[sflag:s5] =	ssyncadd.s32 $0xFFFFC000  }
0x536: {  	[tilespmem:s3], [sflag:$0x1] =	stream.indirect.gather [hbm4b:s2+s6], $0x20, s25, s6, $0xb8;
	[tilespmem:$0x16400] =	vst v63  }
0x537: {  	_ =	swait.ge [sflag:s7], $0x4000  }
0x538: {  	s28 =	sld [smem:$0x7CE]  }
0x539: {  	[sflag:s7] =	ssyncset.done $0x0  }
0x53a: {  	[sflag:s7] =	ssyncadd.s32 $0xFFFFC000  }
0x53b: {  	[hbm4b:s28+s8] =	stream.strided.scatter [tilespmem:s11], [sflag:$0x2], $0x4000, s9, s8, $0x38;
	[tilespmem:$0x16400] =	vst v63  }
0x53c: {  	_ =	swait.ge [sflag:s5], $0x4000  }
0x53d: {  	[sflag:s5] =	ssyncset.done $0x0  }
0x53e: {  	[sflag:s5] =	ssyncadd.s32 $0xFFFFC000  }
0x53f: {  	[tilespmem:s11], [sflag:$0x1] =	stream.indirect.gather [hbm4b:s2+s6], $0x20, s24, s6, $0xb8;
	[tilespmem:$0x16400] =	vst v63  }
0x540: {  	_ =	swait.ge [sflag:s7], $0x4000  }
0x541: {  	s29 =	sld [smem:$0x7CF]  }
0x542: {  	[sflag:s7] =	ssyncset.done $0x0  }
0x543: {  	[sflag:s7] =	ssyncadd.s32 $0xFFFFC000  }
0x544: {  	[hbm4b:s29+s8] =	stream.strided.scatter [tilespmem:s10], [sflag:$0x2], $0x4000, s9, s8, $0x38;
	[tilespmem:$0x16400] =	vst v63  }
0x545: {  	_ =	swait.ge [sflag:s5], $0x4000  }
0x546: {  	[sflag:s5] =	ssyncset.done $0x0  }
0x547: {  	[sflag:s5] =	ssyncadd.s32 $0xFFFFC000  }
0x548: {  	[tilespmem:s10], [sflag:$0x1] =	stream.indirect.gather [hbm4b:s2+s6], $0x20, s23, s6, $0xb8;
	[tilespmem:$0x16400] =	vst v63  }
0x549: {  	_ =	swait.ge [sflag:s7], $0x4000  }
0x54a: {  	s30 =	sld [smem:$0x7D0]  }
0x54b: {  	[sflag:s7] =	ssyncset.done $0x0  }
0x54c: {  	[sflag:s7] =	ssyncadd.s32 $0xFFFFC000  }
0x54d: {  	[hbm4b:s30+s8] =	stream.strided.scatter [tilespmem:s4], [sflag:$0x2], $0x4000, s9, s8, $0x38;
	[tilespmem:$0x16400] =	vst v63  }
0x54e: {  	_ =	swait.ge [sflag:s5], $0x4000  }
0x54f: {  	[sflag:s5] =	ssyncset.done $0x0  }
0x550: {  	[sflag:s5] =	ssyncadd.s32 $0xFFFFC000  }
0x551: {  	[tilespmem:s4], [sflag:$0x1] =	stream.indirect.gather [hbm4b:s2+s6], $0x20, s22, s6, $0xb8;
	[tilespmem:$0x16400] =	vst v63  }
0x552: {  	_ =	swait.ge [sflag:s7], $0x4000  }
0x553: {  	s31 =	sld [smem:$0x7D1]  }
0x554: {  	[sflag:s7] =	ssyncset.done $0x0  }
0x555: {  	[sflag:s7] =	ssyncadd.s32 $0xFFFFC000  }
0x556: {  	[hbm4b:s31+s8] =	stream.strided.scatter [tilespmem:s3], [sflag:$0x2], $0x4000, s9, s8, $0x38;
	[tilespmem:$0x16400] =	vst v63  }
0x557: {  	_ =	swait.ge [sflag:s5], $0x4000  }
0x558: {  	[sflag:s5] =	ssyncset.done $0x0  }
0x559: {  	[sflag:s5] =	ssyncadd.s32 $0xFFFFC000  }
0x55a: {  	[tilespmem:s3], [sflag:$0x1] =	stream.indirect.gather [hbm4b:s2+s6], $0x20, s21, s6, $0xb8;
	[tilespmem:$0x16400] =	vst v63  }
0x55b: {  	_ =	swait.ge [sflag:s7], $0x4000  }
0x55c: {  	s1 =	sld [smem:$0x7D2]  }
0x55d: {  	[sflag:s7] =	ssyncset.done $0x0  }
0x55e: {  	[sflag:s7] =	ssyncadd.s32 $0xFFFFC000  }
0x55f: {  	[hbm4b:s1+s8] =	stream.strided.scatter [tilespmem:s11], [sflag:$0x2], $0x4000, s9, s8, $0x38;
	[tilespmem:$0x16400] =	vst v63  }
0x560: {  	_ =	swait.ge [sflag:s5], $0x4000  }
0x561: {  	[sflag:s5] =	ssyncset.done $0x0  }
0x562: {  	[sflag:s5] =	ssyncadd.s32 $0xFFFFC000  }
0x563: {  	[tilespmem:s11], [sflag:$0x1] =	stream.indirect.gather [hbm4b:s2+s6], $0x20, s20, s6, $0xb8;
	[tilespmem:$0x16400] =	vst v63  }
0x564: {  	_ =	swait.ge [sflag:s7], $0x4000  }
0x565: {  	s13 =	sld [smem:$0x7D3]  }
0x566: {  	[sflag:s7] =	ssyncset.done $0x0  }
0x567: {  	[sflag:s7] =	ssyncadd.s32 $0xFFFFC000  }
0x568: {  	[hbm4b:s13+s8] =	stream.strided.scatter [tilespmem:s10], [sflag:$0x2], $0x4000, s9, s8, $0x38;
	[tilespmem:$0x16400] =	vst v63  }
0x569: {  	_ =	swait.ge [sflag:s5], $0x4000  }
0x56a: {  	[sflag:s5] =	ssyncset.done $0x0  }
0x56b: {  	[sflag:s5] =	ssyncadd.s32 $0xFFFFC000  }
0x56c: {  	[tilespmem:s10], [sflag:$0x1] =	stream.indirect.gather [hbm4b:s2+s6], $0x20, s19, s6, $0xb8;
	[tilespmem:$0x16400] =	vst v63  }
0x56d: {  	_ =	swait.ge [sflag:s7], $0x4000  }
0x56e: {  	s20 =	sld [smem:$0x7D4]  }
0x56f: {  	[sflag:s7] =	ssyncset.done $0x0  }
0x570: {  	[sflag:s7] =	ssyncadd.s32 $0xFFFFC000  }
0x571: {  	[hbm4b:s20+s8] =	stream.strided.scatter [tilespmem:s4], [sflag:$0x2], $0x4000, s9, s8, $0x38;
	[tilespmem:$0x16400] =	vst v63  }
0x572: {  	_ =	swait.ge [sflag:s5], $0x4000  }
0x573: {  	[sflag:s5] =	ssyncset.done $0x0  }
0x574: {  	[sflag:s5] =	ssyncadd.s32 $0xFFFFC000  }
0x575: {  	[tilespmem:s4], [sflag:$0x1] =	stream.indirect.gather [hbm4b:s2+s6], $0x20, s18, s6, $0xb8;
	[tilespmem:$0x16400] =	vst v63  }
0x576: {  	_ =	swait.ge [sflag:s7], $0x4000  }
0x577: {  	s21 =	sld [smem:$0x7D5]  }
0x578: {  	[sflag:s7] =	ssyncset.done $0x0  }
0x579: {  	[sflag:s7] =	ssyncadd.s32 $0xFFFFC000  }
0x57a: {  	[hbm4b:s21+s8] =	stream.strided.scatter [tilespmem:s3], [sflag:$0x2], $0x4000, s9, s8, $0x38;
	[tilespmem:$0x16400] =	vst v63  }
0x57b: {  	_ =	swait.ge [sflag:s5], $0x4000  }
0x57c: {  	[sflag:s5] =	ssyncset.done $0x0  }
0x57d: {  	[sflag:s5] =	ssyncadd.s32 $0xFFFFC000  }
0x57e: {  	[tilespmem:s3], [sflag:$0x1] =	stream.indirect.gather [hbm4b:s2+s6], $0x20, s17, s6, $0xb8;
	[tilespmem:$0x16400] =	vst v63  }
0x57f: {  	_ =	swait.ge [sflag:s7], $0x4000  }
0x580: {  	s22 =	sld [smem:$0x7D6]  }
0x581: {  	[sflag:s7] =	ssyncset.done $0x0  }
0x582: {  	[sflag:s7] =	ssyncadd.s32 $0xFFFFC000  }
0x583: {  	[hbm4b:s22+s8] =	stream.strided.scatter [tilespmem:s11], [sflag:$0x2], $0x4000, s9, s8, $0x38;
	[tilespmem:$0x16400] =	vst v63  }
0x584: {  	_ =	swait.ge [sflag:s5], $0x4000  }
0x585: {  	[sflag:s5] =	ssyncset.done $0x0  }
0x586: {  	[sflag:s5] =	ssyncadd.s32 $0xFFFFC000  }
0x587: {  	[tilespmem:s11], [sflag:$0x1] =	stream.indirect.gather [hbm4b:s2+s6], $0x20, s16, s6, $0xb8;
	[tilespmem:$0x16400] =	vst v63  }
0x588: {  	_ =	swait.ge [sflag:s7], $0x4000  }
0x589: {  	s23 =	sld [smem:$0x7D7]  }
0x58a: {  	[sflag:s7] =	ssyncset.done $0x0  }
0x58b: {  	[sflag:s7] =	ssyncadd.s32 $0xFFFFC000  }
0x58c: {  	[hbm4b:s23+s8] =	stream.strided.scatter [tilespmem:s10], [sflag:$0x2], $0x4000, s9, s8, $0x38;
	[tilespmem:$0x16400] =	vst v63  }
0x58d: {  	_ =	swait.ge [sflag:s5], $0x4000  }
0x58e: {  	[sflag:s5] =	ssyncset.done $0x0  }
0x58f: {  	[sflag:s5] =	ssyncadd.s32 $0xFFFFC000  }
0x590: {  	[tilespmem:s10], [sflag:$0x1] =	stream.indirect.gather [hbm4b:s2+s6], $0x20, s15, s6, $0xb8;
	[tilespmem:$0x16400] =	vst v63  }
0x591: {  	_ =	swait.ge [sflag:s7], $0x4000  }
0x592: {  	s24 =	sld [smem:$0x7D8]  }
0x593: {  	[sflag:s7] =	ssyncset.done $0x0  }
0x594: {  	[sflag:s7] =	ssyncadd.s32 $0xFFFFC000  }
0x595: {  	[hbm4b:s24+s8] =	stream.strided.scatter [tilespmem:s4], [sflag:$0x2], $0x4000, s9, s8, $0x38;
	[tilespmem:$0x16400] =	vst v63  }
0x596: {  	_ =	swait.ge [sflag:s5], $0x4000  }
0x597: {  	[sflag:s5] =	ssyncset.done $0x0  }
0x598: {  	[sflag:s5] =	ssyncadd.s32 $0xFFFFC000  }
0x599: {  	[tilespmem:s4], [sflag:$0x1] =	stream.indirect.gather [hbm4b:s2+s6], $0x20, s14, s6, $0xb8;
	[tilespmem:$0x16400] =	vst v63  }
0x59a: {  	_ =	swait.ge [sflag:s7], $0x4000  }
0x59b: {  	s25 =	sld [smem:$0x7D9]  }
0x59c: {  	[sflag:s7] =	ssyncset.done $0x0  }
0x59d: {  	[sflag:s7] =	ssyncadd.s32 $0xFFFFC000  }
0x59e: {  	[hbm4b:s25+s8] =	stream.strided.scatter [tilespmem:s3], [sflag:$0x2], $0x4000, s9, s8, $0x38;
	[tilespmem:$0x16400] =	vst v63  }
0x59f: {  	_ =	swait.ge [sflag:s5], $0x4000  }
0x5a0: {  	[sflag:s5] =	ssyncset.done $0x0  }
0x5a1: {  	s26 =	simm.s32 $0x6200;
	[sflag:s5] =	ssyncadd.s32 $0xFFFFC000  }
0x5a2: {  	[tilespmem:s3], [sflag:$0x1] =	stream.indirect.gather [hbm4b:s2+s6], $0x20, s26, s6, $0xb8;
	[tilespmem:$0x16400] =	vst v63  }
0x5a3: {  	_ =	swait.ge [sflag:s7], $0x4000  }
0x5a4: {  	s28 =	sld [smem:$0x7DA]  }
0x5a5: {  	[sflag:s7] =	ssyncset.done $0x0  }
0x5a6: {  	[sflag:s7] =	ssyncadd.s32 $0xFFFFC000  }
0x5a7: {  	[hbm4b:s28+s8] =	stream.strided.scatter [tilespmem:s11], [sflag:$0x2], $0x4000, s9, s8, $0x38;
	[tilespmem:$0x16400] =	vst v63  }
0x5a8: {  	_ =	swait.ge [sflag:s7], $0x4000  }
0x5a9: {  	s29 =	sld [smem:$0x7DB]  }
0x5aa: {  	[sflag:s7] =	ssyncset.done $0x0  }
0x5ab: {  	[sflag:s7] =	ssyncadd.s32 $0xFFFFC000  }
0x5ac: {  	[hbm4b:s29+s8] =	stream.strided.scatter [tilespmem:s10], [sflag:$0x2], $0x4000, s9, s8, $0x38;
	[tilespmem:$0x16400] =	vst v63  }
0x5ad: {  	_ =	swait.ge [sflag:s7], $0x4000  }
0x5ae: {  	s30 =	sld [smem:$0x7DC]  }
0x5af: {  	[sflag:s7] =	ssyncset.done $0x0  }
0x5b0: {  	[sflag:s7] =	ssyncadd.s32 $0xFFFFC000  }
0x5b1: {  	[hbm4b:s30+s8] =	stream.strided.scatter [tilespmem:s4], [sflag:$0x2], $0x4000, s9, s8, $0x38;
	[tilespmem:$0x16400] =	vst v63  }
0x5b2: {  	_ =	swait.ge [sflag:s7], $0x4000  }
0x5b3: {  	s31 =	sld [smem:$0x7DD]  }
0x5b4: {  	[sflag:s7] =	ssyncset.done $0x0  }
0x5b5: {  	[sflag:s7] =	ssyncadd.s32 $0xFFFFC000  }
0x5b6: {  	[hbm4b:s31+s8] =	stream.strided.scatter [tilespmem:s3], [sflag:$0x2], $0x4000, s9, s8, $0x38;
	[tilespmem:$0x16400] =	vst v63  }
0x5b7: {  	_ =	swait.ge [sflag:s5], $0x4000  }
0x5b8: {  	[sflag:s5] =	ssyncset.done $0x0  }
0x5b9: {  	[sflag:s5] =	ssyncadd.s32 $0xFFFFC000  }
0x5ba: {  	_ =	swait.ge [sflag:s5], $0x4000  }
0x5bb: {  	[sflag:s5] =	ssyncset.done $0x0  }
0x5bc: {  	[sflag:s5] =	ssyncadd.s32 $0xFFFFC000  }
0x5bd: {  	_ =	swait.ge [sflag:s5], $0x4000  }
0x5be: {  	[sflag:s5] =	ssyncset.done $0x0  }
0x5bf: {  	[sflag:s5] =	ssyncadd.s32 $0xFFFFC000  }
0x5c0: {  	_ =	swait.ge [sflag:s5], $0x4000  }
0x5c1: {  	[sflag:s5] =	ssyncset.done $0x0  }
0x5c2: {  	[sflag:s5] =	ssyncadd.s32 $0xFFFFC000  }
0x5c3: {  	_ =	sfence.sel $0x180000  }
0x5c4: {  	[bflag:$0x0] =	sbarrier.arrive $0xFFFF  }
0x5c5: {  	_ =	strace $0x90000047  }
0x5c6: {  	[bflag:$0x2] =	sbarrier.arrive $0xFFFF  }
0x5c7: {  	p0 =	sne.s32 s12, $0x0;
	s0 =	rddreg [dreg:$0x2]  }
0x5c8: {  	s0 =	sadd.s32 @!p0 $0x100000, s0  }
0x5c9: {  	[sflag:s0] =	ssyncadd.tile.s32 @!p0 $0x1;
	_ =	shalt  }
.LBB2_1:
.Ltmp3:
0x5ca: {  	s13 =	simm.s32 $0x4600;
	s28 =	simm.s32 $0x4800;
	(pc) =	sbr.rel .LBB2_6-.Ltmp3, $4  }
0x5cb: {  	s25 =	simm.s32 $0x4A00;
	s24 =	simm.s32 $0x4C00;
	s23 =	simm.s32 $0x4E00  }
0x5cc: {  	s22 =	simm.s32 $0x5000;
	s21 =	simm.s32 $0x5200;
	s20 =	simm.s32 $0x5400  }
0x5cd: {  	s19 =	simm.s32 $0x5600;
	s18 =	simm.s32 $0x5800;
	s17 =	simm.s32 $0x5A00  }
0x5ce: {  	s16 =	simm.s32 $0x5C00;
	s15 =	simm.s32 $0x5E00;
	s14 =	simm.s32 $0x6000  }
.LBB2_3:
0x5cf: {  	s13 =	simm.s32 $0x4600  }
.Ltmp4:
0x5d0: {  	s28 =	simm.s32 $0x4800;
	s25 =	simm.s32 $0x4A00;
	(pc) =	sbr.rel .LBB2_6-.Ltmp4, $4  }
0x5d1: {  	s24 =	simm.s32 $0x4C00;
	s23 =	simm.s32 $0x4E00;
	s22 =	simm.s32 $0x5000  }
0x5d2: {  	s21 =	simm.s32 $0x5200;
	s20 =	simm.s32 $0x5400;
	s19 =	simm.s32 $0x5600  }
0x5d3: {  	s18 =	simm.s32 $0x5800;
	s17 =	simm.s32 $0x5A00;
	s16 =	simm.s32 $0x5C00  }
0x5d4: {  	s15 =	simm.s32 $0x5E00;
	s14 =	simm.s32 $0x6000;
	s12 =	stileid.u32  }
.Lfunc_end2:
_tile_overlayer_lowered:
.L_overlay_start_2:
0x5d5: {  	(tag) =	ssettag $0x2  }
0x5d6: {  	s0 =	rddreg [dreg:$0x0];
	s2 =	stileid.u32  }
0x5d7: {  	s1 =	rddreg [dreg:$0x1];
	p0 =	sne.s32 s2, $0x0  }
0x5d8: {  	s3 =	rddreg [dreg:$0x2];
	[bflag:$0x3] =	sbarrier.arrive $0xFFFF;
	s2 =	simm.s32 @!p0 $0x1C03  }
0x5d9: {  	[timem:s3], [sflag:s2] =	dma.local @!p0 [hbm:s0], s1  }
0x5da: {  	s0 =	simm.s32 @!p0 $0x3  }
0x5db: {  	_ =	swait.ge @!p0 [sflag:s0], s1  }
0x5dc: {  	s1 =	ssub.s32 @!p0 $0x0, s1;
	[sflag:s0] =	ssyncset.done @!p0 $0x0  }
0x5dd: {  	[sflag:s0] =	ssyncadd.s32 @!p0 s1  }
0x5de: {  	[bflag:$0x3] =	sbarrier.arrive $0xFFFF  }
0x5df: {  	_ =	shalt  }

// kernel: sparse-core-data-format-call.cloned.1.call-start
scs
called_computation_lowered:
.L_overlay_start_0:
0x0: {  	s2 =	sld [smem:$0x3FD9]  }
0x1: {  	s3 =	sld [smem:$0x3FFE];
	_ =	sdelay $0x1  }
0x2: {  	s1 =	srdreg.scid  }
0x3: {  	s0 =	sand.u32 $0x1, s1  }
0x4: {  	s18 =	sshll.u32 s0, $0xA;
	s2 =	sadd.s32 s3, s2  }
0x5: {  	s2 =	sadd.s32 s2, s18  }
0x6: {  	[smem:$0x3FC6] =	sst s2  }
0x7: {  	_ = 	snop  }
0x8: {  	s2 =	sld [smem:$0x3FD0];
	(tm) =	ssettm $0x1  }
0x9: {  	s19 =	sld [smem:$0x3FFB];
	_ =	sdelay $0x3  }
0xa: {  	_ =	strace s19  }
0xb: {  	s3 =	sld [smem:$0x3FFC];
	_ =	sdelay $0x3  }
0xc: {  	_ =	strace s3  }
0xd: {  	s3 =	sld [smem:$0x3FFD];
	_ =	sdelay $0x3  }
0xe: {  	_ =	strace s3  }
0xf: {  	_ =	strace $0x8FFFFFFF  }
0x10: {  	s20 =	sld [smem:$0x3FDB];
	_ =	sdelay $0x1  }
0x11: {  	s4 =	simm.s32 $_scs_section_size  }
0x12: {  	s5 =	simm.s32 $_size__tile_overlayer_lowered;
	s6 =	simm.s32 $_tile_overlayer_lowered  }
0x13: {  	s23 =	simm.s32 $0x1BFF;
	s22 =	sshll.u32 s6, $0x1;
	s3 =	sadd.s32 s4, s20  }
0x14: {  	s7 =	simm.s32 $0x0;
	s21 =	sshll.u32 s5, $0x1;
	s5 =	sadd.s32 s22, s3  }
0x15: {  	[timem:s7], [sflag:s23] =	dma.local [hbm:s5], s21  }
0x16: {  	_ =	swait.ge [sflag:s23], s21  }
0x17: {  	s4 =	ssub.s32 $0x0, s21;
	[sflag:s23] =	ssyncset.done $0x0  }
0x18: {  	[sflag:s23] =	ssyncadd.s32 s4;
	_ =	sdelay $0x1  }
0x19: {  	s24 =	simm.s32 $0x1B8B  }
0x1a: {  	_ =	swait.ge [sflag:s24], $0x1  }
0x1b: {  	[sflag:s24] =	ssyncset.done $0x0  }
0x1c: {  	s26 =	simm.s32 $0x1B8E;
	s25 =	sld [smem:$0x3FFE];
	[sflag:s24] =	ssyncadd.s32 $0xFFFFFFFF  }
0x1d: {  	s27 =	simm.s32 $execute0_lowered;
	[smem:$0x3FD2] =	sst s26  }
0x1e: {  	s5 =	sshll.u32 s27, $0x1;
	_ =	strace $0x80000049;
	[dreg:$0x1] =	wrdreg $0xFFFFFFFF  }
0x1f: {  	s28 =	simm.s32 $_size_execute0_lowered;
	s3 =	sadd.s32 s3, s5;
	[dreg:$0x0] =	wrdreg $0x0  }
0x20: {  	s5 =	sshll.u32 s28, $0x1;
	[dreg:$0x2] =	wrdreg s3  }
0x21: {  	[dreg:$0x3] =	wrdreg s5  }
0x22: {  	[dreg:$0x4] =	wrdreg $0xC0  }
0x23: {  	_ =	task [dreg:s7], $0x5FFFF  }
0x24: {  	[dreg:$0x1] =	wrdreg $0xFFFFFFFF  }
0x25: {  	[dreg:$0x0] =	wrdreg $0x60  }
0x26: {  	[dreg:$0x2] =	wrdreg s25  }
0x27: {  	[dreg:$0x3] =	wrdreg s2  }
0x28: {  	[dreg:$0x4] =	wrdreg $0x9  }
0x29: {  	_ =	task.clear_ibuf [dreg:s7], $0x5FFFF;
	_ =	strace $0x90000049  }
0x2a: {  	s29 =	simm.s32 $0x9;
	_ =	strace $0x8000004B  }
0x2b: {  	_ =	swait.ge [sflag:s29], $0x1  }
0x2c: {  	[sflag:s29] =	ssyncadd.s32 $0xFFFFFFFF  }
0x2d: {  	_ =	strace $0x9000004B  }
0x2e: {  	_ =	sfence  }
0x2f: {  	s30 =	sld [smem:$0x0];
	_ =	sdelay $0x2  }
0x30: {  	s31 =	sshll.u32 s1, $0xD;
	s1 =	sshrl.u32 s1, $0x2  }
0x31: {  	s3 =	sand.u32 $0x4000, s31;
	s1 =	sadd.s32 s1, s30  }
0x32: {  	s0 =	sor.u32 s3, s0;
	s1 =	sshll.u32 s1, $0x11  }
0x33: {  	s0 =	sor.u32 s1, s0  }
0x34: {  	s0 =	sadd.s32 $0x8F2B, s0  }
0x35: {  	[sflag:s0] =	ssyncadd.remote.s32 $0x1  }
0x36: {  	_ =	sfence.sel $0xFFFF  }
0x37: {  	[dreg:$0x0] =	wrdreg $0xFFFFFFFF;
	(pc) =	sbr.abs _section_cstart, $3  }
0x38: {  	[dreg:$0x1] =	wrdreg $0xFFFFFFFF  }
0x39: {  	_ =	task.clear_ibuf [dreg:s7], $0x2FFFF;
	_ =	strace $0x9FFFFFFF  }
0x3a: {  	(tm) =	ssettm $0x7FFFFFFF  }
0x3b: {  	_ =	shalt  }
tec
execute0_lowered:
.L_overlay_start_1:
0x0: {  	(tag) =	ssettag $0x1  }
0x1: {  	s0 =	srdreg.scid  }
0x2: {  	s1 =	sshll.u32 s0, $0x4  }
0x3: {  	s0 =	stileid.u32;
	s1 =	sand.u32 $0x10, s1  }
0x4: {  	s1 =	sor.u32 s0, s1  }
0x5: {  	s6 =	rddreg [dreg:$0x0];
	s4 =	simm.s32 $0x1;
	s2 =	sshll.u32 s1, $0x7  }
0x6: {  	s7 =	simm.s32 $0x2;
	s12 =	simm.s32 $0x0;
	s1 =	ssub.s32 $0x4000, s2  }
0x7: {  	s8 =	simm.s32 $0x20000;
	s13 =	simm.s32 $0x0;
	s3 =	sand.u32 $0xF80, s1  }
0x8: {  	s9 =	simm.s32 $0x0;
	s5 =	sshrl.u32 s1, $0xC;
	p0 =	sne.s32 s3, $0x0  }
.Ltmp0:
0x9: {  	s1 =	rddreg [dreg:$0x2];
	s4 =	simm.s32 @!p0 $0x0;
	(pc) =	sbr.rel .LBB1_1-.Ltmp0, $4  }
0xa: {  	s11 =	simm.s32 $0x0;
	s3 =	rddreg [dreg:$0x1];
	s5 =	sadd.s32 s4, s5  }
0xb: {  	_ =	strace $0x8000004A;
	s4 =	simm.s32 $0x1;
	s5 =	smul.u32 $0x32, s5  }
0xc: {  	s6 =	sadd.s32 $0xA00, s6;
	s10 =	smov.u32 s2;
	[sflag:s4] =	ssyncpa.u1 $0x0  }
0xd: {  	p0 =	por $0x0, $0x0;
	[sflag:s7] =	ssyncpa.u1 $0x0;
	s7 =	sor.u32 $0x1, s5  }
.LBB1_4:
0xe: {  	s16 =	sshll.u32 s13, $0x3;
	s17 =	sand.u32 $0x78, s13  }
0xf: {  	s30 =	sand.u32 $0xF800, s13;
	s12 =	sshll.u32 s12, $0x10;
	s16 =	sand.u32 $0x3C00, s16  }
0x10: {  	s31 =	sand.u32 $0x7, s13;
	s16 =	sor.u32 s17, s16;
	s17 =	sadd.s32 s3, s30  }
0x11: {  	s13 =	sshll.u32 s31, $0x12;
	s16 =	sshrl.u32 s16, $0x3;
	s12 =	sadd.s32 s12, s17  }
0x12: {  	[tilespmem:s15+$0x0 ss:$0x81] =	vst.msk $0xffff, v0;
	s13 =	sor.u32 $0x400, s13;
	s12 =	sadd.s32 s16, s12  }
0x13: {  	[hbm4b:s12+s13] =	stream.strided.scatter [tilespmem:s14], [sflag:$0x2], $0x1000, s8, s13, $0x20;
	[tilespmem:$0x4040] =	vst v63  }
.LBB1_5:
0x14: {  	s14 =	sadd.s32 $0x1, s9  }
0x15: {  	s12 =	sadd.s32 $0x1000, s10;
	s16 =	smov.u32 s10;
	p2 =	sgt.s32 s14, $0x31  }
0x16: {  	s16 =	smov.u32 @p2 s12  }
0x17: {  	s14 =	simm.s32 @p2 $0x0;
	p2 =	sgt.s32 s16, $0x3FFF  }
0x18: {  	s16 =	smov.u32 @p2 s2;
	p2 =	sne.s32 s11, s7  }
.Ltmp1:
0x19: {  	p1 =	slt.u32 s11, $0x2;
	(pc) =	sbr.rel @!p2 .LBB1_6-.Ltmp1, $4  }
0x1a: {  	s15 =	simm.s32 @!p1 $0x2  }
0x1b: {  	s13 =	smov.u32 s10;
	p0 =	por !p0, !p0;
	_ =	swait.ge @!p1 [sflag:s15], $0x1000  }
0x1c: {  	s12 =	smov.u32 s9;
	[sflag:s15] =	ssyncset.done @!p1 $0x0;
	s9 =	smov.u32 s14  }
0x1d: {  	s11 =	sadd.s32 $0x1, s11;
	[sflag:s15] =	ssyncadd.s32 @!p1 $0xFFFFF000;
	s10 =	smov.u32 s16  }
.LBB1_1:
0x1e: {  	p1 =	sge.u32 s11, s5  }
0x1f: {  	s14 =	sand.u32 @!p1 $0x1FFFFFF, s9  }
0x20: {  	s15 =	smulhi.u32 @!p1 $0x4924925, s14;
	_ =	sdelay $0x1  }
0x21: {  	s15 =	smul.u32 @!p1 $0x38, s15  }
0x22: {  	s16 =	sxor.u32 @!p1 $0xFFFFFFFF, s11;
	s17 =	smul.u32 @!p1 $0x380, s10  }
0x23: {  	s31 =	sadd.s32 $0xFFFFFFFF, s11;
	s16 =	sshll.u32 @!p1 s16, $0xC;
	s14 =	ssub.s32 @!p1 s14, s15  }
0x24: {  	s15 =	sand.u32 @!p1 $0x1000, s16;
	s16 =	sadd.s32 @!p1 s6, s17;
	s14 =	sshll.u32 @!p1 s14, $0x4  }
0x25: {  	s17 =	simm.s32 @!p1 $0x1C00;
	s14 =	sadd.s32 @!p1 s14, s16;
	s16 =	simm.s32 @!p1 $0x20  }
0x26: {  	[tilespmem:s15], [sflag:$0x1] =	stream.strided.gather @!p1 [hbm4b:s14+s16], $0x1000, s17, s16, $0x38;
	[tilespmem:$0x4040] =	vst v63  }
0x27: {  	p1 =	sge.u32 s31, s5  }
.Ltmp2:
0x28: {  	_ = 	snop;
	(pc) =	sbr.rel @p1 .LBB1_5-.Ltmp2, $1  }
0x29: {  	_ =	sdelay $0x3  }
0x2a: {  	s14 =	simm.s32 $0x1  }
0x2b: {  	_ =	swait.ge [sflag:s4], $0x1000;
	s14 =	simm.s32 @!p0 $0x0  }
0x2c: {  	[sflag:s4] =	ssyncset.done $0x0;
	s15 =	sshll.u32 s14, $0xC  }
0x2d: {  	[sflag:s4] =	ssyncadd.s32 $0xFFFFF000;
	s18 =	sor.u32 $0x10, s15  }
0x2e: {  	s14 =	smul.u32 $0x4080, s14;
	v1 =	vld [tilespmem:s18+$0x0]  }
0x2f: {  	s30 =	sand.u32 $0x1, s11;
	v0 =	vld [tilespmem:s18+$0xFFFFFFF0]  }
0x30: {  	s15 =	smul.u32 $0x4080, s30;
	s14 =	sshrl.u32 s14, $0x2  }
0x31: {  	s16 =	sor.u32 $0x2000, s14  }
0x32: {  	s31 =	sshrl.u32 s15, $0x2;
	s15 =	sadd.s32 $0x0, s16  }
0x33: {  	s17 =	simm.s32 $0x4;
	s18 =	sadd.s32 $0x20, s18;
	s14 =	sor.u32 $0x2000, s31;
	[tilespmem:s15+$0x810 ss:$0x81] =	vst.msk $0xffff, v1  }
.LBB1_3:
0x34: {  	v1 =	vld [tilespmem:s18+$0x0];
	p1 =	sne.s32 s17, $0x1FC;
	[tilespmem:s15+$0x0 ss:$0x81] =	vst.msk $0xffff, v0;
	s15 =	smov.u32 s17;
	s17 =	sadd.s32 $0x4, s17  }
.Ltmp3:
0x35: {  	v0 =	vld [tilespmem:s18+$0xFFFFFFF0];
	(pc) =	sbr.rel @p1 .LBB1_3-.Ltmp3, $4  }
0x36: {  	_ = 	snop  }
0x37: {  	s15 =	sshra.s32 s15, $0x2  }
0x38: {  	s15 =	sadd.s32 s15, s16  }
0x39: {  	s18 =	sadd.s32 $0x20, s18;
	[tilespmem:s15+$0x810 ss:$0x81] =	vst.msk $0xffff, v1  }
.Ltmp4:
0x3a: {  	_ = 	snop;
	(pc) =	sbr.rel .LBB1_4-.Ltmp4, $1  }
0x3b: {  	_ =	sdelay $0x3  }
.LBB1_6:
0x3c: {  	_ =	sfence.sel $0x180000  }
0x3d: {  	s2 =	simm.s32 $0x1;
	[bflag:$0x0] =	sbarrier.arrive $0xFFFF  }
0x3e: {  	s31 =	simm.s32 $0x2;
	[sflag:s2] =	ssyncpa.u1 $0x1  }
0x3f: {  	[sflag:s31] =	ssyncpa.u1 $0x1  }
0x40: {  	p0 =	sne.s32 s0, $0x0;
	_ =	strace $0x9000004A  }
0x41: {  	s0 =	sadd.s32 @!p0 $0x100000, s1;
	[bflag:$0x2] =	sbarrier.arrive $0xFFFF  }
0x42: {  	[sflag:s0] =	ssyncadd.tile.s32 @!p0 $0x1;
	_ =	shalt  }
.Lfunc_end1:
_tile_overlayer_lowered:
.L_overlay_start_2:
0x43: {  	(tag) =	ssettag $0x2  }
0x44: {  	s0 =	rddreg [dreg:$0x0];
	s2 =	stileid.u32  }
0x45: {  	s1 =	rddreg [dreg:$0x1];
	p0 =	sne.s32 s2, $0x0  }
0x46: {  	s3 =	rddreg [dreg:$0x2];
	[bflag:$0x3] =	sbarrier.arrive $0xFFFF;
	s2 =	simm.s32 @!p0 $0x1C01  }
0x47: {  	[timem:s3], [sflag:s2] =	dma.local @!p0 [hbm:s0], s1  }
0x48: {  	s0 =	simm.s32 @!p0 $0x1  }
0x49: {  	_ =	swait.ge @!p0 [sflag:s0], s1  }
0x4a: {  	s1 =	ssub.s32 @!p0 $0x0, s1;
	[sflag:s0] =	ssyncset.done @!p0 $0x0  }
0x4b: {  	[sflag:s0] =	ssyncadd.s32 @!p0 s1  }
0x4c: {  	[bflag:$0x3] =	sbarrier.arrive $0xFFFF  }
0x4d: {  	_ =	shalt  }

</sc_bundles>
